<compile_context>
chip_gen: v7x
topology: tpu7x:2x2x1
jax: 0.10.2.dev20260603
libtpu: 0.0.44.dev20260713+nightly
codegen_flags: <defaults>
</compile_context>

<pallas_src>
import functools
import math

import jax
import jax.numpy as jnp
from jax import lax
from jax.experimental import pallas as pl
from jax.experimental.pallas import tpu as pltpu
from jax.experimental.pallas import tpu_sc as plsc

_NC = 2
_NS = 16
_C = 128
_G = 16
_BLK = 80
_F0 = 0.5


def _sc_aggregate(hb, src0, dst0, src1, dst1, n_pad, ch0, ch1, d):
    dw = d // 2
    rows_per_sub = n_pad // _NS
    full = rows_per_sub // _C
    assert rows_per_sub % _C == 0

    mesh = plsc.VectorSubcoreMesh(core_axis_name="c", subcore_axis_name="s")

    @functools.partial(
        pl.kernel,
        out_type=jax.ShapeDtypeStruct((_NC * n_pad, d), jnp.float32),
        mesh=mesh,
        compiler_params=pltpu.CompilerParams(use_tc_tiling_on_sc=False),
        scratch_types=[
            pltpu.VMEM((2 * _G, _C), jnp.int32),
            pltpu.VMEM((2 * _G, _C), jnp.int32),
            pltpu.VMEM((_C, dw), jnp.int32),
            pltpu.VMEM((_C, dw), jnp.int32),
            pltpu.VMEM((_C, d), jnp.float32),
            pltpu.VMEM_SHARED((n_pad, d), jnp.float32),
            pltpu.SemaphoreType.DMA,
            pltpu.SemaphoreType.DMA,
        ],
    )
    def agg(hb_hbm, src0_hbm, dst0_hbm, src1_hbm, dst1_hbm, out_hbm,
            sidx, didx, gbuf0, gbuf1, fbuf, acc_sh, semg0, semg1):
        c = lax.axis_index("c")
        s = lax.axis_index("s")

        zval = jnp.zeros((16,), jnp.float32)

        def zero_body(i, carry):
            for k in range(d // 16):
                fbuf[i, pl.ds(k * 16, 16)] = zval
            return carry

        lax.fori_loop(0, _C, zero_body, 0)
        base = s * rows_per_sub
        for t in range(full):
            pltpu.sync_copy(fbuf, acc_sh.at[pl.ds(base + t * _C, _C)])
        plsc.subcore_barrier()

        gbufs = (gbuf0, gbuf1)
        sems = (semg0, semg1)

        def expand_chunk(gbuf):
            def conv_body(r, carry):
                for k in range(dw // 16):
                    wv = gbuf[r, pl.ds(k * 16, 16)]
                    lo = lax.bitcast_convert_type(wv << 16, jnp.float32)
                    hi = lax.bitcast_convert_type(wv & jnp.int32(-65536),
                                                  jnp.float32)
                    fbuf[r, pl.ds(k * 32, 16)] = lo
                    fbuf[r, pl.ds(k * 32 + 16, 16)] = hi
                return carry

            lax.fori_loop(0, _C, conv_body, 0)

        def run_core(src_hbm, dst_hbm, ch_c):
            ngroups = ch_c // _G
            pltpu.sync_copy(src_hbm.at[s, pl.ds(0, _G)], sidx.at[pl.ds(0, _G)])
            pltpu.sync_copy(dst_hbm.at[s, pl.ds(0, _G)], didx.at[pl.ds(0, _G)])
            pltpu.async_copy(hb_hbm.at[sidx.at[0]], gbuf0, semg0)

            def chunk_body(j, carry):
                g = j // _G
                r = (g % 2) * _G + (j - g * _G)

                @pl.when(jnp.logical_and(j == g * _G, g + 1 < ngroups))
                def _prefetch_idx():
                    half = ((g + 1) % 2) * _G
                    pltpu.sync_copy(src_hbm.at[s, pl.ds((g + 1) * _G, _G)],
                                    sidx.at[pl.ds(half, _G)])
                    pltpu.sync_copy(dst_hbm.at[s, pl.ds((g + 1) * _G, _G)],
                                    didx.at[pl.ds(half, _G)])

                for p in range(2):
                    @pl.when(j % 2 == p)
                    def _step():
                        pltpu.make_async_copy(hb_hbm.at[sidx.at[r]],
                                              gbufs[p], sems[p]).wait()

                        @pl.when(j + 1 < ch_c)
                        def _next_gather():
                            j2 = j + 1
                            g2 = j2 // _G
                            r2 = (g2 % 2) * _G + (j2 - g2 * _G)
                            pltpu.async_copy(hb_hbm.at[sidx.at[r2]],
                                             gbufs[1 - p], sems[1 - p])

                        expand_chunk(gbufs[p])
                        pltpu.sync_copy(fbuf, acc_sh.at[didx.at[r]], add=True)

                return carry

            lax.fori_loop(0, ch_c, chunk_body, 0)

        @pl.when(c == 0)
        def _core0():
            run_core(src0_hbm, dst0_hbm, ch0)

        @pl.when(c == 1)
        def _core1():
            run_core(src1_hbm, dst1_hbm, ch1)

        plsc.subcore_barrier()

        pltpu.sync_copy(acc_sh.at[pl.ds(base, rows_per_sub)],
                        out_hbm.at[pl.ds(c * n_pad + base, rows_per_sub)])

    return agg(hb, src0, dst0, src1, dst1)


def _tc_transform(parts, w_mat, b_row, n, n_pad, packed):
    d = w_mat.shape[0]
    nb = n // _BLK
    off = n_pad // _BLK

    def body(p0_ref, p1_ref, w_ref, b_ref, o_ref):
        a = p0_ref[...] + p1_ref[...]
        y = jnp.dot(a, w_ref[...], preferred_element_type=jnp.float32) + b_ref[...]
        y = y * (1.0 / (1.0 + jnp.exp(-y)))
        if not packed:
            o_ref[...] = y
            return
        yb = jax.lax.bitcast_convert_type(
            y.astype(jnp.bfloat16), jnp.uint16).astype(jnp.uint32)
        for k in range(d // 32):
            lo = yb[:, k * 32:k * 32 + 16]
            hi = yb[:, k * 32 + 16:k * 32 + 32]
            o_ref[:, k * 16:(k + 1) * 16] = jax.lax.bitcast_convert_type(
                lo | (hi << 16), jnp.int32)

    out_d = d // 2 if packed else d
    out_t = jnp.int32 if packed else jnp.float32
    return pl.pallas_call(
        body,
        grid=(nb,),
        in_specs=[
            pl.BlockSpec((_BLK, d), lambda i: (i, 0)),
            pl.BlockSpec((_BLK, d), lambda i: (i + off, 0)),
            pl.BlockSpec((d, d), lambda i: (0, 0)),
            pl.BlockSpec((1, d), lambda i: (0, 0)),
        ],
        out_specs=pl.BlockSpec((_BLK, out_d), lambda i: (i, 0)),
        out_shape=jax.ShapeDtypeStruct((n, out_d), out_t),
    )(parts, parts, w_mat, b_row)


def _pack_swizzled(h, n, d):
    hb = h.astype(jnp.bfloat16).reshape(n, d // 32, 2, 16).swapaxes(2, 3)
    return jax.lax.bitcast_convert_type(hb, jnp.int32).reshape(n, d // 2)


def kernel(x, edge_index, W, b):
    n, d = x.shape
    e = edge_index.shape[1]
    assert n % _BLK == 0 and d % 32 == 0
    lcm = _BLK * 128 // math.gcd(_BLK, 128)
    n_pad = ((n // lcm) + 1) * lcm

    tot = -(-e // (_NS * _C))
    ch0 = max(0, int(round(_F0 * tot / _G))) * _G
    ch1 = max(0, -(-(tot - ch0) // _G)) * _G
    cap = _NS * _C * (ch0 + ch1)
    pad = cap - e
    src = edge_index[0]
    dst = edge_index[1]
    if pad:
        src = jnp.concatenate([src, jnp.zeros((pad,), jnp.int32)])
        dst = jnp.concatenate([dst, jnp.full((pad,), n, jnp.int32)])
    n0 = _NS * ch0 * _C

    def blockify(v, ch_c, lo, hi):
        if ch_c == 0:
            return jnp.zeros((_NS, _G, _C), jnp.int32)
        return v[lo:hi].reshape(_NS, ch_c, _C)

    src0 = blockify(src, ch0, 0, n0)
    dst0 = blockify(dst, ch0, 0, n0)
    src1 = blockify(src, ch1, n0, cap)
    dst1 = blockify(dst, ch1, n0, cap)
    b_row = b.reshape(1, d)

    hb = _pack_swizzled(x, n, d)
    parts = _sc_aggregate(hb, src0, dst0, src1, dst1, n_pad, ch0, ch1, d)
    hb = _tc_transform(parts, W, b_row, n, n_pad, packed=True)
    parts = _sc_aggregate(hb, src0, dst0, src1, dst1, n_pad, ch0, ch1, d)
    return _tc_transform(parts, W, b_row, n, n_pad, packed=False)

# --- scband reference (transcript-rebuilt; emitter-appended) ---
"""Pipeline reference for scband-randomized-message-passing-layer-43181601194854 (READ-ONLY COPY).

The authoritative reference and input builder live on the scoring server;
editing this copy changes nothing except your own understanding.
"""

import jax, jax.numpy as jnp
import numpy as np

N = 10000
E = 320000
D = 128

def setup_inputs(seed: int = 0) -> dict:
    key = jax.random.key(seed)
    k1, k2, k3 = jax.random.split(key, 3)
    x = jax.random.normal(k1, (N, D), dtype=jnp.float32)
    edge_index = jax.random.randint(k2, (2, E), 0, N, dtype=jnp.int32)
    # learned params per init_kwargs (units=128): W ~ random_normal, b zeros
    W = jax.random.normal(k3, (D, D), dtype=jnp.float32) * 0.05
    b = jnp.zeros((D,), dtype=jnp.float32)
    return {"x": x, "edge_index": edge_index, "W": W, "b": b}

def reference(x, edge_index, W, b):
    # Inference path: K_l = 2 rounds of message passing.
    # Sparse adjacency is represented as edge_index[2, E] (src, dst);
    # adj @ x  ==  scatter-add of x[src] into dst rows (segment_sum).
    # aggregate_mode='graph_conv' -> no degree normalization.
    src = edge_index[0]
    dst = edge_index[1]
    h = x
    for _ in range(2):
        msgs = jnp.take(h, src, axis=0)            # gather neighbor features
        agg = jax.ops.segment_sum(msgs, dst, num_segments=N)  # adj @ h
        h = jax.nn.swish(agg @ W + b)              # swish(XW + b)
    return h

if __name__ == "__main__":
    import jax
    _d = setup_inputs()
    print(jax.jit(kernel)(*tuple(_d.values())))

</pallas_src>

<mosaic_0001>
#map = affine_map<(d0, d1) -> (0, 0)>
#map1 = affine_map<(d0, d1) -> (0, 0, 0)>
module attributes {stable_mosaic.version = 14 : i64} {
  func.func @agg(%arg0: i32, %arg1: i32, %arg2: memref<10000x64xi32, #tpu.memory_space<hbm>>, %arg3: memref<16x80x128xi32, #tpu.memory_space<hbm>>, %arg4: memref<16x80x128xi32, #tpu.memory_space<hbm>>, %arg5: memref<16x80x128xi32, #tpu.memory_space<hbm>>, %arg6: memref<16x80x128xi32, #tpu.memory_space<hbm>>, %arg7: memref<20480x128xf32, #tpu.memory_space<hbm>>, %arg8: memref<32x128xi32, #tpu.memory_space<vmem>>, %arg9: memref<32x128xi32, #tpu.memory_space<vmem>>, %arg10: memref<128x64xi32, #tpu.memory_space<vmem>>, %arg11: memref<128x64xi32, #tpu.memory_space<vmem>>, %arg12: memref<128x128xf32, #tpu.memory_space<vmem>>, %arg13: memref<10240x128xf32, #tpu.memory_space<vmem_shared>>, %arg14: memref<!tpu.dma_semaphore, #tpu.memory_space<semaphore_mem>>, %arg15: memref<!tpu.dma_semaphore, #tpu.memory_space<semaphore_mem>>) attributes {dimension_semantics = [#tpu.dimension_semantics<core_parallel>, #tpu.dimension_semantics<subcore_parallel>], iteration_bounds = array<i64: 2, 16>, scalar_prefetch = 0 : i64, scratch_operands = 8 : i64, tpu.core_type = #tpu.core_type<sc_vector_subcore>, window_params = [{transform_indices = #map}, {transform_indices = #map1}, {transform_indices = #map1}, {transform_indices = #map1}, {transform_indices = #map1}, {transform_indices = #map}]} {
    %broadcast_in_dim3A = arith.constant 0.000000e+00 : f32
    %broadcast_in_dim3A_0 = vector.broadcast %broadcast_in_dim3A : f32 to vector<16xf32>
    %scan3A = arith.constant 0 : i32
    %scan3A_1 = arith.constant 0 : i32
    %scan3A_2 = arith.constant 128 : i32
    %scan3A_3 = arith.addi %scan3A_1, %scan3A_2 : i32
    %scan3A_4 = arith.constant 1 : i32
    scf.for %scan3A_27 = %scan3A_1 to %scan3A_3 step %scan3A_4  : i32 {
      %swap3A = arith.index_cast %scan3A_27 : i32 to index
      %swap3A_28 = arith.constant 0 : index
      %swap3A_29 = tpu.vector_load %arg12[%swap3A, %swap3A_28] {strides = array<i32>} : memref<128x128xf32, #tpu.memory_space<vmem>>, vector<1x16xf32>,
      %swap3A_30 = vector.shape_cast %swap3A_29 : vector<1x16xf32> to vector<16xf32>
      %swap3A_31 = vector.shape_cast %broadcast_in_dim3A_0 : vector<16xf32> to vector<1x16xf32>
      tpu.vector_store %arg12[%swap3A, %swap3A_28], %swap3A_31 {strides = array<i32>} : memref<128x128xf32, #tpu.memory_space<vmem>>, vector<1x16xf32>,
      %swap3A_32 = arith.index_cast %scan3A_27 : i32 to index
      %swap3A_33 = arith.constant 16 : index
      %swap3A_34 = tpu.vector_load %arg12[%swap3A_32, %swap3A_33] {strides = array<i32>} : memref<128x128xf32, #tpu.memory_space<vmem>>, vector<1x16xf32>,
      %swap3A_35 = vector.shape_cast %swap3A_34 : vector<1x16xf32> to vector<16xf32>
      %swap3A_36 = vector.shape_cast %broadcast_in_dim3A_0 : vector<16xf32> to vector<1x16xf32>
      tpu.vector_store %arg12[%swap3A_32, %swap3A_33], %swap3A_36 {strides = array<i32>} : memref<128x128xf32, #tpu.memory_space<vmem>>, vector<1x16xf32>,
      %swap3A_37 = arith.index_cast %scan3A_27 : i32 to index
      %swap3A_38 = arith.constant 32 : index
      %swap3A_39 = tpu.vector_load %arg12[%swap3A_37, %swap3A_38] {strides = array<i32>} : memref<128x128xf32, #tpu.memory_space<vmem>>, vector<1x16xf32>,
      %swap3A_40 = vector.shape_cast %swap3A_39 : vector<1x16xf32> to vector<16xf32>
      %swap3A_41 = vector.shape_cast %broadcast_in_dim3A_0 : vector<16xf32> to vector<1x16xf32>
      tpu.vector_store %arg12[%swap3A_37, %swap3A_38], %swap3A_41 {strides = array<i32>} : memref<128x128xf32, #tpu.memory_space<vmem>>, vector<1x16xf32>,
      %swap3A_42 = arith.index_cast %scan3A_27 : i32 to index
      %swap3A_43 = arith.constant 48 : index
      %swap3A_44 = tpu.vector_load %arg12[%swap3A_42, %swap3A_43] {strides = array<i32>} : memref<128x128xf32, #tpu.memory_space<vmem>>, vector<1x16xf32>,
      %swap3A_45 = vector.shape_cast %swap3A_44 : vector<1x16xf32> to vector<16xf32>
      %swap3A_46 = vector.shape_cast %broadcast_in_dim3A_0 : vector<16xf32> to vector<1x16xf32>
      tpu.vector_store %arg12[%swap3A_42, %swap3A_43], %swap3A_46 {strides = array<i32>} : memref<128x128xf32, #tpu.memory_space<vmem>>, vector<1x16xf32>,
      %swap3A_47 = arith.index_cast %scan3A_27 : i32 to index
      %swap3A_48 = arith.constant 64 : index
      %swap3A_49 = tpu.vector_load %arg12[%swap3A_47, %swap3A_48] {strides = array<i32>} : memref<128x128xf32, #tpu.memory_space<vmem>>, vector<1x16xf32>,
      %swap3A_50 = vector.shape_cast %swap3A_49 : vector<1x16xf32> to vector<16xf32>
      %swap3A_51 = vector.shape_cast %broadcast_in_dim3A_0 : vector<16xf32> to vector<1x16xf32>
      tpu.vector_store %arg12[%swap3A_47, %swap3A_48], %swap3A_51 {strides = array<i32>} : memref<128x128xf32, #tpu.memory_space<vmem>>, vector<1x16xf32>,
      %swap3A_52 = arith.index_cast %scan3A_27 : i32 to index
      %swap3A_53 = arith.constant 80 : index
      %swap3A_54 = tpu.vector_load %arg12[%swap3A_52, %swap3A_53] {strides = array<i32>} : memref<128x128xf32, #tpu.memory_space<vmem>>, vector<1x16xf32>,
      %swap3A_55 = vector.shape_cast %swap3A_54 : vector<1x16xf32> to vector<16xf32>
      %swap3A_56 = vector.shape_cast %broadcast_in_dim3A_0 : vector<16xf32> to vector<1x16xf32>
      tpu.vector_store %arg12[%swap3A_52, %swap3A_53], %swap3A_56 {strides = array<i32>} : memref<128x128xf32, #tpu.memory_space<vmem>>, vector<1x16xf32>,
      %swap3A_57 = arith.index_cast %scan3A_27 : i32 to index
      %swap3A_58 = arith.constant 96 : index
      %swap3A_59 = tpu.vector_load %arg12[%swap3A_57, %swap3A_58] {strides = array<i32>} : memref<128x128xf32, #tpu.memory_space<vmem>>, vector<1x16xf32>,
      %swap3A_60 = vector.shape_cast %swap3A_59 : vector<1x16xf32> to vector<16xf32>
      %swap3A_61 = vector.shape_cast %broadcast_in_dim3A_0 : vector<16xf32> to vector<1x16xf32>
      tpu.vector_store %arg12[%swap3A_57, %swap3A_58], %swap3A_61 {strides = array<i32>} : memref<128x128xf32, #tpu.memory_space<vmem>>, vector<1x16xf32>,
      %swap3A_62 = arith.index_cast %scan3A_27 : i32 to index
      %swap3A_63 = arith.constant 112 : index
      %swap3A_64 = tpu.vector_load %arg12[%swap3A_62, %swap3A_63] {strides = array<i32>} : memref<128x128xf32, #tpu.memory_space<vmem>>, vector<1x16xf32>,
      %swap3A_65 = vector.shape_cast %swap3A_64 : vector<1x16xf32> to vector<16xf32>
      %swap3A_66 = vector.shape_cast %broadcast_in_dim3A_0 : vector<16xf32> to vector<1x16xf32>
      tpu.vector_store %arg12[%swap3A_62, %swap3A_63], %swap3A_66 {strides = array<i32>} : memref<128x128xf32, #tpu.memory_space<vmem>>, vector<1x16xf32>,
    }
    %scan3A_5 = arith.constant 128 : i32
    %mul3A = arith.constant 640 : i32
    %mul3A_6 = arith.muli %arg1, %mul3A : i32
    %add3A = arith.constant 0 : i32
    %add3A_7 = arith.addi %mul3A_6, %add3A : i32
    "tpu.region"() ({
      %run_scoped3A = tpu.sem_alloc : memref<!tpu.dma_semaphore, #tpu.memory_space<semaphore_mem>>
      %dma_start3A = arith.constant 0 : i32
      %dma_start3A_27 = tpu.memref_slice %arg13[%add3A_7, %dma_start3A] : memref<10240x128xf32, #tpu.memory_space<vmem_shared>> -> memref<128x128xf32, #tpu.memory_space<vmem_shared>>
      %dma_start3A_28 = arith.constant 0 : i32
      %dma_start3A_29 = tpu.memref_slice %arg13[%add3A_7, %dma_start3A_28] : memref<10240x128xf32, #tpu.memory_space<vmem_shared>> -> memref<128x128xf32, #tpu.memory_space<vmem_shared>>
      tpu.enqueue_dma source(%arg12 : memref<128x128xf32, #tpu.memory_space<vmem>>) target(%dma_start3A_29 : memref<128x128xf32, #tpu.memory_space<vmem_shared>>) target_semaphore(%run_scoped3A : memref<!tpu.dma_semaphore, #tpu.memory_space<semaphore_mem>>)
      %dma_wait3A = arith.constant 0 : i32
      %dma_wait3A_30 = tpu.memref_slice %arg13[%add3A_7, %dma_wait3A] : memref<10240x128xf32, #tpu.memory_space<vmem_shared>> -> memref<128x128xf32, #tpu.memory_space<vmem_shared>>
      %dma_wait3A_31 = arith.constant 0 : i32
      %dma_wait3A_32 = tpu.memref_slice %arg13[%add3A_7, %dma_wait3A_31] : memref<10240x128xf32, #tpu.memory_space<vmem_shared>> -> memref<128x128xf32, #tpu.memory_space<vmem_shared>>
      tpu.wait_dma2 semaphore(%run_scoped3A : memref<!tpu.dma_semaphore, #tpu.memory_space<semaphore_mem>>) src(%arg12 : memref<128x128xf32, #tpu.memory_space<vmem>>) dst(%dma_wait3A_32 : memref<128x128xf32, #tpu.memory_space<vmem_shared>>)
      tpu.yield
    }) : () -> ()
    %add3A_8 = arith.constant 128 : i32
    %add3A_9 = arith.addi %mul3A_6, %add3A_8 : i32
    "tpu.region"() ({
      %run_scoped3A = tpu.sem_alloc : memref<!tpu.dma_semaphore, #tpu.memory_space<semaphore_mem>>
      %dma_start3A = arith.constant 0 : i32
      %dma_start3A_27 = tpu.memref_slice %arg13[%add3A_9, %dma_start3A] : memref<10240x128xf32, #tpu.memory_space<vmem_shared>> -> memref<128x128xf32, #tpu.memory_space<vmem_shared>>
      %dma_start3A_28 = arith.constant 0 : i32
      %dma_start3A_29 = tpu.memref_slice %arg13[%add3A_9, %dma_start3A_28] : memref<10240x128xf32, #tpu.memory_space<vmem_shared>> -> memref<128x128xf32, #tpu.memory_space<vmem_shared>>
      tpu.enqueue_dma source(%arg12 : memref<128x128xf32, #tpu.memory_space<vmem>>) target(%dma_start3A_29 : memref<128x128xf32, #tpu.memory_space<vmem_shared>>) target_semaphore(%run_scoped3A : memref<!tpu.dma_semaphore, #tpu.memory_space<semaphore_mem>>)
      %dma_wait3A = arith.constant 0 : i32
      %dma_wait3A_30 = tpu.memref_slice %arg13[%add3A_9, %dma_wait3A] : memref<10240x128xf32, #tpu.memory_space<vmem_shared>> -> memref<128x128xf32, #tpu.memory_space<vmem_shared>>
      %dma_wait3A_31 = arith.constant 0 : i32
      %dma_wait3A_32 = tpu.memref_slice %arg13[%add3A_9, %dma_wait3A_31] : memref<10240x128xf32, #tpu.memory_space<vmem_shared>> -> memref<128x128xf32, #tpu.memory_space<vmem_shared>>
      tpu.wait_dma2 semaphore(%run_scoped3A : memref<!tpu.dma_semaphore, #tpu.memory_space<semaphore_mem>>) src(%arg12 : memref<128x128xf32, #tpu.memory_space<vmem>>) dst(%dma_wait3A_32 : memref<128x128xf32, #tpu.memory_space<vmem_shared>>)
      tpu.yield
    }) : () -> ()
    %add3A_10 = arith.constant 256 : i32
    %add3A_11 = arith.addi %mul3A_6, %add3A_10 : i32
    "tpu.region"() ({
      %run_scoped3A = tpu.sem_alloc : memref<!tpu.dma_semaphore, #tpu.memory_space<semaphore_mem>>
      %dma_start3A = arith.constant 0 : i32
      %dma_start3A_27 = tpu.memref_slice %arg13[%add3A_11, %dma_start3A] : memref<10240x128xf32, #tpu.memory_space<vmem_shared>> -> memref<128x128xf32, #tpu.memory_space<vmem_shared>>
      %dma_start3A_28 = arith.constant 0 : i32
      %dma_start3A_29 = tpu.memref_slice %arg13[%add3A_11, %dma_start3A_28] : memref<10240x128xf32, #tpu.memory_space<vmem_shared>> -> memref<128x128xf32, #tpu.memory_space<vmem_shared>>
      tpu.enqueue_dma source(%arg12 : memref<128x128xf32, #tpu.memory_space<vmem>>) target(%dma_start3A_29 : memref<128x128xf32, #tpu.memory_space<vmem_shared>>) target_semaphore(%run_scoped3A : memref<!tpu.dma_semaphore, #tpu.memory_space<semaphore_mem>>)
      %dma_wait3A = arith.constant 0 : i32
      %dma_wait3A_30 = tpu.memref_slice %arg13[%add3A_11, %dma_wait3A] : memref<10240x128xf32, #tpu.memory_space<vmem_shared>> -> memref<128x128xf32, #tpu.memory_space<vmem_shared>>
      %dma_wait3A_31 = arith.constant 0 : i32
      %dma_wait3A_32 = tpu.memref_slice %arg13[%add3A_11, %dma_wait3A_31] : memref<10240x128xf32, #tpu.memory_space<vmem_shared>> -> memref<128x128xf32, #tpu.memory_space<vmem_shared>>
      tpu.wait_dma2 semaphore(%run_scoped3A : memref<!tpu.dma_semaphore, #tpu.memory_space<semaphore_mem>>) src(%arg12 : memref<128x128xf32, #tpu.memory_space<vmem>>) dst(%dma_wait3A_32 : memref<128x128xf32, #tpu.memory_space<vmem_shared>>)
      tpu.yield
    }) : () -> ()
    %add3A_12 = arith.constant 384 : i32
    %add3A_13 = arith.addi %mul3A_6, %add3A_12 : i32
    "tpu.region"() ({
      %run_scoped3A = tpu.sem_alloc : memref<!tpu.dma_semaphore, #tpu.memory_space<semaphore_mem>>
      %dma_start3A = arith.constant 0 : i32
      %dma_start3A_27 = tpu.memref_slice %arg13[%add3A_13, %dma_start3A] : memref<10240x128xf32, #tpu.memory_space<vmem_shared>> -> memref<128x128xf32, #tpu.memory_space<vmem_shared>>
      %dma_start3A_28 = arith.constant 0 : i32
      %dma_start3A_29 = tpu.memref_slice %arg13[%add3A_13, %dma_start3A_28] : memref<10240x128xf32, #tpu.memory_space<vmem_shared>> -> memref<128x128xf32, #tpu.memory_space<vmem_shared>>
      tpu.enqueue_dma source(%arg12 : memref<128x128xf32, #tpu.memory_space<vmem>>) target(%dma_start3A_29 : memref<128x128xf32, #tpu.memory_space<vmem_shared>>) target_semaphore(%run_scoped3A : memref<!tpu.dma_semaphore, #tpu.memory_space<semaphore_mem>>)
      %dma_wait3A = arith.constant 0 : i32
      %dma_wait3A_30 = tpu.memref_slice %arg13[%add3A_13, %dma_wait3A] : memref<10240x128xf32, #tpu.memory_space<vmem_shared>> -> memref<128x128xf32, #tpu.memory_space<vmem_shared>>
      %dma_wait3A_31 = arith.constant 0 : i32
      %dma_wait3A_32 = tpu.memref_slice %arg13[%add3A_13, %dma_wait3A_31] : memref<10240x128xf32, #tpu.memory_space<vmem_shared>> -> memref<128x128xf32, #tpu.memory_space<vmem_shared>>
      tpu.wait_dma2 semaphore(%run_scoped3A : memref<!tpu.dma_semaphore, #tpu.memory_space<semaphore_mem>>) src(%arg12 : memref<128x128xf32, #tpu.memory_space<vmem>>) dst(%dma_wait3A_32 : memref<128x128xf32, #tpu.memory_space<vmem_shared>>)
      tpu.yield
    }) : () -> ()
    %add3A_14 = arith.constant 512 : i32
    %add3A_15 = arith.addi %mul3A_6, %add3A_14 : i32
    "tpu.region"() ({
      %run_scoped3A = tpu.sem_alloc : memref<!tpu.dma_semaphore, #tpu.memory_space<semaphore_mem>>
      %dma_start3A = arith.constant 0 : i32
      %dma_start3A_27 = tpu.memref_slice %arg13[%add3A_15, %dma_start3A] : memref<10240x128xf32, #tpu.memory_space<vmem_shared>> -> memref<128x128xf32, #tpu.memory_space<vmem_shared>>
      %dma_start3A_28 = arith.constant 0 : i32
      %dma_start3A_29 = tpu.memref_slice %arg13[%add3A_15, %dma_start3A_28] : memref<10240x128xf32, #tpu.memory_space<vmem_shared>> -> memref<128x128xf32, #tpu.memory_space<vmem_shared>>
      tpu.enqueue_dma source(%arg12 : memref<128x128xf32, #tpu.memory_space<vmem>>) target(%dma_start3A_29 : memref<128x128xf32, #tpu.memory_space<vmem_shared>>) target_semaphore(%run_scoped3A : memref<!tpu.dma_semaphore, #tpu.memory_space<semaphore_mem>>)
      %dma_wait3A = arith.constant 0 : i32
      %dma_wait3A_30 = tpu.memref_slice %arg13[%add3A_15, %dma_wait3A] : memref<10240x128xf32, #tpu.memory_space<vmem_shared>> -> memref<128x128xf32, #tpu.memory_space<vmem_shared>>
      %dma_wait3A_31 = arith.constant 0 : i32
      %dma_wait3A_32 = tpu.memref_slice %arg13[%add3A_15, %dma_wait3A_31] : memref<10240x128xf32, #tpu.memory_space<vmem_shared>> -> memref<128x128xf32, #tpu.memory_space<vmem_shared>>
      tpu.wait_dma2 semaphore(%run_scoped3A : memref<!tpu.dma_semaphore, #tpu.memory_space<semaphore_mem>>) src(%arg12 : memref<128x128xf32, #tpu.memory_space<vmem>>) dst(%dma_wait3A_32 : memref<128x128xf32, #tpu.memory_space<vmem_shared>>)
      tpu.yield
    }) : () -> ()
    %barrier3A = arith.constant 0 : index
    tpu.barrier barrier_id(%barrier3A)
    %eq3A = arith.constant 0 : i32
    %eq3A_16 = arith.cmpi eq, %arg0, %eq3A : i32
    %convert_element_type3A = arith.extui %eq3A_16 : i1 to i32
    %cond3A = arith.constant 0 : i32
    %cond3A_17 = arith.cmpi ne, %convert_element_type3A, %cond3A : i32
    scf.if %cond3A_17 {
      "tpu.region"() ({
        %run_scoped3A = tpu.sem_alloc : memref<!tpu.dma_semaphore, #tpu.memory_space<semaphore_mem>>
        %dma_start3A_39 = arith.constant 0 : i32
        %dma_start3A_40 = arith.constant 0 : i32
        %dma_start3A_41 = tpu.memref_slice %arg8[%dma_start3A_39, %dma_start3A_40] : memref<32x128xi32, #tpu.memory_space<vmem>> -> memref<16x128xi32, #tpu.memory_space<vmem>>
        %dma_start3A_42 = arith.constant 0 : i32
        %dma_start3A_43 = arith.constant 0 : i32
        %dma_start3A_44 = tpu.memref_slice %arg3[%arg1, %dma_start3A_42, %dma_start3A_43] : memref<16x80x128xi32, #tpu.memory_space<hbm>> -> memref<1x16x128xi32, #tpu.memory_space<hbm>>
        %dma_start3A_45 = tpu.memref_squeeze %dma_start3A_44 : memref<1x16x128xi32, #tpu.memory_space<hbm>> -> memref<16x128xi32, #tpu.memory_space<hbm>>
        %dma_start3A_46 = arith.constant 0 : i32
        %dma_start3A_47 = arith.constant 0 : i32
        %dma_start3A_48 = tpu.memref_slice %arg8[%dma_start3A_46, %dma_start3A_47] : memref<32x128xi32, #tpu.memory_space<vmem>> -> memref<16x128xi32, #tpu.memory_space<vmem>>
        %dma_start3A_49 = arith.constant 0 : i32
        %dma_start3A_50 = arith.constant 0 : i32
        %dma_start3A_51 = tpu.memref_slice %arg3[%arg1, %dma_start3A_49, %dma_start3A_50] : memref<16x80x128xi32, #tpu.memory_space<hbm>> -> memref<1x16x128xi32, #tpu.memory_space<hbm>>
        %dma_start3A_52 = tpu.memref_squeeze %dma_start3A_51 : memref<1x16x128xi32, #tpu.memory_space<hbm>> -> memref<16x128xi32, #tpu.memory_space<hbm>>
        tpu.enqueue_dma source(%dma_start3A_52 : memref<16x128xi32, #tpu.memory_space<hbm>>) target(%dma_start3A_48 : memref<16x128xi32, #tpu.memory_space<vmem>>) target_semaphore(%run_scoped3A : memref<!tpu.dma_semaphore, #tpu.memory_space<semaphore_mem>>)
        %dma_wait3A = arith.constant 0 : i32
        %dma_wait3A_53 = arith.constant 0 : i32
        %dma_wait3A_54 = tpu.memref_slice %arg8[%dma_wait3A, %dma_wait3A_53] : memref<32x128xi32, #tpu.memory_space<vmem>> -> memref<16x128xi32, #tpu.memory_space<vmem>>
        %dma_wait3A_55 = arith.constant 0 : i32
        %dma_wait3A_56 = arith.constant 0 : i32
        %dma_wait3A_57 = tpu.memref_slice %arg3[%arg1, %dma_wait3A_55, %dma_wait3A_56] : memref<16x80x128xi32, #tpu.memory_space<hbm>> -> memref<1x16x128xi32, #tpu.memory_space<hbm>>
        %dma_wait3A_58 = tpu.memref_squeeze %dma_wait3A_57 : memref<1x16x128xi32, #tpu.memory_space<hbm>> -> memref<16x128xi32, #tpu.memory_space<hbm>>
        %dma_wait3A_59 = arith.constant 0 : i32
        %dma_wait3A_60 = arith.constant 0 : i32
        %dma_wait3A_61 = tpu.memref_slice %arg8[%dma_wait3A_59, %dma_wait3A_60] : memref<32x128xi32, #tpu.memory_space<vmem>> -> memref<16x128xi32, #tpu.memory_space<vmem>>
        %dma_wait3A_62 = arith.constant 0 : i32
        %dma_wait3A_63 = arith.constant 0 : i32
        %dma_wait3A_64 = tpu.memref_slice %arg3[%arg1, %dma_wait3A_62, %dma_wait3A_63] : memref<16x80x128xi32, #tpu.memory_space<hbm>> -> memref<1x16x128xi32, #tpu.memory_space<hbm>>
        %dma_wait3A_65 = tpu.memref_squeeze %dma_wait3A_64 : memref<1x16x128xi32, #tpu.memory_space<hbm>> -> memref<16x128xi32, #tpu.memory_space<hbm>>
        tpu.wait_dma2 semaphore(%run_scoped3A : memref<!tpu.dma_semaphore, #tpu.memory_space<semaphore_mem>>) src(%dma_wait3A_65 : memref<16x128xi32, #tpu.memory_space<hbm>>) dst(%dma_wait3A_61 : memref<16x128xi32, #tpu.memory_space<vmem>>)
        tpu.yield
      }) : () -> ()
      "tpu.region"() ({
        %run_scoped3A = tpu.sem_alloc : memref<!tpu.dma_semaphore, #tpu.memory_space<semaphore_mem>>
        %dma_start3A_39 = arith.constant 0 : i32
        %dma_start3A_40 = arith.constant 0 : i32
        %dma_start3A_41 = tpu.memref_slice %arg9[%dma_start3A_39, %dma_start3A_40] : memref<32x128xi32, #tpu.memory_space<vmem>> -> memref<16x128xi32, #tpu.memory_space<vmem>>
        %dma_start3A_42 = arith.constant 0 : i32
        %dma_start3A_43 = arith.constant 0 : i32
        %dma_start3A_44 = tpu.memref_slice %arg4[%arg1, %dma_start3A_42, %dma_start3A_43] : memref<16x80x128xi32, #tpu.memory_space<hbm>> -> memref<1x16x128xi32, #tpu.memory_space<hbm>>
        %dma_start3A_45 = tpu.memref_squeeze %dma_start3A_44 : memref<1x16x128xi32, #tpu.memory_space<hbm>> -> memref<16x128xi32, #tpu.memory_space<hbm>>
        %dma_start3A_46 = arith.constant 0 : i32
        %dma_start3A_47 = arith.constant 0 : i32
        %dma_start3A_48 = tpu.memref_slice %arg9[%dma_start3A_46, %dma_start3A_47] : memref<32x128xi32, #tpu.memory_space<vmem>> -> memref<16x128xi32, #tpu.memory_space<vmem>>
        %dma_start3A_49 = arith.constant 0 : i32
        %dma_start3A_50 = arith.constant 0 : i32
        %dma_start3A_51 = tpu.memref_slice %arg4[%arg1, %dma_start3A_49, %dma_start3A_50] : memref<16x80x128xi32, #tpu.memory_space<hbm>> -> memref<1x16x128xi32, #tpu.memory_space<hbm>>
        %dma_start3A_52 = tpu.memref_squeeze %dma_start3A_51 : memref<1x16x128xi32, #tpu.memory_space<hbm>> -> memref<16x128xi32, #tpu.memory_space<hbm>>
        tpu.enqueue_dma source(%dma_start3A_52 : memref<16x128xi32, #tpu.memory_space<hbm>>) target(%dma_start3A_48 : memref<16x128xi32, #tpu.memory_space<vmem>>) target_semaphore(%run_scoped3A : memref<!tpu.dma_semaphore, #tpu.memory_space<semaphore_mem>>)
        %dma_wait3A = arith.constant 0 : i32
        %dma_wait3A_53 = arith.constant 0 : i32
        %dma_wait3A_54 = tpu.memref_slice %arg9[%dma_wait3A, %dma_wait3A_53] : memref<32x128xi32, #tpu.memory_space<vmem>> -> memref<16x128xi32, #tpu.memory_space<vmem>>
        %dma_wait3A_55 = arith.constant 0 : i32
        %dma_wait3A_56 = arith.constant 0 : i32
        %dma_wait3A_57 = tpu.memref_slice %arg4[%arg1, %dma_wait3A_55, %dma_wait3A_56] : memref<16x80x128xi32, #tpu.memory_space<hbm>> -> memref<1x16x128xi32, #tpu.memory_space<hbm>>
        %dma_wait3A_58 = tpu.memref_squeeze %dma_wait3A_57 : memref<1x16x128xi32, #tpu.memory_space<hbm>> -> memref<16x128xi32, #tpu.memory_space<hbm>>
        %dma_wait3A_59 = arith.constant 0 : i32
        %dma_wait3A_60 = arith.constant 0 : i32
        %dma_wait3A_61 = tpu.memref_slice %arg9[%dma_wait3A_59, %dma_wait3A_60] : memref<32x128xi32, #tpu.memory_space<vmem>> -> memref<16x128xi32, #tpu.memory_space<vmem>>
        %dma_wait3A_62 = arith.constant 0 : i32
        %dma_wait3A_63 = arith.constant 0 : i32
        %dma_wait3A_64 = tpu.memref_slice %arg4[%arg1, %dma_wait3A_62, %dma_wait3A_63] : memref<16x80x128xi32, #tpu.memory_space<hbm>> -> memref<1x16x128xi32, #tpu.memory_space<hbm>>
        %dma_wait3A_65 = tpu.memref_squeeze %dma_wait3A_64 : memref<1x16x128xi32, #tpu.memory_space<hbm>> -> memref<16x128xi32, #tpu.memory_space<hbm>>
        tpu.wait_dma2 semaphore(%run_scoped3A : memref<!tpu.dma_semaphore, #tpu.memory_space<semaphore_mem>>) src(%dma_wait3A_65 : memref<16x128xi32, #tpu.memory_space<hbm>>) dst(%dma_wait3A_61 : memref<16x128xi32, #tpu.memory_space<vmem>>)
        tpu.yield
      }) : () -> ()
      %dma_start3A = arith.constant 0 : i32
      %dma_start3A_27 = arith.constant 0 : i32
      %dma_start3A_28 = tpu.memref_slice %arg8[%dma_start3A, %dma_start3A_27] : memref<32x128xi32, #tpu.memory_space<vmem>> -> memref<1x128xi32, #tpu.memory_space<vmem>>
      %dma_start3A_29 = tpu.memref_squeeze %dma_start3A_28 : memref<1x128xi32, #tpu.memory_space<vmem>> -> memref<128xi32, #tpu.memory_space<vmem>>
      %dma_start3A_30 = arith.constant 0 : i32
      %dma_start3A_31 = arith.constant 0 : i32
      %dma_start3A_32 = tpu.memref_slice %arg2[%dma_start3A_30, %dma_start3A_31] : memref<10000x64xi32, #tpu.memory_space<hbm>> -> memref<10000x64xi32, #tpu.memory_space<hbm>>
      tpu.enqueue_indirect_dma source(%dma_start3A_32 : memref<10000x64xi32, #tpu.memory_space<hbm>>) target(%arg10 : memref<128x64xi32, #tpu.memory_space<vmem>>) offsets(%dma_start3A_29 : memref<128xi32, #tpu.memory_space<vmem>>) semaphore(%arg14 : memref<!tpu.dma_semaphore, #tpu.memory_space<semaphore_mem>>)
      %scan3A_33 = arith.constant 0 : i32
      %scan3A_34 = arith.constant 0 : i32
      %scan3A_35 = arith.constant 80 : i32
      %scan3A_36 = arith.addi %scan3A_34, %scan3A_35 : i32
      %scan3A_37 = arith.constant 1 : i32
      scf.for %scan3A_39 = %scan3A_34 to %scan3A_36 step %scan3A_37  : i32 {
        %jit3A = arith.constant 16 : i32
        %div3A = arith.divsi %scan3A_39, %jit3A : i32
        %sign3A = arith.constant 0 : i32
        %sign3A_40 = arith.cmpi sgt, %scan3A_39, %sign3A : i32
        %sign3A_41 = arith.extui %sign3A_40 : i1 to i32
        %sign3A_42 = arith.constant 0 : i32
        %sign3A_43 = arith.cmpi slt, %scan3A_39, %sign3A_42 : i32
        %sign3A_44 = arith.extui %sign3A_43 : i1 to i32
        %sign3A_45 = arith.subi %sign3A_41, %sign3A_44 : i32
        %sign3A_46 = arith.constant 0 : i32
        %sign3A_47 = arith.cmpi sgt, %jit3A, %sign3A_46 : i32
        %sign3A_48 = arith.extui %sign3A_47 : i1 to i32
        %sign3A_49 = arith.constant 0 : i32
        %sign3A_50 = arith.cmpi slt, %jit3A, %sign3A_49 : i32
        %sign3A_51 = arith.extui %sign3A_50 : i1 to i32
        %sign3A_52 = arith.subi %sign3A_48, %sign3A_51 : i32
        %ne3A = arith.cmpi ne, %sign3A_45, %sign3A_52 : i32
        %rem3A = arith.remsi %scan3A_39, %jit3A : i32
        %ne3A_53 = arith.constant 0 : i32
        %ne3A_54 = arith.cmpi ne, %rem3A, %ne3A_53 : i32
        %and3A = arith.andi %ne3A, %ne3A_54 : i1
        %sub3A = arith.constant 1 : i32
        %sub3A_55 = arith.subi %div3A, %sub3A : i32
        %select_n3A = arith.select %and3A, %sub3A_55, %div3A : i32
        %jit3A_56 = arith.constant 2 : i32
        %eq3A_57 = arith.constant 0 : i32
        %eq3A_58 = arith.cmpi eq, %jit3A_56, %eq3A_57 : i32
        %jit3A_59 = arith.constant 1 : i32
        %select_n3A_60 = arith.select %eq3A_58, %jit3A_59, %jit3A_56 : i32
        %rem3A_61 = arith.remsi %select_n3A, %select_n3A_60 : i32
        %ne3A_62 = arith.constant 0 : i32
        %ne3A_63 = arith.cmpi ne, %rem3A_61, %ne3A_62 : i32
        %lt3A = arith.constant 0 : i32
        %lt3A_64 = arith.cmpi slt, %rem3A_61, %lt3A : i32
        %lt3A_65 = arith.constant 0 : i32
        %lt3A_66 = arith.cmpi slt, %select_n3A_60, %lt3A_65 : i32
        %ne3A_67 = arith.xori %lt3A_64, %lt3A_66 : i1
        %and3A_68 = arith.andi %ne3A_67, %ne3A_63 : i1
        %add3A_69 = arith.addi %rem3A_61, %select_n3A_60 : i32
        %select_n3A_70 = arith.select %and3A_68, %add3A_69, %rem3A_61 : i32
        %mul3A_71 = arith.constant 16 : i32
        %mul3A_72 = arith.muli %select_n3A_70, %mul3A_71 : i32
        %mul3A_73 = arith.constant 16 : i32
        %mul3A_74 = arith.muli %select_n3A, %mul3A_73 : i32
        %sub3A_75 = arith.subi %scan3A_39, %mul3A_74 : i32
        %add3A_76 = arith.addi %mul3A_72, %sub3A_75 : i32
        %mul3A_77 = arith.constant 16 : i32
        %mul3A_78 = arith.muli %select_n3A, %mul3A_77 : i32
        %eq3A_79 = arith.cmpi eq, %scan3A_39, %mul3A_78 : i32
        %add3A_80 = arith.constant 1 : i32
        %add3A_81 = arith.addi %select_n3A, %add3A_80 : i32
        %lt3A_82 = arith.constant 5 : i32
        %lt3A_83 = arith.cmpi slt, %add3A_81, %lt3A_82 : i32
        %and3A_84 = arith.andi %eq3A_79, %lt3A_83 : i1
        %convert_element_type3A_85 = arith.extui %and3A_84 : i1 to i32
        %cond3A_86 = arith.constant 0 : i32
        %cond3A_87 = arith.cmpi ne, %convert_element_type3A_85, %cond3A_86 : i32
        scf.if %cond3A_87 {
          %add3A_130 = arith.constant 1 : i32
          %add3A_131 = arith.addi %select_n3A, %add3A_130 : i32
          %jit3A_132 = arith.constant 2 : i32
          %eq3A_133 = arith.constant 0 : i32
          %eq3A_134 = arith.cmpi eq, %jit3A_132, %eq3A_133 : i32
          %jit3A_135 = arith.constant 1 : i32
          %select_n3A_136 = arith.select %eq3A_134, %jit3A_135, %jit3A_132 : i32
          %rem3A_137 = arith.remsi %add3A_131, %select_n3A_136 : i32
          %ne3A_138 = arith.constant 0 : i32
          %ne3A_139 = arith.cmpi ne, %rem3A_137, %ne3A_138 : i32
          %lt3A_140 = arith.constant 0 : i32
          %lt3A_141 = arith.cmpi slt, %rem3A_137, %lt3A_140 : i32
          %lt3A_142 = arith.constant 0 : i32
          %lt3A_143 = arith.cmpi slt, %select_n3A_136, %lt3A_142 : i32
          %ne3A_144 = arith.xori %lt3A_141, %lt3A_143 : i1
          %and3A_145 = arith.andi %ne3A_144, %ne3A_139 : i1
          %add3A_146 = arith.addi %rem3A_137, %select_n3A_136 : i32
          %select_n3A_147 = arith.select %and3A_145, %add3A_146, %rem3A_137 : i32
          %mul3A_148 = arith.constant 16 : i32
          %mul3A_149 = arith.muli %select_n3A_147, %mul3A_148 : i32
          %add3A_150 = arith.constant 1 : i32
          %add3A_151 = arith.addi %select_n3A, %add3A_150 : i32
          %mul3A_152 = arith.constant 16 : i32
          %mul3A_153 = arith.muli %add3A_151, %mul3A_152 : i32
          "tpu.region"() ({
            %run_scoped3A = tpu.sem_alloc : memref<!tpu.dma_semaphore, #tpu.memory_space<semaphore_mem>>
            %dma_start3A_158 = arith.constant 0 : i32
            %dma_start3A_159 = tpu.memref_slice %arg8[%mul3A_149, %dma_start3A_158] : memref<32x128xi32, #tpu.memory_space<vmem>> -> memref<16x128xi32, #tpu.memory_space<vmem>>
            %dma_start3A_160 = arith.constant 0 : i32
            %dma_start3A_161 = tpu.memref_slice %arg3[%arg1, %mul3A_153, %dma_start3A_160] : memref<16x80x128xi32, #tpu.memory_space<hbm>> -> memref<1x16x128xi32, #tpu.memory_space<hbm>>
            %dma_start3A_162 = tpu.memref_squeeze %dma_start3A_161 : memref<1x16x128xi32, #tpu.memory_space<hbm>> -> memref<16x128xi32, #tpu.memory_space<hbm>>
            %dma_start3A_163 = arith.constant 0 : i32
            %dma_start3A_164 = tpu.memref_slice %arg8[%mul3A_149, %dma_start3A_163] : memref<32x128xi32, #tpu.memory_space<vmem>> -> memref<16x128xi32, #tpu.memory_space<vmem>>
            %dma_start3A_165 = arith.constant 0 : i32
            %dma_start3A_166 = tpu.memref_slice %arg3[%arg1, %mul3A_153, %dma_start3A_165] : memref<16x80x128xi32, #tpu.memory_space<hbm>> -> memref<1x16x128xi32, #tpu.memory_space<hbm>>
            %dma_start3A_167 = tpu.memref_squeeze %dma_start3A_166 : memref<1x16x128xi32, #tpu.memory_space<hbm>> -> memref<16x128xi32, #tpu.memory_space<hbm>>
            tpu.enqueue_dma source(%dma_start3A_167 : memref<16x128xi32, #tpu.memory_space<hbm>>) target(%dma_start3A_164 : memref<16x128xi32, #tpu.memory_space<vmem>>) target_semaphore(%run_scoped3A : memref<!tpu.dma_semaphore, #tpu.memory_space<semaphore_mem>>)
            %dma_wait3A = arith.constant 0 : i32
            %dma_wait3A_168 = tpu.memref_slice %arg8[%mul3A_149, %dma_wait3A] : memref<32x128xi32, #tpu.memory_space<vmem>> -> memref<16x128xi32, #tpu.memory_space<vmem>>
            %dma_wait3A_169 = arith.constant 0 : i32
            %dma_wait3A_170 = tpu.memref_slice %arg3[%arg1, %mul3A_153, %dma_wait3A_169] : memref<16x80x128xi32, #tpu.memory_space<hbm>> -> memref<1x16x128xi32, #tpu.memory_space<hbm>>
            %dma_wait3A_171 = tpu.memref_squeeze %dma_wait3A_170 : memref<1x16x128xi32, #tpu.memory_space<hbm>> -> memref<16x128xi32, #tpu.memory_space<hbm>>
            %dma_wait3A_172 = arith.constant 0 : i32
            %dma_wait3A_173 = tpu.memref_slice %arg8[%mul3A_149, %dma_wait3A_172] : memref<32x128xi32, #tpu.memory_space<vmem>> -> memref<16x128xi32, #tpu.memory_space<vmem>>
            %dma_wait3A_174 = arith.constant 0 : i32
            %dma_wait3A_175 = tpu.memref_slice %arg3[%arg1, %mul3A_153, %dma_wait3A_174] : memref<16x80x128xi32, #tpu.memory_space<hbm>> -> memref<1x16x128xi32, #tpu.memory_space<hbm>>
            %dma_wait3A_176 = tpu.memref_squeeze %dma_wait3A_175 : memref<1x16x128xi32, #tpu.memory_space<hbm>> -> memref<16x128xi32, #tpu.memory_space<hbm>>
            tpu.wait_dma2 semaphore(%run_scoped3A : memref<!tpu.dma_semaphore, #tpu.memory_space<semaphore_mem>>) src(%dma_wait3A_176 : memref<16x128xi32, #tpu.memory_space<hbm>>) dst(%dma_wait3A_173 : memref<16x128xi32, #tpu.memory_space<vmem>>)
            tpu.yield
          }) : () -> ()
          %add3A_154 = arith.constant 1 : i32
          %add3A_155 = arith.addi %select_n3A, %add3A_154 : i32
          %mul3A_156 = arith.constant 16 : i32
          %mul3A_157 = arith.muli %add3A_155, %mul3A_156 : i32
          "tpu.region"() ({
            %run_scoped3A = tpu.sem_alloc : memref<!tpu.dma_semaphore, #tpu.memory_space<semaphore_mem>>
            %dma_start3A_158 = arith.constant 0 : i32
            %dma_start3A_159 = tpu.memref_slice %arg9[%mul3A_149, %dma_start3A_158] : memref<32x128xi32, #tpu.memory_space<vmem>> -> memref<16x128xi32, #tpu.memory_space<vmem>>
            %dma_start3A_160 = arith.constant 0 : i32
            %dma_start3A_161 = tpu.memref_slice %arg4[%arg1, %mul3A_157, %dma_start3A_160] : memref<16x80x128xi32, #tpu.memory_space<hbm>> -> memref<1x16x128xi32, #tpu.memory_space<hbm>>
            %dma_start3A_162 = tpu.memref_squeeze %dma_start3A_161 : memref<1x16x128xi32, #tpu.memory_space<hbm>> -> memref<16x128xi32, #tpu.memory_space<hbm>>
            %dma_start3A_163 = arith.constant 0 : i32
            %dma_start3A_164 = tpu.memref_slice %arg9[%mul3A_149, %dma_start3A_163] : memref<32x128xi32, #tpu.memory_space<vmem>> -> memref<16x128xi32, #tpu.memory_space<vmem>>
            %dma_start3A_165 = arith.constant 0 : i32
            %dma_start3A_166 = tpu.memref_slice %arg4[%arg1, %mul3A_157, %dma_start3A_165] : memref<16x80x128xi32, #tpu.memory_space<hbm>> -> memref<1x16x128xi32, #tpu.memory_space<hbm>>
            %dma_start3A_167 = tpu.memref_squeeze %dma_start3A_166 : memref<1x16x128xi32, #tpu.memory_space<hbm>> -> memref<16x128xi32, #tpu.memory_space<hbm>>
            tpu.enqueue_dma source(%dma_start3A_167 : memref<16x128xi32, #tpu.memory_space<hbm>>) target(%dma_start3A_164 : memref<16x128xi32, #tpu.memory_space<vmem>>) target_semaphore(%run_scoped3A : memref<!tpu.dma_semaphore, #tpu.memory_space<semaphore_mem>>)
            %dma_wait3A = arith.constant 0 : i32
            %dma_wait3A_168 = tpu.memref_slice %arg9[%mul3A_149, %dma_wait3A] : memref<32x128xi32, #tpu.memory_space<vmem>> -> memref<16x128xi32, #tpu.memory_space<vmem>>
            %dma_wait3A_169 = arith.constant 0 : i32
            %dma_wait3A_170 = tpu.memref_slice %arg4[%arg1, %mul3A_157, %dma_wait3A_169] : memref<16x80x128xi32, #tpu.memory_space<hbm>> -> memref<1x16x128xi32, #tpu.memory_space<hbm>>
            %dma_wait3A_171 = tpu.memref_squeeze %dma_wait3A_170 : memref<1x16x128xi32, #tpu.memory_space<hbm>> -> memref<16x128xi32, #tpu.memory_space<hbm>>
            %dma_wait3A_172 = arith.constant 0 : i32
            %dma_wait3A_173 = tpu.memref_slice %arg9[%mul3A_149, %dma_wait3A_172] : memref<32x128xi32, #tpu.memory_space<vmem>> -> memref<16x128xi32, #tpu.memory_space<vmem>>
            %dma_wait3A_174 = arith.constant 0 : i32
            %dma_wait3A_175 = tpu.memref_slice %arg4[%arg1, %mul3A_157, %dma_wait3A_174] : memref<16x80x128xi32, #tpu.memory_space<hbm>> -> memref<1x16x128xi32, #tpu.memory_space<hbm>>
            %dma_wait3A_176 = tpu.memref_squeeze %dma_wait3A_175 : memref<1x16x128xi32, #tpu.memory_space<hbm>> -> memref<16x128xi32, #tpu.memory_space<hbm>>
            tpu.wait_dma2 semaphore(%run_scoped3A : memref<!tpu.dma_semaphore, #tpu.memory_space<semaphore_mem>>) src(%dma_wait3A_176 : memref<16x128xi32, #tpu.memory_space<hbm>>) dst(%dma_wait3A_173 : memref<16x128xi32, #tpu.memory_space<vmem>>)
            tpu.yield
          }) : () -> ()
        } else {
        }
        %jit3A_88 = arith.constant 2 : i32
        %eq3A_89 = arith.constant 0 : i32
        %eq3A_90 = arith.cmpi eq, %jit3A_88, %eq3A_89 : i32
        %jit3A_91 = arith.constant 1 : i32
        %select_n3A_92 = arith.select %eq3A_90, %jit3A_91, %jit3A_88 : i32
        %rem3A_93 = arith.remsi %scan3A_39, %select_n3A_92 : i32
        %ne3A_94 = arith.constant 0 : i32
        %ne3A_95 = arith.cmpi ne, %rem3A_93, %ne3A_94 : i32
        %lt3A_96 = arith.constant 0 : i32
        %lt3A_97 = arith.cmpi slt, %rem3A_93, %lt3A_96 : i32
        %lt3A_98 = arith.constant 0 : i32
        %lt3A_99 = arith.cmpi slt, %select_n3A_92, %lt3A_98 : i32
        %ne3A_100 = arith.xori %lt3A_97, %lt3A_99 : i1
        %and3A_101 = arith.andi %ne3A_100, %ne3A_95 : i1
        %add3A_102 = arith.addi %rem3A_93, %select_n3A_92 : i32
        %select_n3A_103 = arith.select %and3A_101, %add3A_102, %rem3A_93 : i32
        %eq3A_104 = arith.constant 0 : i32
        %eq3A_105 = arith.cmpi eq, %select_n3A_103, %eq3A_104 : i32
        %convert_element_type3A_106 = arith.extui %eq3A_105 : i1 to i32
        %cond3A_107 = arith.constant 0 : i32
        %cond3A_108 = arith.cmpi ne, %convert_element_type3A_106, %cond3A_107 : i32
        scf.if %cond3A_108 {
          %dma_wait3A = arith.constant 0 : i32
          %dma_wait3A_130 = tpu.memref_slice %arg8[%add3A_76, %dma_wait3A] : memref<32x128xi32, #tpu.memory_space<vmem>> -> memref<1x128xi32, #tpu.memory_space<vmem>>
          %dma_wait3A_131 = tpu.memref_squeeze %dma_wait3A_130 : memref<1x128xi32, #tpu.memory_space<vmem>> -> memref<128xi32, #tpu.memory_space<vmem>>
          %dma_wait3A_132 = arith.constant 0 : i32
          %dma_wait3A_133 = arith.constant 0 : i32
          %dma_wait3A_134 = tpu.memref_slice %arg2[%dma_wait3A_132, %dma_wait3A_133] : memref<10000x64xi32, #tpu.memory_space<hbm>> -> memref<10000x64xi32, #tpu.memory_space<hbm>>
          tpu.wait_indirect_dma semaphore(%arg14 : memref<!tpu.dma_semaphore, #tpu.memory_space<semaphore_mem>>) src(%dma_wait3A_134 : memref<10000x64xi32, #tpu.memory_space<hbm>>) dst(%arg10 : memref<128x64xi32, #tpu.memory_space<vmem>>)
          %add3A_135 = arith.constant 1 : i32
          %add3A_136 = arith.addi %scan3A_39, %add3A_135 : i32
          %lt3A_137 = arith.constant 80 : i32
          %lt3A_138 = arith.cmpi slt, %add3A_136, %lt3A_137 : i32
          %convert_element_type3A_139 = arith.extui %lt3A_138 : i1 to i32
          %cond3A_140 = arith.constant 0 : i32
          %cond3A_141 = arith.cmpi ne, %convert_element_type3A_139, %cond3A_140 : i32
          scf.if %cond3A_141 {
            %add3A_148 = arith.constant 1 : i32
            %add3A_149 = arith.addi %scan3A_39, %add3A_148 : i32
            %jit3A_150 = arith.constant 16 : i32
            %div3A_151 = arith.divsi %add3A_149, %jit3A_150 : i32
            %sign3A_152 = arith.constant 0 : i32
            %sign3A_153 = arith.cmpi sgt, %add3A_149, %sign3A_152 : i32
            %sign3A_154 = arith.extui %sign3A_153 : i1 to i32
            %sign3A_155 = arith.constant 0 : i32
            %sign3A_156 = arith.cmpi slt, %add3A_149, %sign3A_155 : i32
            %sign3A_157 = arith.extui %sign3A_156 : i1 to i32
            %sign3A_158 = arith.subi %sign3A_154, %sign3A_157 : i32
            %sign3A_159 = arith.constant 0 : i32
            %sign3A_160 = arith.cmpi sgt, %jit3A_150, %sign3A_159 : i32
            %sign3A_161 = arith.extui %sign3A_160 : i1 to i32
            %sign3A_162 = arith.constant 0 : i32
            %sign3A_163 = arith.cmpi slt, %jit3A_150, %sign3A_162 : i32
            %sign3A_164 = arith.extui %sign3A_163 : i1 to i32
            %sign3A_165 = arith.subi %sign3A_161, %sign3A_164 : i32
            %ne3A_166 = arith.cmpi ne, %sign3A_158, %sign3A_165 : i32
            %rem3A_167 = arith.remsi %add3A_149, %jit3A_150 : i32
            %ne3A_168 = arith.constant 0 : i32
            %ne3A_169 = arith.cmpi ne, %rem3A_167, %ne3A_168 : i32
            %and3A_170 = arith.andi %ne3A_166, %ne3A_169 : i1
            %sub3A_171 = arith.constant 1 : i32
            %sub3A_172 = arith.subi %div3A_151, %sub3A_171 : i32
            %select_n3A_173 = arith.select %and3A_170, %sub3A_172, %div3A_151 : i32
            %jit3A_174 = arith.constant 2 : i32
            %eq3A_175 = arith.constant 0 : i32
            %eq3A_176 = arith.cmpi eq, %jit3A_174, %eq3A_175 : i32
            %jit3A_177 = arith.constant 1 : i32
            %select_n3A_178 = arith.select %eq3A_176, %jit3A_177, %jit3A_174 : i32
            %rem3A_179 = arith.remsi %select_n3A_173, %select_n3A_178 : i32
            %ne3A_180 = arith.constant 0 : i32
            %ne3A_181 = arith.cmpi ne, %rem3A_179, %ne3A_180 : i32
            %lt3A_182 = arith.constant 0 : i32
            %lt3A_183 = arith.cmpi slt, %rem3A_179, %lt3A_182 : i32
            %lt3A_184 = arith.constant 0 : i32
            %lt3A_185 = arith.cmpi slt, %select_n3A_178, %lt3A_184 : i32
            %ne3A_186 = arith.xori %lt3A_183, %lt3A_185 : i1
            %and3A_187 = arith.andi %ne3A_186, %ne3A_181 : i1
            %add3A_188 = arith.addi %rem3A_179, %select_n3A_178 : i32
            %select_n3A_189 = arith.select %and3A_187, %add3A_188, %rem3A_179 : i32
            %mul3A_190 = arith.constant 16 : i32
            %mul3A_191 = arith.muli %select_n3A_189, %mul3A_190 : i32
            %mul3A_192 = arith.constant 16 : i32
            %mul3A_193 = arith.muli %select_n3A_173, %mul3A_192 : i32
            %sub3A_194 = arith.subi %add3A_149, %mul3A_193 : i32
            %add3A_195 = arith.addi %mul3A_191, %sub3A_194 : i32
            %dma_start3A_196 = arith.constant 0 : i32
            %dma_start3A_197 = tpu.memref_slice %arg8[%add3A_195, %dma_start3A_196] : memref<32x128xi32, #tpu.memory_space<vmem>> -> memref<1x128xi32, #tpu.memory_space<vmem>>
            %dma_start3A_198 = tpu.memref_squeeze %dma_start3A_197 : memref<1x128xi32, #tpu.memory_space<vmem>> -> memref<128xi32, #tpu.memory_space<vmem>>
            %dma_start3A_199 = arith.constant 0 : i32
            %dma_start3A_200 = arith.constant 0 : i32
            %dma_start3A_201 = tpu.memref_slice %arg2[%dma_start3A_199, %dma_start3A_200] : memref<10000x64xi32, #tpu.memory_space<hbm>> -> memref<10000x64xi32, #tpu.memory_space<hbm>>
            tpu.enqueue_indirect_dma source(%dma_start3A_201 : memref<10000x64xi32, #tpu.memory_space<hbm>>) target(%arg11 : memref<128x64xi32, #tpu.memory_space<vmem>>) offsets(%dma_start3A_198 : memref<128xi32, #tpu.memory_space<vmem>>) semaphore(%arg15 : memref<!tpu.dma_semaphore, #tpu.memory_space<semaphore_mem>>)
          } else {
          }
          %scan3A_142 = arith.constant 0 : i32
          %scan3A_143 = arith.constant 0 : i32
          %scan3A_144 = arith.constant 128 : i32
          %scan3A_145 = arith.addi %scan3A_143, %scan3A_144 : i32
          %scan3A_146 = arith.constant 1 : i32
          scf.for %scan3A_148 = %scan3A_143 to %scan3A_145 step %scan3A_146  : i32 {
            %get3A = arith.index_cast %scan3A_148 : i32 to index
            %get3A_149 = arith.constant 0 : index
            %get3A_150 = tpu.vector_load %arg10[%get3A, %get3A_149] {strides = array<i32>} : memref<128x64xi32, #tpu.memory_space<vmem>>, vector<1x16xi32>,
            %get3A_151 = vector.shape_cast %get3A_150 : vector<1x16xi32> to vector<16xi32>
            %shift_left3A = arith.constant 16 : i32
            %shift_left3A_152 = vector.broadcast %shift_left3A : i32 to vector<16xi32>
            %shift_left3A_153 = arith.shli %get3A_151, %shift_left3A_152 : vector<16xi32>
            %bitcast_convert_type3A = tpu.bitcast %shift_left3A_153 : vector<16xi32> -> vector<16xf32>
            %and3A_154 = arith.constant -65536 : i32
            %and3A_155 = vector.broadcast %and3A_154 : i32 to vector<16xi32>
            %and3A_156 = arith.andi %get3A_151, %and3A_155 : vector<16xi32>
            %bitcast_convert_type3A_157 = tpu.bitcast %and3A_156 : vector<16xi32> -> vector<16xf32>
            %swap3A = arith.index_cast %scan3A_148 : i32 to index
            %swap3A_158 = arith.constant 0 : index
            %swap3A_159 = tpu.vector_load %arg12[%swap3A, %swap3A_158] {strides = array<i32>} : memref<128x128xf32, #tpu.memory_space<vmem>>, vector<1x16xf32>,
            %swap3A_160 = vector.shape_cast %swap3A_159 : vector<1x16xf32> to vector<16xf32>
            %swap3A_161 = vector.shape_cast %bitcast_convert_type3A : vector<16xf32> to vector<1x16xf32>
            tpu.vector_store %arg12[%swap3A, %swap3A_158], %swap3A_161 {strides = array<i32>} : memref<128x128xf32, #tpu.memory_space<vmem>>, vector<1x16xf32>,
            %swap3A_162 = arith.index_cast %scan3A_148 : i32 to index
            %swap3A_163 = arith.constant 16 : index
            %swap3A_164 = tpu.vector_load %arg12[%swap3A_162, %swap3A_163] {strides = array<i32>} : memref<128x128xf32, #tpu.memory_space<vmem>>, vector<1x16xf32>,
            %swap3A_165 = vector.shape_cast %swap3A_164 : vector<1x16xf32> to vector<16xf32>
            %swap3A_166 = vector.shape_cast %bitcast_convert_type3A_157 : vector<16xf32> to vector<1x16xf32>
            tpu.vector_store %arg12[%swap3A_162, %swap3A_163], %swap3A_166 {strides = array<i32>} : memref<128x128xf32, #tpu.memory_space<vmem>>, vector<1x16xf32>,
            %get3A_167 = arith.index_cast %scan3A_148 : i32 to index
            %get3A_168 = arith.constant 16 : index
            %get3A_169 = tpu.vector_load %arg10[%get3A_167, %get3A_168] {strides = array<i32>} : memref<128x64xi32, #tpu.memory_space<vmem>>, vector<1x16xi32>,
            %get3A_170 = vector.shape_cast %get3A_169 : vector<1x16xi32> to vector<16xi32>
            %shift_left3A_171 = arith.constant 16 : i32
            %shift_left3A_172 = vector.broadcast %shift_left3A_171 : i32 to vector<16xi32>
            %shift_left3A_173 = arith.shli %get3A_170, %shift_left3A_172 : vector<16xi32>
            %bitcast_convert_type3A_174 = tpu.bitcast %shift_left3A_173 : vector<16xi32> -> vector<16xf32>
            %and3A_175 = arith.constant -65536 : i32
            %and3A_176 = vector.broadcast %and3A_175 : i32 to vector<16xi32>
            %and3A_177 = arith.andi %get3A_170, %and3A_176 : vector<16xi32>
            %bitcast_convert_type3A_178 = tpu.bitcast %and3A_177 : vector<16xi32> -> vector<16xf32>
            %swap3A_179 = arith.index_cast %scan3A_148 : i32 to index
            %swap3A_180 = arith.constant 32 : index
            %swap3A_181 = tpu.vector_load %arg12[%swap3A_179, %swap3A_180] {strides = array<i32>} : memref<128x128xf32, #tpu.memory_space<vmem>>, vector<1x16xf32>,
            %swap3A_182 = vector.shape_cast %swap3A_181 : vector<1x16xf32> to vector<16xf32>
            %swap3A_183 = vector.shape_cast %bitcast_convert_type3A_174 : vector<16xf32> to vector<1x16xf32>
            tpu.vector_store %arg12[%swap3A_179, %swap3A_180], %swap3A_183 {strides = array<i32>} : memref<128x128xf32, #tpu.memory_space<vmem>>, vector<1x16xf32>,
            %swap3A_184 = arith.index_cast %scan3A_148 : i32 to index
            %swap3A_185 = arith.constant 48 : index
            %swap3A_186 = tpu.vector_load %arg12[%swap3A_184, %swap3A_185] {strides = array<i32>} : memref<128x128xf32, #tpu.memory_space<vmem>>, vector<1x16xf32>,
            %swap3A_187 = vector.shape_cast %swap3A_186 : vector<1x16xf32> to vector<16xf32>
            %swap3A_188 = vector.shape_cast %bitcast_convert_type3A_178 : vector<16xf32> to vector<1x16xf32>
            tpu.vector_store %arg12[%swap3A_184, %swap3A_185], %swap3A_188 {strides = array<i32>} : memref<128x128xf32, #tpu.memory_space<vmem>>, vector<1x16xf32>,
            %get3A_189 = arith.index_cast %scan3A_148 : i32 to index
            %get3A_190 = arith.constant 32 : index
            %get3A_191 = tpu.vector_load %arg10[%get3A_189, %get3A_190] {strides = array<i32>} : memref<128x64xi32, #tpu.memory_space<vmem>>, vector<1x16xi32>,
            %get3A_192 = vector.shape_cast %get3A_191 : vector<1x16xi32> to vector<16xi32>
            %shift_left3A_193 = arith.constant 16 : i32
            %shift_left3A_194 = vector.broadcast %shift_left3A_193 : i32 to vector<16xi32>
            %shift_left3A_195 = arith.shli %get3A_192, %shift_left3A_194 : vector<16xi32>
            %bitcast_convert_type3A_196 = tpu.bitcast %shift_left3A_195 : vector<16xi32> -> vector<16xf32>
            %and3A_197 = arith.constant -65536 : i32
            %and3A_198 = vector.broadcast %and3A_197 : i32 to vector<16xi32>
            %and3A_199 = arith.andi %get3A_192, %and3A_198 : vector<16xi32>
            %bitcast_convert_type3A_200 = tpu.bitcast %and3A_199 : vector<16xi32> -> vector<16xf32>
            %swap3A_201 = arith.index_cast %scan3A_148 : i32 to index
            %swap3A_202 = arith.constant 64 : index
            %swap3A_203 = tpu.vector_load %arg12[%swap3A_201, %swap3A_202] {strides = array<i32>} : memref<128x128xf32, #tpu.memory_space<vmem>>, vector<1x16xf32>,
            %swap3A_204 = vector.shape_cast %swap3A_203 : vector<1x16xf32> to vector<16xf32>
            %swap3A_205 = vector.shape_cast %bitcast_convert_type3A_196 : vector<16xf32> to vector<1x16xf32>
            tpu.vector_store %arg12[%swap3A_201, %swap3A_202], %swap3A_205 {strides = array<i32>} : memref<128x128xf32, #tpu.memory_space<vmem>>, vector<1x16xf32>,
            %swap3A_206 = arith.index_cast %scan3A_148 : i32 to index
            %swap3A_207 = arith.constant 80 : index
            %swap3A_208 = tpu.vector_load %arg12[%swap3A_206, %swap3A_207] {strides = array<i32>} : memref<128x128xf32, #tpu.memory_space<vmem>>, vector<1x16xf32>,
            %swap3A_209 = vector.shape_cast %swap3A_208 : vector<1x16xf32> to vector<16xf32>
            %swap3A_210 = vector.shape_cast %bitcast_convert_type3A_200 : vector<16xf32> to vector<1x16xf32>
            tpu.vector_store %arg12[%swap3A_206, %swap3A_207], %swap3A_210 {strides = array<i32>} : memref<128x128xf32, #tpu.memory_space<vmem>>, vector<1x16xf32>,
            %get3A_211 = arith.index_cast %scan3A_148 : i32 to index
            %get3A_212 = arith.constant 48 : index
            %get3A_213 = tpu.vector_load %arg10[%get3A_211, %get3A_212] {strides = array<i32>} : memref<128x64xi32, #tpu.memory_space<vmem>>, vector<1x16xi32>,
            %get3A_214 = vector.shape_cast %get3A_213 : vector<1x16xi32> to vector<16xi32>
            %shift_left3A_215 = arith.constant 16 : i32
            %shift_left3A_216 = vector.broadcast %shift_left3A_215 : i32 to vector<16xi32>
            %shift_left3A_217 = arith.shli %get3A_214, %shift_left3A_216 : vector<16xi32>
            %bitcast_convert_type3A_218 = tpu.bitcast %shift_left3A_217 : vector<16xi32> -> vector<16xf32>
            %and3A_219 = arith.constant -65536 : i32
            %and3A_220 = vector.broadcast %and3A_219 : i32 to vector<16xi32>
            %and3A_221 = arith.andi %get3A_214, %and3A_220 : vector<16xi32>
            %bitcast_convert_type3A_222 = tpu.bitcast %and3A_221 : vector<16xi32> -> vector<16xf32>
            %swap3A_223 = arith.index_cast %scan3A_148 : i32 to index
            %swap3A_224 = arith.constant 96 : index
            %swap3A_225 = tpu.vector_load %arg12[%swap3A_223, %swap3A_224] {strides = array<i32>} : memref<128x128xf32, #tpu.memory_space<vmem>>, vector<1x16xf32>,
            %swap3A_226 = vector.shape_cast %swap3A_225 : vector<1x16xf32> to vector<16xf32>
            %swap3A_227 = vector.shape_cast %bitcast_convert_type3A_218 : vector<16xf32> to vector<1x16xf32>
            tpu.vector_store %arg12[%swap3A_223, %swap3A_224], %swap3A_227 {strides = array<i32>} : memref<128x128xf32, #tpu.memory_space<vmem>>, vector<1x16xf32>,
            %swap3A_228 = arith.index_cast %scan3A_148 : i32 to index
            %swap3A_229 = arith.constant 112 : index
            %swap3A_230 = tpu.vector_load %arg12[%swap3A_228, %swap3A_229] {strides = array<i32>} : memref<128x128xf32, #tpu.memory_space<vmem>>, vector<1x16xf32>,
            %swap3A_231 = vector.shape_cast %swap3A_230 : vector<1x16xf32> to vector<16xf32>
            %swap3A_232 = vector.shape_cast %bitcast_convert_type3A_222 : vector<16xf32> to vector<1x16xf32>
            tpu.vector_store %arg12[%swap3A_228, %swap3A_229], %swap3A_232 {strides = array<i32>} : memref<128x128xf32, #tpu.memory_space<vmem>>, vector<1x16xf32>,
          }
          %scan3A_147 = arith.constant 128 : i32
          "tpu.region"() ({
            %run_scoped3A = tpu.sem_alloc : memref<!tpu.dma_semaphore, #tpu.memory_space<semaphore_mem>>
            %dma_start3A_148 = arith.constant 0 : i32
            %dma_start3A_149 = tpu.memref_slice %arg9[%add3A_76, %dma_start3A_148] : memref<32x128xi32, #tpu.memory_space<vmem>> -> memref<1x128xi32, #tpu.memory_space<vmem>>
            %dma_start3A_150 = tpu.memref_squeeze %dma_start3A_149 : memref<1x128xi32, #tpu.memory_space<vmem>> -> memref<128xi32, #tpu.memory_space<vmem>>
            %dma_start3A_151 = arith.constant 0 : i32
            %dma_start3A_152 = arith.constant 0 : i32
            %dma_start3A_153 = tpu.memref_slice %arg13[%dma_start3A_151, %dma_start3A_152] : memref<10240x128xf32, #tpu.memory_space<vmem_shared>> -> memref<10240x128xf32, #tpu.memory_space<vmem_shared>>
            tpu.enqueue_indirect_dma source(%arg12 : memref<128x128xf32, #tpu.memory_space<vmem>>) target(%dma_start3A_153 : memref<10240x128xf32, #tpu.memory_space<vmem_shared>>) offsets(%dma_start3A_150 : memref<128xi32, #tpu.memory_space<vmem>>) semaphore(%run_scoped3A : memref<!tpu.dma_semaphore, #tpu.memory_space<semaphore_mem>>) {add = true}
            %dma_wait3A_154 = arith.constant 0 : i32
            %dma_wait3A_155 = tpu.memref_slice %arg9[%add3A_76, %dma_wait3A_154] : memref<32x128xi32, #tpu.memory_space<vmem>> -> memref<1x128xi32, #tpu.memory_space<vmem>>
            %dma_wait3A_156 = tpu.memref_squeeze %dma_wait3A_155 : memref<1x128xi32, #tpu.memory_space<vmem>> -> memref<128xi32, #tpu.memory_space<vmem>>
            %dma_wait3A_157 = arith.constant 0 : i32
            %dma_wait3A_158 = arith.constant 0 : i32
            %dma_wait3A_159 = tpu.memref_slice %arg13[%dma_wait3A_157, %dma_wait3A_158] : memref<10240x128xf32, #tpu.memory_space<vmem_shared>> -> memref<10240x128xf32, #tpu.memory_space<vmem_shared>>
            tpu.wait_indirect_dma semaphore(%run_scoped3A : memref<!tpu.dma_semaphore, #tpu.memory_space<semaphore_mem>>) src(%arg12 : memref<128x128xf32, #tpu.memory_space<vmem>>) dst(%dma_wait3A_159 : memref<10240x128xf32, #tpu.memory_space<vmem_shared>>)
            tpu.yield
          }) : () -> ()
        } else {
        }
        %jit3A_109 = arith.constant 2 : i32
        %eq3A_110 = arith.constant 0 : i32
        %eq3A_111 = arith.cmpi eq, %jit3A_109, %eq3A_110 : i32
        %jit3A_112 = arith.constant 1 : i32
        %select_n3A_113 = arith.select %eq3A_111, %jit3A_112, %jit3A_109 : i32
        %rem3A_114 = arith.remsi %scan3A_39, %select_n3A_113 : i32
        %ne3A_115 = arith.constant 0 : i32
        %ne3A_116 = arith.cmpi ne, %rem3A_114, %ne3A_115 : i32
        %lt3A_117 = arith.constant 0 : i32
        %lt3A_118 = arith.cmpi slt, %rem3A_114, %lt3A_117 : i32
        %lt3A_119 = arith.constant 0 : i32
        %lt3A_120 = arith.cmpi slt, %select_n3A_113, %lt3A_119 : i32
        %ne3A_121 = arith.xori %lt3A_118, %lt3A_120 : i1
        %and3A_122 = arith.andi %ne3A_121, %ne3A_116 : i1
        %add3A_123 = arith.addi %rem3A_114, %select_n3A_113 : i32
        %select_n3A_124 = arith.select %and3A_122, %add3A_123, %rem3A_114 : i32
        %eq3A_125 = arith.constant 1 : i32
        %eq3A_126 = arith.cmpi eq, %select_n3A_124, %eq3A_125 : i32
        %convert_element_type3A_127 = arith.extui %eq3A_126 : i1 to i32
        %cond3A_128 = arith.constant 0 : i32
        %cond3A_129 = arith.cmpi ne, %convert_element_type3A_127, %cond3A_128 : i32
        scf.if %cond3A_129 {
          %dma_wait3A = arith.constant 0 : i32
          %dma_wait3A_130 = tpu.memref_slice %arg8[%add3A_76, %dma_wait3A] : memref<32x128xi32, #tpu.memory_space<vmem>> -> memref<1x128xi32, #tpu.memory_space<vmem>>
          %dma_wait3A_131 = tpu.memref_squeeze %dma_wait3A_130 : memref<1x128xi32, #tpu.memory_space<vmem>> -> memref<128xi32, #tpu.memory_space<vmem>>
          %dma_wait3A_132 = arith.constant 0 : i32
          %dma_wait3A_133 = arith.constant 0 : i32
          %dma_wait3A_134 = tpu.memref_slice %arg2[%dma_wait3A_132, %dma_wait3A_133] : memref<10000x64xi32, #tpu.memory_space<hbm>> -> memref<10000x64xi32, #tpu.memory_space<hbm>>
          tpu.wait_indirect_dma semaphore(%arg15 : memref<!tpu.dma_semaphore, #tpu.memory_space<semaphore_mem>>) src(%dma_wait3A_134 : memref<10000x64xi32, #tpu.memory_space<hbm>>) dst(%arg11 : memref<128x64xi32, #tpu.memory_space<vmem>>)
          %add3A_135 = arith.constant 1 : i32
          %add3A_136 = arith.addi %scan3A_39, %add3A_135 : i32
          %lt3A_137 = arith.constant 80 : i32
          %lt3A_138 = arith.cmpi slt, %add3A_136, %lt3A_137 : i32
          %convert_element_type3A_139 = arith.extui %lt3A_138 : i1 to i32
          %cond3A_140 = arith.constant 0 : i32
          %cond3A_141 = arith.cmpi ne, %convert_element_type3A_139, %cond3A_140 : i32
          scf.if %cond3A_141 {
            %add3A_148 = arith.constant 1 : i32
            %add3A_149 = arith.addi %scan3A_39, %add3A_148 : i32
            %jit3A_150 = arith.constant 16 : i32
            %div3A_151 = arith.divsi %add3A_149, %jit3A_150 : i32
            %sign3A_152 = arith.constant 0 : i32
            %sign3A_153 = arith.cmpi sgt, %add3A_149, %sign3A_152 : i32
            %sign3A_154 = arith.extui %sign3A_153 : i1 to i32
            %sign3A_155 = arith.constant 0 : i32
            %sign3A_156 = arith.cmpi slt, %add3A_149, %sign3A_155 : i32
            %sign3A_157 = arith.extui %sign3A_156 : i1 to i32
            %sign3A_158 = arith.subi %sign3A_154, %sign3A_157 : i32
            %sign3A_159 = arith.constant 0 : i32
            %sign3A_160 = arith.cmpi sgt, %jit3A_150, %sign3A_159 : i32
            %sign3A_161 = arith.extui %sign3A_160 : i1 to i32
            %sign3A_162 = arith.constant 0 : i32
            %sign3A_163 = arith.cmpi slt, %jit3A_150, %sign3A_162 : i32
            %sign3A_164 = arith.extui %sign3A_163 : i1 to i32
            %sign3A_165 = arith.subi %sign3A_161, %sign3A_164 : i32
            %ne3A_166 = arith.cmpi ne, %sign3A_158, %sign3A_165 : i32
            %rem3A_167 = arith.remsi %add3A_149, %jit3A_150 : i32
            %ne3A_168 = arith.constant 0 : i32
            %ne3A_169 = arith.cmpi ne, %rem3A_167, %ne3A_168 : i32
            %and3A_170 = arith.andi %ne3A_166, %ne3A_169 : i1
            %sub3A_171 = arith.constant 1 : i32
            %sub3A_172 = arith.subi %div3A_151, %sub3A_171 : i32
            %select_n3A_173 = arith.select %and3A_170, %sub3A_172, %div3A_151 : i32
            %jit3A_174 = arith.constant 2 : i32
            %eq3A_175 = arith.constant 0 : i32
            %eq3A_176 = arith.cmpi eq, %jit3A_174, %eq3A_175 : i32
            %jit3A_177 = arith.constant 1 : i32
            %select_n3A_178 = arith.select %eq3A_176, %jit3A_177, %jit3A_174 : i32
            %rem3A_179 = arith.remsi %select_n3A_173, %select_n3A_178 : i32
            %ne3A_180 = arith.constant 0 : i32
            %ne3A_181 = arith.cmpi ne, %rem3A_179, %ne3A_180 : i32
            %lt3A_182 = arith.constant 0 : i32
            %lt3A_183 = arith.cmpi slt, %rem3A_179, %lt3A_182 : i32
            %lt3A_184 = arith.constant 0 : i32
            %lt3A_185 = arith.cmpi slt, %select_n3A_178, %lt3A_184 : i32
            %ne3A_186 = arith.xori %lt3A_183, %lt3A_185 : i1
            %and3A_187 = arith.andi %ne3A_186, %ne3A_181 : i1
            %add3A_188 = arith.addi %rem3A_179, %select_n3A_178 : i32
            %select_n3A_189 = arith.select %and3A_187, %add3A_188, %rem3A_179 : i32
            %mul3A_190 = arith.constant 16 : i32
            %mul3A_191 = arith.muli %select_n3A_189, %mul3A_190 : i32
            %mul3A_192 = arith.constant 16 : i32
            %mul3A_193 = arith.muli %select_n3A_173, %mul3A_192 : i32
            %sub3A_194 = arith.subi %add3A_149, %mul3A_193 : i32
            %add3A_195 = arith.addi %mul3A_191, %sub3A_194 : i32
            %dma_start3A_196 = arith.constant 0 : i32
            %dma_start3A_197 = tpu.memref_slice %arg8[%add3A_195, %dma_start3A_196] : memref<32x128xi32, #tpu.memory_space<vmem>> -> memref<1x128xi32, #tpu.memory_space<vmem>>
            %dma_start3A_198 = tpu.memref_squeeze %dma_start3A_197 : memref<1x128xi32, #tpu.memory_space<vmem>> -> memref<128xi32, #tpu.memory_space<vmem>>
            %dma_start3A_199 = arith.constant 0 : i32
            %dma_start3A_200 = arith.constant 0 : i32
            %dma_start3A_201 = tpu.memref_slice %arg2[%dma_start3A_199, %dma_start3A_200] : memref<10000x64xi32, #tpu.memory_space<hbm>> -> memref<10000x64xi32, #tpu.memory_space<hbm>>
            tpu.enqueue_indirect_dma source(%dma_start3A_201 : memref<10000x64xi32, #tpu.memory_space<hbm>>) target(%arg10 : memref<128x64xi32, #tpu.memory_space<vmem>>) offsets(%dma_start3A_198 : memref<128xi32, #tpu.memory_space<vmem>>) semaphore(%arg14 : memref<!tpu.dma_semaphore, #tpu.memory_space<semaphore_mem>>)
          } else {
          }
          %scan3A_142 = arith.constant 0 : i32
          %scan3A_143 = arith.constant 0 : i32
          %scan3A_144 = arith.constant 128 : i32
          %scan3A_145 = arith.addi %scan3A_143, %scan3A_144 : i32
          %scan3A_146 = arith.constant 1 : i32
          scf.for %scan3A_148 = %scan3A_143 to %scan3A_145 step %scan3A_146  : i32 {
            %get3A = arith.index_cast %scan3A_148 : i32 to index
            %get3A_149 = arith.constant 0 : index
            %get3A_150 = tpu.vector_load %arg11[%get3A, %get3A_149] {strides = array<i32>} : memref<128x64xi32, #tpu.memory_space<vmem>>, vector<1x16xi32>,
            %get3A_151 = vector.shape_cast %get3A_150 : vector<1x16xi32> to vector<16xi32>
            %shift_left3A = arith.constant 16 : i32
            %shift_left3A_152 = vector.broadcast %shift_left3A : i32 to vector<16xi32>
            %shift_left3A_153 = arith.shli %get3A_151, %shift_left3A_152 : vector<16xi32>
            %bitcast_convert_type3A = tpu.bitcast %shift_left3A_153 : vector<16xi32> -> vector<16xf32>
            %and3A_154 = arith.constant -65536 : i32
            %and3A_155 = vector.broadcast %and3A_154 : i32 to vector<16xi32>
            %and3A_156 = arith.andi %get3A_151, %and3A_155 : vector<16xi32>
            %bitcast_convert_type3A_157 = tpu.bitcast %and3A_156 : vector<16xi32> -> vector<16xf32>
            %swap3A = arith.index_cast %scan3A_148 : i32 to index
            %swap3A_158 = arith.constant 0 : index
            %swap3A_159 = tpu.vector_load %arg12[%swap3A, %swap3A_158] {strides = array<i32>} : memref<128x128xf32, #tpu.memory_space<vmem>>, vector<1x16xf32>,
            %swap3A_160 = vector.shape_cast %swap3A_159 : vector<1x16xf32> to vector<16xf32>
            %swap3A_161 = vector.shape_cast %bitcast_convert_type3A : vector<16xf32> to vector<1x16xf32>
            tpu.vector_store %arg12[%swap3A, %swap3A_158], %swap3A_161 {strides = array<i32>} : memref<128x128xf32, #tpu.memory_space<vmem>>, vector<1x16xf32>,
            %swap3A_162 = arith.index_cast %scan3A_148 : i32 to index
            %swap3A_163 = arith.constant 16 : index
            %swap3A_164 = tpu.vector_load %arg12[%swap3A_162, %swap3A_163] {strides = array<i32>} : memref<128x128xf32, #tpu.memory_space<vmem>>, vector<1x16xf32>,
            %swap3A_165 = vector.shape_cast %swap3A_164 : vector<1x16xf32> to vector<16xf32>
            %swap3A_166 = vector.shape_cast %bitcast_convert_type3A_157 : vector<16xf32> to vector<1x16xf32>
            tpu.vector_store %arg12[%swap3A_162, %swap3A_163], %swap3A_166 {strides = array<i32>} : memref<128x128xf32, #tpu.memory_space<vmem>>, vector<1x16xf32>,
            %get3A_167 = arith.index_cast %scan3A_148 : i32 to index
            %get3A_168 = arith.constant 16 : index
            %get3A_169 = tpu.vector_load %arg11[%get3A_167, %get3A_168] {strides = array<i32>} : memref<128x64xi32, #tpu.memory_space<vmem>>, vector<1x16xi32>,
            %get3A_170 = vector.shape_cast %get3A_169 : vector<1x16xi32> to vector<16xi32>
            %shift_left3A_171 = arith.constant 16 : i32
            %shift_left3A_172 = vector.broadcast %shift_left3A_171 : i32 to vector<16xi32>
            %shift_left3A_173 = arith.shli %get3A_170, %shift_left3A_172 : vector<16xi32>
            %bitcast_convert_type3A_174 = tpu.bitcast %shift_left3A_173 : vector<16xi32> -> vector<16xf32>
            %and3A_175 = arith.constant -65536 : i32
            %and3A_176 = vector.broadcast %and3A_175 : i32 to vector<16xi32>
            %and3A_177 = arith.andi %get3A_170, %and3A_176 : vector<16xi32>
            %bitcast_convert_type3A_178 = tpu.bitcast %and3A_177 : vector<16xi32> -> vector<16xf32>
            %swap3A_179 = arith.index_cast %scan3A_148 : i32 to index
            %swap3A_180 = arith.constant 32 : index
            %swap3A_181 = tpu.vector_load %arg12[%swap3A_179, %swap3A_180] {strides = array<i32>} : memref<128x128xf32, #tpu.memory_space<vmem>>, vector<1x16xf32>,
            %swap3A_182 = vector.shape_cast %swap3A_181 : vector<1x16xf32> to vector<16xf32>
            %swap3A_183 = vector.shape_cast %bitcast_convert_type3A_174 : vector<16xf32> to vector<1x16xf32>
            tpu.vector_store %arg12[%swap3A_179, %swap3A_180], %swap3A_183 {strides = array<i32>} : memref<128x128xf32, #tpu.memory_space<vmem>>, vector<1x16xf32>,
            %swap3A_184 = arith.index_cast %scan3A_148 : i32 to index
            %swap3A_185 = arith.constant 48 : index
            %swap3A_186 = tpu.vector_load %arg12[%swap3A_184, %swap3A_185] {strides = array<i32>} : memref<128x128xf32, #tpu.memory_space<vmem>>, vector<1x16xf32>,
            %swap3A_187 = vector.shape_cast %swap3A_186 : vector<1x16xf32> to vector<16xf32>
            %swap3A_188 = vector.shape_cast %bitcast_convert_type3A_178 : vector<16xf32> to vector<1x16xf32>
            tpu.vector_store %arg12[%swap3A_184, %swap3A_185], %swap3A_188 {strides = array<i32>} : memref<128x128xf32, #tpu.memory_space<vmem>>, vector<1x16xf32>,
            %get3A_189 = arith.index_cast %scan3A_148 : i32 to index
            %get3A_190 = arith.constant 32 : index
            %get3A_191 = tpu.vector_load %arg11[%get3A_189, %get3A_190] {strides = array<i32>} : memref<128x64xi32, #tpu.memory_space<vmem>>, vector<1x16xi32>,
            %get3A_192 = vector.shape_cast %get3A_191 : vector<1x16xi32> to vector<16xi32>
            %shift_left3A_193 = arith.constant 16 : i32
            %shift_left3A_194 = vector.broadcast %shift_left3A_193 : i32 to vector<16xi32>
            %shift_left3A_195 = arith.shli %get3A_192, %shift_left3A_194 : vector<16xi32>
            %bitcast_convert_type3A_196 = tpu.bitcast %shift_left3A_195 : vector<16xi32> -> vector<16xf32>
            %and3A_197 = arith.constant -65536 : i32
            %and3A_198 = vector.broadcast %and3A_197 : i32 to vector<16xi32>
            %and3A_199 = arith.andi %get3A_192, %and3A_198 : vector<16xi32>
            %bitcast_convert_type3A_200 = tpu.bitcast %and3A_199 : vector<16xi32> -> vector<16xf32>
            %swap3A_201 = arith.index_cast %scan3A_148 : i32 to index
            %swap3A_202 = arith.constant 64 : index
            %swap3A_203 = tpu.vector_load %arg12[%swap3A_201, %swap3A_202] {strides = array<i32>} : memref<128x128xf32, #tpu.memory_space<vmem>>, vector<1x16xf32>,
            %swap3A_204 = vector.shape_cast %swap3A_203 : vector<1x16xf32> to vector<16xf32>
            %swap3A_205 = vector.shape_cast %bitcast_convert_type3A_196 : vector<16xf32> to vector<1x16xf32>
            tpu.vector_store %arg12[%swap3A_201, %swap3A_202], %swap3A_205 {strides = array<i32>} : memref<128x128xf32, #tpu.memory_space<vmem>>, vector<1x16xf32>,
            %swap3A_206 = arith.index_cast %scan3A_148 : i32 to index
            %swap3A_207 = arith.constant 80 : index
            %swap3A_208 = tpu.vector_load %arg12[%swap3A_206, %swap3A_207] {strides = array<i32>} : memref<128x128xf32, #tpu.memory_space<vmem>>, vector<1x16xf32>,
            %swap3A_209 = vector.shape_cast %swap3A_208 : vector<1x16xf32> to vector<16xf32>
            %swap3A_210 = vector.shape_cast %bitcast_convert_type3A_200 : vector<16xf32> to vector<1x16xf32>
            tpu.vector_store %arg12[%swap3A_206, %swap3A_207], %swap3A_210 {strides = array<i32>} : memref<128x128xf32, #tpu.memory_space<vmem>>, vector<1x16xf32>,
            %get3A_211 = arith.index_cast %scan3A_148 : i32 to index
            %get3A_212 = arith.constant 48 : index
            %get3A_213 = tpu.vector_load %arg11[%get3A_211, %get3A_212] {strides = array<i32>} : memref<128x64xi32, #tpu.memory_space<vmem>>, vector<1x16xi32>,
            %get3A_214 = vector.shape_cast %get3A_213 : vector<1x16xi32> to vector<16xi32>
            %shift_left3A_215 = arith.constant 16 : i32
            %shift_left3A_216 = vector.broadcast %shift_left3A_215 : i32 to vector<16xi32>
            %shift_left3A_217 = arith.shli %get3A_214, %shift_left3A_216 : vector<16xi32>
            %bitcast_convert_type3A_218 = tpu.bitcast %shift_left3A_217 : vector<16xi32> -> vector<16xf32>
            %and3A_219 = arith.constant -65536 : i32
            %and3A_220 = vector.broadcast %and3A_219 : i32 to vector<16xi32>
            %and3A_221 = arith.andi %get3A_214, %and3A_220 : vector<16xi32>
            %bitcast_convert_type3A_222 = tpu.bitcast %and3A_221 : vector<16xi32> -> vector<16xf32>
            %swap3A_223 = arith.index_cast %scan3A_148 : i32 to index
            %swap3A_224 = arith.constant 96 : index
            %swap3A_225 = tpu.vector_load %arg12[%swap3A_223, %swap3A_224] {strides = array<i32>} : memref<128x128xf32, #tpu.memory_space<vmem>>, vector<1x16xf32>,
            %swap3A_226 = vector.shape_cast %swap3A_225 : vector<1x16xf32> to vector<16xf32>
            %swap3A_227 = vector.shape_cast %bitcast_convert_type3A_218 : vector<16xf32> to vector<1x16xf32>
            tpu.vector_store %arg12[%swap3A_223, %swap3A_224], %swap3A_227 {strides = array<i32>} : memref<128x128xf32, #tpu.memory_space<vmem>>, vector<1x16xf32>,
            %swap3A_228 = arith.index_cast %scan3A_148 : i32 to index
            %swap3A_229 = arith.constant 112 : index
            %swap3A_230 = tpu.vector_load %arg12[%swap3A_228, %swap3A_229] {strides = array<i32>} : memref<128x128xf32, #tpu.memory_space<vmem>>, vector<1x16xf32>,
            %swap3A_231 = vector.shape_cast %swap3A_230 : vector<1x16xf32> to vector<16xf32>
            %swap3A_232 = vector.shape_cast %bitcast_convert_type3A_222 : vector<16xf32> to vector<1x16xf32>
            tpu.vector_store %arg12[%swap3A_228, %swap3A_229], %swap3A_232 {strides = array<i32>} : memref<128x128xf32, #tpu.memory_space<vmem>>, vector<1x16xf32>,
          }
          %scan3A_147 = arith.constant 128 : i32
          "tpu.region"() ({
            %run_scoped3A = tpu.sem_alloc : memref<!tpu.dma_semaphore, #tpu.memory_space<semaphore_mem>>
            %dma_start3A_148 = arith.constant 0 : i32
            %dma_start3A_149 = tpu.memref_slice %arg9[%add3A_76, %dma_start3A_148] : memref<32x128xi32, #tpu.memory_space<vmem>> -> memref<1x128xi32, #tpu.memory_space<vmem>>
            %dma_start3A_150 = tpu.memref_squeeze %dma_start3A_149 : memref<1x128xi32, #tpu.memory_space<vmem>> -> memref<128xi32, #tpu.memory_space<vmem>>
            %dma_start3A_151 = arith.constant 0 : i32
            %dma_start3A_152 = arith.constant 0 : i32
            %dma_start3A_153 = tpu.memref_slice %arg13[%dma_start3A_151, %dma_start3A_152] : memref<10240x128xf32, #tpu.memory_space<vmem_shared>> -> memref<10240x128xf32, #tpu.memory_space<vmem_shared>>
            tpu.enqueue_indirect_dma source(%arg12 : memref<128x128xf32, #tpu.memory_space<vmem>>) target(%dma_start3A_153 : memref<10240x128xf32, #tpu.memory_space<vmem_shared>>) offsets(%dma_start3A_150 : memref<128xi32, #tpu.memory_space<vmem>>) semaphore(%run_scoped3A : memref<!tpu.dma_semaphore, #tpu.memory_space<semaphore_mem>>) {add = true}
            %dma_wait3A_154 = arith.constant 0 : i32
            %dma_wait3A_155 = tpu.memref_slice %arg9[%add3A_76, %dma_wait3A_154] : memref<32x128xi32, #tpu.memory_space<vmem>> -> memref<1x128xi32, #tpu.memory_space<vmem>>
            %dma_wait3A_156 = tpu.memref_squeeze %dma_wait3A_155 : memref<1x128xi32, #tpu.memory_space<vmem>> -> memref<128xi32, #tpu.memory_space<vmem>>
            %dma_wait3A_157 = arith.constant 0 : i32
            %dma_wait3A_158 = arith.constant 0 : i32
            %dma_wait3A_159 = tpu.memref_slice %arg13[%dma_wait3A_157, %dma_wait3A_158] : memref<10240x128xf32, #tpu.memory_space<vmem_shared>> -> memref<10240x128xf32, #tpu.memory_space<vmem_shared>>
            tpu.wait_indirect_dma semaphore(%run_scoped3A : memref<!tpu.dma_semaphore, #tpu.memory_space<semaphore_mem>>) src(%arg12 : memref<128x128xf32, #tpu.memory_space<vmem>>) dst(%dma_wait3A_159 : memref<10240x128xf32, #tpu.memory_space<vmem_shared>>)
            tpu.yield
          }) : () -> ()
        } else {
        }
      }
      %scan3A_38 = arith.constant 80 : i32
    } else {
    }
    %eq3A_18 = arith.constant 1 : i32
    %eq3A_19 = arith.cmpi eq, %arg0, %eq3A_18 : i32
    %convert_element_type3A_20 = arith.extui %eq3A_19 : i1 to i32
    %cond3A_21 = arith.constant 0 : i32
    %cond3A_22 = arith.cmpi ne, %convert_element_type3A_20, %cond3A_21 : i32
    scf.if %cond3A_22 {
      "tpu.region"() ({
        %run_scoped3A = tpu.sem_alloc : memref<!tpu.dma_semaphore, #tpu.memory_space<semaphore_mem>>
        %dma_start3A_39 = arith.constant 0 : i32
        %dma_start3A_40 = arith.constant 0 : i32
        %dma_start3A_41 = tpu.memref_slice %arg8[%dma_start3A_39, %dma_start3A_40] : memref<32x128xi32, #tpu.memory_space<vmem>> -> memref<16x128xi32, #tpu.memory_space<vmem>>
        %dma_start3A_42 = arith.constant 0 : i32
        %dma_start3A_43 = arith.constant 0 : i32
        %dma_start3A_44 = tpu.memref_slice %arg5[%arg1, %dma_start3A_42, %dma_start3A_43] : memref<16x80x128xi32, #tpu.memory_space<hbm>> -> memref<1x16x128xi32, #tpu.memory_space<hbm>>
        %dma_start3A_45 = tpu.memref_squeeze %dma_start3A_44 : memref<1x16x128xi32, #tpu.memory_space<hbm>> -> memref<16x128xi32, #tpu.memory_space<hbm>>
        %dma_start3A_46 = arith.constant 0 : i32
        %dma_start3A_47 = arith.constant 0 : i32
        %dma_start3A_48 = tpu.memref_slice %arg8[%dma_start3A_46, %dma_start3A_47] : memref<32x128xi32, #tpu.memory_space<vmem>> -> memref<16x128xi32, #tpu.memory_space<vmem>>
        %dma_start3A_49 = arith.constant 0 : i32
        %dma_start3A_50 = arith.constant 0 : i32
        %dma_start3A_51 = tpu.memref_slice %arg5[%arg1, %dma_start3A_49, %dma_start3A_50] : memref<16x80x128xi32, #tpu.memory_space<hbm>> -> memref<1x16x128xi32, #tpu.memory_space<hbm>>
        %dma_start3A_52 = tpu.memref_squeeze %dma_start3A_51 : memref<1x16x128xi32, #tpu.memory_space<hbm>> -> memref<16x128xi32, #tpu.memory_space<hbm>>
        tpu.enqueue_dma source(%dma_start3A_52 : memref<16x128xi32, #tpu.memory_space<hbm>>) target(%dma_start3A_48 : memref<16x128xi32, #tpu.memory_space<vmem>>) target_semaphore(%run_scoped3A : memref<!tpu.dma_semaphore, #tpu.memory_space<semaphore_mem>>)
        %dma_wait3A = arith.constant 0 : i32
        %dma_wait3A_53 = arith.constant 0 : i32
        %dma_wait3A_54 = tpu.memref_slice %arg8[%dma_wait3A, %dma_wait3A_53] : memref<32x128xi32, #tpu.memory_space<vmem>> -> memref<16x128xi32, #tpu.memory_space<vmem>>
        %dma_wait3A_55 = arith.constant 0 : i32
        %dma_wait3A_56 = arith.constant 0 : i32
        %dma_wait3A_57 = tpu.memref_slice %arg5[%arg1, %dma_wait3A_55, %dma_wait3A_56] : memref<16x80x128xi32, #tpu.memory_space<hbm>> -> memref<1x16x128xi32, #tpu.memory_space<hbm>>
        %dma_wait3A_58 = tpu.memref_squeeze %dma_wait3A_57 : memref<1x16x128xi32, #tpu.memory_space<hbm>> -> memref<16x128xi32, #tpu.memory_space<hbm>>
        %dma_wait3A_59 = arith.constant 0 : i32
        %dma_wait3A_60 = arith.constant 0 : i32
        %dma_wait3A_61 = tpu.memref_slice %arg8[%dma_wait3A_59, %dma_wait3A_60] : memref<32x128xi32, #tpu.memory_space<vmem>> -> memref<16x128xi32, #tpu.memory_space<vmem>>
        %dma_wait3A_62 = arith.constant 0 : i32
        %dma_wait3A_63 = arith.constant 0 : i32
        %dma_wait3A_64 = tpu.memref_slice %arg5[%arg1, %dma_wait3A_62, %dma_wait3A_63] : memref<16x80x128xi32, #tpu.memory_space<hbm>> -> memref<1x16x128xi32, #tpu.memory_space<hbm>>
        %dma_wait3A_65 = tpu.memref_squeeze %dma_wait3A_64 : memref<1x16x128xi32, #tpu.memory_space<hbm>> -> memref<16x128xi32, #tpu.memory_space<hbm>>
        tpu.wait_dma2 semaphore(%run_scoped3A : memref<!tpu.dma_semaphore, #tpu.memory_space<semaphore_mem>>) src(%dma_wait3A_65 : memref<16x128xi32, #tpu.memory_space<hbm>>) dst(%dma_wait3A_61 : memref<16x128xi32, #tpu.memory_space<vmem>>)
        tpu.yield
      }) : () -> ()
      "tpu.region"() ({
        %run_scoped3A = tpu.sem_alloc : memref<!tpu.dma_semaphore, #tpu.memory_space<semaphore_mem>>
        %dma_start3A_39 = arith.constant 0 : i32
        %dma_start3A_40 = arith.constant 0 : i32
        %dma_start3A_41 = tpu.memref_slice %arg9[%dma_start3A_39, %dma_start3A_40] : memref<32x128xi32, #tpu.memory_space<vmem>> -> memref<16x128xi32, #tpu.memory_space<vmem>>
        %dma_start3A_42 = arith.constant 0 : i32
        %dma_start3A_43 = arith.constant 0 : i32
        %dma_start3A_44 = tpu.memref_slice %arg6[%arg1, %dma_start3A_42, %dma_start3A_43] : memref<16x80x128xi32, #tpu.memory_space<hbm>> -> memref<1x16x128xi32, #tpu.memory_space<hbm>>
        %dma_start3A_45 = tpu.memref_squeeze %dma_start3A_44 : memref<1x16x128xi32, #tpu.memory_space<hbm>> -> memref<16x128xi32, #tpu.memory_space<hbm>>
        %dma_start3A_46 = arith.constant 0 : i32
        %dma_start3A_47 = arith.constant 0 : i32
        %dma_start3A_48 = tpu.memref_slice %arg9[%dma_start3A_46, %dma_start3A_47] : memref<32x128xi32, #tpu.memory_space<vmem>> -> memref<16x128xi32, #tpu.memory_space<vmem>>
        %dma_start3A_49 = arith.constant 0 : i32
        %dma_start3A_50 = arith.constant 0 : i32
        %dma_start3A_51 = tpu.memref_slice %arg6[%arg1, %dma_start3A_49, %dma_start3A_50] : memref<16x80x128xi32, #tpu.memory_space<hbm>> -> memref<1x16x128xi32, #tpu.memory_space<hbm>>
        %dma_start3A_52 = tpu.memref_squeeze %dma_start3A_51 : memref<1x16x128xi32, #tpu.memory_space<hbm>> -> memref<16x128xi32, #tpu.memory_space<hbm>>
        tpu.enqueue_dma source(%dma_start3A_52 : memref<16x128xi32, #tpu.memory_space<hbm>>) target(%dma_start3A_48 : memref<16x128xi32, #tpu.memory_space<vmem>>) target_semaphore(%run_scoped3A : memref<!tpu.dma_semaphore, #tpu.memory_space<semaphore_mem>>)
        %dma_wait3A = arith.constant 0 : i32
        %dma_wait3A_53 = arith.constant 0 : i32
        %dma_wait3A_54 = tpu.memref_slice %arg9[%dma_wait3A, %dma_wait3A_53] : memref<32x128xi32, #tpu.memory_space<vmem>> -> memref<16x128xi32, #tpu.memory_space<vmem>>
        %dma_wait3A_55 = arith.constant 0 : i32
        %dma_wait3A_56 = arith.constant 0 : i32
        %dma_wait3A_57 = tpu.memref_slice %arg6[%arg1, %dma_wait3A_55, %dma_wait3A_56] : memref<16x80x128xi32, #tpu.memory_space<hbm>> -> memref<1x16x128xi32, #tpu.memory_space<hbm>>
        %dma_wait3A_58 = tpu.memref_squeeze %dma_wait3A_57 : memref<1x16x128xi32, #tpu.memory_space<hbm>> -> memref<16x128xi32, #tpu.memory_space<hbm>>
        %dma_wait3A_59 = arith.constant 0 : i32
        %dma_wait3A_60 = arith.constant 0 : i32
        %dma_wait3A_61 = tpu.memref_slice %arg9[%dma_wait3A_59, %dma_wait3A_60] : memref<32x128xi32, #tpu.memory_space<vmem>> -> memref<16x128xi32, #tpu.memory_space<vmem>>
        %dma_wait3A_62 = arith.constant 0 : i32
        %dma_wait3A_63 = arith.constant 0 : i32
        %dma_wait3A_64 = tpu.memref_slice %arg6[%arg1, %dma_wait3A_62, %dma_wait3A_63] : memref<16x80x128xi32, #tpu.memory_space<hbm>> -> memref<1x16x128xi32, #tpu.memory_space<hbm>>
        %dma_wait3A_65 = tpu.memref_squeeze %dma_wait3A_64 : memref<1x16x128xi32, #tpu.memory_space<hbm>> -> memref<16x128xi32, #tpu.memory_space<hbm>>
        tpu.wait_dma2 semaphore(%run_scoped3A : memref<!tpu.dma_semaphore, #tpu.memory_space<semaphore_mem>>) src(%dma_wait3A_65 : memref<16x128xi32, #tpu.memory_space<hbm>>) dst(%dma_wait3A_61 : memref<16x128xi32, #tpu.memory_space<vmem>>)
        tpu.yield
      }) : () -> ()
      %dma_start3A = arith.constant 0 : i32
      %dma_start3A_27 = arith.constant 0 : i32
      %dma_start3A_28 = tpu.memref_slice %arg8[%dma_start3A, %dma_start3A_27] : memref<32x128xi32, #tpu.memory_space<vmem>> -> memref<1x128xi32, #tpu.memory_space<vmem>>
      %dma_start3A_29 = tpu.memref_squeeze %dma_start3A_28 : memref<1x128xi32, #tpu.memory_space<vmem>> -> memref<128xi32, #tpu.memory_space<vmem>>
      %dma_start3A_30 = arith.constant 0 : i32
      %dma_start3A_31 = arith.constant 0 : i32
      %dma_start3A_32 = tpu.memref_slice %arg2[%dma_start3A_30, %dma_start3A_31] : memref<10000x64xi32, #tpu.memory_space<hbm>> -> memref<10000x64xi32, #tpu.memory_space<hbm>>
      tpu.enqueue_indirect_dma source(%dma_start3A_32 : memref<10000x64xi32, #tpu.memory_space<hbm>>) target(%arg10 : memref<128x64xi32, #tpu.memory_space<vmem>>) offsets(%dma_start3A_29 : memref<128xi32, #tpu.memory_space<vmem>>) semaphore(%arg14 : memref<!tpu.dma_semaphore, #tpu.memory_space<semaphore_mem>>)
      %scan3A_33 = arith.constant 0 : i32
      %scan3A_34 = arith.constant 0 : i32
      %scan3A_35 = arith.constant 80 : i32
      %scan3A_36 = arith.addi %scan3A_34, %scan3A_35 : i32
      %scan3A_37 = arith.constant 1 : i32
      scf.for %scan3A_39 = %scan3A_34 to %scan3A_36 step %scan3A_37  : i32 {
        %jit3A = arith.constant 16 : i32
        %div3A = arith.divsi %scan3A_39, %jit3A : i32
        %sign3A = arith.constant 0 : i32
        %sign3A_40 = arith.cmpi sgt, %scan3A_39, %sign3A : i32
        %sign3A_41 = arith.extui %sign3A_40 : i1 to i32
        %sign3A_42 = arith.constant 0 : i32
        %sign3A_43 = arith.cmpi slt, %scan3A_39, %sign3A_42 : i32
        %sign3A_44 = arith.extui %sign3A_43 : i1 to i32
        %sign3A_45 = arith.subi %sign3A_41, %sign3A_44 : i32
        %sign3A_46 = arith.constant 0 : i32
        %sign3A_47 = arith.cmpi sgt, %jit3A, %sign3A_46 : i32
        %sign3A_48 = arith.extui %sign3A_47 : i1 to i32
        %sign3A_49 = arith.constant 0 : i32
        %sign3A_50 = arith.cmpi slt, %jit3A, %sign3A_49 : i32
        %sign3A_51 = arith.extui %sign3A_50 : i1 to i32
        %sign3A_52 = arith.subi %sign3A_48, %sign3A_51 : i32
        %ne3A = arith.cmpi ne, %sign3A_45, %sign3A_52 : i32
        %rem3A = arith.remsi %scan3A_39, %jit3A : i32
        %ne3A_53 = arith.constant 0 : i32
        %ne3A_54 = arith.cmpi ne, %rem3A, %ne3A_53 : i32
        %and3A = arith.andi %ne3A, %ne3A_54 : i1
        %sub3A = arith.constant 1 : i32
        %sub3A_55 = arith.subi %div3A, %sub3A : i32
        %select_n3A = arith.select %and3A, %sub3A_55, %div3A : i32
        %jit3A_56 = arith.constant 2 : i32
        %eq3A_57 = arith.constant 0 : i32
        %eq3A_58 = arith.cmpi eq, %jit3A_56, %eq3A_57 : i32
        %jit3A_59 = arith.constant 1 : i32
        %select_n3A_60 = arith.select %eq3A_58, %jit3A_59, %jit3A_56 : i32
        %rem3A_61 = arith.remsi %select_n3A, %select_n3A_60 : i32
        %ne3A_62 = arith.constant 0 : i32
        %ne3A_63 = arith.cmpi ne, %rem3A_61, %ne3A_62 : i32
        %lt3A = arith.constant 0 : i32
        %lt3A_64 = arith.cmpi slt, %rem3A_61, %lt3A : i32
        %lt3A_65 = arith.constant 0 : i32
        %lt3A_66 = arith.cmpi slt, %select_n3A_60, %lt3A_65 : i32
        %ne3A_67 = arith.xori %lt3A_64, %lt3A_66 : i1
        %and3A_68 = arith.andi %ne3A_67, %ne3A_63 : i1
        %add3A_69 = arith.addi %rem3A_61, %select_n3A_60 : i32
        %select_n3A_70 = arith.select %and3A_68, %add3A_69, %rem3A_61 : i32
        %mul3A_71 = arith.constant 16 : i32
        %mul3A_72 = arith.muli %select_n3A_70, %mul3A_71 : i32
        %mul3A_73 = arith.constant 16 : i32
        %mul3A_74 = arith.muli %select_n3A, %mul3A_73 : i32
        %sub3A_75 = arith.subi %scan3A_39, %mul3A_74 : i32
        %add3A_76 = arith.addi %mul3A_72, %sub3A_75 : i32
        %mul3A_77 = arith.constant 16 : i32
        %mul3A_78 = arith.muli %select_n3A, %mul3A_77 : i32
        %eq3A_79 = arith.cmpi eq, %scan3A_39, %mul3A_78 : i32
        %add3A_80 = arith.constant 1 : i32
        %add3A_81 = arith.addi %select_n3A, %add3A_80 : i32
        %lt3A_82 = arith.constant 5 : i32
        %lt3A_83 = arith.cmpi slt, %add3A_81, %lt3A_82 : i32
        %and3A_84 = arith.andi %eq3A_79, %lt3A_83 : i1
        %convert_element_type3A_85 = arith.extui %and3A_84 : i1 to i32
        %cond3A_86 = arith.constant 0 : i32
        %cond3A_87 = arith.cmpi ne, %convert_element_type3A_85, %cond3A_86 : i32
        scf.if %cond3A_87 {
          %add3A_130 = arith.constant 1 : i32
          %add3A_131 = arith.addi %select_n3A, %add3A_130 : i32
          %jit3A_132 = arith.constant 2 : i32
          %eq3A_133 = arith.constant 0 : i32
          %eq3A_134 = arith.cmpi eq, %jit3A_132, %eq3A_133 : i32
          %jit3A_135 = arith.constant 1 : i32
          %select_n3A_136 = arith.select %eq3A_134, %jit3A_135, %jit3A_132 : i32
          %rem3A_137 = arith.remsi %add3A_131, %select_n3A_136 : i32
          %ne3A_138 = arith.constant 0 : i32
          %ne3A_139 = arith.cmpi ne, %rem3A_137, %ne3A_138 : i32
          %lt3A_140 = arith.constant 0 : i32
          %lt3A_141 = arith.cmpi slt, %rem3A_137, %lt3A_140 : i32
          %lt3A_142 = arith.constant 0 : i32
          %lt3A_143 = arith.cmpi slt, %select_n3A_136, %lt3A_142 : i32
          %ne3A_144 = arith.xori %lt3A_141, %lt3A_143 : i1
          %and3A_145 = arith.andi %ne3A_144, %ne3A_139 : i1
          %add3A_146 = arith.addi %rem3A_137, %select_n3A_136 : i32
          %select_n3A_147 = arith.select %and3A_145, %add3A_146, %rem3A_137 : i32
          %mul3A_148 = arith.constant 16 : i32
          %mul3A_149 = arith.muli %select_n3A_147, %mul3A_148 : i32
          %add3A_150 = arith.constant 1 : i32
          %add3A_151 = arith.addi %select_n3A, %add3A_150 : i32
          %mul3A_152 = arith.constant 16 : i32
          %mul3A_153 = arith.muli %add3A_151, %mul3A_152 : i32
          "tpu.region"() ({
            %run_scoped3A = tpu.sem_alloc : memref<!tpu.dma_semaphore, #tpu.memory_space<semaphore_mem>>
            %dma_start3A_158 = arith.constant 0 : i32
            %dma_start3A_159 = tpu.memref_slice %arg8[%mul3A_149, %dma_start3A_158] : memref<32x128xi32, #tpu.memory_space<vmem>> -> memref<16x128xi32, #tpu.memory_space<vmem>>
            %dma_start3A_160 = arith.constant 0 : i32
            %dma_start3A_161 = tpu.memref_slice %arg5[%arg1, %mul3A_153, %dma_start3A_160] : memref<16x80x128xi32, #tpu.memory_space<hbm>> -> memref<1x16x128xi32, #tpu.memory_space<hbm>>
            %dma_start3A_162 = tpu.memref_squeeze %dma_start3A_161 : memref<1x16x128xi32, #tpu.memory_space<hbm>> -> memref<16x128xi32, #tpu.memory_space<hbm>>
            %dma_start3A_163 = arith.constant 0 : i32
            %dma_start3A_164 = tpu.memref_slice %arg8[%mul3A_149, %dma_start3A_163] : memref<32x128xi32, #tpu.memory_space<vmem>> -> memref<16x128xi32, #tpu.memory_space<vmem>>
            %dma_start3A_165 = arith.constant 0 : i32
            %dma_start3A_166 = tpu.memref_slice %arg5[%arg1, %mul3A_153, %dma_start3A_165] : memref<16x80x128xi32, #tpu.memory_space<hbm>> -> memref<1x16x128xi32, #tpu.memory_space<hbm>>
            %dma_start3A_167 = tpu.memref_squeeze %dma_start3A_166 : memref<1x16x128xi32, #tpu.memory_space<hbm>> -> memref<16x128xi32, #tpu.memory_space<hbm>>
            tpu.enqueue_dma source(%dma_start3A_167 : memref<16x128xi32, #tpu.memory_space<hbm>>) target(%dma_start3A_164 : memref<16x128xi32, #tpu.memory_space<vmem>>) target_semaphore(%run_scoped3A : memref<!tpu.dma_semaphore, #tpu.memory_space<semaphore_mem>>)
            %dma_wait3A = arith.constant 0 : i32
            %dma_wait3A_168 = tpu.memref_slice %arg8[%mul3A_149, %dma_wait3A] : memref<32x128xi32, #tpu.memory_space<vmem>> -> memref<16x128xi32, #tpu.memory_space<vmem>>
            %dma_wait3A_169 = arith.constant 0 : i32
            %dma_wait3A_170 = tpu.memref_slice %arg5[%arg1, %mul3A_153, %dma_wait3A_169] : memref<16x80x128xi32, #tpu.memory_space<hbm>> -> memref<1x16x128xi32, #tpu.memory_space<hbm>>
            %dma_wait3A_171 = tpu.memref_squeeze %dma_wait3A_170 : memref<1x16x128xi32, #tpu.memory_space<hbm>> -> memref<16x128xi32, #tpu.memory_space<hbm>>
            %dma_wait3A_172 = arith.constant 0 : i32
            %dma_wait3A_173 = tpu.memref_slice %arg8[%mul3A_149, %dma_wait3A_172] : memref<32x128xi32, #tpu.memory_space<vmem>> -> memref<16x128xi32, #tpu.memory_space<vmem>>
            %dma_wait3A_174 = arith.constant 0 : i32
            %dma_wait3A_175 = tpu.memref_slice %arg5[%arg1, %mul3A_153, %dma_wait3A_174] : memref<16x80x128xi32, #tpu.memory_space<hbm>> -> memref<1x16x128xi32, #tpu.memory_space<hbm>>
            %dma_wait3A_176 = tpu.memref_squeeze %dma_wait3A_175 : memref<1x16x128xi32, #tpu.memory_space<hbm>> -> memref<16x128xi32, #tpu.memory_space<hbm>>
            tpu.wait_dma2 semaphore(%run_scoped3A : memref<!tpu.dma_semaphore, #tpu.memory_space<semaphore_mem>>) src(%dma_wait3A_176 : memref<16x128xi32, #tpu.memory_space<hbm>>) dst(%dma_wait3A_173 : memref<16x128xi32, #tpu.memory_space<vmem>>)
            tpu.yield
          }) : () -> ()
          %add3A_154 = arith.constant 1 : i32
          %add3A_155 = arith.addi %select_n3A, %add3A_154 : i32
          %mul3A_156 = arith.constant 16 : i32
          %mul3A_157 = arith.muli %add3A_155, %mul3A_156 : i32
          "tpu.region"() ({
            %run_scoped3A = tpu.sem_alloc : memref<!tpu.dma_semaphore, #tpu.memory_space<semaphore_mem>>
            %dma_start3A_158 = arith.constant 0 : i32
            %dma_start3A_159 = tpu.memref_slice %arg9[%mul3A_149, %dma_start3A_158] : memref<32x128xi32, #tpu.memory_space<vmem>> -> memref<16x128xi32, #tpu.memory_space<vmem>>
            %dma_start3A_160 = arith.constant 0 : i32
            %dma_start3A_161 = tpu.memref_slice %arg6[%arg1, %mul3A_157, %dma_start3A_160] : memref<16x80x128xi32, #tpu.memory_space<hbm>> -> memref<1x16x128xi32, #tpu.memory_space<hbm>>
            %dma_start3A_162 = tpu.memref_squeeze %dma_start3A_161 : memref<1x16x128xi32, #tpu.memory_space<hbm>> -> memref<16x128xi32, #tpu.memory_space<hbm>>
            %dma_start3A_163 = arith.constant 0 : i32
            %dma_start3A_164 = tpu.memref_slice %arg9[%mul3A_149, %dma_start3A_163] : memref<32x128xi32, #tpu.memory_space<vmem>> -> memref<16x128xi32, #tpu.memory_space<vmem>>
            %dma_start3A_165 = arith.constant 0 : i32
            %dma_start3A_166 = tpu.memref_slice %arg6[%arg1, %mul3A_157, %dma_start3A_165] : memref<16x80x128xi32, #tpu.memory_space<hbm>> -> memref<1x16x128xi32, #tpu.memory_space<hbm>>
            %dma_start3A_167 = tpu.memref_squeeze %dma_start3A_166 : memref<1x16x128xi32, #tpu.memory_space<hbm>> -> memref<16x128xi32, #tpu.memory_space<hbm>>
            tpu.enqueue_dma source(%dma_start3A_167 : memref<16x128xi32, #tpu.memory_space<hbm>>) target(%dma_start3A_164 : memref<16x128xi32, #tpu.memory_space<vmem>>) target_semaphore(%run_scoped3A : memref<!tpu.dma_semaphore, #tpu.memory_space<semaphore_mem>>)
            %dma_wait3A = arith.constant 0 : i32
            %dma_wait3A_168 = tpu.memref_slice %arg9[%mul3A_149, %dma_wait3A] : memref<32x128xi32, #tpu.memory_space<vmem>> -> memref<16x128xi32, #tpu.memory_space<vmem>>
            %dma_wait3A_169 = arith.constant 0 : i32
            %dma_wait3A_170 = tpu.memref_slice %arg6[%arg1, %mul3A_157, %dma_wait3A_169] : memref<16x80x128xi32, #tpu.memory_space<hbm>> -> memref<1x16x128xi32, #tpu.memory_space<hbm>>
            %dma_wait3A_171 = tpu.memref_squeeze %dma_wait3A_170 : memref<1x16x128xi32, #tpu.memory_space<hbm>> -> memref<16x128xi32, #tpu.memory_space<hbm>>
            %dma_wait3A_172 = arith.constant 0 : i32
            %dma_wait3A_173 = tpu.memref_slice %arg9[%mul3A_149, %dma_wait3A_172] : memref<32x128xi32, #tpu.memory_space<vmem>> -> memref<16x128xi32, #tpu.memory_space<vmem>>
            %dma_wait3A_174 = arith.constant 0 : i32
            %dma_wait3A_175 = tpu.memref_slice %arg6[%arg1, %mul3A_157, %dma_wait3A_174] : memref<16x80x128xi32, #tpu.memory_space<hbm>> -> memref<1x16x128xi32, #tpu.memory_space<hbm>>
            %dma_wait3A_176 = tpu.memref_squeeze %dma_wait3A_175 : memref<1x16x128xi32, #tpu.memory_space<hbm>> -> memref<16x128xi32, #tpu.memory_space<hbm>>
            tpu.wait_dma2 semaphore(%run_scoped3A : memref<!tpu.dma_semaphore, #tpu.memory_space<semaphore_mem>>) src(%dma_wait3A_176 : memref<16x128xi32, #tpu.memory_space<hbm>>) dst(%dma_wait3A_173 : memref<16x128xi32, #tpu.memory_space<vmem>>)
            tpu.yield
          }) : () -> ()
        } else {
        }
        %jit3A_88 = arith.constant 2 : i32
        %eq3A_89 = arith.constant 0 : i32
        %eq3A_90 = arith.cmpi eq, %jit3A_88, %eq3A_89 : i32
        %jit3A_91 = arith.constant 1 : i32
        %select_n3A_92 = arith.select %eq3A_90, %jit3A_91, %jit3A_88 : i32
        %rem3A_93 = arith.remsi %scan3A_39, %select_n3A_92 : i32
        %ne3A_94 = arith.constant 0 : i32
        %ne3A_95 = arith.cmpi ne, %rem3A_93, %ne3A_94 : i32
        %lt3A_96 = arith.constant 0 : i32
        %lt3A_97 = arith.cmpi slt, %rem3A_93, %lt3A_96 : i32
        %lt3A_98 = arith.constant 0 : i32
        %lt3A_99 = arith.cmpi slt, %select_n3A_92, %lt3A_98 : i32
        %ne3A_100 = arith.xori %lt3A_97, %lt3A_99 : i1
        %and3A_101 = arith.andi %ne3A_100, %ne3A_95 : i1
        %add3A_102 = arith.addi %rem3A_93, %select_n3A_92 : i32
        %select_n3A_103 = arith.select %and3A_101, %add3A_102, %rem3A_93 : i32
        %eq3A_104 = arith.constant 0 : i32
        %eq3A_105 = arith.cmpi eq, %select_n3A_103, %eq3A_104 : i32
        %convert_element_type3A_106 = arith.extui %eq3A_105 : i1 to i32
        %cond3A_107 = arith.constant 0 : i32
        %cond3A_108 = arith.cmpi ne, %convert_element_type3A_106, %cond3A_107 : i32
        scf.if %cond3A_108 {
          %dma_wait3A = arith.constant 0 : i32
          %dma_wait3A_130 = tpu.memref_slice %arg8[%add3A_76, %dma_wait3A] : memref<32x128xi32, #tpu.memory_space<vmem>> -> memref<1x128xi32, #tpu.memory_space<vmem>>
          %dma_wait3A_131 = tpu.memref_squeeze %dma_wait3A_130 : memref<1x128xi32, #tpu.memory_space<vmem>> -> memref<128xi32, #tpu.memory_space<vmem>>
          %dma_wait3A_132 = arith.constant 0 : i32
          %dma_wait3A_133 = arith.constant 0 : i32
          %dma_wait3A_134 = tpu.memref_slice %arg2[%dma_wait3A_132, %dma_wait3A_133] : memref<10000x64xi32, #tpu.memory_space<hbm>> -> memref<10000x64xi32, #tpu.memory_space<hbm>>
          tpu.wait_indirect_dma semaphore(%arg14 : memref<!tpu.dma_semaphore, #tpu.memory_space<semaphore_mem>>) src(%dma_wait3A_134 : memref<10000x64xi32, #tpu.memory_space<hbm>>) dst(%arg10 : memref<128x64xi32, #tpu.memory_space<vmem>>)
          %add3A_135 = arith.constant 1 : i32
          %add3A_136 = arith.addi %scan3A_39, %add3A_135 : i32
          %lt3A_137 = arith.constant 80 : i32
          %lt3A_138 = arith.cmpi slt, %add3A_136, %lt3A_137 : i32
          %convert_element_type3A_139 = arith.extui %lt3A_138 : i1 to i32
          %cond3A_140 = arith.constant 0 : i32
          %cond3A_141 = arith.cmpi ne, %convert_element_type3A_139, %cond3A_140 : i32
          scf.if %cond3A_141 {
            %add3A_148 = arith.constant 1 : i32
            %add3A_149 = arith.addi %scan3A_39, %add3A_148 : i32
            %jit3A_150 = arith.constant 16 : i32
            %div3A_151 = arith.divsi %add3A_149, %jit3A_150 : i32
            %sign3A_152 = arith.constant 0 : i32
            %sign3A_153 = arith.cmpi sgt, %add3A_149, %sign3A_152 : i32
            %sign3A_154 = arith.extui %sign3A_153 : i1 to i32
            %sign3A_155 = arith.constant 0 : i32
            %sign3A_156 = arith.cmpi slt, %add3A_149, %sign3A_155 : i32
            %sign3A_157 = arith.extui %sign3A_156 : i1 to i32
            %sign3A_158 = arith.subi %sign3A_154, %sign3A_157 : i32
            %sign3A_159 = arith.constant 0 : i32
            %sign3A_160 = arith.cmpi sgt, %jit3A_150, %sign3A_159 : i32
            %sign3A_161 = arith.extui %sign3A_160 : i1 to i32
            %sign3A_162 = arith.constant 0 : i32
            %sign3A_163 = arith.cmpi slt, %jit3A_150, %sign3A_162 : i32
            %sign3A_164 = arith.extui %sign3A_163 : i1 to i32
            %sign3A_165 = arith.subi %sign3A_161, %sign3A_164 : i32
            %ne3A_166 = arith.cmpi ne, %sign3A_158, %sign3A_165 : i32
            %rem3A_167 = arith.remsi %add3A_149, %jit3A_150 : i32
            %ne3A_168 = arith.constant 0 : i32
            %ne3A_169 = arith.cmpi ne, %rem3A_167, %ne3A_168 : i32
            %and3A_170 = arith.andi %ne3A_166, %ne3A_169 : i1
            %sub3A_171 = arith.constant 1 : i32
            %sub3A_172 = arith.subi %div3A_151, %sub3A_171 : i32
            %select_n3A_173 = arith.select %and3A_170, %sub3A_172, %div3A_151 : i32
            %jit3A_174 = arith.constant 2 : i32
            %eq3A_175 = arith.constant 0 : i32
            %eq3A_176 = arith.cmpi eq, %jit3A_174, %eq3A_175 : i32
            %jit3A_177 = arith.constant 1 : i32
            %select_n3A_178 = arith.select %eq3A_176, %jit3A_177, %jit3A_174 : i32
            %rem3A_179 = arith.remsi %select_n3A_173, %select_n3A_178 : i32
            %ne3A_180 = arith.constant 0 : i32
            %ne3A_181 = arith.cmpi ne, %rem3A_179, %ne3A_180 : i32
            %lt3A_182 = arith.constant 0 : i32
            %lt3A_183 = arith.cmpi slt, %rem3A_179, %lt3A_182 : i32
            %lt3A_184 = arith.constant 0 : i32
            %lt3A_185 = arith.cmpi slt, %select_n3A_178, %lt3A_184 : i32
            %ne3A_186 = arith.xori %lt3A_183, %lt3A_185 : i1
            %and3A_187 = arith.andi %ne3A_186, %ne3A_181 : i1
            %add3A_188 = arith.addi %rem3A_179, %select_n3A_178 : i32
            %select_n3A_189 = arith.select %and3A_187, %add3A_188, %rem3A_179 : i32
            %mul3A_190 = arith.constant 16 : i32
            %mul3A_191 = arith.muli %select_n3A_189, %mul3A_190 : i32
            %mul3A_192 = arith.constant 16 : i32
            %mul3A_193 = arith.muli %select_n3A_173, %mul3A_192 : i32
            %sub3A_194 = arith.subi %add3A_149, %mul3A_193 : i32
            %add3A_195 = arith.addi %mul3A_191, %sub3A_194 : i32
            %dma_start3A_196 = arith.constant 0 : i32
            %dma_start3A_197 = tpu.memref_slice %arg8[%add3A_195, %dma_start3A_196] : memref<32x128xi32, #tpu.memory_space<vmem>> -> memref<1x128xi32, #tpu.memory_space<vmem>>
            %dma_start3A_198 = tpu.memref_squeeze %dma_start3A_197 : memref<1x128xi32, #tpu.memory_space<vmem>> -> memref<128xi32, #tpu.memory_space<vmem>>
            %dma_start3A_199 = arith.constant 0 : i32
            %dma_start3A_200 = arith.constant 0 : i32
            %dma_start3A_201 = tpu.memref_slice %arg2[%dma_start3A_199, %dma_start3A_200] : memref<10000x64xi32, #tpu.memory_space<hbm>> -> memref<10000x64xi32, #tpu.memory_space<hbm>>
            tpu.enqueue_indirect_dma source(%dma_start3A_201 : memref<10000x64xi32, #tpu.memory_space<hbm>>) target(%arg11 : memref<128x64xi32, #tpu.memory_space<vmem>>) offsets(%dma_start3A_198 : memref<128xi32, #tpu.memory_space<vmem>>) semaphore(%arg15 : memref<!tpu.dma_semaphore, #tpu.memory_space<semaphore_mem>>)
          } else {
          }
          %scan3A_142 = arith.constant 0 : i32
          %scan3A_143 = arith.constant 0 : i32
          %scan3A_144 = arith.constant 128 : i32
          %scan3A_145 = arith.addi %scan3A_143, %scan3A_144 : i32
          %scan3A_146 = arith.constant 1 : i32
          scf.for %scan3A_148 = %scan3A_143 to %scan3A_145 step %scan3A_146  : i32 {
            %get3A = arith.index_cast %scan3A_148 : i32 to index
            %get3A_149 = arith.constant 0 : index
            %get3A_150 = tpu.vector_load %arg10[%get3A, %get3A_149] {strides = array<i32>} : memref<128x64xi32, #tpu.memory_space<vmem>>, vector<1x16xi32>,
            %get3A_151 = vector.shape_cast %get3A_150 : vector<1x16xi32> to vector<16xi32>
            %shift_left3A = arith.constant 16 : i32
            %shift_left3A_152 = vector.broadcast %shift_left3A : i32 to vector<16xi32>
            %shift_left3A_153 = arith.shli %get3A_151, %shift_left3A_152 : vector<16xi32>
            %bitcast_convert_type3A = tpu.bitcast %shift_left3A_153 : vector<16xi32> -> vector<16xf32>
            %and3A_154 = arith.constant -65536 : i32
            %and3A_155 = vector.broadcast %and3A_154 : i32 to vector<16xi32>
            %and3A_156 = arith.andi %get3A_151, %and3A_155 : vector<16xi32>
            %bitcast_convert_type3A_157 = tpu.bitcast %and3A_156 : vector<16xi32> -> vector<16xf32>
            %swap3A = arith.index_cast %scan3A_148 : i32 to index
            %swap3A_158 = arith.constant 0 : index
            %swap3A_159 = tpu.vector_load %arg12[%swap3A, %swap3A_158] {strides = array<i32>} : memref<128x128xf32, #tpu.memory_space<vmem>>, vector<1x16xf32>,
            %swap3A_160 = vector.shape_cast %swap3A_159 : vector<1x16xf32> to vector<16xf32>
            %swap3A_161 = vector.shape_cast %bitcast_convert_type3A : vector<16xf32> to vector<1x16xf32>
            tpu.vector_store %arg12[%swap3A, %swap3A_158], %swap3A_161 {strides = array<i32>} : memref<128x128xf32, #tpu.memory_space<vmem>>, vector<1x16xf32>,
            %swap3A_162 = arith.index_cast %scan3A_148 : i32 to index
            %swap3A_163 = arith.constant 16 : index
            %swap3A_164 = tpu.vector_load %arg12[%swap3A_162, %swap3A_163] {strides = array<i32>} : memref<128x128xf32, #tpu.memory_space<vmem>>, vector<1x16xf32>,
            %swap3A_165 = vector.shape_cast %swap3A_164 : vector<1x16xf32> to vector<16xf32>
            %swap3A_166 = vector.shape_cast %bitcast_convert_type3A_157 : vector<16xf32> to vector<1x16xf32>
            tpu.vector_store %arg12[%swap3A_162, %swap3A_163], %swap3A_166 {strides = array<i32>} : memref<128x128xf32, #tpu.memory_space<vmem>>, vector<1x16xf32>,
            %get3A_167 = arith.index_cast %scan3A_148 : i32 to index
            %get3A_168 = arith.constant 16 : index
            %get3A_169 = tpu.vector_load %arg10[%get3A_167, %get3A_168] {strides = array<i32>} : memref<128x64xi32, #tpu.memory_space<vmem>>, vector<1x16xi32>,
            %get3A_170 = vector.shape_cast %get3A_169 : vector<1x16xi32> to vector<16xi32>
            %shift_left3A_171 = arith.constant 16 : i32
            %shift_left3A_172 = vector.broadcast %shift_left3A_171 : i32 to vector<16xi32>
            %shift_left3A_173 = arith.shli %get3A_170, %shift_left3A_172 : vector<16xi32>
            %bitcast_convert_type3A_174 = tpu.bitcast %shift_left3A_173 : vector<16xi32> -> vector<16xf32>
            %and3A_175 = arith.constant -65536 : i32
            %and3A_176 = vector.broadcast %and3A_175 : i32 to vector<16xi32>
            %and3A_177 = arith.andi %get3A_170, %and3A_176 : vector<16xi32>
            %bitcast_convert_type3A_178 = tpu.bitcast %and3A_177 : vector<16xi32> -> vector<16xf32>
            %swap3A_179 = arith.index_cast %scan3A_148 : i32 to index
            %swap3A_180 = arith.constant 32 : index
            %swap3A_181 = tpu.vector_load %arg12[%swap3A_179, %swap3A_180] {strides = array<i32>} : memref<128x128xf32, #tpu.memory_space<vmem>>, vector<1x16xf32>,
            %swap3A_182 = vector.shape_cast %swap3A_181 : vector<1x16xf32> to vector<16xf32>
            %swap3A_183 = vector.shape_cast %bitcast_convert_type3A_174 : vector<16xf32> to vector<1x16xf32>
            tpu.vector_store %arg12[%swap3A_179, %swap3A_180], %swap3A_183 {strides = array<i32>} : memref<128x128xf32, #tpu.memory_space<vmem>>, vector<1x16xf32>,
            %swap3A_184 = arith.index_cast %scan3A_148 : i32 to index
            %swap3A_185 = arith.constant 48 : index
            %swap3A_186 = tpu.vector_load %arg12[%swap3A_184, %swap3A_185] {strides = array<i32>} : memref<128x128xf32, #tpu.memory_space<vmem>>, vector<1x16xf32>,
            %swap3A_187 = vector.shape_cast %swap3A_186 : vector<1x16xf32> to vector<16xf32>
            %swap3A_188 = vector.shape_cast %bitcast_convert_type3A_178 : vector<16xf32> to vector<1x16xf32>
            tpu.vector_store %arg12[%swap3A_184, %swap3A_185], %swap3A_188 {strides = array<i32>} : memref<128x128xf32, #tpu.memory_space<vmem>>, vector<1x16xf32>,
            %get3A_189 = arith.index_cast %scan3A_148 : i32 to index
            %get3A_190 = arith.constant 32 : index
            %get3A_191 = tpu.vector_load %arg10[%get3A_189, %get3A_190] {strides = array<i32>} : memref<128x64xi32, #tpu.memory_space<vmem>>, vector<1x16xi32>,
            %get3A_192 = vector.shape_cast %get3A_191 : vector<1x16xi32> to vector<16xi32>
            %shift_left3A_193 = arith.constant 16 : i32
            %shift_left3A_194 = vector.broadcast %shift_left3A_193 : i32 to vector<16xi32>
            %shift_left3A_195 = arith.shli %get3A_192, %shift_left3A_194 : vector<16xi32>
            %bitcast_convert_type3A_196 = tpu.bitcast %shift_left3A_195 : vector<16xi32> -> vector<16xf32>
            %and3A_197 = arith.constant -65536 : i32
            %and3A_198 = vector.broadcast %and3A_197 : i32 to vector<16xi32>
            %and3A_199 = arith.andi %get3A_192, %and3A_198 : vector<16xi32>
            %bitcast_convert_type3A_200 = tpu.bitcast %and3A_199 : vector<16xi32> -> vector<16xf32>
            %swap3A_201 = arith.index_cast %scan3A_148 : i32 to index
            %swap3A_202 = arith.constant 64 : index
            %swap3A_203 = tpu.vector_load %arg12[%swap3A_201, %swap3A_202] {strides = array<i32>} : memref<128x128xf32, #tpu.memory_space<vmem>>, vector<1x16xf32>,
            %swap3A_204 = vector.shape_cast %swap3A_203 : vector<1x16xf32> to vector<16xf32>
            %swap3A_205 = vector.shape_cast %bitcast_convert_type3A_196 : vector<16xf32> to vector<1x16xf32>
            tpu.vector_store %arg12[%swap3A_201, %swap3A_202], %swap3A_205 {strides = array<i32>} : memref<128x128xf32, #tpu.memory_space<vmem>>, vector<1x16xf32>,
            %swap3A_206 = arith.index_cast %scan3A_148 : i32 to index
            %swap3A_207 = arith.constant 80 : index
            %swap3A_208 = tpu.vector_load %arg12[%swap3A_206, %swap3A_207] {strides = array<i32>} : memref<128x128xf32, #tpu.memory_space<vmem>>, vector<1x16xf32>,
            %swap3A_209 = vector.shape_cast %swap3A_208 : vector<1x16xf32> to vector<16xf32>
            %swap3A_210 = vector.shape_cast %bitcast_convert_type3A_200 : vector<16xf32> to vector<1x16xf32>
            tpu.vector_store %arg12[%swap3A_206, %swap3A_207], %swap3A_210 {strides = array<i32>} : memref<128x128xf32, #tpu.memory_space<vmem>>, vector<1x16xf32>,
            %get3A_211 = arith.index_cast %scan3A_148 : i32 to index
            %get3A_212 = arith.constant 48 : index
            %get3A_213 = tpu.vector_load %arg10[%get3A_211, %get3A_212] {strides = array<i32>} : memref<128x64xi32, #tpu.memory_space<vmem>>, vector<1x16xi32>,
            %get3A_214 = vector.shape_cast %get3A_213 : vector<1x16xi32> to vector<16xi32>
            %shift_left3A_215 = arith.constant 16 : i32
            %shift_left3A_216 = vector.broadcast %shift_left3A_215 : i32 to vector<16xi32>
            %shift_left3A_217 = arith.shli %get3A_214, %shift_left3A_216 : vector<16xi32>
            %bitcast_convert_type3A_218 = tpu.bitcast %shift_left3A_217 : vector<16xi32> -> vector<16xf32>
            %and3A_219 = arith.constant -65536 : i32
            %and3A_220 = vector.broadcast %and3A_219 : i32 to vector<16xi32>
            %and3A_221 = arith.andi %get3A_214, %and3A_220 : vector<16xi32>
            %bitcast_convert_type3A_222 = tpu.bitcast %and3A_221 : vector<16xi32> -> vector<16xf32>
            %swap3A_223 = arith.index_cast %scan3A_148 : i32 to index
            %swap3A_224 = arith.constant 96 : index
            %swap3A_225 = tpu.vector_load %arg12[%swap3A_223, %swap3A_224] {strides = array<i32>} : memref<128x128xf32, #tpu.memory_space<vmem>>, vector<1x16xf32>,
            %swap3A_226 = vector.shape_cast %swap3A_225 : vector<1x16xf32> to vector<16xf32>
            %swap3A_227 = vector.shape_cast %bitcast_convert_type3A_218 : vector<16xf32> to vector<1x16xf32>
            tpu.vector_store %arg12[%swap3A_223, %swap3A_224], %swap3A_227 {strides = array<i32>} : memref<128x128xf32, #tpu.memory_space<vmem>>, vector<1x16xf32>,
            %swap3A_228 = arith.index_cast %scan3A_148 : i32 to index
            %swap3A_229 = arith.constant 112 : index
            %swap3A_230 = tpu.vector_load %arg12[%swap3A_228, %swap3A_229] {strides = array<i32>} : memref<128x128xf32, #tpu.memory_space<vmem>>, vector<1x16xf32>,
            %swap3A_231 = vector.shape_cast %swap3A_230 : vector<1x16xf32> to vector<16xf32>
            %swap3A_232 = vector.shape_cast %bitcast_convert_type3A_222 : vector<16xf32> to vector<1x16xf32>
            tpu.vector_store %arg12[%swap3A_228, %swap3A_229], %swap3A_232 {strides = array<i32>} : memref<128x128xf32, #tpu.memory_space<vmem>>, vector<1x16xf32>,
          }
          %scan3A_147 = arith.constant 128 : i32
          "tpu.region"() ({
            %run_scoped3A = tpu.sem_alloc : memref<!tpu.dma_semaphore, #tpu.memory_space<semaphore_mem>>
            %dma_start3A_148 = arith.constant 0 : i32
            %dma_start3A_149 = tpu.memref_slice %arg9[%add3A_76, %dma_start3A_148] : memref<32x128xi32, #tpu.memory_space<vmem>> -> memref<1x128xi32, #tpu.memory_space<vmem>>
            %dma_start3A_150 = tpu.memref_squeeze %dma_start3A_149 : memref<1x128xi32, #tpu.memory_space<vmem>> -> memref<128xi32, #tpu.memory_space<vmem>>
            %dma_start3A_151 = arith.constant 0 : i32
            %dma_start3A_152 = arith.constant 0 : i32
            %dma_start3A_153 = tpu.memref_slice %arg13[%dma_start3A_151, %dma_start3A_152] : memref<10240x128xf32, #tpu.memory_space<vmem_shared>> -> memref<10240x128xf32, #tpu.memory_space<vmem_shared>>
            tpu.enqueue_indirect_dma source(%arg12 : memref<128x128xf32, #tpu.memory_space<vmem>>) target(%dma_start3A_153 : memref<10240x128xf32, #tpu.memory_space<vmem_shared>>) offsets(%dma_start3A_150 : memref<128xi32, #tpu.memory_space<vmem>>) semaphore(%run_scoped3A : memref<!tpu.dma_semaphore, #tpu.memory_space<semaphore_mem>>) {add = true}
            %dma_wait3A_154 = arith.constant 0 : i32
            %dma_wait3A_155 = tpu.memref_slice %arg9[%add3A_76, %dma_wait3A_154] : memref<32x128xi32, #tpu.memory_space<vmem>> -> memref<1x128xi32, #tpu.memory_space<vmem>>
            %dma_wait3A_156 = tpu.memref_squeeze %dma_wait3A_155 : memref<1x128xi32, #tpu.memory_space<vmem>> -> memref<128xi32, #tpu.memory_space<vmem>>
            %dma_wait3A_157 = arith.constant 0 : i32
            %dma_wait3A_158 = arith.constant 0 : i32
            %dma_wait3A_159 = tpu.memref_slice %arg13[%dma_wait3A_157, %dma_wait3A_158] : memref<10240x128xf32, #tpu.memory_space<vmem_shared>> -> memref<10240x128xf32, #tpu.memory_space<vmem_shared>>
            tpu.wait_indirect_dma semaphore(%run_scoped3A : memref<!tpu.dma_semaphore, #tpu.memory_space<semaphore_mem>>) src(%arg12 : memref<128x128xf32, #tpu.memory_space<vmem>>) dst(%dma_wait3A_159 : memref<10240x128xf32, #tpu.memory_space<vmem_shared>>)
            tpu.yield
          }) : () -> ()
        } else {
        }
        %jit3A_109 = arith.constant 2 : i32
        %eq3A_110 = arith.constant 0 : i32
        %eq3A_111 = arith.cmpi eq, %jit3A_109, %eq3A_110 : i32
        %jit3A_112 = arith.constant 1 : i32
        %select_n3A_113 = arith.select %eq3A_111, %jit3A_112, %jit3A_109 : i32
        %rem3A_114 = arith.remsi %scan3A_39, %select_n3A_113 : i32
        %ne3A_115 = arith.constant 0 : i32
        %ne3A_116 = arith.cmpi ne, %rem3A_114, %ne3A_115 : i32
        %lt3A_117 = arith.constant 0 : i32
        %lt3A_118 = arith.cmpi slt, %rem3A_114, %lt3A_117 : i32
        %lt3A_119 = arith.constant 0 : i32
        %lt3A_120 = arith.cmpi slt, %select_n3A_113, %lt3A_119 : i32
        %ne3A_121 = arith.xori %lt3A_118, %lt3A_120 : i1
        %and3A_122 = arith.andi %ne3A_121, %ne3A_116 : i1
        %add3A_123 = arith.addi %rem3A_114, %select_n3A_113 : i32
        %select_n3A_124 = arith.select %and3A_122, %add3A_123, %rem3A_114 : i32
        %eq3A_125 = arith.constant 1 : i32
        %eq3A_126 = arith.cmpi eq, %select_n3A_124, %eq3A_125 : i32
        %convert_element_type3A_127 = arith.extui %eq3A_126 : i1 to i32
        %cond3A_128 = arith.constant 0 : i32
        %cond3A_129 = arith.cmpi ne, %convert_element_type3A_127, %cond3A_128 : i32
        scf.if %cond3A_129 {
          %dma_wait3A = arith.constant 0 : i32
          %dma_wait3A_130 = tpu.memref_slice %arg8[%add3A_76, %dma_wait3A] : memref<32x128xi32, #tpu.memory_space<vmem>> -> memref<1x128xi32, #tpu.memory_space<vmem>>
          %dma_wait3A_131 = tpu.memref_squeeze %dma_wait3A_130 : memref<1x128xi32, #tpu.memory_space<vmem>> -> memref<128xi32, #tpu.memory_space<vmem>>
          %dma_wait3A_132 = arith.constant 0 : i32
          %dma_wait3A_133 = arith.constant 0 : i32
          %dma_wait3A_134 = tpu.memref_slice %arg2[%dma_wait3A_132, %dma_wait3A_133] : memref<10000x64xi32, #tpu.memory_space<hbm>> -> memref<10000x64xi32, #tpu.memory_space<hbm>>
          tpu.wait_indirect_dma semaphore(%arg15 : memref<!tpu.dma_semaphore, #tpu.memory_space<semaphore_mem>>) src(%dma_wait3A_134 : memref<10000x64xi32, #tpu.memory_space<hbm>>) dst(%arg11 : memref<128x64xi32, #tpu.memory_space<vmem>>)
          %add3A_135 = arith.constant 1 : i32
          %add3A_136 = arith.addi %scan3A_39, %add3A_135 : i32
          %lt3A_137 = arith.constant 80 : i32
          %lt3A_138 = arith.cmpi slt, %add3A_136, %lt3A_137 : i32
          %convert_element_type3A_139 = arith.extui %lt3A_138 : i1 to i32
          %cond3A_140 = arith.constant 0 : i32
          %cond3A_141 = arith.cmpi ne, %convert_element_type3A_139, %cond3A_140 : i32
          scf.if %cond3A_141 {
            %add3A_148 = arith.constant 1 : i32
            %add3A_149 = arith.addi %scan3A_39, %add3A_148 : i32
            %jit3A_150 = arith.constant 16 : i32
            %div3A_151 = arith.divsi %add3A_149, %jit3A_150 : i32
            %sign3A_152 = arith.constant 0 : i32
            %sign3A_153 = arith.cmpi sgt, %add3A_149, %sign3A_152 : i32
            %sign3A_154 = arith.extui %sign3A_153 : i1 to i32
            %sign3A_155 = arith.constant 0 : i32
            %sign3A_156 = arith.cmpi slt, %add3A_149, %sign3A_155 : i32
            %sign3A_157 = arith.extui %sign3A_156 : i1 to i32
            %sign3A_158 = arith.subi %sign3A_154, %sign3A_157 : i32
            %sign3A_159 = arith.constant 0 : i32
            %sign3A_160 = arith.cmpi sgt, %jit3A_150, %sign3A_159 : i32
            %sign3A_161 = arith.extui %sign3A_160 : i1 to i32
            %sign3A_162 = arith.constant 0 : i32
            %sign3A_163 = arith.cmpi slt, %jit3A_150, %sign3A_162 : i32
            %sign3A_164 = arith.extui %sign3A_163 : i1 to i32
            %sign3A_165 = arith.subi %sign3A_161, %sign3A_164 : i32
            %ne3A_166 = arith.cmpi ne, %sign3A_158, %sign3A_165 : i32
            %rem3A_167 = arith.remsi %add3A_149, %jit3A_150 : i32
            %ne3A_168 = arith.constant 0 : i32
            %ne3A_169 = arith.cmpi ne, %rem3A_167, %ne3A_168 : i32
            %and3A_170 = arith.andi %ne3A_166, %ne3A_169 : i1
            %sub3A_171 = arith.constant 1 : i32
            %sub3A_172 = arith.subi %div3A_151, %sub3A_171 : i32
            %select_n3A_173 = arith.select %and3A_170, %sub3A_172, %div3A_151 : i32
            %jit3A_174 = arith.constant 2 : i32
            %eq3A_175 = arith.constant 0 : i32
            %eq3A_176 = arith.cmpi eq, %jit3A_174, %eq3A_175 : i32
            %jit3A_177 = arith.constant 1 : i32
            %select_n3A_178 = arith.select %eq3A_176, %jit3A_177, %jit3A_174 : i32
            %rem3A_179 = arith.remsi %select_n3A_173, %select_n3A_178 : i32
            %ne3A_180 = arith.constant 0 : i32
            %ne3A_181 = arith.cmpi ne, %rem3A_179, %ne3A_180 : i32
            %lt3A_182 = arith.constant 0 : i32
            %lt3A_183 = arith.cmpi slt, %rem3A_179, %lt3A_182 : i32
            %lt3A_184 = arith.constant 0 : i32
            %lt3A_185 = arith.cmpi slt, %select_n3A_178, %lt3A_184 : i32
            %ne3A_186 = arith.xori %lt3A_183, %lt3A_185 : i1
            %and3A_187 = arith.andi %ne3A_186, %ne3A_181 : i1
            %add3A_188 = arith.addi %rem3A_179, %select_n3A_178 : i32
            %select_n3A_189 = arith.select %and3A_187, %add3A_188, %rem3A_179 : i32
            %mul3A_190 = arith.constant 16 : i32
            %mul3A_191 = arith.muli %select_n3A_189, %mul3A_190 : i32
            %mul3A_192 = arith.constant 16 : i32
            %mul3A_193 = arith.muli %select_n3A_173, %mul3A_192 : i32
            %sub3A_194 = arith.subi %add3A_149, %mul3A_193 : i32
            %add3A_195 = arith.addi %mul3A_191, %sub3A_194 : i32
            %dma_start3A_196 = arith.constant 0 : i32
            %dma_start3A_197 = tpu.memref_slice %arg8[%add3A_195, %dma_start3A_196] : memref<32x128xi32, #tpu.memory_space<vmem>> -> memref<1x128xi32, #tpu.memory_space<vmem>>
            %dma_start3A_198 = tpu.memref_squeeze %dma_start3A_197 : memref<1x128xi32, #tpu.memory_space<vmem>> -> memref<128xi32, #tpu.memory_space<vmem>>
            %dma_start3A_199 = arith.constant 0 : i32
            %dma_start3A_200 = arith.constant 0 : i32
            %dma_start3A_201 = tpu.memref_slice %arg2[%dma_start3A_199, %dma_start3A_200] : memref<10000x64xi32, #tpu.memory_space<hbm>> -> memref<10000x64xi32, #tpu.memory_space<hbm>>
            tpu.enqueue_indirect_dma source(%dma_start3A_201 : memref<10000x64xi32, #tpu.memory_space<hbm>>) target(%arg10 : memref<128x64xi32, #tpu.memory_space<vmem>>) offsets(%dma_start3A_198 : memref<128xi32, #tpu.memory_space<vmem>>) semaphore(%arg14 : memref<!tpu.dma_semaphore, #tpu.memory_space<semaphore_mem>>)
          } else {
          }
          %scan3A_142 = arith.constant 0 : i32
          %scan3A_143 = arith.constant 0 : i32
          %scan3A_144 = arith.constant 128 : i32
          %scan3A_145 = arith.addi %scan3A_143, %scan3A_144 : i32
          %scan3A_146 = arith.constant 1 : i32
          scf.for %scan3A_148 = %scan3A_143 to %scan3A_145 step %scan3A_146  : i32 {
            %get3A = arith.index_cast %scan3A_148 : i32 to index
            %get3A_149 = arith.constant 0 : index
            %get3A_150 = tpu.vector_load %arg11[%get3A, %get3A_149] {strides = array<i32>} : memref<128x64xi32, #tpu.memory_space<vmem>>, vector<1x16xi32>,
            %get3A_151 = vector.shape_cast %get3A_150 : vector<1x16xi32> to vector<16xi32>
            %shift_left3A = arith.constant 16 : i32
            %shift_left3A_152 = vector.broadcast %shift_left3A : i32 to vector<16xi32>
            %shift_left3A_153 = arith.shli %get3A_151, %shift_left3A_152 : vector<16xi32>
            %bitcast_convert_type3A = tpu.bitcast %shift_left3A_153 : vector<16xi32> -> vector<16xf32>
            %and3A_154 = arith.constant -65536 : i32
            %and3A_155 = vector.broadcast %and3A_154 : i32 to vector<16xi32>
            %and3A_156 = arith.andi %get3A_151, %and3A_155 : vector<16xi32>
            %bitcast_convert_type3A_157 = tpu.bitcast %and3A_156 : vector<16xi32> -> vector<16xf32>
            %swap3A = arith.index_cast %scan3A_148 : i32 to index
            %swap3A_158 = arith.constant 0 : index
            %swap3A_159 = tpu.vector_load %arg12[%swap3A, %swap3A_158] {strides = array<i32>} : memref<128x128xf32, #tpu.memory_space<vmem>>, vector<1x16xf32>,
            %swap3A_160 = vector.shape_cast %swap3A_159 : vector<1x16xf32> to vector<16xf32>
            %swap3A_161 = vector.shape_cast %bitcast_convert_type3A : vector<16xf32> to vector<1x16xf32>
            tpu.vector_store %arg12[%swap3A, %swap3A_158], %swap3A_161 {strides = array<i32>} : memref<128x128xf32, #tpu.memory_space<vmem>>, vector<1x16xf32>,
            %swap3A_162 = arith.index_cast %scan3A_148 : i32 to index
            %swap3A_163 = arith.constant 16 : index
            %swap3A_164 = tpu.vector_load %arg12[%swap3A_162, %swap3A_163] {strides = array<i32>} : memref<128x128xf32, #tpu.memory_space<vmem>>, vector<1x16xf32>,
            %swap3A_165 = vector.shape_cast %swap3A_164 : vector<1x16xf32> to vector<16xf32>
            %swap3A_166 = vector.shape_cast %bitcast_convert_type3A_157 : vector<16xf32> to vector<1x16xf32>
            tpu.vector_store %arg12[%swap3A_162, %swap3A_163], %swap3A_166 {strides = array<i32>} : memref<128x128xf32, #tpu.memory_space<vmem>>, vector<1x16xf32>,
            %get3A_167 = arith.index_cast %scan3A_148 : i32 to index
            %get3A_168 = arith.constant 16 : index
            %get3A_169 = tpu.vector_load %arg11[%get3A_167, %get3A_168] {strides = array<i32>} : memref<128x64xi32, #tpu.memory_space<vmem>>, vector<1x16xi32>,
            %get3A_170 = vector.shape_cast %get3A_169 : vector<1x16xi32> to vector<16xi32>
            %shift_left3A_171 = arith.constant 16 : i32
            %shift_left3A_172 = vector.broadcast %shift_left3A_171 : i32 to vector<16xi32>
            %shift_left3A_173 = arith.shli %get3A_170, %shift_left3A_172 : vector<16xi32>
            %bitcast_convert_type3A_174 = tpu.bitcast %shift_left3A_173 : vector<16xi32> -> vector<16xf32>
            %and3A_175 = arith.constant -65536 : i32
            %and3A_176 = vector.broadcast %and3A_175 : i32 to vector<16xi32>
            %and3A_177 = arith.andi %get3A_170, %and3A_176 : vector<16xi32>
            %bitcast_convert_type3A_178 = tpu.bitcast %and3A_177 : vector<16xi32> -> vector<16xf32>
            %swap3A_179 = arith.index_cast %scan3A_148 : i32 to index
            %swap3A_180 = arith.constant 32 : index
            %swap3A_181 = tpu.vector_load %arg12[%swap3A_179, %swap3A_180] {strides = array<i32>} : memref<128x128xf32, #tpu.memory_space<vmem>>, vector<1x16xf32>,
            %swap3A_182 = vector.shape_cast %swap3A_181 : vector<1x16xf32> to vector<16xf32>
            %swap3A_183 = vector.shape_cast %bitcast_convert_type3A_174 : vector<16xf32> to vector<1x16xf32>
            tpu.vector_store %arg12[%swap3A_179, %swap3A_180], %swap3A_183 {strides = array<i32>} : memref<128x128xf32, #tpu.memory_space<vmem>>, vector<1x16xf32>,
            %swap3A_184 = arith.index_cast %scan3A_148 : i32 to index
            %swap3A_185 = arith.constant 48 : index
            %swap3A_186 = tpu.vector_load %arg12[%swap3A_184, %swap3A_185] {strides = array<i32>} : memref<128x128xf32, #tpu.memory_space<vmem>>, vector<1x16xf32>,
            %swap3A_187 = vector.shape_cast %swap3A_186 : vector<1x16xf32> to vector<16xf32>
            %swap3A_188 = vector.shape_cast %bitcast_convert_type3A_178 : vector<16xf32> to vector<1x16xf32>
            tpu.vector_store %arg12[%swap3A_184, %swap3A_185], %swap3A_188 {strides = array<i32>} : memref<128x128xf32, #tpu.memory_space<vmem>>, vector<1x16xf32>,
            %get3A_189 = arith.index_cast %scan3A_148 : i32 to index
            %get3A_190 = arith.constant 32 : index
            %get3A_191 = tpu.vector_load %arg11[%get3A_189, %get3A_190] {strides = array<i32>} : memref<128x64xi32, #tpu.memory_space<vmem>>, vector<1x16xi32>,
            %get3A_192 = vector.shape_cast %get3A_191 : vector<1x16xi32> to vector<16xi32>
            %shift_left3A_193 = arith.constant 16 : i32
            %shift_left3A_194 = vector.broadcast %shift_left3A_193 : i32 to vector<16xi32>
            %shift_left3A_195 = arith.shli %get3A_192, %shift_left3A_194 : vector<16xi32>
            %bitcast_convert_type3A_196 = tpu.bitcast %shift_left3A_195 : vector<16xi32> -> vector<16xf32>
            %and3A_197 = arith.constant -65536 : i32
            %and3A_198 = vector.broadcast %and3A_197 : i32 to vector<16xi32>
            %and3A_199 = arith.andi %get3A_192, %and3A_198 : vector<16xi32>
            %bitcast_convert_type3A_200 = tpu.bitcast %and3A_199 : vector<16xi32> -> vector<16xf32>
            %swap3A_201 = arith.index_cast %scan3A_148 : i32 to index
            %swap3A_202 = arith.constant 64 : index
            %swap3A_203 = tpu.vector_load %arg12[%swap3A_201, %swap3A_202] {strides = array<i32>} : memref<128x128xf32, #tpu.memory_space<vmem>>, vector<1x16xf32>,
            %swap3A_204 = vector.shape_cast %swap3A_203 : vector<1x16xf32> to vector<16xf32>
            %swap3A_205 = vector.shape_cast %bitcast_convert_type3A_196 : vector<16xf32> to vector<1x16xf32>
            tpu.vector_store %arg12[%swap3A_201, %swap3A_202], %swap3A_205 {strides = array<i32>} : memref<128x128xf32, #tpu.memory_space<vmem>>, vector<1x16xf32>,
            %swap3A_206 = arith.index_cast %scan3A_148 : i32 to index
            %swap3A_207 = arith.constant 80 : index
            %swap3A_208 = tpu.vector_load %arg12[%swap3A_206, %swap3A_207] {strides = array<i32>} : memref<128x128xf32, #tpu.memory_space<vmem>>, vector<1x16xf32>,
            %swap3A_209 = vector.shape_cast %swap3A_208 : vector<1x16xf32> to vector<16xf32>
            %swap3A_210 = vector.shape_cast %bitcast_convert_type3A_200 : vector<16xf32> to vector<1x16xf32>
            tpu.vector_store %arg12[%swap3A_206, %swap3A_207], %swap3A_210 {strides = array<i32>} : memref<128x128xf32, #tpu.memory_space<vmem>>, vector<1x16xf32>,
            %get3A_211 = arith.index_cast %scan3A_148 : i32 to index
            %get3A_212 = arith.constant 48 : index
            %get3A_213 = tpu.vector_load %arg11[%get3A_211, %get3A_212] {strides = array<i32>} : memref<128x64xi32, #tpu.memory_space<vmem>>, vector<1x16xi32>,
            %get3A_214 = vector.shape_cast %get3A_213 : vector<1x16xi32> to vector<16xi32>
            %shift_left3A_215 = arith.constant 16 : i32
            %shift_left3A_216 = vector.broadcast %shift_left3A_215 : i32 to vector<16xi32>
            %shift_left3A_217 = arith.shli %get3A_214, %shift_left3A_216 : vector<16xi32>
            %bitcast_convert_type3A_218 = tpu.bitcast %shift_left3A_217 : vector<16xi32> -> vector<16xf32>
            %and3A_219 = arith.constant -65536 : i32
            %and3A_220 = vector.broadcast %and3A_219 : i32 to vector<16xi32>
            %and3A_221 = arith.andi %get3A_214, %and3A_220 : vector<16xi32>
            %bitcast_convert_type3A_222 = tpu.bitcast %and3A_221 : vector<16xi32> -> vector<16xf32>
            %swap3A_223 = arith.index_cast %scan3A_148 : i32 to index
            %swap3A_224 = arith.constant 96 : index
            %swap3A_225 = tpu.vector_load %arg12[%swap3A_223, %swap3A_224] {strides = array<i32>} : memref<128x128xf32, #tpu.memory_space<vmem>>, vector<1x16xf32>,
            %swap3A_226 = vector.shape_cast %swap3A_225 : vector<1x16xf32> to vector<16xf32>
            %swap3A_227 = vector.shape_cast %bitcast_convert_type3A_218 : vector<16xf32> to vector<1x16xf32>
            tpu.vector_store %arg12[%swap3A_223, %swap3A_224], %swap3A_227 {strides = array<i32>} : memref<128x128xf32, #tpu.memory_space<vmem>>, vector<1x16xf32>,
            %swap3A_228 = arith.index_cast %scan3A_148 : i32 to index
            %swap3A_229 = arith.constant 112 : index
            %swap3A_230 = tpu.vector_load %arg12[%swap3A_228, %swap3A_229] {strides = array<i32>} : memref<128x128xf32, #tpu.memory_space<vmem>>, vector<1x16xf32>,
            %swap3A_231 = vector.shape_cast %swap3A_230 : vector<1x16xf32> to vector<16xf32>
            %swap3A_232 = vector.shape_cast %bitcast_convert_type3A_222 : vector<16xf32> to vector<1x16xf32>
            tpu.vector_store %arg12[%swap3A_228, %swap3A_229], %swap3A_232 {strides = array<i32>} : memref<128x128xf32, #tpu.memory_space<vmem>>, vector<1x16xf32>,
          }
          %scan3A_147 = arith.constant 128 : i32
          "tpu.region"() ({
            %run_scoped3A = tpu.sem_alloc : memref<!tpu.dma_semaphore, #tpu.memory_space<semaphore_mem>>
            %dma_start3A_148 = arith.constant 0 : i32
            %dma_start3A_149 = tpu.memref_slice %arg9[%add3A_76, %dma_start3A_148] : memref<32x128xi32, #tpu.memory_space<vmem>> -> memref<1x128xi32, #tpu.memory_space<vmem>>
            %dma_start3A_150 = tpu.memref_squeeze %dma_start3A_149 : memref<1x128xi32, #tpu.memory_space<vmem>> -> memref<128xi32, #tpu.memory_space<vmem>>
            %dma_start3A_151 = arith.constant 0 : i32
            %dma_start3A_152 = arith.constant 0 : i32
            %dma_start3A_153 = tpu.memref_slice %arg13[%dma_start3A_151, %dma_start3A_152] : memref<10240x128xf32, #tpu.memory_space<vmem_shared>> -> memref<10240x128xf32, #tpu.memory_space<vmem_shared>>
            tpu.enqueue_indirect_dma source(%arg12 : memref<128x128xf32, #tpu.memory_space<vmem>>) target(%dma_start3A_153 : memref<10240x128xf32, #tpu.memory_space<vmem_shared>>) offsets(%dma_start3A_150 : memref<128xi32, #tpu.memory_space<vmem>>) semaphore(%run_scoped3A : memref<!tpu.dma_semaphore, #tpu.memory_space<semaphore_mem>>) {add = true}
            %dma_wait3A_154 = arith.constant 0 : i32
            %dma_wait3A_155 = tpu.memref_slice %arg9[%add3A_76, %dma_wait3A_154] : memref<32x128xi32, #tpu.memory_space<vmem>> -> memref<1x128xi32, #tpu.memory_space<vmem>>
            %dma_wait3A_156 = tpu.memref_squeeze %dma_wait3A_155 : memref<1x128xi32, #tpu.memory_space<vmem>> -> memref<128xi32, #tpu.memory_space<vmem>>
            %dma_wait3A_157 = arith.constant 0 : i32
            %dma_wait3A_158 = arith.constant 0 : i32
            %dma_wait3A_159 = tpu.memref_slice %arg13[%dma_wait3A_157, %dma_wait3A_158] : memref<10240x128xf32, #tpu.memory_space<vmem_shared>> -> memref<10240x128xf32, #tpu.memory_space<vmem_shared>>
            tpu.wait_indirect_dma semaphore(%run_scoped3A : memref<!tpu.dma_semaphore, #tpu.memory_space<semaphore_mem>>) src(%arg12 : memref<128x128xf32, #tpu.memory_space<vmem>>) dst(%dma_wait3A_159 : memref<10240x128xf32, #tpu.memory_space<vmem_shared>>)
            tpu.yield
          }) : () -> ()
        } else {
        }
      }
      %scan3A_38 = arith.constant 80 : i32
    } else {
    }
    %barrier3A_23 = arith.constant 0 : index
    tpu.barrier barrier_id(%barrier3A_23)
    %mul3A_24 = arith.constant 10240 : i32
    %mul3A_25 = arith.muli %arg0, %mul3A_24 : i32
    %add3A_26 = arith.addi %mul3A_25, %mul3A_6 : i32
    "tpu.region"() ({
      %run_scoped3A = tpu.sem_alloc : memref<!tpu.dma_semaphore, #tpu.memory_space<semaphore_mem>>
      %dma_start3A = arith.constant 0 : i32
      %dma_start3A_27 = tpu.memref_slice %arg7[%add3A_26, %dma_start3A] : memref<20480x128xf32, #tpu.memory_space<hbm>> -> memref<640x128xf32, #tpu.memory_space<hbm>>
      %dma_start3A_28 = arith.constant 0 : i32
      %dma_start3A_29 = tpu.memref_slice %arg13[%mul3A_6, %dma_start3A_28] : memref<10240x128xf32, #tpu.memory_space<vmem_shared>> -> memref<640x128xf32, #tpu.memory_space<vmem_shared>>
      tpu.enqueue_dma source(%dma_start3A_29 : memref<640x128xf32, #tpu.memory_space<vmem_shared>>) target(%dma_start3A_27 : memref<640x128xf32, #tpu.memory_space<hbm>>) target_semaphore(%run_scoped3A : memref<!tpu.dma_semaphore, #tpu.memory_space<semaphore_mem>>)
      %dma_wait3A = arith.constant 0 : i32
      %dma_wait3A_30 = tpu.memref_slice %arg7[%add3A_26, %dma_wait3A] : memref<20480x128xf32, #tpu.memory_space<hbm>> -> memref<640x128xf32, #tpu.memory_space<hbm>>
      %dma_wait3A_31 = arith.constant 0 : i32
      %dma_wait3A_32 = tpu.memref_slice %arg13[%mul3A_6, %dma_wait3A_31] : memref<10240x128xf32, #tpu.memory_space<vmem_shared>> -> memref<640x128xf32, #tpu.memory_space<vmem_shared>>
      tpu.wait_dma2 semaphore(%run_scoped3A : memref<!tpu.dma_semaphore, #tpu.memory_space<semaphore_mem>>) src(%dma_wait3A_32 : memref<640x128xf32, #tpu.memory_space<vmem_shared>>) dst(%dma_wait3A_30 : memref<640x128xf32, #tpu.memory_space<hbm>>)
      tpu.yield
    }) : () -> ()
    return
  }
}

#map = affine_map<(d0, d1) -> (0, 0)>
#map1 = affine_map<(d0, d1) -> (0, 0, 0)>
module attributes {stable_mosaic.version = 14 : i64} {
  func.func @agg(%arg0: i32, %arg1: i32, %arg2: memref<10000x64xi32, #tpu.memory_space<hbm>>, %arg3: memref<16x80x128xi32, #tpu.memory_space<hbm>>, %arg4: memref<16x80x128xi32, #tpu.memory_space<hbm>>, %arg5: memref<16x80x128xi32, #tpu.memory_space<hbm>>, %arg6: memref<16x80x128xi32, #tpu.memory_space<hbm>>, %arg7: memref<20480x128xf32, #tpu.memory_space<hbm>>, %arg8: memref<32x128xi32, #tpu.memory_space<vmem>>, %arg9: memref<32x128xi32, #tpu.memory_space<vmem>>, %arg10: memref<128x64xi32, #tpu.memory_space<vmem>>, %arg11: memref<128x64xi32, #tpu.memory_space<vmem>>, %arg12: memref<128x128xf32, #tpu.memory_space<vmem>>, %arg13: memref<10240x128xf32, #tpu.memory_space<vmem_shared>>, %arg14: memref<!tpu.dma_semaphore, #tpu.memory_space<semaphore_mem>>, %arg15: memref<!tpu.dma_semaphore, #tpu.memory_space<semaphore_mem>>) attributes {dimension_semantics = [#tpu.dimension_semantics<core_parallel>, #tpu.dimension_semantics<subcore_parallel>], iteration_bounds = array<i64: 2, 16>, scalar_prefetch = 0 : i64, scratch_operands = 8 : i64, tpu.core_type = #tpu.core_type<sc_vector_subcore>, window_params = [{transform_indices = #map}, {transform_indices = #map1}, {transform_indices = #map1}, {transform_indices = #map1}, {transform_indices = #map1}, {transform_indices = #map}]} {
    %broadcast_in_dim3A = arith.constant 0.000000e+00 : f32
    %broadcast_in_dim3A_0 = vector.broadcast %broadcast_in_dim3A : f32 to vector<16xf32>
    %scan3A = arith.constant 0 : i32
    %scan3A_1 = arith.constant 0 : i32
    %scan3A_2 = arith.constant 128 : i32
    %scan3A_3 = arith.addi %scan3A_1, %scan3A_2 : i32
    %scan3A_4 = arith.constant 1 : i32
    scf.for %scan3A_27 = %scan3A_1 to %scan3A_3 step %scan3A_4  : i32 {
      %swap3A = arith.index_cast %scan3A_27 : i32 to index
      %swap3A_28 = arith.constant 0 : index
      %swap3A_29 = tpu.vector_load %arg12[%swap3A, %swap3A_28] {strides = array<i32>} : memref<128x128xf32, #tpu.memory_space<vmem>>, vector<1x16xf32>,
      %swap3A_30 = vector.shape_cast %swap3A_29 : vector<1x16xf32> to vector<16xf32>
      %swap3A_31 = vector.shape_cast %broadcast_in_dim3A_0 : vector<16xf32> to vector<1x16xf32>
      tpu.vector_store %arg12[%swap3A, %swap3A_28], %swap3A_31 {strides = array<i32>} : memref<128x128xf32, #tpu.memory_space<vmem>>, vector<1x16xf32>,
      %swap3A_32 = arith.index_cast %scan3A_27 : i32 to index
      %swap3A_33 = arith.constant 16 : index
      %swap3A_34 = tpu.vector_load %arg12[%swap3A_32, %swap3A_33] {strides = array<i32>} : memref<128x128xf32, #tpu.memory_space<vmem>>, vector<1x16xf32>,
      %swap3A_35 = vector.shape_cast %swap3A_34 : vector<1x16xf32> to vector<16xf32>
      %swap3A_36 = vector.shape_cast %broadcast_in_dim3A_0 : vector<16xf32> to vector<1x16xf32>
      tpu.vector_store %arg12[%swap3A_32, %swap3A_33], %swap3A_36 {strides = array<i32>} : memref<128x128xf32, #tpu.memory_space<vmem>>, vector<1x16xf32>,
      %swap3A_37 = arith.index_cast %scan3A_27 : i32 to index
      %swap3A_38 = arith.constant 32 : index
      %swap3A_39 = tpu.vector_load %arg12[%swap3A_37, %swap3A_38] {strides = array<i32>} : memref<128x128xf32, #tpu.memory_space<vmem>>, vector<1x16xf32>,
      %swap3A_40 = vector.shape_cast %swap3A_39 : vector<1x16xf32> to vector<16xf32>
      %swap3A_41 = vector.shape_cast %broadcast_in_dim3A_0 : vector<16xf32> to vector<1x16xf32>
      tpu.vector_store %arg12[%swap3A_37, %swap3A_38], %swap3A_41 {strides = array<i32>} : memref<128x128xf32, #tpu.memory_space<vmem>>, vector<1x16xf32>,
      %swap3A_42 = arith.index_cast %scan3A_27 : i32 to index
      %swap3A_43 = arith.constant 48 : index
      %swap3A_44 = tpu.vector_load %arg12[%swap3A_42, %swap3A_43] {strides = array<i32>} : memref<128x128xf32, #tpu.memory_space<vmem>>, vector<1x16xf32>,
      %swap3A_45 = vector.shape_cast %swap3A_44 : vector<1x16xf32> to vector<16xf32>
      %swap3A_46 = vector.shape_cast %broadcast_in_dim3A_0 : vector<16xf32> to vector<1x16xf32>
      tpu.vector_store %arg12[%swap3A_42, %swap3A_43], %swap3A_46 {strides = array<i32>} : memref<128x128xf32, #tpu.memory_space<vmem>>, vector<1x16xf32>,
      %swap3A_47 = arith.index_cast %scan3A_27 : i32 to index
      %swap3A_48 = arith.constant 64 : index
      %swap3A_49 = tpu.vector_load %arg12[%swap3A_47, %swap3A_48] {strides = array<i32>} : memref<128x128xf32, #tpu.memory_space<vmem>>, vector<1x16xf32>,
      %swap3A_50 = vector.shape_cast %swap3A_49 : vector<1x16xf32> to vector<16xf32>
      %swap3A_51 = vector.shape_cast %broadcast_in_dim3A_0 : vector<16xf32> to vector<1x16xf32>
      tpu.vector_store %arg12[%swap3A_47, %swap3A_48], %swap3A_51 {strides = array<i32>} : memref<128x128xf32, #tpu.memory_space<vmem>>, vector<1x16xf32>,
      %swap3A_52 = arith.index_cast %scan3A_27 : i32 to index
      %swap3A_53 = arith.constant 80 : index
      %swap3A_54 = tpu.vector_load %arg12[%swap3A_52, %swap3A_53] {strides = array<i32>} : memref<128x128xf32, #tpu.memory_space<vmem>>, vector<1x16xf32>,
      %swap3A_55 = vector.shape_cast %swap3A_54 : vector<1x16xf32> to vector<16xf32>
      %swap3A_56 = vector.shape_cast %broadcast_in_dim3A_0 : vector<16xf32> to vector<1x16xf32>
      tpu.vector_store %arg12[%swap3A_52, %swap3A_53], %swap3A_56 {strides = array<i32>} : memref<128x128xf32, #tpu.memory_space<vmem>>, vector<1x16xf32>,
      %swap3A_57 = arith.index_cast %scan3A_27 : i32 to index
      %swap3A_58 = arith.constant 96 : index
      %swap3A_59 = tpu.vector_load %arg12[%swap3A_57, %swap3A_58] {strides = array<i32>} : memref<128x128xf32, #tpu.memory_space<vmem>>, vector<1x16xf32>,
      %swap3A_60 = vector.shape_cast %swap3A_59 : vector<1x16xf32> to vector<16xf32>
      %swap3A_61 = vector.shape_cast %broadcast_in_dim3A_0 : vector<16xf32> to vector<1x16xf32>
      tpu.vector_store %arg12[%swap3A_57, %swap3A_58], %swap3A_61 {strides = array<i32>} : memref<128x128xf32, #tpu.memory_space<vmem>>, vector<1x16xf32>,
      %swap3A_62 = arith.index_cast %scan3A_27 : i32 to index
      %swap3A_63 = arith.constant 112 : index
      %swap3A_64 = tpu.vector_load %arg12[%swap3A_62, %swap3A_63] {strides = array<i32>} : memref<128x128xf32, #tpu.memory_space<vmem>>, vector<1x16xf32>,
      %swap3A_65 = vector.shape_cast %swap3A_64 : vector<1x16xf32> to vector<16xf32>
      %swap3A_66 = vector.shape_cast %broadcast_in_dim3A_0 : vector<16xf32> to vector<1x16xf32>
      tpu.vector_store %arg12[%swap3A_62, %swap3A_63], %swap3A_66 {strides = array<i32>} : memref<128x128xf32, #tpu.memory_space<vmem>>, vector<1x16xf32>,
    }
    %scan3A_5 = arith.constant 128 : i32
    %mul3A = arith.constant 640 : i32
    %mul3A_6 = arith.muli %arg1, %mul3A : i32
    %add3A = arith.constant 0 : i32
    %add3A_7 = arith.addi %mul3A_6, %add3A : i32
    "tpu.region"() ({
      %run_scoped3A = tpu.sem_alloc : memref<!tpu.dma_semaphore, #tpu.memory_space<semaphore_mem>>
      %dma_start3A = arith.constant 0 : i32
      %dma_start3A_27 = tpu.memref_slice %arg13[%add3A_7, %dma_start3A] : memref<10240x128xf32, #tpu.memory_space<vmem_shared>> -> memref<128x128xf32, #tpu.memory_space<vmem_shared>>
      %dma_start3A_28 = arith.constant 0 : i32
      %dma_start3A_29 = tpu.memref_slice %arg13[%add3A_7, %dma_start3A_28] : memref<10240x128xf32, #tpu.memory_space<vmem_shared>> -> memref<128x128xf32, #tpu.memory_space<vmem_shared>>
      tpu.enqueue_dma source(%arg12 : memref<128x128xf32, #tpu.memory_space<vmem>>) target(%dma_start3A_29 : memref<128x128xf32, #tpu.memory_space<vmem_shared>>) target_semaphore(%run_scoped3A : memref<!tpu.dma_semaphore, #tpu.memory_space<semaphore_mem>>)
      %dma_wait3A = arith.constant 0 : i32
      %dma_wait3A_30 = tpu.memref_slice %arg13[%add3A_7, %dma_wait3A] : memref<10240x128xf32, #tpu.memory_space<vmem_shared>> -> memref<128x128xf32, #tpu.memory_space<vmem_shared>>
      %dma_wait3A_31 = arith.constant 0 : i32
      %dma_wait3A_32 = tpu.memref_slice %arg13[%add3A_7, %dma_wait3A_31] : memref<10240x128xf32, #tpu.memory_space<vmem_shared>> -> memref<128x128xf32, #tpu.memory_space<vmem_shared>>
      tpu.wait_dma2 semaphore(%run_scoped3A : memref<!tpu.dma_semaphore, #tpu.memory_space<semaphore_mem>>) src(%arg12 : memref<128x128xf32, #tpu.memory_space<vmem>>) dst(%dma_wait3A_32 : memref<128x128xf32, #tpu.memory_space<vmem_shared>>)
      tpu.yield
    }) : () -> ()
    %add3A_8 = arith.constant 128 : i32
    %add3A_9 = arith.addi %mul3A_6, %add3A_8 : i32
    "tpu.region"() ({
      %run_scoped3A = tpu.sem_alloc : memref<!tpu.dma_semaphore, #tpu.memory_space<semaphore_mem>>
      %dma_start3A = arith.constant 0 : i32
      %dma_start3A_27 = tpu.memref_slice %arg13[%add3A_9, %dma_start3A] : memref<10240x128xf32, #tpu.memory_space<vmem_shared>> -> memref<128x128xf32, #tpu.memory_space<vmem_shared>>
      %dma_start3A_28 = arith.constant 0 : i32
      %dma_start3A_29 = tpu.memref_slice %arg13[%add3A_9, %dma_start3A_28] : memref<10240x128xf32, #tpu.memory_space<vmem_shared>> -> memref<128x128xf32, #tpu.memory_space<vmem_shared>>
      tpu.enqueue_dma source(%arg12 : memref<128x128xf32, #tpu.memory_space<vmem>>) target(%dma_start3A_29 : memref<128x128xf32, #tpu.memory_space<vmem_shared>>) target_semaphore(%run_scoped3A : memref<!tpu.dma_semaphore, #tpu.memory_space<semaphore_mem>>)
      %dma_wait3A = arith.constant 0 : i32
      %dma_wait3A_30 = tpu.memref_slice %arg13[%add3A_9, %dma_wait3A] : memref<10240x128xf32, #tpu.memory_space<vmem_shared>> -> memref<128x128xf32, #tpu.memory_space<vmem_shared>>
      %dma_wait3A_31 = arith.constant 0 : i32
      %dma_wait3A_32 = tpu.memref_slice %arg13[%add3A_9, %dma_wait3A_31] : memref<10240x128xf32, #tpu.memory_space<vmem_shared>> -> memref<128x128xf32, #tpu.memory_space<vmem_shared>>
      tpu.wait_dma2 semaphore(%run_scoped3A : memref<!tpu.dma_semaphore, #tpu.memory_space<semaphore_mem>>) src(%arg12 : memref<128x128xf32, #tpu.memory_space<vmem>>) dst(%dma_wait3A_32 : memref<128x128xf32, #tpu.memory_space<vmem_shared>>)
      tpu.yield
    }) : () -> ()
    %add3A_10 = arith.constant 256 : i32
    %add3A_11 = arith.addi %mul3A_6, %add3A_10 : i32
    "tpu.region"() ({
      %run_scoped3A = tpu.sem_alloc : memref<!tpu.dma_semaphore, #tpu.memory_space<semaphore_mem>>
      %dma_start3A = arith.constant 0 : i32
      %dma_start3A_27 = tpu.memref_slice %arg13[%add3A_11, %dma_start3A] : memref<10240x128xf32, #tpu.memory_space<vmem_shared>> -> memref<128x128xf32, #tpu.memory_space<vmem_shared>>
      %dma_start3A_28 = arith.constant 0 : i32
      %dma_start3A_29 = tpu.memref_slice %arg13[%add3A_11, %dma_start3A_28] : memref<10240x128xf32, #tpu.memory_space<vmem_shared>> -> memref<128x128xf32, #tpu.memory_space<vmem_shared>>
      tpu.enqueue_dma source(%arg12 : memref<128x128xf32, #tpu.memory_space<vmem>>) target(%dma_start3A_29 : memref<128x128xf32, #tpu.memory_space<vmem_shared>>) target_semaphore(%run_scoped3A : memref<!tpu.dma_semaphore, #tpu.memory_space<semaphore_mem>>)
      %dma_wait3A = arith.constant 0 : i32
      %dma_wait3A_30 = tpu.memref_slice %arg13[%add3A_11, %dma_wait3A] : memref<10240x128xf32, #tpu.memory_space<vmem_shared>> -> memref<128x128xf32, #tpu.memory_space<vmem_shared>>
      %dma_wait3A_31 = arith.constant 0 : i32
      %dma_wait3A_32 = tpu.memref_slice %arg13[%add3A_11, %dma_wait3A_31] : memref<10240x128xf32, #tpu.memory_space<vmem_shared>> -> memref<128x128xf32, #tpu.memory_space<vmem_shared>>
      tpu.wait_dma2 semaphore(%run_scoped3A : memref<!tpu.dma_semaphore, #tpu.memory_space<semaphore_mem>>) src(%arg12 : memref<128x128xf32, #tpu.memory_space<vmem>>) dst(%dma_wait3A_32 : memref<128x128xf32, #tpu.memory_space<vmem_shared>>)
      tpu.yield
    }) : () -> ()
    %add3A_12 = arith.constant 384 : i32
    %add3A_13 = arith.addi %mul3A_6, %add3A_12 : i32
    "tpu.region"() ({
      %run_scoped3A = tpu.sem_alloc : memref<!tpu.dma_semaphore, #tpu.memory_space<semaphore_mem>>
      %dma_start3A = arith.constant 0 : i32
      %dma_start3A_27 = tpu.memref_slice %arg13[%add3A_13, %dma_start3A] : memref<10240x128xf32, #tpu.memory_space<vmem_shared>> -> memref<128x128xf32, #tpu.memory_space<vmem_shared>>
      %dma_start3A_28 = arith.constant 0 : i32
      %dma_start3A_29 = tpu.memref_slice %arg13[%add3A_13, %dma_start3A_28] : memref<10240x128xf32, #tpu.memory_space<vmem_shared>> -> memref<128x128xf32, #tpu.memory_space<vmem_shared>>
      tpu.enqueue_dma source(%arg12 : memref<128x128xf32, #tpu.memory_space<vmem>>) target(%dma_start3A_29 : memref<128x128xf32, #tpu.memory_space<vmem_shared>>) target_semaphore(%run_scoped3A : memref<!tpu.dma_semaphore, #tpu.memory_space<semaphore_mem>>)
      %dma_wait3A = arith.constant 0 : i32
      %dma_wait3A_30 = tpu.memref_slice %arg13[%add3A_13, %dma_wait3A] : memref<10240x128xf32, #tpu.memory_space<vmem_shared>> -> memref<128x128xf32, #tpu.memory_space<vmem_shared>>
      %dma_wait3A_31 = arith.constant 0 : i32
      %dma_wait3A_32 = tpu.memref_slice %arg13[%add3A_13, %dma_wait3A_31] : memref<10240x128xf32, #tpu.memory_space<vmem_shared>> -> memref<128x128xf32, #tpu.memory_space<vmem_shared>>
      tpu.wait_dma2 semaphore(%run_scoped3A : memref<!tpu.dma_semaphore, #tpu.memory_space<semaphore_mem>>) src(%arg12 : memref<128x128xf32, #tpu.memory_space<vmem>>) dst(%dma_wait3A_32 : memref<128x128xf32, #tpu.memory_space<vmem_shared>>)
      tpu.yield
    }) : () -> ()
    %add3A_14 = arith.constant 512 : i32
    %add3A_15 = arith.addi %mul3A_6, %add3A_14 : i32
    "tpu.region"() ({
      %run_scoped3A = tpu.sem_alloc : memref<!tpu.dma_semaphore, #tpu.memory_space<semaphore_mem>>
      %dma_start3A = arith.constant 0 : i32
      %dma_start3A_27 = tpu.memref_slice %arg13[%add3A_15, %dma_start3A] : memref<10240x128xf32, #tpu.memory_space<vmem_shared>> -> memref<128x128xf32, #tpu.memory_space<vmem_shared>>
      %dma_start3A_28 = arith.constant 0 : i32
      %dma_start3A_29 = tpu.memref_slice %arg13[%add3A_15, %dma_start3A_28] : memref<10240x128xf32, #tpu.memory_space<vmem_shared>> -> memref<128x128xf32, #tpu.memory_space<vmem_shared>>
      tpu.enqueue_dma source(%arg12 : memref<128x128xf32, #tpu.memory_space<vmem>>) target(%dma_start3A_29 : memref<128x128xf32, #tpu.memory_space<vmem_shared>>) target_semaphore(%run_scoped3A : memref<!tpu.dma_semaphore, #tpu.memory_space<semaphore_mem>>)
      %dma_wait3A = arith.constant 0 : i32
      %dma_wait3A_30 = tpu.memref_slice %arg13[%add3A_15, %dma_wait3A] : memref<10240x128xf32, #tpu.memory_space<vmem_shared>> -> memref<128x128xf32, #tpu.memory_space<vmem_shared>>
      %dma_wait3A_31 = arith.constant 0 : i32
      %dma_wait3A_32 = tpu.memref_slice %arg13[%add3A_15, %dma_wait3A_31] : memref<10240x128xf32, #tpu.memory_space<vmem_shared>> -> memref<128x128xf32, #tpu.memory_space<vmem_shared>>
      tpu.wait_dma2 semaphore(%run_scoped3A : memref<!tpu.dma_semaphore, #tpu.memory_space<semaphore_mem>>) src(%arg12 : memref<128x128xf32, #tpu.memory_space<vmem>>) dst(%dma_wait3A_32 : memref<128x128xf32, #tpu.memory_space<vmem_shared>>)
      tpu.yield
    }) : () -> ()
    %barrier3A = arith.constant 0 : index
    tpu.barrier barrier_id(%barrier3A)
    %eq3A = arith.constant 0 : i32
    %eq3A_16 = arith.cmpi eq, %arg0, %eq3A : i32
    %convert_element_type3A = arith.extui %eq3A_16 : i1 to i32
    %cond3A = arith.constant 0 : i32
    %cond3A_17 = arith.cmpi ne, %convert_element_type3A, %cond3A : i32
    scf.if %cond3A_17 {
      "tpu.region"() ({
        %run_scoped3A = tpu.sem_alloc : memref<!tpu.dma_semaphore, #tpu.memory_space<semaphore_mem>>
        %dma_start3A_39 = arith.constant 0 : i32
        %dma_start3A_40 = arith.constant 0 : i32
        %dma_start3A_41 = tpu.memref_slice %arg8[%dma_start3A_39, %dma_start3A_40] : memref<32x128xi32, #tpu.memory_space<vmem>> -> memref<16x128xi32, #tpu.memory_space<vmem>>
        %dma_start3A_42 = arith.constant 0 : i32
        %dma_start3A_43 = arith.constant 0 : i32
        %dma_start3A_44 = tpu.memref_slice %arg3[%arg1, %dma_start3A_42, %dma_start3A_43] : memref<16x80x128xi32, #tpu.memory_space<hbm>> -> memref<1x16x128xi32, #tpu.memory_space<hbm>>
        %dma_start3A_45 = tpu.memref_squeeze %dma_start3A_44 : memref<1x16x128xi32, #tpu.memory_space<hbm>> -> memref<16x128xi32, #tpu.memory_space<hbm>>
        %dma_start3A_46 = arith.constant 0 : i32
        %dma_start3A_47 = arith.constant 0 : i32
        %dma_start3A_48 = tpu.memref_slice %arg8[%dma_start3A_46, %dma_start3A_47] : memref<32x128xi32, #tpu.memory_space<vmem>> -> memref<16x128xi32, #tpu.memory_space<vmem>>
        %dma_start3A_49 = arith.constant 0 : i32
        %dma_start3A_50 = arith.constant 0 : i32
        %dma_start3A_51 = tpu.memref_slice %arg3[%arg1, %dma_start3A_49, %dma_start3A_50] : memref<16x80x128xi32, #tpu.memory_space<hbm>> -> memref<1x16x128xi32, #tpu.memory_space<hbm>>
        %dma_start3A_52 = tpu.memref_squeeze %dma_start3A_51 : memref<1x16x128xi32, #tpu.memory_space<hbm>> -> memref<16x128xi32, #tpu.memory_space<hbm>>
        tpu.enqueue_dma source(%dma_start3A_52 : memref<16x128xi32, #tpu.memory_space<hbm>>) target(%dma_start3A_48 : memref<16x128xi32, #tpu.memory_space<vmem>>) target_semaphore(%run_scoped3A : memref<!tpu.dma_semaphore, #tpu.memory_space<semaphore_mem>>)
        %dma_wait3A = arith.constant 0 : i32
        %dma_wait3A_53 = arith.constant 0 : i32
        %dma_wait3A_54 = tpu.memref_slice %arg8[%dma_wait3A, %dma_wait3A_53] : memref<32x128xi32, #tpu.memory_space<vmem>> -> memref<16x128xi32, #tpu.memory_space<vmem>>
        %dma_wait3A_55 = arith.constant 0 : i32
        %dma_wait3A_56 = arith.constant 0 : i32
        %dma_wait3A_57 = tpu.memref_slice %arg3[%arg1, %dma_wait3A_55, %dma_wait3A_56] : memref<16x80x128xi32, #tpu.memory_space<hbm>> -> memref<1x16x128xi32, #tpu.memory_space<hbm>>
        %dma_wait3A_58 = tpu.memref_squeeze %dma_wait3A_57 : memref<1x16x128xi32, #tpu.memory_space<hbm>> -> memref<16x128xi32, #tpu.memory_space<hbm>>
        %dma_wait3A_59 = arith.constant 0 : i32
        %dma_wait3A_60 = arith.constant 0 : i32
        %dma_wait3A_61 = tpu.memref_slice %arg8[%dma_wait3A_59, %dma_wait3A_60] : memref<32x128xi32, #tpu.memory_space<vmem>> -> memref<16x128xi32, #tpu.memory_space<vmem>>
        %dma_wait3A_62 = arith.constant 0 : i32
        %dma_wait3A_63 = arith.constant 0 : i32
        %dma_wait3A_64 = tpu.memref_slice %arg3[%arg1, %dma_wait3A_62, %dma_wait3A_63] : memref<16x80x128xi32, #tpu.memory_space<hbm>> -> memref<1x16x128xi32, #tpu.memory_space<hbm>>
        %dma_wait3A_65 = tpu.memref_squeeze %dma_wait3A_64 : memref<1x16x128xi32, #tpu.memory_space<hbm>> -> memref<16x128xi32, #tpu.memory_space<hbm>>
        tpu.wait_dma2 semaphore(%run_scoped3A : memref<!tpu.dma_semaphore, #tpu.memory_space<semaphore_mem>>) src(%dma_wait3A_65 : memref<16x128xi32, #tpu.memory_space<hbm>>) dst(%dma_wait3A_61 : memref<16x128xi32, #tpu.memory_space<vmem>>)
        tpu.yield
      }) : () -> ()
      "tpu.region"() ({
        %run_scoped3A = tpu.sem_alloc : memref<!tpu.dma_semaphore, #tpu.memory_space<semaphore_mem>>
        %dma_start3A_39 = arith.constant 0 : i32
        %dma_start3A_40 = arith.constant 0 : i32
        %dma_start3A_41 = tpu.memref_slice %arg9[%dma_start3A_39, %dma_start3A_40] : memref<32x128xi32, #tpu.memory_space<vmem>> -> memref<16x128xi32, #tpu.memory_space<vmem>>
        %dma_start3A_42 = arith.constant 0 : i32
        %dma_start3A_43 = arith.constant 0 : i32
        %dma_start3A_44 = tpu.memref_slice %arg4[%arg1, %dma_start3A_42, %dma_start3A_43] : memref<16x80x128xi32, #tpu.memory_space<hbm>> -> memref<1x16x128xi32, #tpu.memory_space<hbm>>
        %dma_start3A_45 = tpu.memref_squeeze %dma_start3A_44 : memref<1x16x128xi32, #tpu.memory_space<hbm>> -> memref<16x128xi32, #tpu.memory_space<hbm>>
        %dma_start3A_46 = arith.constant 0 : i32
        %dma_start3A_47 = arith.constant 0 : i32
        %dma_start3A_48 = tpu.memref_slice %arg9[%dma_start3A_46, %dma_start3A_47] : memref<32x128xi32, #tpu.memory_space<vmem>> -> memref<16x128xi32, #tpu.memory_space<vmem>>
        %dma_start3A_49 = arith.constant 0 : i32
        %dma_start3A_50 = arith.constant 0 : i32
        %dma_start3A_51 = tpu.memref_slice %arg4[%arg1, %dma_start3A_49, %dma_start3A_50] : memref<16x80x128xi32, #tpu.memory_space<hbm>> -> memref<1x16x128xi32, #tpu.memory_space<hbm>>
        %dma_start3A_52 = tpu.memref_squeeze %dma_start3A_51 : memref<1x16x128xi32, #tpu.memory_space<hbm>> -> memref<16x128xi32, #tpu.memory_space<hbm>>
        tpu.enqueue_dma source(%dma_start3A_52 : memref<16x128xi32, #tpu.memory_space<hbm>>) target(%dma_start3A_48 : memref<16x128xi32, #tpu.memory_space<vmem>>) target_semaphore(%run_scoped3A : memref<!tpu.dma_semaphore, #tpu.memory_space<semaphore_mem>>)
        %dma_wait3A = arith.constant 0 : i32
        %dma_wait3A_53 = arith.constant 0 : i32
        %dma_wait3A_54 = tpu.memref_slice %arg9[%dma_wait3A, %dma_wait3A_53] : memref<32x128xi32, #tpu.memory_space<vmem>> -> memref<16x128xi32, #tpu.memory_space<vmem>>
        %dma_wait3A_55 = arith.constant 0 : i32
        %dma_wait3A_56 = arith.constant 0 : i32
        %dma_wait3A_57 = tpu.memref_slice %arg4[%arg1, %dma_wait3A_55, %dma_wait3A_56] : memref<16x80x128xi32, #tpu.memory_space<hbm>> -> memref<1x16x128xi32, #tpu.memory_space<hbm>>
        %dma_wait3A_58 = tpu.memref_squeeze %dma_wait3A_57 : memref<1x16x128xi32, #tpu.memory_space<hbm>> -> memref<16x128xi32, #tpu.memory_space<hbm>>
        %dma_wait3A_59 = arith.constant 0 : i32
        %dma_wait3A_60 = arith.constant 0 : i32
        %dma_wait3A_61 = tpu.memref_slice %arg9[%dma_wait3A_59, %dma_wait3A_60] : memref<32x128xi32, #tpu.memory_space<vmem>> -> memref<16x128xi32, #tpu.memory_space<vmem>>
        %dma_wait3A_62 = arith.constant 0 : i32
        %dma_wait3A_63 = arith.constant 0 : i32
        %dma_wait3A_64 = tpu.memref_slice %arg4[%arg1, %dma_wait3A_62, %dma_wait3A_63] : memref<16x80x128xi32, #tpu.memory_space<hbm>> -> memref<1x16x128xi32, #tpu.memory_space<hbm>>
        %dma_wait3A_65 = tpu.memref_squeeze %dma_wait3A_64 : memref<1x16x128xi32, #tpu.memory_space<hbm>> -> memref<16x128xi32, #tpu.memory_space<hbm>>
        tpu.wait_dma2 semaphore(%run_scoped3A : memref<!tpu.dma_semaphore, #tpu.memory_space<semaphore_mem>>) src(%dma_wait3A_65 : memref<16x128xi32, #tpu.memory_space<hbm>>) dst(%dma_wait3A_61 : memref<16x128xi32, #tpu.memory_space<vmem>>)
        tpu.yield
      }) : () -> ()
      %dma_start3A = arith.constant 0 : i32
      %dma_start3A_27 = arith.constant 0 : i32
      %dma_start3A_28 = tpu.memref_slice %arg8[%dma_start3A, %dma_start3A_27] : memref<32x128xi32, #tpu.memory_space<vmem>> -> memref<1x128xi32, #tpu.memory_space<vmem>>
      %dma_start3A_29 = tpu.memref_squeeze %dma_start3A_28 : memref<1x128xi32, #tpu.memory_space<vmem>> -> memref<128xi32, #tpu.memory_space<vmem>>
      %dma_start3A_30 = arith.constant 0 : i32
      %dma_start3A_31 = arith.constant 0 : i32
      %dma_start3A_32 = tpu.memref_slice %arg2[%dma_start3A_30, %dma_start3A_31] : memref<10000x64xi32, #tpu.memory_space<hbm>> -> memref<10000x64xi32, #tpu.memory_space<hbm>>
      tpu.enqueue_indirect_dma source(%dma_start3A_32 : memref<10000x64xi32, #tpu.memory_space<hbm>>) target(%arg10 : memref<128x64xi32, #tpu.memory_space<vmem>>) offsets(%dma_start3A_29 : memref<128xi32, #tpu.memory_space<vmem>>) semaphore(%arg14 : memref<!tpu.dma_semaphore, #tpu.memory_space<semaphore_mem>>)
      %scan3A_33 = arith.constant 0 : i32
      %scan3A_34 = arith.constant 0 : i32
      %scan3A_35 = arith.constant 80 : i32
      %scan3A_36 = arith.addi %scan3A_34, %scan3A_35 : i32
      %scan3A_37 = arith.constant 1 : i32
      scf.for %scan3A_39 = %scan3A_34 to %scan3A_36 step %scan3A_37  : i32 {
        %jit3A = arith.constant 16 : i32
        %div3A = arith.divsi %scan3A_39, %jit3A : i32
        %sign3A = arith.constant 0 : i32
        %sign3A_40 = arith.cmpi sgt, %scan3A_39, %sign3A : i32
        %sign3A_41 = arith.extui %sign3A_40 : i1 to i32
        %sign3A_42 = arith.constant 0 : i32
        %sign3A_43 = arith.cmpi slt, %scan3A_39, %sign3A_42 : i32
        %sign3A_44 = arith.extui %sign3A_43 : i1 to i32
        %sign3A_45 = arith.subi %sign3A_41, %sign3A_44 : i32
        %sign3A_46 = arith.constant 0 : i32
        %sign3A_47 = arith.cmpi sgt, %jit3A, %sign3A_46 : i32
        %sign3A_48 = arith.extui %sign3A_47 : i1 to i32
        %sign3A_49 = arith.constant 0 : i32
        %sign3A_50 = arith.cmpi slt, %jit3A, %sign3A_49 : i32
        %sign3A_51 = arith.extui %sign3A_50 : i1 to i32
        %sign3A_52 = arith.subi %sign3A_48, %sign3A_51 : i32
        %ne3A = arith.cmpi ne, %sign3A_45, %sign3A_52 : i32
        %rem3A = arith.remsi %scan3A_39, %jit3A : i32
        %ne3A_53 = arith.constant 0 : i32
        %ne3A_54 = arith.cmpi ne, %rem3A, %ne3A_53 : i32
        %and3A = arith.andi %ne3A, %ne3A_54 : i1
        %sub3A = arith.constant 1 : i32
        %sub3A_55 = arith.subi %div3A, %sub3A : i32
        %select_n3A = arith.select %and3A, %sub3A_55, %div3A : i32
        %jit3A_56 = arith.constant 2 : i32
        %eq3A_57 = arith.constant 0 : i32
        %eq3A_58 = arith.cmpi eq, %jit3A_56, %eq3A_57 : i32
        %jit3A_59 = arith.constant 1 : i32
        %select_n3A_60 = arith.select %eq3A_58, %jit3A_59, %jit3A_56 : i32
        %rem3A_61 = arith.remsi %select_n3A, %select_n3A_60 : i32
        %ne3A_62 = arith.constant 0 : i32
        %ne3A_63 = arith.cmpi ne, %rem3A_61, %ne3A_62 : i32
        %lt3A = arith.constant 0 : i32
        %lt3A_64 = arith.cmpi slt, %rem3A_61, %lt3A : i32
        %lt3A_65 = arith.constant 0 : i32
        %lt3A_66 = arith.cmpi slt, %select_n3A_60, %lt3A_65 : i32
        %ne3A_67 = arith.xori %lt3A_64, %lt3A_66 : i1
        %and3A_68 = arith.andi %ne3A_67, %ne3A_63 : i1
        %add3A_69 = arith.addi %rem3A_61, %select_n3A_60 : i32
        %select_n3A_70 = arith.select %and3A_68, %add3A_69, %rem3A_61 : i32
        %mul3A_71 = arith.constant 16 : i32
        %mul3A_72 = arith.muli %select_n3A_70, %mul3A_71 : i32
        %mul3A_73 = arith.constant 16 : i32
        %mul3A_74 = arith.muli %select_n3A, %mul3A_73 : i32
        %sub3A_75 = arith.subi %scan3A_39, %mul3A_74 : i32
        %add3A_76 = arith.addi %mul3A_72, %sub3A_75 : i32
        %mul3A_77 = arith.constant 16 : i32
        %mul3A_78 = arith.muli %select_n3A, %mul3A_77 : i32
        %eq3A_79 = arith.cmpi eq, %scan3A_39, %mul3A_78 : i32
        %add3A_80 = arith.constant 1 : i32
        %add3A_81 = arith.addi %select_n3A, %add3A_80 : i32
        %lt3A_82 = arith.constant 5 : i32
        %lt3A_83 = arith.cmpi slt, %add3A_81, %lt3A_82 : i32
        %and3A_84 = arith.andi %eq3A_79, %lt3A_83 : i1
        %convert_element_type3A_85 = arith.extui %and3A_84 : i1 to i32
        %cond3A_86 = arith.constant 0 : i32
        %cond3A_87 = arith.cmpi ne, %convert_element_type3A_85, %cond3A_86 : i32
        scf.if %cond3A_87 {
          %add3A_130 = arith.constant 1 : i32
          %add3A_131 = arith.addi %select_n3A, %add3A_130 : i32
          %jit3A_132 = arith.constant 2 : i32
          %eq3A_133 = arith.constant 0 : i32
          %eq3A_134 = arith.cmpi eq, %jit3A_132, %eq3A_133 : i32
          %jit3A_135 = arith.constant 1 : i32
          %select_n3A_136 = arith.select %eq3A_134, %jit3A_135, %jit3A_132 : i32
          %rem3A_137 = arith.remsi %add3A_131, %select_n3A_136 : i32
          %ne3A_138 = arith.constant 0 : i32
          %ne3A_139 = arith.cmpi ne, %rem3A_137, %ne3A_138 : i32
          %lt3A_140 = arith.constant 0 : i32
          %lt3A_141 = arith.cmpi slt, %rem3A_137, %lt3A_140 : i32
          %lt3A_142 = arith.constant 0 : i32
          %lt3A_143 = arith.cmpi slt, %select_n3A_136, %lt3A_142 : i32
          %ne3A_144 = arith.xori %lt3A_141, %lt3A_143 : i1
          %and3A_145 = arith.andi %ne3A_144, %ne3A_139 : i1
          %add3A_146 = arith.addi %rem3A_137, %select_n3A_136 : i32
          %select_n3A_147 = arith.select %and3A_145, %add3A_146, %rem3A_137 : i32
          %mul3A_148 = arith.constant 16 : i32
          %mul3A_149 = arith.muli %select_n3A_147, %mul3A_148 : i32
          %add3A_150 = arith.constant 1 : i32
          %add3A_151 = arith.addi %select_n3A, %add3A_150 : i32
          %mul3A_152 = arith.constant 16 : i32
          %mul3A_153 = arith.muli %add3A_151, %mul3A_152 : i32
          "tpu.region"() ({
            %run_scoped3A = tpu.sem_alloc : memref<!tpu.dma_semaphore, #tpu.memory_space<semaphore_mem>>
            %dma_start3A_158 = arith.constant 0 : i32
            %dma_start3A_159 = tpu.memref_slice %arg8[%mul3A_149, %dma_start3A_158] : memref<32x128xi32, #tpu.memory_space<vmem>> -> memref<16x128xi32, #tpu.memory_space<vmem>>
            %dma_start3A_160 = arith.constant 0 : i32
            %dma_start3A_161 = tpu.memref_slice %arg3[%arg1, %mul3A_153, %dma_start3A_160] : memref<16x80x128xi32, #tpu.memory_space<hbm>> -> memref<1x16x128xi32, #tpu.memory_space<hbm>>
            %dma_start3A_162 = tpu.memref_squeeze %dma_start3A_161 : memref<1x16x128xi32, #tpu.memory_space<hbm>> -> memref<16x128xi32, #tpu.memory_space<hbm>>
            %dma_start3A_163 = arith.constant 0 : i32
            %dma_start3A_164 = tpu.memref_slice %arg8[%mul3A_149, %dma_start3A_163] : memref<32x128xi32, #tpu.memory_space<vmem>> -> memref<16x128xi32, #tpu.memory_space<vmem>>
            %dma_start3A_165 = arith.constant 0 : i32
            %dma_start3A_166 = tpu.memref_slice %arg3[%arg1, %mul3A_153, %dma_start3A_165] : memref<16x80x128xi32, #tpu.memory_space<hbm>> -> memref<1x16x128xi32, #tpu.memory_space<hbm>>
            %dma_start3A_167 = tpu.memref_squeeze %dma_start3A_166 : memref<1x16x128xi32, #tpu.memory_space<hbm>> -> memref<16x128xi32, #tpu.memory_space<hbm>>
            tpu.enqueue_dma source(%dma_start3A_167 : memref<16x128xi32, #tpu.memory_space<hbm>>) target(%dma_start3A_164 : memref<16x128xi32, #tpu.memory_space<vmem>>) target_semaphore(%run_scoped3A : memref<!tpu.dma_semaphore, #tpu.memory_space<semaphore_mem>>)
            %dma_wait3A = arith.constant 0 : i32
            %dma_wait3A_168 = tpu.memref_slice %arg8[%mul3A_149, %dma_wait3A] : memref<32x128xi32, #tpu.memory_space<vmem>> -> memref<16x128xi32, #tpu.memory_space<vmem>>
            %dma_wait3A_169 = arith.constant 0 : i32
            %dma_wait3A_170 = tpu.memref_slice %arg3[%arg1, %mul3A_153, %dma_wait3A_169] : memref<16x80x128xi32, #tpu.memory_space<hbm>> -> memref<1x16x128xi32, #tpu.memory_space<hbm>>
            %dma_wait3A_171 = tpu.memref_squeeze %dma_wait3A_170 : memref<1x16x128xi32, #tpu.memory_space<hbm>> -> memref<16x128xi32, #tpu.memory_space<hbm>>
            %dma_wait3A_172 = arith.constant 0 : i32
            %dma_wait3A_173 = tpu.memref_slice %arg8[%mul3A_149, %dma_wait3A_172] : memref<32x128xi32, #tpu.memory_space<vmem>> -> memref<16x128xi32, #tpu.memory_space<vmem>>
            %dma_wait3A_174 = arith.constant 0 : i32
            %dma_wait3A_175 = tpu.memref_slice %arg3[%arg1, %mul3A_153, %dma_wait3A_174] : memref<16x80x128xi32, #tpu.memory_space<hbm>> -> memref<1x16x128xi32, #tpu.memory_space<hbm>>
            %dma_wait3A_176 = tpu.memref_squeeze %dma_wait3A_175 : memref<1x16x128xi32, #tpu.memory_space<hbm>> -> memref<16x128xi32, #tpu.memory_space<hbm>>
            tpu.wait_dma2 semaphore(%run_scoped3A : memref<!tpu.dma_semaphore, #tpu.memory_space<semaphore_mem>>) src(%dma_wait3A_176 : memref<16x128xi32, #tpu.memory_space<hbm>>) dst(%dma_wait3A_173 : memref<16x128xi32, #tpu.memory_space<vmem>>)
            tpu.yield
          }) : () -> ()
          %add3A_154 = arith.constant 1 : i32
          %add3A_155 = arith.addi %select_n3A, %add3A_154 : i32
          %mul3A_156 = arith.constant 16 : i32
          %mul3A_157 = arith.muli %add3A_155, %mul3A_156 : i32
          "tpu.region"() ({
            %run_scoped3A = tpu.sem_alloc : memref<!tpu.dma_semaphore, #tpu.memory_space<semaphore_mem>>
            %dma_start3A_158 = arith.constant 0 : i32
            %dma_start3A_159 = tpu.memref_slice %arg9[%mul3A_149, %dma_start3A_158] : memref<32x128xi32, #tpu.memory_space<vmem>> -> memref<16x128xi32, #tpu.memory_space<vmem>>
            %dma_start3A_160 = arith.constant 0 : i32
            %dma_start3A_161 = tpu.memref_slice %arg4[%arg1, %mul3A_157, %dma_start3A_160] : memref<16x80x128xi32, #tpu.memory_space<hbm>> -> memref<1x16x128xi32, #tpu.memory_space<hbm>>
            %dma_start3A_162 = tpu.memref_squeeze %dma_start3A_161 : memref<1x16x128xi32, #tpu.memory_space<hbm>> -> memref<16x128xi32, #tpu.memory_space<hbm>>
            %dma_start3A_163 = arith.constant 0 : i32
            %dma_start3A_164 = tpu.memref_slice %arg9[%mul3A_149, %dma_start3A_163] : memref<32x128xi32, #tpu.memory_space<vmem>> -> memref<16x128xi32, #tpu.memory_space<vmem>>
            %dma_start3A_165 = arith.constant 0 : i32
            %dma_start3A_166 = tpu.memref_slice %arg4[%arg1, %mul3A_157, %dma_start3A_165] : memref<16x80x128xi32, #tpu.memory_space<hbm>> -> memref<1x16x128xi32, #tpu.memory_space<hbm>>
            %dma_start3A_167 = tpu.memref_squeeze %dma_start3A_166 : memref<1x16x128xi32, #tpu.memory_space<hbm>> -> memref<16x128xi32, #tpu.memory_space<hbm>>
            tpu.enqueue_dma source(%dma_start3A_167 : memref<16x128xi32, #tpu.memory_space<hbm>>) target(%dma_start3A_164 : memref<16x128xi32, #tpu.memory_space<vmem>>) target_semaphore(%run_scoped3A : memref<!tpu.dma_semaphore, #tpu.memory_space<semaphore_mem>>)
            %dma_wait3A = arith.constant 0 : i32
            %dma_wait3A_168 = tpu.memref_slice %arg9[%mul3A_149, %dma_wait3A] : memref<32x128xi32, #tpu.memory_space<vmem>> -> memref<16x128xi32, #tpu.memory_space<vmem>>
            %dma_wait3A_169 = arith.constant 0 : i32
            %dma_wait3A_170 = tpu.memref_slice %arg4[%arg1, %mul3A_157, %dma_wait3A_169] : memref<16x80x128xi32, #tpu.memory_space<hbm>> -> memref<1x16x128xi32, #tpu.memory_space<hbm>>
            %dma_wait3A_171 = tpu.memref_squeeze %dma_wait3A_170 : memref<1x16x128xi32, #tpu.memory_space<hbm>> -> memref<16x128xi32, #tpu.memory_space<hbm>>
            %dma_wait3A_172 = arith.constant 0 : i32
            %dma_wait3A_173 = tpu.memref_slice %arg9[%mul3A_149, %dma_wait3A_172] : memref<32x128xi32, #tpu.memory_space<vmem>> -> memref<16x128xi32, #tpu.memory_space<vmem>>
            %dma_wait3A_174 = arith.constant 0 : i32
            %dma_wait3A_175 = tpu.memref_slice %arg4[%arg1, %mul3A_157, %dma_wait3A_174] : memref<16x80x128xi32, #tpu.memory_space<hbm>> -> memref<1x16x128xi32, #tpu.memory_space<hbm>>
            %dma_wait3A_176 = tpu.memref_squeeze %dma_wait3A_175 : memref<1x16x128xi32, #tpu.memory_space<hbm>> -> memref<16x128xi32, #tpu.memory_space<hbm>>
            tpu.wait_dma2 semaphore(%run_scoped3A : memref<!tpu.dma_semaphore, #tpu.memory_space<semaphore_mem>>) src(%dma_wait3A_176 : memref<16x128xi32, #tpu.memory_space<hbm>>) dst(%dma_wait3A_173 : memref<16x128xi32, #tpu.memory_space<vmem>>)
            tpu.yield
          }) : () -> ()
        } else {
        }
        %jit3A_88 = arith.constant 2 : i32
        %eq3A_89 = arith.constant 0 : i32
        %eq3A_90 = arith.cmpi eq, %jit3A_88, %eq3A_89 : i32
        %jit3A_91 = arith.constant 1 : i32
        %select_n3A_92 = arith.select %eq3A_90, %jit3A_91, %jit3A_88 : i32
        %rem3A_93 = arith.remsi %scan3A_39, %select_n3A_92 : i32
        %ne3A_94 = arith.constant 0 : i32
        %ne3A_95 = arith.cmpi ne, %rem3A_93, %ne3A_94 : i32
        %lt3A_96 = arith.constant 0 : i32
        %lt3A_97 = arith.cmpi slt, %rem3A_93, %lt3A_96 : i32
        %lt3A_98 = arith.constant 0 : i32
        %lt3A_99 = arith.cmpi slt, %select_n3A_92, %lt3A_98 : i32
        %ne3A_100 = arith.xori %lt3A_97, %lt3A_99 : i1
        %and3A_101 = arith.andi %ne3A_100, %ne3A_95 : i1
        %add3A_102 = arith.addi %rem3A_93, %select_n3A_92 : i32
        %select_n3A_103 = arith.select %and3A_101, %add3A_102, %rem3A_93 : i32
        %eq3A_104 = arith.constant 0 : i32
        %eq3A_105 = arith.cmpi eq, %select_n3A_103, %eq3A_104 : i32
        %convert_element_type3A_106 = arith.extui %eq3A_105 : i1 to i32
        %cond3A_107 = arith.constant 0 : i32
        %cond3A_108 = arith.cmpi ne, %convert_element_type3A_106, %cond3A_107 : i32
        scf.if %cond3A_108 {
          %dma_wait3A = arith.constant 0 : i32
          %dma_wait3A_130 = tpu.memref_slice %arg8[%add3A_76, %dma_wait3A] : memref<32x128xi32, #tpu.memory_space<vmem>> -> memref<1x128xi32, #tpu.memory_space<vmem>>
          %dma_wait3A_131 = tpu.memref_squeeze %dma_wait3A_130 : memref<1x128xi32, #tpu.memory_space<vmem>> -> memref<128xi32, #tpu.memory_space<vmem>>
          %dma_wait3A_132 = arith.constant 0 : i32
          %dma_wait3A_133 = arith.constant 0 : i32
          %dma_wait3A_134 = tpu.memref_slice %arg2[%dma_wait3A_132, %dma_wait3A_133] : memref<10000x64xi32, #tpu.memory_space<hbm>> -> memref<10000x64xi32, #tpu.memory_space<hbm>>
          tpu.wait_indirect_dma semaphore(%arg14 : memref<!tpu.dma_semaphore, #tpu.memory_space<semaphore_mem>>) src(%dma_wait3A_134 : memref<10000x64xi32, #tpu.memory_space<hbm>>) dst(%arg10 : memref<128x64xi32, #tpu.memory_space<vmem>>)
          %add3A_135 = arith.constant 1 : i32
          %add3A_136 = arith.addi %scan3A_39, %add3A_135 : i32
          %lt3A_137 = arith.constant 80 : i32
          %lt3A_138 = arith.cmpi slt, %add3A_136, %lt3A_137 : i32
          %convert_element_type3A_139 = arith.extui %lt3A_138 : i1 to i32
          %cond3A_140 = arith.constant 0 : i32
          %cond3A_141 = arith.cmpi ne, %convert_element_type3A_139, %cond3A_140 : i32
          scf.if %cond3A_141 {
            %add3A_148 = arith.constant 1 : i32
            %add3A_149 = arith.addi %scan3A_39, %add3A_148 : i32
            %jit3A_150 = arith.constant 16 : i32
            %div3A_151 = arith.divsi %add3A_149, %jit3A_150 : i32
            %sign3A_152 = arith.constant 0 : i32
            %sign3A_153 = arith.cmpi sgt, %add3A_149, %sign3A_152 : i32
            %sign3A_154 = arith.extui %sign3A_153 : i1 to i32
            %sign3A_155 = arith.constant 0 : i32
            %sign3A_156 = arith.cmpi slt, %add3A_149, %sign3A_155 : i32
            %sign3A_157 = arith.extui %sign3A_156 : i1 to i32
            %sign3A_158 = arith.subi %sign3A_154, %sign3A_157 : i32
            %sign3A_159 = arith.constant 0 : i32
            %sign3A_160 = arith.cmpi sgt, %jit3A_150, %sign3A_159 : i32
            %sign3A_161 = arith.extui %sign3A_160 : i1 to i32
            %sign3A_162 = arith.constant 0 : i32
            %sign3A_163 = arith.cmpi slt, %jit3A_150, %sign3A_162 : i32
            %sign3A_164 = arith.extui %sign3A_163 : i1 to i32
            %sign3A_165 = arith.subi %sign3A_161, %sign3A_164 : i32
            %ne3A_166 = arith.cmpi ne, %sign3A_158, %sign3A_165 : i32
            %rem3A_167 = arith.remsi %add3A_149, %jit3A_150 : i32
            %ne3A_168 = arith.constant 0 : i32
            %ne3A_169 = arith.cmpi ne, %rem3A_167, %ne3A_168 : i32
            %and3A_170 = arith.andi %ne3A_166, %ne3A_169 : i1
            %sub3A_171 = arith.constant 1 : i32
            %sub3A_172 = arith.subi %div3A_151, %sub3A_171 : i32
            %select_n3A_173 = arith.select %and3A_170, %sub3A_172, %div3A_151 : i32
            %jit3A_174 = arith.constant 2 : i32
            %eq3A_175 = arith.constant 0 : i32
            %eq3A_176 = arith.cmpi eq, %jit3A_174, %eq3A_175 : i32
            %jit3A_177 = arith.constant 1 : i32
            %select_n3A_178 = arith.select %eq3A_176, %jit3A_177, %jit3A_174 : i32
            %rem3A_179 = arith.remsi %select_n3A_173, %select_n3A_178 : i32
            %ne3A_180 = arith.constant 0 : i32
            %ne3A_181 = arith.cmpi ne, %rem3A_179, %ne3A_180 : i32
            %lt3A_182 = arith.constant 0 : i32
            %lt3A_183 = arith.cmpi slt, %rem3A_179, %lt3A_182 : i32
            %lt3A_184 = arith.constant 0 : i32
            %lt3A_185 = arith.cmpi slt, %select_n3A_178, %lt3A_184 : i32
            %ne3A_186 = arith.xori %lt3A_183, %lt3A_185 : i1
            %and3A_187 = arith.andi %ne3A_186, %ne3A_181 : i1
            %add3A_188 = arith.addi %rem3A_179, %select_n3A_178 : i32
            %select_n3A_189 = arith.select %and3A_187, %add3A_188, %rem3A_179 : i32
            %mul3A_190 = arith.constant 16 : i32
            %mul3A_191 = arith.muli %select_n3A_189, %mul3A_190 : i32
            %mul3A_192 = arith.constant 16 : i32
            %mul3A_193 = arith.muli %select_n3A_173, %mul3A_192 : i32
            %sub3A_194 = arith.subi %add3A_149, %mul3A_193 : i32
            %add3A_195 = arith.addi %mul3A_191, %sub3A_194 : i32
            %dma_start3A_196 = arith.constant 0 : i32
            %dma_start3A_197 = tpu.memref_slice %arg8[%add3A_195, %dma_start3A_196] : memref<32x128xi32, #tpu.memory_space<vmem>> -> memref<1x128xi32, #tpu.memory_space<vmem>>
            %dma_start3A_198 = tpu.memref_squeeze %dma_start3A_197 : memref<1x128xi32, #tpu.memory_space<vmem>> -> memref<128xi32, #tpu.memory_space<vmem>>
            %dma_start3A_199 = arith.constant 0 : i32
            %dma_start3A_200 = arith.constant 0 : i32
            %dma_start3A_201 = tpu.memref_slice %arg2[%dma_start3A_199, %dma_start3A_200] : memref<10000x64xi32, #tpu.memory_space<hbm>> -> memref<10000x64xi32, #tpu.memory_space<hbm>>
            tpu.enqueue_indirect_dma source(%dma_start3A_201 : memref<10000x64xi32, #tpu.memory_space<hbm>>) target(%arg11 : memref<128x64xi32, #tpu.memory_space<vmem>>) offsets(%dma_start3A_198 : memref<128xi32, #tpu.memory_space<vmem>>) semaphore(%arg15 : memref<!tpu.dma_semaphore, #tpu.memory_space<semaphore_mem>>)
          } else {
          }
          %scan3A_142 = arith.constant 0 : i32
          %scan3A_143 = arith.constant 0 : i32
          %scan3A_144 = arith.constant 128 : i32
          %scan3A_145 = arith.addi %scan3A_143, %scan3A_144 : i32
          %scan3A_146 = arith.constant 1 : i32
          scf.for %scan3A_148 = %scan3A_143 to %scan3A_145 step %scan3A_146  : i32 {
            %get3A = arith.index_cast %scan3A_148 : i32 to index
            %get3A_149 = arith.constant 0 : index
            %get3A_150 = tpu.vector_load %arg10[%get3A, %get3A_149] {strides = array<i32>} : memref<128x64xi32, #tpu.memory_space<vmem>>, vector<1x16xi32>,
            %get3A_151 = vector.shape_cast %get3A_150 : vector<1x16xi32> to vector<16xi32>
            %shift_left3A = arith.constant 16 : i32
            %shift_left3A_152 = vector.broadcast %shift_left3A : i32 to vector<16xi32>
            %shift_left3A_153 = arith.shli %get3A_151, %shift_left3A_152 : vector<16xi32>
            %bitcast_convert_type3A = tpu.bitcast %shift_left3A_153 : vector<16xi32> -> vector<16xf32>
            %and3A_154 = arith.constant -65536 : i32
            %and3A_155 = vector.broadcast %and3A_154 : i32 to vector<16xi32>
            %and3A_156 = arith.andi %get3A_151, %and3A_155 : vector<16xi32>
            %bitcast_convert_type3A_157 = tpu.bitcast %and3A_156 : vector<16xi32> -> vector<16xf32>
            %swap3A = arith.index_cast %scan3A_148 : i32 to index
            %swap3A_158 = arith.constant 0 : index
            %swap3A_159 = tpu.vector_load %arg12[%swap3A, %swap3A_158] {strides = array<i32>} : memref<128x128xf32, #tpu.memory_space<vmem>>, vector<1x16xf32>,
            %swap3A_160 = vector.shape_cast %swap3A_159 : vector<1x16xf32> to vector<16xf32>
            %swap3A_161 = vector.shape_cast %bitcast_convert_type3A : vector<16xf32> to vector<1x16xf32>
            tpu.vector_store %arg12[%swap3A, %swap3A_158], %swap3A_161 {strides = array<i32>} : memref<128x128xf32, #tpu.memory_space<vmem>>, vector<1x16xf32>,
            %swap3A_162 = arith.index_cast %scan3A_148 : i32 to index
            %swap3A_163 = arith.constant 16 : index
            %swap3A_164 = tpu.vector_load %arg12[%swap3A_162, %swap3A_163] {strides = array<i32>} : memref<128x128xf32, #tpu.memory_space<vmem>>, vector<1x16xf32>,
            %swap3A_165 = vector.shape_cast %swap3A_164 : vector<1x16xf32> to vector<16xf32>
            %swap3A_166 = vector.shape_cast %bitcast_convert_type3A_157 : vector<16xf32> to vector<1x16xf32>
            tpu.vector_store %arg12[%swap3A_162, %swap3A_163], %swap3A_166 {strides = array<i32>} : memref<128x128xf32, #tpu.memory_space<vmem>>, vector<1x16xf32>,
            %get3A_167 = arith.index_cast %scan3A_148 : i32 to index
            %get3A_168 = arith.constant 16 : index
            %get3A_169 = tpu.vector_load %arg10[%get3A_167, %get3A_168] {strides = array<i32>} : memref<128x64xi32, #tpu.memory_space<vmem>>, vector<1x16xi32>,
            %get3A_170 = vector.shape_cast %get3A_169 : vector<1x16xi32> to vector<16xi32>
            %shift_left3A_171 = arith.constant 16 : i32
            %shift_left3A_172 = vector.broadcast %shift_left3A_171 : i32 to vector<16xi32>
            %shift_left3A_173 = arith.shli %get3A_170, %shift_left3A_172 : vector<16xi32>
            %bitcast_convert_type3A_174 = tpu.bitcast %shift_left3A_173 : vector<16xi32> -> vector<16xf32>
            %and3A_175 = arith.constant -65536 : i32
            %and3A_176 = vector.broadcast %and3A_175 : i32 to vector<16xi32>
            %and3A_177 = arith.andi %get3A_170, %and3A_176 : vector<16xi32>
            %bitcast_convert_type3A_178 = tpu.bitcast %and3A_177 : vector<16xi32> -> vector<16xf32>
            %swap3A_179 = arith.index_cast %scan3A_148 : i32 to index
            %swap3A_180 = arith.constant 32 : index
            %swap3A_181 = tpu.vector_load %arg12[%swap3A_179, %swap3A_180] {strides = array<i32>} : memref<128x128xf32, #tpu.memory_space<vmem>>, vector<1x16xf32>,
            %swap3A_182 = vector.shape_cast %swap3A_181 : vector<1x16xf32> to vector<16xf32>
            %swap3A_183 = vector.shape_cast %bitcast_convert_type3A_174 : vector<16xf32> to vector<1x16xf32>
            tpu.vector_store %arg12[%swap3A_179, %swap3A_180], %swap3A_183 {strides = array<i32>} : memref<128x128xf32, #tpu.memory_space<vmem>>, vector<1x16xf32>,
            %swap3A_184 = arith.index_cast %scan3A_148 : i32 to index
            %swap3A_185 = arith.constant 48 : index
            %swap3A_186 = tpu.vector_load %arg12[%swap3A_184, %swap3A_185] {strides = array<i32>} : memref<128x128xf32, #tpu.memory_space<vmem>>, vector<1x16xf32>,
            %swap3A_187 = vector.shape_cast %swap3A_186 : vector<1x16xf32> to vector<16xf32>
            %swap3A_188 = vector.shape_cast %bitcast_convert_type3A_178 : vector<16xf32> to vector<1x16xf32>
            tpu.vector_store %arg12[%swap3A_184, %swap3A_185], %swap3A_188 {strides = array<i32>} : memref<128x128xf32, #tpu.memory_space<vmem>>, vector<1x16xf32>,
            %get3A_189 = arith.index_cast %scan3A_148 : i32 to index
            %get3A_190 = arith.constant 32 : index
            %get3A_191 = tpu.vector_load %arg10[%get3A_189, %get3A_190] {strides = array<i32>} : memref<128x64xi32, #tpu.memory_space<vmem>>, vector<1x16xi32>,
            %get3A_192 = vector.shape_cast %get3A_191 : vector<1x16xi32> to vector<16xi32>
            %shift_left3A_193 = arith.constant 16 : i32
            %shift_left3A_194 = vector.broadcast %shift_left3A_193 : i32 to vector<16xi32>
            %shift_left3A_195 = arith.shli %get3A_192, %shift_left3A_194 : vector<16xi32>
            %bitcast_convert_type3A_196 = tpu.bitcast %shift_left3A_195 : vector<16xi32> -> vector<16xf32>
            %and3A_197 = arith.constant -65536 : i32
            %and3A_198 = vector.broadcast %and3A_197 : i32 to vector<16xi32>
            %and3A_199 = arith.andi %get3A_192, %and3A_198 : vector<16xi32>
            %bitcast_convert_type3A_200 = tpu.bitcast %and3A_199 : vector<16xi32> -> vector<16xf32>
            %swap3A_201 = arith.index_cast %scan3A_148 : i32 to index
            %swap3A_202 = arith.constant 64 : index
            %swap3A_203 = tpu.vector_load %arg12[%swap3A_201, %swap3A_202] {strides = array<i32>} : memref<128x128xf32, #tpu.memory_space<vmem>>, vector<1x16xf32>,
            %swap3A_204 = vector.shape_cast %swap3A_203 : vector<1x16xf32> to vector<16xf32>
            %swap3A_205 = vector.shape_cast %bitcast_convert_type3A_196 : vector<16xf32> to vector<1x16xf32>
            tpu.vector_store %arg12[%swap3A_201, %swap3A_202], %swap3A_205 {strides = array<i32>} : memref<128x128xf32, #tpu.memory_space<vmem>>, vector<1x16xf32>,
            %swap3A_206 = arith.index_cast %scan3A_148 : i32 to index
            %swap3A_207 = arith.constant 80 : index
            %swap3A_208 = tpu.vector_load %arg12[%swap3A_206, %swap3A_207] {strides = array<i32>} : memref<128x128xf32, #tpu.memory_space<vmem>>, vector<1x16xf32>,
            %swap3A_209 = vector.shape_cast %swap3A_208 : vector<1x16xf32> to vector<16xf32>
            %swap3A_210 = vector.shape_cast %bitcast_convert_type3A_200 : vector<16xf32> to vector<1x16xf32>
            tpu.vector_store %arg12[%swap3A_206, %swap3A_207], %swap3A_210 {strides = array<i32>} : memref<128x128xf32, #tpu.memory_space<vmem>>, vector<1x16xf32>,
            %get3A_211 = arith.index_cast %scan3A_148 : i32 to index
            %get3A_212 = arith.constant 48 : index
            %get3A_213 = tpu.vector_load %arg10[%get3A_211, %get3A_212] {strides = array<i32>} : memref<128x64xi32, #tpu.memory_space<vmem>>, vector<1x16xi32>,
            %get3A_214 = vector.shape_cast %get3A_213 : vector<1x16xi32> to vector<16xi32>
            %shift_left3A_215 = arith.constant 16 : i32
            %shift_left3A_216 = vector.broadcast %shift_left3A_215 : i32 to vector<16xi32>
            %shift_left3A_217 = arith.shli %get3A_214, %shift_left3A_216 : vector<16xi32>
            %bitcast_convert_type3A_218 = tpu.bitcast %shift_left3A_217 : vector<16xi32> -> vector<16xf32>
            %and3A_219 = arith.constant -65536 : i32
            %and3A_220 = vector.broadcast %and3A_219 : i32 to vector<16xi32>
            %and3A_221 = arith.andi %get3A_214, %and3A_220 : vector<16xi32>
            %bitcast_convert_type3A_222 = tpu.bitcast %and3A_221 : vector<16xi32> -> vector<16xf32>
            %swap3A_223 = arith.index_cast %scan3A_148 : i32 to index
            %swap3A_224 = arith.constant 96 : index
            %swap3A_225 = tpu.vector_load %arg12[%swap3A_223, %swap3A_224] {strides = array<i32>} : memref<128x128xf32, #tpu.memory_space<vmem>>, vector<1x16xf32>,
            %swap3A_226 = vector.shape_cast %swap3A_225 : vector<1x16xf32> to vector<16xf32>
            %swap3A_227 = vector.shape_cast %bitcast_convert_type3A_218 : vector<16xf32> to vector<1x16xf32>
            tpu.vector_store %arg12[%swap3A_223, %swap3A_224], %swap3A_227 {strides = array<i32>} : memref<128x128xf32, #tpu.memory_space<vmem>>, vector<1x16xf32>,
            %swap3A_228 = arith.index_cast %scan3A_148 : i32 to index
            %swap3A_229 = arith.constant 112 : index
            %swap3A_230 = tpu.vector_load %arg12[%swap3A_228, %swap3A_229] {strides = array<i32>} : memref<128x128xf32, #tpu.memory_space<vmem>>, vector<1x16xf32>,
            %swap3A_231 = vector.shape_cast %swap3A_230 : vector<1x16xf32> to vector<16xf32>
            %swap3A_232 = vector.shape_cast %bitcast_convert_type3A_222 : vector<16xf32> to vector<1x16xf32>
            tpu.vector_store %arg12[%swap3A_228, %swap3A_229], %swap3A_232 {strides = array<i32>} : memref<128x128xf32, #tpu.memory_space<vmem>>, vector<1x16xf32>,
          }
          %scan3A_147 = arith.constant 128 : i32
          "tpu.region"() ({
            %run_scoped3A = tpu.sem_alloc : memref<!tpu.dma_semaphore, #tpu.memory_space<semaphore_mem>>
            %dma_start3A_148 = arith.constant 0 : i32
            %dma_start3A_149 = tpu.memref_slice %arg9[%add3A_76, %dma_start3A_148] : memref<32x128xi32, #tpu.memory_space<vmem>> -> memref<1x128xi32, #tpu.memory_space<vmem>>
            %dma_start3A_150 = tpu.memref_squeeze %dma_start3A_149 : memref<1x128xi32, #tpu.memory_space<vmem>> -> memref<128xi32, #tpu.memory_space<vmem>>
            %dma_start3A_151 = arith.constant 0 : i32
            %dma_start3A_152 = arith.constant 0 : i32
            %dma_start3A_153 = tpu.memref_slice %arg13[%dma_start3A_151, %dma_start3A_152] : memref<10240x128xf32, #tpu.memory_space<vmem_shared>> -> memref<10240x128xf32, #tpu.memory_space<vmem_shared>>
            tpu.enqueue_indirect_dma source(%arg12 : memref<128x128xf32, #tpu.memory_space<vmem>>) target(%dma_start3A_153 : memref<10240x128xf32, #tpu.memory_space<vmem_shared>>) offsets(%dma_start3A_150 : memref<128xi32, #tpu.memory_space<vmem>>) semaphore(%run_scoped3A : memref<!tpu.dma_semaphore, #tpu.memory_space<semaphore_mem>>) {add = true}
            %dma_wait3A_154 = arith.constant 0 : i32
            %dma_wait3A_155 = tpu.memref_slice %arg9[%add3A_76, %dma_wait3A_154] : memref<32x128xi32, #tpu.memory_space<vmem>> -> memref<1x128xi32, #tpu.memory_space<vmem>>
            %dma_wait3A_156 = tpu.memref_squeeze %dma_wait3A_155 : memref<1x128xi32, #tpu.memory_space<vmem>> -> memref<128xi32, #tpu.memory_space<vmem>>
            %dma_wait3A_157 = arith.constant 0 : i32
            %dma_wait3A_158 = arith.constant 0 : i32
            %dma_wait3A_159 = tpu.memref_slice %arg13[%dma_wait3A_157, %dma_wait3A_158] : memref<10240x128xf32, #tpu.memory_space<vmem_shared>> -> memref<10240x128xf32, #tpu.memory_space<vmem_shared>>
            tpu.wait_indirect_dma semaphore(%run_scoped3A : memref<!tpu.dma_semaphore, #tpu.memory_space<semaphore_mem>>) src(%arg12 : memref<128x128xf32, #tpu.memory_space<vmem>>) dst(%dma_wait3A_159 : memref<10240x128xf32, #tpu.memory_space<vmem_shared>>)
            tpu.yield
          }) : () -> ()
        } else {
        }
        %jit3A_109 = arith.constant 2 : i32
        %eq3A_110 = arith.constant 0 : i32
        %eq3A_111 = arith.cmpi eq, %jit3A_109, %eq3A_110 : i32
        %jit3A_112 = arith.constant 1 : i32
        %select_n3A_113 = arith.select %eq3A_111, %jit3A_112, %jit3A_109 : i32
        %rem3A_114 = arith.remsi %scan3A_39, %select_n3A_113 : i32
        %ne3A_115 = arith.constant 0 : i32
        %ne3A_116 = arith.cmpi ne, %rem3A_114, %ne3A_115 : i32
        %lt3A_117 = arith.constant 0 : i32
        %lt3A_118 = arith.cmpi slt, %rem3A_114, %lt3A_117 : i32
        %lt3A_119 = arith.constant 0 : i32
        %lt3A_120 = arith.cmpi slt, %select_n3A_113, %lt3A_119 : i32
        %ne3A_121 = arith.xori %lt3A_118, %lt3A_120 : i1
        %and3A_122 = arith.andi %ne3A_121, %ne3A_116 : i1
        %add3A_123 = arith.addi %rem3A_114, %select_n3A_113 : i32
        %select_n3A_124 = arith.select %and3A_122, %add3A_123, %rem3A_114 : i32
        %eq3A_125 = arith.constant 1 : i32
        %eq3A_126 = arith.cmpi eq, %select_n3A_124, %eq3A_125 : i32
        %convert_element_type3A_127 = arith.extui %eq3A_126 : i1 to i32
        %cond3A_128 = arith.constant 0 : i32
        %cond3A_129 = arith.cmpi ne, %convert_element_type3A_127, %cond3A_128 : i32
        scf.if %cond3A_129 {
          %dma_wait3A = arith.constant 0 : i32
          %dma_wait3A_130 = tpu.memref_slice %arg8[%add3A_76, %dma_wait3A] : memref<32x128xi32, #tpu.memory_space<vmem>> -> memref<1x128xi32, #tpu.memory_space<vmem>>
          %dma_wait3A_131 = tpu.memref_squeeze %dma_wait3A_130 : memref<1x128xi32, #tpu.memory_space<vmem>> -> memref<128xi32, #tpu.memory_space<vmem>>
          %dma_wait3A_132 = arith.constant 0 : i32
          %dma_wait3A_133 = arith.constant 0 : i32
          %dma_wait3A_134 = tpu.memref_slice %arg2[%dma_wait3A_132, %dma_wait3A_133] : memref<10000x64xi32, #tpu.memory_space<hbm>> -> memref<10000x64xi32, #tpu.memory_space<hbm>>
          tpu.wait_indirect_dma semaphore(%arg15 : memref<!tpu.dma_semaphore, #tpu.memory_space<semaphore_mem>>) src(%dma_wait3A_134 : memref<10000x64xi32, #tpu.memory_space<hbm>>) dst(%arg11 : memref<128x64xi32, #tpu.memory_space<vmem>>)
          %add3A_135 = arith.constant 1 : i32
          %add3A_136 = arith.addi %scan3A_39, %add3A_135 : i32
          %lt3A_137 = arith.constant 80 : i32
          %lt3A_138 = arith.cmpi slt, %add3A_136, %lt3A_137 : i32
          %convert_element_type3A_139 = arith.extui %lt3A_138 : i1 to i32
          %cond3A_140 = arith.constant 0 : i32
          %cond3A_141 = arith.cmpi ne, %convert_element_type3A_139, %cond3A_140 : i32
          scf.if %cond3A_141 {
            %add3A_148 = arith.constant 1 : i32
            %add3A_149 = arith.addi %scan3A_39, %add3A_148 : i32
            %jit3A_150 = arith.constant 16 : i32
            %div3A_151 = arith.divsi %add3A_149, %jit3A_150 : i32
            %sign3A_152 = arith.constant 0 : i32
            %sign3A_153 = arith.cmpi sgt, %add3A_149, %sign3A_152 : i32
            %sign3A_154 = arith.extui %sign3A_153 : i1 to i32
            %sign3A_155 = arith.constant 0 : i32
            %sign3A_156 = arith.cmpi slt, %add3A_149, %sign3A_155 : i32
            %sign3A_157 = arith.extui %sign3A_156 : i1 to i32
            %sign3A_158 = arith.subi %sign3A_154, %sign3A_157 : i32
            %sign3A_159 = arith.constant 0 : i32
            %sign3A_160 = arith.cmpi sgt, %jit3A_150, %sign3A_159 : i32
            %sign3A_161 = arith.extui %sign3A_160 : i1 to i32
            %sign3A_162 = arith.constant 0 : i32
            %sign3A_163 = arith.cmpi slt, %jit3A_150, %sign3A_162 : i32
            %sign3A_164 = arith.extui %sign3A_163 : i1 to i32
            %sign3A_165 = arith.subi %sign3A_161, %sign3A_164 : i32
            %ne3A_166 = arith.cmpi ne, %sign3A_158, %sign3A_165 : i32
            %rem3A_167 = arith.remsi %add3A_149, %jit3A_150 : i32
            %ne3A_168 = arith.constant 0 : i32
            %ne3A_169 = arith.cmpi ne, %rem3A_167, %ne3A_168 : i32
            %and3A_170 = arith.andi %ne3A_166, %ne3A_169 : i1
            %sub3A_171 = arith.constant 1 : i32
            %sub3A_172 = arith.subi %div3A_151, %sub3A_171 : i32
            %select_n3A_173 = arith.select %and3A_170, %sub3A_172, %div3A_151 : i32
            %jit3A_174 = arith.constant 2 : i32
            %eq3A_175 = arith.constant 0 : i32
            %eq3A_176 = arith.cmpi eq, %jit3A_174, %eq3A_175 : i32
            %jit3A_177 = arith.constant 1 : i32
            %select_n3A_178 = arith.select %eq3A_176, %jit3A_177, %jit3A_174 : i32
            %rem3A_179 = arith.remsi %select_n3A_173, %select_n3A_178 : i32
            %ne3A_180 = arith.constant 0 : i32
            %ne3A_181 = arith.cmpi ne, %rem3A_179, %ne3A_180 : i32
            %lt3A_182 = arith.constant 0 : i32
            %lt3A_183 = arith.cmpi slt, %rem3A_179, %lt3A_182 : i32
            %lt3A_184 = arith.constant 0 : i32
            %lt3A_185 = arith.cmpi slt, %select_n3A_178, %lt3A_184 : i32
            %ne3A_186 = arith.xori %lt3A_183, %lt3A_185 : i1
            %and3A_187 = arith.andi %ne3A_186, %ne3A_181 : i1
            %add3A_188 = arith.addi %rem3A_179, %select_n3A_178 : i32
            %select_n3A_189 = arith.select %and3A_187, %add3A_188, %rem3A_179 : i32
            %mul3A_190 = arith.constant 16 : i32
            %mul3A_191 = arith.muli %select_n3A_189, %mul3A_190 : i32
            %mul3A_192 = arith.constant 16 : i32
            %mul3A_193 = arith.muli %select_n3A_173, %mul3A_192 : i32
            %sub3A_194 = arith.subi %add3A_149, %mul3A_193 : i32
            %add3A_195 = arith.addi %mul3A_191, %sub3A_194 : i32
            %dma_start3A_196 = arith.constant 0 : i32
            %dma_start3A_197 = tpu.memref_slice %arg8[%add3A_195, %dma_start3A_196] : memref<32x128xi32, #tpu.memory_space<vmem>> -> memref<1x128xi32, #tpu.memory_space<vmem>>
            %dma_start3A_198 = tpu.memref_squeeze %dma_start3A_197 : memref<1x128xi32, #tpu.memory_space<vmem>> -> memref<128xi32, #tpu.memory_space<vmem>>
            %dma_start3A_199 = arith.constant 0 : i32
            %dma_start3A_200 = arith.constant 0 : i32
            %dma_start3A_201 = tpu.memref_slice %arg2[%dma_start3A_199, %dma_start3A_200] : memref<10000x64xi32, #tpu.memory_space<hbm>> -> memref<10000x64xi32, #tpu.memory_space<hbm>>
            tpu.enqueue_indirect_dma source(%dma_start3A_201 : memref<10000x64xi32, #tpu.memory_space<hbm>>) target(%arg10 : memref<128x64xi32, #tpu.memory_space<vmem>>) offsets(%dma_start3A_198 : memref<128xi32, #tpu.memory_space<vmem>>) semaphore(%arg14 : memref<!tpu.dma_semaphore, #tpu.memory_space<semaphore_mem>>)
          } else {
          }
          %scan3A_142 = arith.constant 0 : i32
          %scan3A_143 = arith.constant 0 : i32
          %scan3A_144 = arith.constant 128 : i32
          %scan3A_145 = arith.addi %scan3A_143, %scan3A_144 : i32
          %scan3A_146 = arith.constant 1 : i32
          scf.for %scan3A_148 = %scan3A_143 to %scan3A_145 step %scan3A_146  : i32 {
            %get3A = arith.index_cast %scan3A_148 : i32 to index
            %get3A_149 = arith.constant 0 : index
            %get3A_150 = tpu.vector_load %arg11[%get3A, %get3A_149] {strides = array<i32>} : memref<128x64xi32, #tpu.memory_space<vmem>>, vector<1x16xi32>,
            %get3A_151 = vector.shape_cast %get3A_150 : vector<1x16xi32> to vector<16xi32>
            %shift_left3A = arith.constant 16 : i32
            %shift_left3A_152 = vector.broadcast %shift_left3A : i32 to vector<16xi32>
            %shift_left3A_153 = arith.shli %get3A_151, %shift_left3A_152 : vector<16xi32>
            %bitcast_convert_type3A = tpu.bitcast %shift_left3A_153 : vector<16xi32> -> vector<16xf32>
            %and3A_154 = arith.constant -65536 : i32
            %and3A_155 = vector.broadcast %and3A_154 : i32 to vector<16xi32>
            %and3A_156 = arith.andi %get3A_151, %and3A_155 : vector<16xi32>
            %bitcast_convert_type3A_157 = tpu.bitcast %and3A_156 : vector<16xi32> -> vector<16xf32>
            %swap3A = arith.index_cast %scan3A_148 : i32 to index
            %swap3A_158 = arith.constant 0 : index
            %swap3A_159 = tpu.vector_load %arg12[%swap3A, %swap3A_158] {strides = array<i32>} : memref<128x128xf32, #tpu.memory_space<vmem>>, vector<1x16xf32>,
            %swap3A_160 = vector.shape_cast %swap3A_159 : vector<1x16xf32> to vector<16xf32>
            %swap3A_161 = vector.shape_cast %bitcast_convert_type3A : vector<16xf32> to vector<1x16xf32>
            tpu.vector_store %arg12[%swap3A, %swap3A_158], %swap3A_161 {strides = array<i32>} : memref<128x128xf32, #tpu.memory_space<vmem>>, vector<1x16xf32>,
            %swap3A_162 = arith.index_cast %scan3A_148 : i32 to index
            %swap3A_163 = arith.constant 16 : index
            %swap3A_164 = tpu.vector_load %arg12[%swap3A_162, %swap3A_163] {strides = array<i32>} : memref<128x128xf32, #tpu.memory_space<vmem>>, vector<1x16xf32>,
            %swap3A_165 = vector.shape_cast %swap3A_164 : vector<1x16xf32> to vector<16xf32>
            %swap3A_166 = vector.shape_cast %bitcast_convert_type3A_157 : vector<16xf32> to vector<1x16xf32>
            tpu.vector_store %arg12[%swap3A_162, %swap3A_163], %swap3A_166 {strides = array<i32>} : memref<128x128xf32, #tpu.memory_space<vmem>>, vector<1x16xf32>,
            %get3A_167 = arith.index_cast %scan3A_148 : i32 to index
            %get3A_168 = arith.constant 16 : index
            %get3A_169 = tpu.vector_load %arg11[%get3A_167, %get3A_168] {strides = array<i32>} : memref<128x64xi32, #tpu.memory_space<vmem>>, vector<1x16xi32>,
            %get3A_170 = vector.shape_cast %get3A_169 : vector<1x16xi32> to vector<16xi32>
            %shift_left3A_171 = arith.constant 16 : i32
            %shift_left3A_172 = vector.broadcast %shift_left3A_171 : i32 to vector<16xi32>
            %shift_left3A_173 = arith.shli %get3A_170, %shift_left3A_172 : vector<16xi32>
            %bitcast_convert_type3A_174 = tpu.bitcast %shift_left3A_173 : vector<16xi32> -> vector<16xf32>
            %and3A_175 = arith.constant -65536 : i32
            %and3A_176 = vector.broadcast %and3A_175 : i32 to vector<16xi32>
            %and3A_177 = arith.andi %get3A_170, %and3A_176 : vector<16xi32>
            %bitcast_convert_type3A_178 = tpu.bitcast %and3A_177 : vector<16xi32> -> vector<16xf32>
            %swap3A_179 = arith.index_cast %scan3A_148 : i32 to index
            %swap3A_180 = arith.constant 32 : index
            %swap3A_181 = tpu.vector_load %arg12[%swap3A_179, %swap3A_180] {strides = array<i32>} : memref<128x128xf32, #tpu.memory_space<vmem>>, vector<1x16xf32>,
            %swap3A_182 = vector.shape_cast %swap3A_181 : vector<1x16xf32> to vector<16xf32>
            %swap3A_183 = vector.shape_cast %bitcast_convert_type3A_174 : vector<16xf32> to vector<1x16xf32>
            tpu.vector_store %arg12[%swap3A_179, %swap3A_180], %swap3A_183 {strides = array<i32>} : memref<128x128xf32, #tpu.memory_space<vmem>>, vector<1x16xf32>,
            %swap3A_184 = arith.index_cast %scan3A_148 : i32 to index
            %swap3A_185 = arith.constant 48 : index
            %swap3A_186 = tpu.vector_load %arg12[%swap3A_184, %swap3A_185] {strides = array<i32>} : memref<128x128xf32, #tpu.memory_space<vmem>>, vector<1x16xf32>,
            %swap3A_187 = vector.shape_cast %swap3A_186 : vector<1x16xf32> to vector<16xf32>
            %swap3A_188 = vector.shape_cast %bitcast_convert_type3A_178 : vector<16xf32> to vector<1x16xf32>
            tpu.vector_store %arg12[%swap3A_184, %swap3A_185], %swap3A_188 {strides = array<i32>} : memref<128x128xf32, #tpu.memory_space<vmem>>, vector<1x16xf32>,
            %get3A_189 = arith.index_cast %scan3A_148 : i32 to index
            %get3A_190 = arith.constant 32 : index
            %get3A_191 = tpu.vector_load %arg11[%get3A_189, %get3A_190] {strides = array<i32>} : memref<128x64xi32, #tpu.memory_space<vmem>>, vector<1x16xi32>,
            %get3A_192 = vector.shape_cast %get3A_191 : vector<1x16xi32> to vector<16xi32>
            %shift_left3A_193 = arith.constant 16 : i32
            %shift_left3A_194 = vector.broadcast %shift_left3A_193 : i32 to vector<16xi32>
            %shift_left3A_195 = arith.shli %get3A_192, %shift_left3A_194 : vector<16xi32>
            %bitcast_convert_type3A_196 = tpu.bitcast %shift_left3A_195 : vector<16xi32> -> vector<16xf32>
            %and3A_197 = arith.constant -65536 : i32
            %and3A_198 = vector.broadcast %and3A_197 : i32 to vector<16xi32>
            %and3A_199 = arith.andi %get3A_192, %and3A_198 : vector<16xi32>
            %bitcast_convert_type3A_200 = tpu.bitcast %and3A_199 : vector<16xi32> -> vector<16xf32>
            %swap3A_201 = arith.index_cast %scan3A_148 : i32 to index
            %swap3A_202 = arith.constant 64 : index
            %swap3A_203 = tpu.vector_load %arg12[%swap3A_201, %swap3A_202] {strides = array<i32>} : memref<128x128xf32, #tpu.memory_space<vmem>>, vector<1x16xf32>,
            %swap3A_204 = vector.shape_cast %swap3A_203 : vector<1x16xf32> to vector<16xf32>
            %swap3A_205 = vector.shape_cast %bitcast_convert_type3A_196 : vector<16xf32> to vector<1x16xf32>
            tpu.vector_store %arg12[%swap3A_201, %swap3A_202], %swap3A_205 {strides = array<i32>} : memref<128x128xf32, #tpu.memory_space<vmem>>, vector<1x16xf32>,
            %swap3A_206 = arith.index_cast %scan3A_148 : i32 to index
            %swap3A_207 = arith.constant 80 : index
            %swap3A_208 = tpu.vector_load %arg12[%swap3A_206, %swap3A_207] {strides = array<i32>} : memref<128x128xf32, #tpu.memory_space<vmem>>, vector<1x16xf32>,
            %swap3A_209 = vector.shape_cast %swap3A_208 : vector<1x16xf32> to vector<16xf32>
            %swap3A_210 = vector.shape_cast %bitcast_convert_type3A_200 : vector<16xf32> to vector<1x16xf32>
            tpu.vector_store %arg12[%swap3A_206, %swap3A_207], %swap3A_210 {strides = array<i32>} : memref<128x128xf32, #tpu.memory_space<vmem>>, vector<1x16xf32>,
            %get3A_211 = arith.index_cast %scan3A_148 : i32 to index
            %get3A_212 = arith.constant 48 : index
            %get3A_213 = tpu.vector_load %arg11[%get3A_211, %get3A_212] {strides = array<i32>} : memref<128x64xi32, #tpu.memory_space<vmem>>, vector<1x16xi32>,
            %get3A_214 = vector.shape_cast %get3A_213 : vector<1x16xi32> to vector<16xi32>
            %shift_left3A_215 = arith.constant 16 : i32
            %shift_left3A_216 = vector.broadcast %shift_left3A_215 : i32 to vector<16xi32>
            %shift_left3A_217 = arith.shli %get3A_214, %shift_left3A_216 : vector<16xi32>
            %bitcast_convert_type3A_218 = tpu.bitcast %shift_left3A_217 : vector<16xi32> -> vector<16xf32>
            %and3A_219 = arith.constant -65536 : i32
            %and3A_220 = vector.broadcast %and3A_219 : i32 to vector<16xi32>
            %and3A_221 = arith.andi %get3A_214, %and3A_220 : vector<16xi32>
            %bitcast_convert_type3A_222 = tpu.bitcast %and3A_221 : vector<16xi32> -> vector<16xf32>
            %swap3A_223 = arith.index_cast %scan3A_148 : i32 to index
            %swap3A_224 = arith.constant 96 : index
            %swap3A_225 = tpu.vector_load %arg12[%swap3A_223, %swap3A_224] {strides = array<i32>} : memref<128x128xf32, #tpu.memory_space<vmem>>, vector<1x16xf32>,
            %swap3A_226 = vector.shape_cast %swap3A_225 : vector<1x16xf32> to vector<16xf32>
            %swap3A_227 = vector.shape_cast %bitcast_convert_type3A_218 : vector<16xf32> to vector<1x16xf32>
            tpu.vector_store %arg12[%swap3A_223, %swap3A_224], %swap3A_227 {strides = array<i32>} : memref<128x128xf32, #tpu.memory_space<vmem>>, vector<1x16xf32>,
            %swap3A_228 = arith.index_cast %scan3A_148 : i32 to index
            %swap3A_229 = arith.constant 112 : index
            %swap3A_230 = tpu.vector_load %arg12[%swap3A_228, %swap3A_229] {strides = array<i32>} : memref<128x128xf32, #tpu.memory_space<vmem>>, vector<1x16xf32>,
            %swap3A_231 = vector.shape_cast %swap3A_230 : vector<1x16xf32> to vector<16xf32>
            %swap3A_232 = vector.shape_cast %bitcast_convert_type3A_222 : vector<16xf32> to vector<1x16xf32>
            tpu.vector_store %arg12[%swap3A_228, %swap3A_229], %swap3A_232 {strides = array<i32>} : memref<128x128xf32, #tpu.memory_space<vmem>>, vector<1x16xf32>,
          }
          %scan3A_147 = arith.constant 128 : i32
          "tpu.region"() ({
            %run_scoped3A = tpu.sem_alloc : memref<!tpu.dma_semaphore, #tpu.memory_space<semaphore_mem>>
            %dma_start3A_148 = arith.constant 0 : i32
            %dma_start3A_149 = tpu.memref_slice %arg9[%add3A_76, %dma_start3A_148] : memref<32x128xi32, #tpu.memory_space<vmem>> -> memref<1x128xi32, #tpu.memory_space<vmem>>
            %dma_start3A_150 = tpu.memref_squeeze %dma_start3A_149 : memref<1x128xi32, #tpu.memory_space<vmem>> -> memref<128xi32, #tpu.memory_space<vmem>>
            %dma_start3A_151 = arith.constant 0 : i32
            %dma_start3A_152 = arith.constant 0 : i32
            %dma_start3A_153 = tpu.memref_slice %arg13[%dma_start3A_151, %dma_start3A_152] : memref<10240x128xf32, #tpu.memory_space<vmem_shared>> -> memref<10240x128xf32, #tpu.memory_space<vmem_shared>>
            tpu.enqueue_indirect_dma source(%arg12 : memref<128x128xf32, #tpu.memory_space<vmem>>) target(%dma_start3A_153 : memref<10240x128xf32, #tpu.memory_space<vmem_shared>>) offsets(%dma_start3A_150 : memref<128xi32, #tpu.memory_space<vmem>>) semaphore(%run_scoped3A : memref<!tpu.dma_semaphore, #tpu.memory_space<semaphore_mem>>) {add = true}
            %dma_wait3A_154 = arith.constant 0 : i32
            %dma_wait3A_155 = tpu.memref_slice %arg9[%add3A_76, %dma_wait3A_154] : memref<32x128xi32, #tpu.memory_space<vmem>> -> memref<1x128xi32, #tpu.memory_space<vmem>>
            %dma_wait3A_156 = tpu.memref_squeeze %dma_wait3A_155 : memref<1x128xi32, #tpu.memory_space<vmem>> -> memref<128xi32, #tpu.memory_space<vmem>>
            %dma_wait3A_157 = arith.constant 0 : i32
            %dma_wait3A_158 = arith.constant 0 : i32
            %dma_wait3A_159 = tpu.memref_slice %arg13[%dma_wait3A_157, %dma_wait3A_158] : memref<10240x128xf32, #tpu.memory_space<vmem_shared>> -> memref<10240x128xf32, #tpu.memory_space<vmem_shared>>
            tpu.wait_indirect_dma semaphore(%run_scoped3A : memref<!tpu.dma_semaphore, #tpu.memory_space<semaphore_mem>>) src(%arg12 : memref<128x128xf32, #tpu.memory_space<vmem>>) dst(%dma_wait3A_159 : memref<10240x128xf32, #tpu.memory_space<vmem_shared>>)
            tpu.yield
          }) : () -> ()
        } else {
        }
      }
      %scan3A_38 = arith.constant 80 : i32
    } else {
    }
    %eq3A_18 = arith.constant 1 : i32
    %eq3A_19 = arith.cmpi eq, %arg0, %eq3A_18 : i32
    %convert_element_type3A_20 = arith.extui %eq3A_19 : i1 to i32
    %cond3A_21 = arith.constant 0 : i32
    %cond3A_22 = arith.cmpi ne, %convert_element_type3A_20, %cond3A_21 : i32
    scf.if %cond3A_22 {
      "tpu.region"() ({
        %run_scoped3A = tpu.sem_alloc : memref<!tpu.dma_semaphore, #tpu.memory_space<semaphore_mem>>
        %dma_start3A_39 = arith.constant 0 : i32
        %dma_start3A_40 = arith.constant 0 : i32
        %dma_start3A_41 = tpu.memref_slice %arg8[%dma_start3A_39, %dma_start3A_40] : memref<32x128xi32, #tpu.memory_space<vmem>> -> memref<16x128xi32, #tpu.memory_space<vmem>>
        %dma_start3A_42 = arith.constant 0 : i32
        %dma_start3A_43 = arith.constant 0 : i32
        %dma_start3A_44 = tpu.memref_slice %arg5[%arg1, %dma_start3A_42, %dma_start3A_43] : memref<16x80x128xi32, #tpu.memory_space<hbm>> -> memref<1x16x128xi32, #tpu.memory_space<hbm>>
        %dma_start3A_45 = tpu.memref_squeeze %dma_start3A_44 : memref<1x16x128xi32, #tpu.memory_space<hbm>> -> memref<16x128xi32, #tpu.memory_space<hbm>>
        %dma_start3A_46 = arith.constant 0 : i32
        %dma_start3A_47 = arith.constant 0 : i32
        %dma_start3A_48 = tpu.memref_slice %arg8[%dma_start3A_46, %dma_start3A_47] : memref<32x128xi32, #tpu.memory_space<vmem>> -> memref<16x128xi32, #tpu.memory_space<vmem>>
        %dma_start3A_49 = arith.constant 0 : i32
        %dma_start3A_50 = arith.constant 0 : i32
        %dma_start3A_51 = tpu.memref_slice %arg5[%arg1, %dma_start3A_49, %dma_start3A_50] : memref<16x80x128xi32, #tpu.memory_space<hbm>> -> memref<1x16x128xi32, #tpu.memory_space<hbm>>
        %dma_start3A_52 = tpu.memref_squeeze %dma_start3A_51 : memref<1x16x128xi32, #tpu.memory_space<hbm>> -> memref<16x128xi32, #tpu.memory_space<hbm>>
        tpu.enqueue_dma source(%dma_start3A_52 : memref<16x128xi32, #tpu.memory_space<hbm>>) target(%dma_start3A_48 : memref<16x128xi32, #tpu.memory_space<vmem>>) target_semaphore(%run_scoped3A : memref<!tpu.dma_semaphore, #tpu.memory_space<semaphore_mem>>)
        %dma_wait3A = arith.constant 0 : i32
        %dma_wait3A_53 = arith.constant 0 : i32
        %dma_wait3A_54 = tpu.memref_slice %arg8[%dma_wait3A, %dma_wait3A_53] : memref<32x128xi32, #tpu.memory_space<vmem>> -> memref<16x128xi32, #tpu.memory_space<vmem>>
        %dma_wait3A_55 = arith.constant 0 : i32
        %dma_wait3A_56 = arith.constant 0 : i32
        %dma_wait3A_57 = tpu.memref_slice %arg5[%arg1, %dma_wait3A_55, %dma_wait3A_56] : memref<16x80x128xi32, #tpu.memory_space<hbm>> -> memref<1x16x128xi32, #tpu.memory_space<hbm>>
        %dma_wait3A_58 = tpu.memref_squeeze %dma_wait3A_57 : memref<1x16x128xi32, #tpu.memory_space<hbm>> -> memref<16x128xi32, #tpu.memory_space<hbm>>
        %dma_wait3A_59 = arith.constant 0 : i32
        %dma_wait3A_60 = arith.constant 0 : i32
        %dma_wait3A_61 = tpu.memref_slice %arg8[%dma_wait3A_59, %dma_wait3A_60] : memref<32x128xi32, #tpu.memory_space<vmem>> -> memref<16x128xi32, #tpu.memory_space<vmem>>
        %dma_wait3A_62 = arith.constant 0 : i32
        %dma_wait3A_63 = arith.constant 0 : i32
        %dma_wait3A_64 = tpu.memref_slice %arg5[%arg1, %dma_wait3A_62, %dma_wait3A_63] : memref<16x80x128xi32, #tpu.memory_space<hbm>> -> memref<1x16x128xi32, #tpu.memory_space<hbm>>
        %dma_wait3A_65 = tpu.memref_squeeze %dma_wait3A_64 : memref<1x16x128xi32, #tpu.memory_space<hbm>> -> memref<16x128xi32, #tpu.memory_space<hbm>>
        tpu.wait_dma2 semaphore(%run_scoped3A : memref<!tpu.dma_semaphore, #tpu.memory_space<semaphore_mem>>) src(%dma_wait3A_65 : memref<16x128xi32, #tpu.memory_space<hbm>>) dst(%dma_wait3A_61 : memref<16x128xi32, #tpu.memory_space<vmem>>)
        tpu.yield
      }) : () -> ()
      "tpu.region"() ({
        %run_scoped3A = tpu.sem_alloc : memref<!tpu.dma_semaphore, #tpu.memory_space<semaphore_mem>>
        %dma_start3A_39 = arith.constant 0 : i32
        %dma_start3A_40 = arith.constant 0 : i32
        %dma_start3A_41 = tpu.memref_slice %arg9[%dma_start3A_39, %dma_start3A_40] : memref<32x128xi32, #tpu.memory_space<vmem>> -> memref<16x128xi32, #tpu.memory_space<vmem>>
        %dma_start3A_42 = arith.constant 0 : i32
        %dma_start3A_43 = arith.constant 0 : i32
        %dma_start3A_44 = tpu.memref_slice %arg6[%arg1, %dma_start3A_42, %dma_start3A_43] : memref<16x80x128xi32, #tpu.memory_space<hbm>> -> memref<1x16x128xi32, #tpu.memory_space<hbm>>
        %dma_start3A_45 = tpu.memref_squeeze %dma_start3A_44 : memref<1x16x128xi32, #tpu.memory_space<hbm>> -> memref<16x128xi32, #tpu.memory_space<hbm>>
        %dma_start3A_46 = arith.constant 0 : i32
        %dma_start3A_47 = arith.constant 0 : i32
        %dma_start3A_48 = tpu.memref_slice %arg9[%dma_start3A_46, %dma_start3A_47] : memref<32x128xi32, #tpu.memory_space<vmem>> -> memref<16x128xi32, #tpu.memory_space<vmem>>
        %dma_start3A_49 = arith.constant 0 : i32
        %dma_start3A_50 = arith.constant 0 : i32
        %dma_start3A_51 = tpu.memref_slice %arg6[%arg1, %dma_start3A_49, %dma_start3A_50] : memref<16x80x128xi32, #tpu.memory_space<hbm>> -> memref<1x16x128xi32, #tpu.memory_space<hbm>>
        %dma_start3A_52 = tpu.memref_squeeze %dma_start3A_51 : memref<1x16x128xi32, #tpu.memory_space<hbm>> -> memref<16x128xi32, #tpu.memory_space<hbm>>
        tpu.enqueue_dma source(%dma_start3A_52 : memref<16x128xi32, #tpu.memory_space<hbm>>) target(%dma_start3A_48 : memref<16x128xi32, #tpu.memory_space<vmem>>) target_semaphore(%run_scoped3A : memref<!tpu.dma_semaphore, #tpu.memory_space<semaphore_mem>>)
        %dma_wait3A = arith.constant 0 : i32
        %dma_wait3A_53 = arith.constant 0 : i32
        %dma_wait3A_54 = tpu.memref_slice %arg9[%dma_wait3A, %dma_wait3A_53] : memref<32x128xi32, #tpu.memory_space<vmem>> -> memref<16x128xi32, #tpu.memory_space<vmem>>
        %dma_wait3A_55 = arith.constant 0 : i32
        %dma_wait3A_56 = arith.constant 0 : i32
        %dma_wait3A_57 = tpu.memref_slice %arg6[%arg1, %dma_wait3A_55, %dma_wait3A_56] : memref<16x80x128xi32, #tpu.memory_space<hbm>> -> memref<1x16x128xi32, #tpu.memory_space<hbm>>
        %dma_wait3A_58 = tpu.memref_squeeze %dma_wait3A_57 : memref<1x16x128xi32, #tpu.memory_space<hbm>> -> memref<16x128xi32, #tpu.memory_space<hbm>>
        %dma_wait3A_59 = arith.constant 0 : i32
        %dma_wait3A_60 = arith.constant 0 : i32
        %dma_wait3A_61 = tpu.memref_slice %arg9[%dma_wait3A_59, %dma_wait3A_60] : memref<32x128xi32, #tpu.memory_space<vmem>> -> memref<16x128xi32, #tpu.memory_space<vmem>>
        %dma_wait3A_62 = arith.constant 0 : i32
        %dma_wait3A_63 = arith.constant 0 : i32
        %dma_wait3A_64 = tpu.memref_slice %arg6[%arg1, %dma_wait3A_62, %dma_wait3A_63] : memref<16x80x128xi32, #tpu.memory_space<hbm>> -> memref<1x16x128xi32, #tpu.memory_space<hbm>>
        %dma_wait3A_65 = tpu.memref_squeeze %dma_wait3A_64 : memref<1x16x128xi32, #tpu.memory_space<hbm>> -> memref<16x128xi32, #tpu.memory_space<hbm>>
        tpu.wait_dma2 semaphore(%run_scoped3A : memref<!tpu.dma_semaphore, #tpu.memory_space<semaphore_mem>>) src(%dma_wait3A_65 : memref<16x128xi32, #tpu.memory_space<hbm>>) dst(%dma_wait3A_61 : memref<16x128xi32, #tpu.memory_space<vmem>>)
        tpu.yield
      }) : () -> ()
      %dma_start3A = arith.constant 0 : i32
      %dma_start3A_27 = arith.constant 0 : i32
      %dma_start3A_28 = tpu.memref_slice %arg8[%dma_start3A, %dma_start3A_27] : memref<32x128xi32, #tpu.memory_space<vmem>> -> memref<1x128xi32, #tpu.memory_space<vmem>>
      %dma_start3A_29 = tpu.memref_squeeze %dma_start3A_28 : memref<1x128xi32, #tpu.memory_space<vmem>> -> memref<128xi32, #tpu.memory_space<vmem>>
      %dma_start3A_30 = arith.constant 0 : i32
      %dma_start3A_31 = arith.constant 0 : i32
      %dma_start3A_32 = tpu.memref_slice %arg2[%dma_start3A_30, %dma_start3A_31] : memref<10000x64xi32, #tpu.memory_space<hbm>> -> memref<10000x64xi32, #tpu.memory_space<hbm>>
      tpu.enqueue_indirect_dma source(%dma_start3A_32 : memref<10000x64xi32, #tpu.memory_space<hbm>>) target(%arg10 : memref<128x64xi32, #tpu.memory_space<vmem>>) offsets(%dma_start3A_29 : memref<128xi32, #tpu.memory_space<vmem>>) semaphore(%arg14 : memref<!tpu.dma_semaphore, #tpu.memory_space<semaphore_mem>>)
      %scan3A_33 = arith.constant 0 : i32
      %scan3A_34 = arith.constant 0 : i32
      %scan3A_35 = arith.constant 80 : i32
      %scan3A_36 = arith.addi %scan3A_34, %scan3A_35 : i32
      %scan3A_37 = arith.constant 1 : i32
      scf.for %scan3A_39 = %scan3A_34 to %scan3A_36 step %scan3A_37  : i32 {
        %jit3A = arith.constant 16 : i32
        %div3A = arith.divsi %scan3A_39, %jit3A : i32
        %sign3A = arith.constant 0 : i32
        %sign3A_40 = arith.cmpi sgt, %scan3A_39, %sign3A : i32
        %sign3A_41 = arith.extui %sign3A_40 : i1 to i32
        %sign3A_42 = arith.constant 0 : i32
        %sign3A_43 = arith.cmpi slt, %scan3A_39, %sign3A_42 : i32
        %sign3A_44 = arith.extui %sign3A_43 : i1 to i32
        %sign3A_45 = arith.subi %sign3A_41, %sign3A_44 : i32
        %sign3A_46 = arith.constant 0 : i32
        %sign3A_47 = arith.cmpi sgt, %jit3A, %sign3A_46 : i32
        %sign3A_48 = arith.extui %sign3A_47 : i1 to i32
        %sign3A_49 = arith.constant 0 : i32
        %sign3A_50 = arith.cmpi slt, %jit3A, %sign3A_49 : i32
        %sign3A_51 = arith.extui %sign3A_50 : i1 to i32
        %sign3A_52 = arith.subi %sign3A_48, %sign3A_51 : i32
        %ne3A = arith.cmpi ne, %sign3A_45, %sign3A_52 : i32
        %rem3A = arith.remsi %scan3A_39, %jit3A : i32
        %ne3A_53 = arith.constant 0 : i32
        %ne3A_54 = arith.cmpi ne, %rem3A, %ne3A_53 : i32
        %and3A = arith.andi %ne3A, %ne3A_54 : i1
        %sub3A = arith.constant 1 : i32
        %sub3A_55 = arith.subi %div3A, %sub3A : i32
        %select_n3A = arith.select %and3A, %sub3A_55, %div3A : i32
        %jit3A_56 = arith.constant 2 : i32
        %eq3A_57 = arith.constant 0 : i32
        %eq3A_58 = arith.cmpi eq, %jit3A_56, %eq3A_57 : i32
        %jit3A_59 = arith.constant 1 : i32
        %select_n3A_60 = arith.select %eq3A_58, %jit3A_59, %jit3A_56 : i32
        %rem3A_61 = arith.remsi %select_n3A, %select_n3A_60 : i32
        %ne3A_62 = arith.constant 0 : i32
        %ne3A_63 = arith.cmpi ne, %rem3A_61, %ne3A_62 : i32
        %lt3A = arith.constant 0 : i32
        %lt3A_64 = arith.cmpi slt, %rem3A_61, %lt3A : i32
        %lt3A_65 = arith.constant 0 : i32
        %lt3A_66 = arith.cmpi slt, %select_n3A_60, %lt3A_65 : i32
        %ne3A_67 = arith.xori %lt3A_64, %lt3A_66 : i1
        %and3A_68 = arith.andi %ne3A_67, %ne3A_63 : i1
        %add3A_69 = arith.addi %rem3A_61, %select_n3A_60 : i32
        %select_n3A_70 = arith.select %and3A_68, %add3A_69, %rem3A_61 : i32
        %mul3A_71 = arith.constant 16 : i32
        %mul3A_72 = arith.muli %select_n3A_70, %mul3A_71 : i32
        %mul3A_73 = arith.constant 16 : i32
        %mul3A_74 = arith.muli %select_n3A, %mul3A_73 : i32
        %sub3A_75 = arith.subi %scan3A_39, %mul3A_74 : i32
        %add3A_76 = arith.addi %mul3A_72, %sub3A_75 : i32
        %mul3A_77 = arith.constant 16 : i32
        %mul3A_78 = arith.muli %select_n3A, %mul3A_77 : i32
        %eq3A_79 = arith.cmpi eq, %scan3A_39, %mul3A_78 : i32
        %add3A_80 = arith.constant 1 : i32
        %add3A_81 = arith.addi %select_n3A, %add3A_80 : i32
        %lt3A_82 = arith.constant 5 : i32
        %lt3A_83 = arith.cmpi slt, %add3A_81, %lt3A_82 : i32
        %and3A_84 = arith.andi %eq3A_79, %lt3A_83 : i1
        %convert_element_type3A_85 = arith.extui %and3A_84 : i1 to i32
        %cond3A_86 = arith.constant 0 : i32
        %cond3A_87 = arith.cmpi ne, %convert_element_type3A_85, %cond3A_86 : i32
        scf.if %cond3A_87 {
          %add3A_130 = arith.constant 1 : i32
          %add3A_131 = arith.addi %select_n3A, %add3A_130 : i32
          %jit3A_132 = arith.constant 2 : i32
          %eq3A_133 = arith.constant 0 : i32
          %eq3A_134 = arith.cmpi eq, %jit3A_132, %eq3A_133 : i32
          %jit3A_135 = arith.constant 1 : i32
          %select_n3A_136 = arith.select %eq3A_134, %jit3A_135, %jit3A_132 : i32
          %rem3A_137 = arith.remsi %add3A_131, %select_n3A_136 : i32
          %ne3A_138 = arith.constant 0 : i32
          %ne3A_139 = arith.cmpi ne, %rem3A_137, %ne3A_138 : i32
          %lt3A_140 = arith.constant 0 : i32
          %lt3A_141 = arith.cmpi slt, %rem3A_137, %lt3A_140 : i32
          %lt3A_142 = arith.constant 0 : i32
          %lt3A_143 = arith.cmpi slt, %select_n3A_136, %lt3A_142 : i32
          %ne3A_144 = arith.xori %lt3A_141, %lt3A_143 : i1
          %and3A_145 = arith.andi %ne3A_144, %ne3A_139 : i1
          %add3A_146 = arith.addi %rem3A_137, %select_n3A_136 : i32
          %select_n3A_147 = arith.select %and3A_145, %add3A_146, %rem3A_137 : i32
          %mul3A_148 = arith.constant 16 : i32
          %mul3A_149 = arith.muli %select_n3A_147, %mul3A_148 : i32
          %add3A_150 = arith.constant 1 : i32
          %add3A_151 = arith.addi %select_n3A, %add3A_150 : i32
          %mul3A_152 = arith.constant 16 : i32
          %mul3A_153 = arith.muli %add3A_151, %mul3A_152 : i32
          "tpu.region"() ({
            %run_scoped3A = tpu.sem_alloc : memref<!tpu.dma_semaphore, #tpu.memory_space<semaphore_mem>>
            %dma_start3A_158 = arith.constant 0 : i32
            %dma_start3A_159 = tpu.memref_slice %arg8[%mul3A_149, %dma_start3A_158] : memref<32x128xi32, #tpu.memory_space<vmem>> -> memref<16x128xi32, #tpu.memory_space<vmem>>
            %dma_start3A_160 = arith.constant 0 : i32
            %dma_start3A_161 = tpu.memref_slice %arg5[%arg1, %mul3A_153, %dma_start3A_160] : memref<16x80x128xi32, #tpu.memory_space<hbm>> -> memref<1x16x128xi32, #tpu.memory_space<hbm>>
            %dma_start3A_162 = tpu.memref_squeeze %dma_start3A_161 : memref<1x16x128xi32, #tpu.memory_space<hbm>> -> memref<16x128xi32, #tpu.memory_space<hbm>>
            %dma_start3A_163 = arith.constant 0 : i32
            %dma_start3A_164 = tpu.memref_slice %arg8[%mul3A_149, %dma_start3A_163] : memref<32x128xi32, #tpu.memory_space<vmem>> -> memref<16x128xi32, #tpu.memory_space<vmem>>
            %dma_start3A_165 = arith.constant 0 : i32
            %dma_start3A_166 = tpu.memref_slice %arg5[%arg1, %mul3A_153, %dma_start3A_165] : memref<16x80x128xi32, #tpu.memory_space<hbm>> -> memref<1x16x128xi32, #tpu.memory_space<hbm>>
            %dma_start3A_167 = tpu.memref_squeeze %dma_start3A_166 : memref<1x16x128xi32, #tpu.memory_space<hbm>> -> memref<16x128xi32, #tpu.memory_space<hbm>>
            tpu.enqueue_dma source(%dma_start3A_167 : memref<16x128xi32, #tpu.memory_space<hbm>>) target(%dma_start3A_164 : memref<16x128xi32, #tpu.memory_space<vmem>>) target_semaphore(%run_scoped3A : memref<!tpu.dma_semaphore, #tpu.memory_space<semaphore_mem>>)
            %dma_wait3A = arith.constant 0 : i32
            %dma_wait3A_168 = tpu.memref_slice %arg8[%mul3A_149, %dma_wait3A] : memref<32x128xi32, #tpu.memory_space<vmem>> -> memref<16x128xi32, #tpu.memory_space<vmem>>
            %dma_wait3A_169 = arith.constant 0 : i32
            %dma_wait3A_170 = tpu.memref_slice %arg5[%arg1, %mul3A_153, %dma_wait3A_169] : memref<16x80x128xi32, #tpu.memory_space<hbm>> -> memref<1x16x128xi32, #tpu.memory_space<hbm>>
            %dma_wait3A_171 = tpu.memref_squeeze %dma_wait3A_170 : memref<1x16x128xi32, #tpu.memory_space<hbm>> -> memref<16x128xi32, #tpu.memory_space<hbm>>
            %dma_wait3A_172 = arith.constant 0 : i32
            %dma_wait3A_173 = tpu.memref_slice %arg8[%mul3A_149, %dma_wait3A_172] : memref<32x128xi32, #tpu.memory_space<vmem>> -> memref<16x128xi32, #tpu.memory_space<vmem>>
            %dma_wait3A_174 = arith.constant 0 : i32
            %dma_wait3A_175 = tpu.memref_slice %arg5[%arg1, %mul3A_153, %dma_wait3A_174] : memref<16x80x128xi32, #tpu.memory_space<hbm>> -> memref<1x16x128xi32, #tpu.memory_space<hbm>>
            %dma_wait3A_176 = tpu.memref_squeeze %dma_wait3A_175 : memref<1x16x128xi32, #tpu.memory_space<hbm>> -> memref<16x128xi32, #tpu.memory_space<hbm>>
            tpu.wait_dma2 semaphore(%run_scoped3A : memref<!tpu.dma_semaphore, #tpu.memory_space<semaphore_mem>>) src(%dma_wait3A_176 : memref<16x128xi32, #tpu.memory_space<hbm>>) dst(%dma_wait3A_173 : memref<16x128xi32, #tpu.memory_space<vmem>>)
            tpu.yield
          }) : () -> ()
          %add3A_154 = arith.constant 1 : i32
          %add3A_155 = arith.addi %select_n3A, %add3A_154 : i32
          %mul3A_156 = arith.constant 16 : i32
          %mul3A_157 = arith.muli %add3A_155, %mul3A_156 : i32
          "tpu.region"() ({
            %run_scoped3A = tpu.sem_alloc : memref<!tpu.dma_semaphore, #tpu.memory_space<semaphore_mem>>
            %dma_start3A_158 = arith.constant 0 : i32
            %dma_start3A_159 = tpu.memref_slice %arg9[%mul3A_149, %dma_start3A_158] : memref<32x128xi32, #tpu.memory_space<vmem>> -> memref<16x128xi32, #tpu.memory_space<vmem>>
            %dma_start3A_160 = arith.constant 0 : i32
            %dma_start3A_161 = tpu.memref_slice %arg6[%arg1, %mul3A_157, %dma_start3A_160] : memref<16x80x128xi32, #tpu.memory_space<hbm>> -> memref<1x16x128xi32, #tpu.memory_space<hbm>>
            %dma_start3A_162 = tpu.memref_squeeze %dma_start3A_161 : memref<1x16x128xi32, #tpu.memory_space<hbm>> -> memref<16x128xi32, #tpu.memory_space<hbm>>
            %dma_start3A_163 = arith.constant 0 : i32
            %dma_start3A_164 = tpu.memref_slice %arg9[%mul3A_149, %dma_start3A_163] : memref<32x128xi32, #tpu.memory_space<vmem>> -> memref<16x128xi32, #tpu.memory_space<vmem>>
            %dma_start3A_165 = arith.constant 0 : i32
            %dma_start3A_166 = tpu.memref_slice %arg6[%arg1, %mul3A_157, %dma_start3A_165] : memref<16x80x128xi32, #tpu.memory_space<hbm>> -> memref<1x16x128xi32, #tpu.memory_space<hbm>>
            %dma_start3A_167 = tpu.memref_squeeze %dma_start3A_166 : memref<1x16x128xi32, #tpu.memory_space<hbm>> -> memref<16x128xi32, #tpu.memory_space<hbm>>
            tpu.enqueue_dma source(%dma_start3A_167 : memref<16x128xi32, #tpu.memory_space<hbm>>) target(%dma_start3A_164 : memref<16x128xi32, #tpu.memory_space<vmem>>) target_semaphore(%run_scoped3A : memref<!tpu.dma_semaphore, #tpu.memory_space<semaphore_mem>>)
            %dma_wait3A = arith.constant 0 : i32
            %dma_wait3A_168 = tpu.memref_slice %arg9[%mul3A_149, %dma_wait3A] : memref<32x128xi32, #tpu.memory_space<vmem>> -> memref<16x128xi32, #tpu.memory_space<vmem>>
            %dma_wait3A_169 = arith.constant 0 : i32
            %dma_wait3A_170 = tpu.memref_slice %arg6[%arg1, %mul3A_157, %dma_wait3A_169] : memref<16x80x128xi32, #tpu.memory_space<hbm>> -> memref<1x16x128xi32, #tpu.memory_space<hbm>>
            %dma_wait3A_171 = tpu.memref_squeeze %dma_wait3A_170 : memref<1x16x128xi32, #tpu.memory_space<hbm>> -> memref<16x128xi32, #tpu.memory_space<hbm>>
            %dma_wait3A_172 = arith.constant 0 : i32
            %dma_wait3A_173 = tpu.memref_slice %arg9[%mul3A_149, %dma_wait3A_172] : memref<32x128xi32, #tpu.memory_space<vmem>> -> memref<16x128xi32, #tpu.memory_space<vmem>>
            %dma_wait3A_174 = arith.constant 0 : i32
            %dma_wait3A_175 = tpu.memref_slice %arg6[%arg1, %mul3A_157, %dma_wait3A_174] : memref<16x80x128xi32, #tpu.memory_space<hbm>> -> memref<1x16x128xi32, #tpu.memory_space<hbm>>
            %dma_wait3A_176 = tpu.memref_squeeze %dma_wait3A_175 : memref<1x16x128xi32, #tpu.memory_space<hbm>> -> memref<16x128xi32, #tpu.memory_space<hbm>>
            tpu.wait_dma2 semaphore(%run_scoped3A : memref<!tpu.dma_semaphore, #tpu.memory_space<semaphore_mem>>) src(%dma_wait3A_176 : memref<16x128xi32, #tpu.memory_space<hbm>>) dst(%dma_wait3A_173 : memref<16x128xi32, #tpu.memory_space<vmem>>)
            tpu.yield
          }) : () -> ()
        } else {
        }
        %jit3A_88 = arith.constant 2 : i32
        %eq3A_89 = arith.constant 0 : i32
        %eq3A_90 = arith.cmpi eq, %jit3A_88, %eq3A_89 : i32
        %jit3A_91 = arith.constant 1 : i32
        %select_n3A_92 = arith.select %eq3A_90, %jit3A_91, %jit3A_88 : i32
        %rem3A_93 = arith.remsi %scan3A_39, %select_n3A_92 : i32
        %ne3A_94 = arith.constant 0 : i32
        %ne3A_95 = arith.cmpi ne, %rem3A_93, %ne3A_94 : i32
        %lt3A_96 = arith.constant 0 : i32
        %lt3A_97 = arith.cmpi slt, %rem3A_93, %lt3A_96 : i32
        %lt3A_98 = arith.constant 0 : i32
        %lt3A_99 = arith.cmpi slt, %select_n3A_92, %lt3A_98 : i32
        %ne3A_100 = arith.xori %lt3A_97, %lt3A_99 : i1
        %and3A_101 = arith.andi %ne3A_100, %ne3A_95 : i1
        %add3A_102 = arith.addi %rem3A_93, %select_n3A_92 : i32
        %select_n3A_103 = arith.select %and3A_101, %add3A_102, %rem3A_93 : i32
        %eq3A_104 = arith.constant 0 : i32
        %eq3A_105 = arith.cmpi eq, %select_n3A_103, %eq3A_104 : i32
        %convert_element_type3A_106 = arith.extui %eq3A_105 : i1 to i32
        %cond3A_107 = arith.constant 0 : i32
        %cond3A_108 = arith.cmpi ne, %convert_element_type3A_106, %cond3A_107 : i32
        scf.if %cond3A_108 {
          %dma_wait3A = arith.constant 0 : i32
          %dma_wait3A_130 = tpu.memref_slice %arg8[%add3A_76, %dma_wait3A] : memref<32x128xi32, #tpu.memory_space<vmem>> -> memref<1x128xi32, #tpu.memory_space<vmem>>
          %dma_wait3A_131 = tpu.memref_squeeze %dma_wait3A_130 : memref<1x128xi32, #tpu.memory_space<vmem>> -> memref<128xi32, #tpu.memory_space<vmem>>
          %dma_wait3A_132 = arith.constant 0 : i32
          %dma_wait3A_133 = arith.constant 0 : i32
          %dma_wait3A_134 = tpu.memref_slice %arg2[%dma_wait3A_132, %dma_wait3A_133] : memref<10000x64xi32, #tpu.memory_space<hbm>> -> memref<10000x64xi32, #tpu.memory_space<hbm>>
          tpu.wait_indirect_dma semaphore(%arg14 : memref<!tpu.dma_semaphore, #tpu.memory_space<semaphore_mem>>) src(%dma_wait3A_134 : memref<10000x64xi32, #tpu.memory_space<hbm>>) dst(%arg10 : memref<128x64xi32, #tpu.memory_space<vmem>>)
          %add3A_135 = arith.constant 1 : i32
          %add3A_136 = arith.addi %scan3A_39, %add3A_135 : i32
          %lt3A_137 = arith.constant 80 : i32
          %lt3A_138 = arith.cmpi slt, %add3A_136, %lt3A_137 : i32
          %convert_element_type3A_139 = arith.extui %lt3A_138 : i1 to i32
          %cond3A_140 = arith.constant 0 : i32
          %cond3A_141 = arith.cmpi ne, %convert_element_type3A_139, %cond3A_140 : i32
          scf.if %cond3A_141 {
            %add3A_148 = arith.constant 1 : i32
            %add3A_149 = arith.addi %scan3A_39, %add3A_148 : i32
            %jit3A_150 = arith.constant 16 : i32
            %div3A_151 = arith.divsi %add3A_149, %jit3A_150 : i32
            %sign3A_152 = arith.constant 0 : i32
            %sign3A_153 = arith.cmpi sgt, %add3A_149, %sign3A_152 : i32
            %sign3A_154 = arith.extui %sign3A_153 : i1 to i32
            %sign3A_155 = arith.constant 0 : i32
            %sign3A_156 = arith.cmpi slt, %add3A_149, %sign3A_155 : i32
            %sign3A_157 = arith.extui %sign3A_156 : i1 to i32
            %sign3A_158 = arith.subi %sign3A_154, %sign3A_157 : i32
            %sign3A_159 = arith.constant 0 : i32
            %sign3A_160 = arith.cmpi sgt, %jit3A_150, %sign3A_159 : i32
            %sign3A_161 = arith.extui %sign3A_160 : i1 to i32
            %sign3A_162 = arith.constant 0 : i32
            %sign3A_163 = arith.cmpi slt, %jit3A_150, %sign3A_162 : i32
            %sign3A_164 = arith.extui %sign3A_163 : i1 to i32
            %sign3A_165 = arith.subi %sign3A_161, %sign3A_164 : i32
            %ne3A_166 = arith.cmpi ne, %sign3A_158, %sign3A_165 : i32
            %rem3A_167 = arith.remsi %add3A_149, %jit3A_150 : i32
            %ne3A_168 = arith.constant 0 : i32
            %ne3A_169 = arith.cmpi ne, %rem3A_167, %ne3A_168 : i32
            %and3A_170 = arith.andi %ne3A_166, %ne3A_169 : i1
            %sub3A_171 = arith.constant 1 : i32
            %sub3A_172 = arith.subi %div3A_151, %sub3A_171 : i32
            %select_n3A_173 = arith.select %and3A_170, %sub3A_172, %div3A_151 : i32
            %jit3A_174 = arith.constant 2 : i32
            %eq3A_175 = arith.constant 0 : i32
            %eq3A_176 = arith.cmpi eq, %jit3A_174, %eq3A_175 : i32
            %jit3A_177 = arith.constant 1 : i32
            %select_n3A_178 = arith.select %eq3A_176, %jit3A_177, %jit3A_174 : i32
            %rem3A_179 = arith.remsi %select_n3A_173, %select_n3A_178 : i32
            %ne3A_180 = arith.constant 0 : i32
            %ne3A_181 = arith.cmpi ne, %rem3A_179, %ne3A_180 : i32
            %lt3A_182 = arith.constant 0 : i32
            %lt3A_183 = arith.cmpi slt, %rem3A_179, %lt3A_182 : i32
            %lt3A_184 = arith.constant 0 : i32
            %lt3A_185 = arith.cmpi slt, %select_n3A_178, %lt3A_184 : i32
            %ne3A_186 = arith.xori %lt3A_183, %lt3A_185 : i1
            %and3A_187 = arith.andi %ne3A_186, %ne3A_181 : i1
            %add3A_188 = arith.addi %rem3A_179, %select_n3A_178 : i32
            %select_n3A_189 = arith.select %and3A_187, %add3A_188, %rem3A_179 : i32
            %mul3A_190 = arith.constant 16 : i32
            %mul3A_191 = arith.muli %select_n3A_189, %mul3A_190 : i32
            %mul3A_192 = arith.constant 16 : i32
            %mul3A_193 = arith.muli %select_n3A_173, %mul3A_192 : i32
            %sub3A_194 = arith.subi %add3A_149, %mul3A_193 : i32
            %add3A_195 = arith.addi %mul3A_191, %sub3A_194 : i32
            %dma_start3A_196 = arith.constant 0 : i32
            %dma_start3A_197 = tpu.memref_slice %arg8[%add3A_195, %dma_start3A_196] : memref<32x128xi32, #tpu.memory_space<vmem>> -> memref<1x128xi32, #tpu.memory_space<vmem>>
            %dma_start3A_198 = tpu.memref_squeeze %dma_start3A_197 : memref<1x128xi32, #tpu.memory_space<vmem>> -> memref<128xi32, #tpu.memory_space<vmem>>
            %dma_start3A_199 = arith.constant 0 : i32
            %dma_start3A_200 = arith.constant 0 : i32
            %dma_start3A_201 = tpu.memref_slice %arg2[%dma_start3A_199, %dma_start3A_200] : memref<10000x64xi32, #tpu.memory_space<hbm>> -> memref<10000x64xi32, #tpu.memory_space<hbm>>
            tpu.enqueue_indirect_dma source(%dma_start3A_201 : memref<10000x64xi32, #tpu.memory_space<hbm>>) target(%arg11 : memref<128x64xi32, #tpu.memory_space<vmem>>) offsets(%dma_start3A_198 : memref<128xi32, #tpu.memory_space<vmem>>) semaphore(%arg15 : memref<!tpu.dma_semaphore, #tpu.memory_space<semaphore_mem>>)
          } else {
          }
          %scan3A_142 = arith.constant 0 : i32
          %scan3A_143 = arith.constant 0 : i32
          %scan3A_144 = arith.constant 128 : i32
          %scan3A_145 = arith.addi %scan3A_143, %scan3A_144 : i32
          %scan3A_146 = arith.constant 1 : i32
          scf.for %scan3A_148 = %scan3A_143 to %scan3A_145 step %scan3A_146  : i32 {
            %get3A = arith.index_cast %scan3A_148 : i32 to index
            %get3A_149 = arith.constant 0 : index
            %get3A_150 = tpu.vector_load %arg10[%get3A, %get3A_149] {strides = array<i32>} : memref<128x64xi32, #tpu.memory_space<vmem>>, vector<1x16xi32>,
            %get3A_151 = vector.shape_cast %get3A_150 : vector<1x16xi32> to vector<16xi32>
            %shift_left3A = arith.constant 16 : i32
            %shift_left3A_152 = vector.broadcast %shift_left3A : i32 to vector<16xi32>
            %shift_left3A_153 = arith.shli %get3A_151, %shift_left3A_152 : vector<16xi32>
            %bitcast_convert_type3A = tpu.bitcast %shift_left3A_153 : vector<16xi32> -> vector<16xf32>
            %and3A_154 = arith.constant -65536 : i32
            %and3A_155 = vector.broadcast %and3A_154 : i32 to vector<16xi32>
            %and3A_156 = arith.andi %get3A_151, %and3A_155 : vector<16xi32>
            %bitcast_convert_type3A_157 = tpu.bitcast %and3A_156 : vector<16xi32> -> vector<16xf32>
            %swap3A = arith.index_cast %scan3A_148 : i32 to index
            %swap3A_158 = arith.constant 0 : index
            %swap3A_159 = tpu.vector_load %arg12[%swap3A, %swap3A_158] {strides = array<i32>} : memref<128x128xf32, #tpu.memory_space<vmem>>, vector<1x16xf32>,
            %swap3A_160 = vector.shape_cast %swap3A_159 : vector<1x16xf32> to vector<16xf32>
            %swap3A_161 = vector.shape_cast %bitcast_convert_type3A : vector<16xf32> to vector<1x16xf32>
            tpu.vector_store %arg12[%swap3A, %swap3A_158], %swap3A_161 {strides = array<i32>} : memref<128x128xf32, #tpu.memory_space<vmem>>, vector<1x16xf32>,
            %swap3A_162 = arith.index_cast %scan3A_148 : i32 to index
            %swap3A_163 = arith.constant 16 : index
            %swap3A_164 = tpu.vector_load %arg12[%swap3A_162, %swap3A_163] {strides = array<i32>} : memref<128x128xf32, #tpu.memory_space<vmem>>, vector<1x16xf32>,
            %swap3A_165 = vector.shape_cast %swap3A_164 : vector<1x16xf32> to vector<16xf32>
            %swap3A_166 = vector.shape_cast %bitcast_convert_type3A_157 : vector<16xf32> to vector<1x16xf32>
            tpu.vector_store %arg12[%swap3A_162, %swap3A_163], %swap3A_166 {strides = array<i32>} : memref<128x128xf32, #tpu.memory_space<vmem>>, vector<1x16xf32>,
            %get3A_167 = arith.index_cast %scan3A_148 : i32 to index
            %get3A_168 = arith.constant 16 : index
            %get3A_169 = tpu.vector_load %arg10[%get3A_167, %get3A_168] {strides = array<i32>} : memref<128x64xi32, #tpu.memory_space<vmem>>, vector<1x16xi32>,
            %get3A_170 = vector.shape_cast %get3A_169 : vector<1x16xi32> to vector<16xi32>
            %shift_left3A_171 = arith.constant 16 : i32
            %shift_left3A_172 = vector.broadcast %shift_left3A_171 : i32 to vector<16xi32>
            %shift_left3A_173 = arith.shli %get3A_170, %shift_left3A_172 : vector<16xi32>
            %bitcast_convert_type3A_174 = tpu.bitcast %shift_left3A_173 : vector<16xi32> -> vector<16xf32>
            %and3A_175 = arith.constant -65536 : i32
            %and3A_176 = vector.broadcast %and3A_175 : i32 to vector<16xi32>
            %and3A_177 = arith.andi %get3A_170, %and3A_176 : vector<16xi32>
            %bitcast_convert_type3A_178 = tpu.bitcast %and3A_177 : vector<16xi32> -> vector<16xf32>
            %swap3A_179 = arith.index_cast %scan3A_148 : i32 to index
            %swap3A_180 = arith.constant 32 : index
            %swap3A_181 = tpu.vector_load %arg12[%swap3A_179, %swap3A_180] {strides = array<i32>} : memref<128x128xf32, #tpu.memory_space<vmem>>, vector<1x16xf32>,
            %swap3A_182 = vector.shape_cast %swap3A_181 : vector<1x16xf32> to vector<16xf32>
            %swap3A_183 = vector.shape_cast %bitcast_convert_type3A_174 : vector<16xf32> to vector<1x16xf32>
            tpu.vector_store %arg12[%swap3A_179, %swap3A_180], %swap3A_183 {strides = array<i32>} : memref<128x128xf32, #tpu.memory_space<vmem>>, vector<1x16xf32>,
            %swap3A_184 = arith.index_cast %scan3A_148 : i32 to index
            %swap3A_185 = arith.constant 48 : index
            %swap3A_186 = tpu.vector_load %arg12[%swap3A_184, %swap3A_185] {strides = array<i32>} : memref<128x128xf32, #tpu.memory_space<vmem>>, vector<1x16xf32>,
            %swap3A_187 = vector.shape_cast %swap3A_186 : vector<1x16xf32> to vector<16xf32>
            %swap3A_188 = vector.shape_cast %bitcast_convert_type3A_178 : vector<16xf32> to vector<1x16xf32>
            tpu.vector_store %arg12[%swap3A_184, %swap3A_185], %swap3A_188 {strides = array<i32>} : memref<128x128xf32, #tpu.memory_space<vmem>>, vector<1x16xf32>,
            %get3A_189 = arith.index_cast %scan3A_148 : i32 to index
            %get3A_190 = arith.constant 32 : index
            %get3A_191 = tpu.vector_load %arg10[%get3A_189, %get3A_190] {strides = array<i32>} : memref<128x64xi32, #tpu.memory_space<vmem>>, vector<1x16xi32>,
            %get3A_192 = vector.shape_cast %get3A_191 : vector<1x16xi32> to vector<16xi32>
            %shift_left3A_193 = arith.constant 16 : i32
            %shift_left3A_194 = vector.broadcast %shift_left3A_193 : i32 to vector<16xi32>
            %shift_left3A_195 = arith.shli %get3A_192, %shift_left3A_194 : vector<16xi32>
            %bitcast_convert_type3A_196 = tpu.bitcast %shift_left3A_195 : vector<16xi32> -> vector<16xf32>
            %and3A_197 = arith.constant -65536 : i32
            %and3A_198 = vector.broadcast %and3A_197 : i32 to vector<16xi32>
            %and3A_199 = arith.andi %get3A_192, %and3A_198 : vector<16xi32>
            %bitcast_convert_type3A_200 = tpu.bitcast %and3A_199 : vector<16xi32> -> vector<16xf32>
            %swap3A_201 = arith.index_cast %scan3A_148 : i32 to index
            %swap3A_202 = arith.constant 64 : index
            %swap3A_203 = tpu.vector_load %arg12[%swap3A_201, %swap3A_202] {strides = array<i32>} : memref<128x128xf32, #tpu.memory_space<vmem>>, vector<1x16xf32>,
            %swap3A_204 = vector.shape_cast %swap3A_203 : vector<1x16xf32> to vector<16xf32>
            %swap3A_205 = vector.shape_cast %bitcast_convert_type3A_196 : vector<16xf32> to vector<1x16xf32>
            tpu.vector_store %arg12[%swap3A_201, %swap3A_202], %swap3A_205 {strides = array<i32>} : memref<128x128xf32, #tpu.memory_space<vmem>>, vector<1x16xf32>,
            %swap3A_206 = arith.index_cast %scan3A_148 : i32 to index
            %swap3A_207 = arith.constant 80 : index
            %swap3A_208 = tpu.vector_load %arg12[%swap3A_206, %swap3A_207] {strides = array<i32>} : memref<128x128xf32, #tpu.memory_space<vmem>>, vector<1x16xf32>,
            %swap3A_209 = vector.shape_cast %swap3A_208 : vector<1x16xf32> to vector<16xf32>
            %swap3A_210 = vector.shape_cast %bitcast_convert_type3A_200 : vector<16xf32> to vector<1x16xf32>
            tpu.vector_store %arg12[%swap3A_206, %swap3A_207], %swap3A_210 {strides = array<i32>} : memref<128x128xf32, #tpu.memory_space<vmem>>, vector<1x16xf32>,
            %get3A_211 = arith.index_cast %scan3A_148 : i32 to index
            %get3A_212 = arith.constant 48 : index
            %get3A_213 = tpu.vector_load %arg10[%get3A_211, %get3A_212] {strides = array<i32>} : memref<128x64xi32, #tpu.memory_space<vmem>>, vector<1x16xi32>,
            %get3A_214 = vector.shape_cast %get3A_213 : vector<1x16xi32> to vector<16xi32>
            %shift_left3A_215 = arith.constant 16 : i32
            %shift_left3A_216 = vector.broadcast %shift_left3A_215 : i32 to vector<16xi32>
            %shift_left3A_217 = arith.shli %get3A_214, %shift_left3A_216 : vector<16xi32>
            %bitcast_convert_type3A_218 = tpu.bitcast %shift_left3A_217 : vector<16xi32> -> vector<16xf32>
            %and3A_219 = arith.constant -65536 : i32
            %and3A_220 = vector.broadcast %and3A_219 : i32 to vector<16xi32>
            %and3A_221 = arith.andi %get3A_214, %and3A_220 : vector<16xi32>
            %bitcast_convert_type3A_222 = tpu.bitcast %and3A_221 : vector<16xi32> -> vector<16xf32>
            %swap3A_223 = arith.index_cast %scan3A_148 : i32 to index
            %swap3A_224 = arith.constant 96 : index
            %swap3A_225 = tpu.vector_load %arg12[%swap3A_223, %swap3A_224] {strides = array<i32>} : memref<128x128xf32, #tpu.memory_space<vmem>>, vector<1x16xf32>,
            %swap3A_226 = vector.shape_cast %swap3A_225 : vector<1x16xf32> to vector<16xf32>
            %swap3A_227 = vector.shape_cast %bitcast_convert_type3A_218 : vector<16xf32> to vector<1x16xf32>
            tpu.vector_store %arg12[%swap3A_223, %swap3A_224], %swap3A_227 {strides = array<i32>} : memref<128x128xf32, #tpu.memory_space<vmem>>, vector<1x16xf32>,
            %swap3A_228 = arith.index_cast %scan3A_148 : i32 to index
            %swap3A_229 = arith.constant 112 : index
            %swap3A_230 = tpu.vector_load %arg12[%swap3A_228, %swap3A_229] {strides = array<i32>} : memref<128x128xf32, #tpu.memory_space<vmem>>, vector<1x16xf32>,
            %swap3A_231 = vector.shape_cast %swap3A_230 : vector<1x16xf32> to vector<16xf32>
            %swap3A_232 = vector.shape_cast %bitcast_convert_type3A_222 : vector<16xf32> to vector<1x16xf32>
            tpu.vector_store %arg12[%swap3A_228, %swap3A_229], %swap3A_232 {strides = array<i32>} : memref<128x128xf32, #tpu.memory_space<vmem>>, vector<1x16xf32>,
          }
          %scan3A_147 = arith.constant 128 : i32
          "tpu.region"() ({
            %run_scoped3A = tpu.sem_alloc : memref<!tpu.dma_semaphore, #tpu.memory_space<semaphore_mem>>
            %dma_start3A_148 = arith.constant 0 : i32
            %dma_start3A_149 = tpu.memref_slice %arg9[%add3A_76, %dma_start3A_148] : memref<32x128xi32, #tpu.memory_space<vmem>> -> memref<1x128xi32, #tpu.memory_space<vmem>>
            %dma_start3A_150 = tpu.memref_squeeze %dma_start3A_149 : memref<1x128xi32, #tpu.memory_space<vmem>> -> memref<128xi32, #tpu.memory_space<vmem>>
            %dma_start3A_151 = arith.constant 0 : i32
            %dma_start3A_152 = arith.constant 0 : i32
            %dma_start3A_153 = tpu.memref_slice %arg13[%dma_start3A_151, %dma_start3A_152] : memref<10240x128xf32, #tpu.memory_space<vmem_shared>> -> memref<10240x128xf32, #tpu.memory_space<vmem_shared>>
            tpu.enqueue_indirect_dma source(%arg12 : memref<128x128xf32, #tpu.memory_space<vmem>>) target(%dma_start3A_153 : memref<10240x128xf32, #tpu.memory_space<vmem_shared>>) offsets(%dma_start3A_150 : memref<128xi32, #tpu.memory_space<vmem>>) semaphore(%run_scoped3A : memref<!tpu.dma_semaphore, #tpu.memory_space<semaphore_mem>>) {add = true}
            %dma_wait3A_154 = arith.constant 0 : i32
            %dma_wait3A_155 = tpu.memref_slice %arg9[%add3A_76, %dma_wait3A_154] : memref<32x128xi32, #tpu.memory_space<vmem>> -> memref<1x128xi32, #tpu.memory_space<vmem>>
            %dma_wait3A_156 = tpu.memref_squeeze %dma_wait3A_155 : memref<1x128xi32, #tpu.memory_space<vmem>> -> memref<128xi32, #tpu.memory_space<vmem>>
            %dma_wait3A_157 = arith.constant 0 : i32
            %dma_wait3A_158 = arith.constant 0 : i32
            %dma_wait3A_159 = tpu.memref_slice %arg13[%dma_wait3A_157, %dma_wait3A_158] : memref<10240x128xf32, #tpu.memory_space<vmem_shared>> -> memref<10240x128xf32, #tpu.memory_space<vmem_shared>>
            tpu.wait_indirect_dma semaphore(%run_scoped3A : memref<!tpu.dma_semaphore, #tpu.memory_space<semaphore_mem>>) src(%arg12 : memref<128x128xf32, #tpu.memory_space<vmem>>) dst(%dma_wait3A_159 : memref<10240x128xf32, #tpu.memory_space<vmem_shared>>)
            tpu.yield
          }) : () -> ()
        } else {
        }
        %jit3A_109 = arith.constant 2 : i32
        %eq3A_110 = arith.constant 0 : i32
        %eq3A_111 = arith.cmpi eq, %jit3A_109, %eq3A_110 : i32
        %jit3A_112 = arith.constant 1 : i32
        %select_n3A_113 = arith.select %eq3A_111, %jit3A_112, %jit3A_109 : i32
        %rem3A_114 = arith.remsi %scan3A_39, %select_n3A_113 : i32
        %ne3A_115 = arith.constant 0 : i32
        %ne3A_116 = arith.cmpi ne, %rem3A_114, %ne3A_115 : i32
        %lt3A_117 = arith.constant 0 : i32
        %lt3A_118 = arith.cmpi slt, %rem3A_114, %lt3A_117 : i32
        %lt3A_119 = arith.constant 0 : i32
        %lt3A_120 = arith.cmpi slt, %select_n3A_113, %lt3A_119 : i32
        %ne3A_121 = arith.xori %lt3A_118, %lt3A_120 : i1
        %and3A_122 = arith.andi %ne3A_121, %ne3A_116 : i1
        %add3A_123 = arith.addi %rem3A_114, %select_n3A_113 : i32
        %select_n3A_124 = arith.select %and3A_122, %add3A_123, %rem3A_114 : i32
        %eq3A_125 = arith.constant 1 : i32
        %eq3A_126 = arith.cmpi eq, %select_n3A_124, %eq3A_125 : i32
        %convert_element_type3A_127 = arith.extui %eq3A_126 : i1 to i32
        %cond3A_128 = arith.constant 0 : i32
        %cond3A_129 = arith.cmpi ne, %convert_element_type3A_127, %cond3A_128 : i32
        scf.if %cond3A_129 {
          %dma_wait3A = arith.constant 0 : i32
          %dma_wait3A_130 = tpu.memref_slice %arg8[%add3A_76, %dma_wait3A] : memref<32x128xi32, #tpu.memory_space<vmem>> -> memref<1x128xi32, #tpu.memory_space<vmem>>
          %dma_wait3A_131 = tpu.memref_squeeze %dma_wait3A_130 : memref<1x128xi32, #tpu.memory_space<vmem>> -> memref<128xi32, #tpu.memory_space<vmem>>
          %dma_wait3A_132 = arith.constant 0 : i32
          %dma_wait3A_133 = arith.constant 0 : i32
          %dma_wait3A_134 = tpu.memref_slice %arg2[%dma_wait3A_132, %dma_wait3A_133] : memref<10000x64xi32, #tpu.memory_space<hbm>> -> memref<10000x64xi32, #tpu.memory_space<hbm>>
          tpu.wait_indirect_dma semaphore(%arg15 : memref<!tpu.dma_semaphore, #tpu.memory_space<semaphore_mem>>) src(%dma_wait3A_134 : memref<10000x64xi32, #tpu.memory_space<hbm>>) dst(%arg11 : memref<128x64xi32, #tpu.memory_space<vmem>>)
          %add3A_135 = arith.constant 1 : i32
          %add3A_136 = arith.addi %scan3A_39, %add3A_135 : i32
          %lt3A_137 = arith.constant 80 : i32
          %lt3A_138 = arith.cmpi slt, %add3A_136, %lt3A_137 : i32
          %convert_element_type3A_139 = arith.extui %lt3A_138 : i1 to i32
          %cond3A_140 = arith.constant 0 : i32
          %cond3A_141 = arith.cmpi ne, %convert_element_type3A_139, %cond3A_140 : i32
          scf.if %cond3A_141 {
            %add3A_148 = arith.constant 1 : i32
            %add3A_149 = arith.addi %scan3A_39, %add3A_148 : i32
            %jit3A_150 = arith.constant 16 : i32
            %div3A_151 = arith.divsi %add3A_149, %jit3A_150 : i32
            %sign3A_152 = arith.constant 0 : i32
            %sign3A_153 = arith.cmpi sgt, %add3A_149, %sign3A_152 : i32
            %sign3A_154 = arith.extui %sign3A_153 : i1 to i32
            %sign3A_155 = arith.constant 0 : i32
            %sign3A_156 = arith.cmpi slt, %add3A_149, %sign3A_155 : i32
            %sign3A_157 = arith.extui %sign3A_156 : i1 to i32
            %sign3A_158 = arith.subi %sign3A_154, %sign3A_157 : i32
            %sign3A_159 = arith.constant 0 : i32
            %sign3A_160 = arith.cmpi sgt, %jit3A_150, %sign3A_159 : i32
            %sign3A_161 = arith.extui %sign3A_160 : i1 to i32
            %sign3A_162 = arith.constant 0 : i32
            %sign3A_163 = arith.cmpi slt, %jit3A_150, %sign3A_162 : i32
            %sign3A_164 = arith.extui %sign3A_163 : i1 to i32
            %sign3A_165 = arith.subi %sign3A_161, %sign3A_164 : i32
            %ne3A_166 = arith.cmpi ne, %sign3A_158, %sign3A_165 : i32
            %rem3A_167 = arith.remsi %add3A_149, %jit3A_150 : i32
            %ne3A_168 = arith.constant 0 : i32
            %ne3A_169 = arith.cmpi ne, %rem3A_167, %ne3A_168 : i32
            %and3A_170 = arith.andi %ne3A_166, %ne3A_169 : i1
            %sub3A_171 = arith.constant 1 : i32
            %sub3A_172 = arith.subi %div3A_151, %sub3A_171 : i32
            %select_n3A_173 = arith.select %and3A_170, %sub3A_172, %div3A_151 : i32
            %jit3A_174 = arith.constant 2 : i32
            %eq3A_175 = arith.constant 0 : i32
            %eq3A_176 = arith.cmpi eq, %jit3A_174, %eq3A_175 : i32
            %jit3A_177 = arith.constant 1 : i32
            %select_n3A_178 = arith.select %eq3A_176, %jit3A_177, %jit3A_174 : i32
            %rem3A_179 = arith.remsi %select_n3A_173, %select_n3A_178 : i32
            %ne3A_180 = arith.constant 0 : i32
            %ne3A_181 = arith.cmpi ne, %rem3A_179, %ne3A_180 : i32
            %lt3A_182 = arith.constant 0 : i32
            %lt3A_183 = arith.cmpi slt, %rem3A_179, %lt3A_182 : i32
            %lt3A_184 = arith.constant 0 : i32
            %lt3A_185 = arith.cmpi slt, %select_n3A_178, %lt3A_184 : i32
            %ne3A_186 = arith.xori %lt3A_183, %lt3A_185 : i1
            %and3A_187 = arith.andi %ne3A_186, %ne3A_181 : i1
            %add3A_188 = arith.addi %rem3A_179, %select_n3A_178 : i32
            %select_n3A_189 = arith.select %and3A_187, %add3A_188, %rem3A_179 : i32
            %mul3A_190 = arith.constant 16 : i32
            %mul3A_191 = arith.muli %select_n3A_189, %mul3A_190 : i32
            %mul3A_192 = arith.constant 16 : i32
            %mul3A_193 = arith.muli %select_n3A_173, %mul3A_192 : i32
            %sub3A_194 = arith.subi %add3A_149, %mul3A_193 : i32
            %add3A_195 = arith.addi %mul3A_191, %sub3A_194 : i32
            %dma_start3A_196 = arith.constant 0 : i32
            %dma_start3A_197 = tpu.memref_slice %arg8[%add3A_195, %dma_start3A_196] : memref<32x128xi32, #tpu.memory_space<vmem>> -> memref<1x128xi32, #tpu.memory_space<vmem>>
            %dma_start3A_198 = tpu.memref_squeeze %dma_start3A_197 : memref<1x128xi32, #tpu.memory_space<vmem>> -> memref<128xi32, #tpu.memory_space<vmem>>
            %dma_start3A_199 = arith.constant 0 : i32
            %dma_start3A_200 = arith.constant 0 : i32
            %dma_start3A_201 = tpu.memref_slice %arg2[%dma_start3A_199, %dma_start3A_200] : memref<10000x64xi32, #tpu.memory_space<hbm>> -> memref<10000x64xi32, #tpu.memory_space<hbm>>
            tpu.enqueue_indirect_dma source(%dma_start3A_201 : memref<10000x64xi32, #tpu.memory_space<hbm>>) target(%arg10 : memref<128x64xi32, #tpu.memory_space<vmem>>) offsets(%dma_start3A_198 : memref<128xi32, #tpu.memory_space<vmem>>) semaphore(%arg14 : memref<!tpu.dma_semaphore, #tpu.memory_space<semaphore_mem>>)
          } else {
          }
          %scan3A_142 = arith.constant 0 : i32
          %scan3A_143 = arith.constant 0 : i32
          %scan3A_144 = arith.constant 128 : i32
          %scan3A_145 = arith.addi %scan3A_143, %scan3A_144 : i32
          %scan3A_146 = arith.constant 1 : i32
          scf.for %scan3A_148 = %scan3A_143 to %scan3A_145 step %scan3A_146  : i32 {
            %get3A = arith.index_cast %scan3A_148 : i32 to index
            %get3A_149 = arith.constant 0 : index
            %get3A_150 = tpu.vector_load %arg11[%get3A, %get3A_149] {strides = array<i32>} : memref<128x64xi32, #tpu.memory_space<vmem>>, vector<1x16xi32>,
            %get3A_151 = vector.shape_cast %get3A_150 : vector<1x16xi32> to vector<16xi32>
            %shift_left3A = arith.constant 16 : i32
            %shift_left3A_152 = vector.broadcast %shift_left3A : i32 to vector<16xi32>
            %shift_left3A_153 = arith.shli %get3A_151, %shift_left3A_152 : vector<16xi32>
            %bitcast_convert_type3A = tpu.bitcast %shift_left3A_153 : vector<16xi32> -> vector<16xf32>
            %and3A_154 = arith.constant -65536 : i32
            %and3A_155 = vector.broadcast %and3A_154 : i32 to vector<16xi32>
            %and3A_156 = arith.andi %get3A_151, %and3A_155 : vector<16xi32>
            %bitcast_convert_type3A_157 = tpu.bitcast %and3A_156 : vector<16xi32> -> vector<16xf32>
            %swap3A = arith.index_cast %scan3A_148 : i32 to index
            %swap3A_158 = arith.constant 0 : index
            %swap3A_159 = tpu.vector_load %arg12[%swap3A, %swap3A_158] {strides = array<i32>} : memref<128x128xf32, #tpu.memory_space<vmem>>, vector<1x16xf32>,
            %swap3A_160 = vector.shape_cast %swap3A_159 : vector<1x16xf32> to vector<16xf32>
            %swap3A_161 = vector.shape_cast %bitcast_convert_type3A : vector<16xf32> to vector<1x16xf32>
            tpu.vector_store %arg12[%swap3A, %swap3A_158], %swap3A_161 {strides = array<i32>} : memref<128x128xf32, #tpu.memory_space<vmem>>, vector<1x16xf32>,
            %swap3A_162 = arith.index_cast %scan3A_148 : i32 to index
            %swap3A_163 = arith.constant 16 : index
            %swap3A_164 = tpu.vector_load %arg12[%swap3A_162, %swap3A_163] {strides = array<i32>} : memref<128x128xf32, #tpu.memory_space<vmem>>, vector<1x16xf32>,
            %swap3A_165 = vector.shape_cast %swap3A_164 : vector<1x16xf32> to vector<16xf32>
            %swap3A_166 = vector.shape_cast %bitcast_convert_type3A_157 : vector<16xf32> to vector<1x16xf32>
            tpu.vector_store %arg12[%swap3A_162, %swap3A_163], %swap3A_166 {strides = array<i32>} : memref<128x128xf32, #tpu.memory_space<vmem>>, vector<1x16xf32>,
            %get3A_167 = arith.index_cast %scan3A_148 : i32 to index
            %get3A_168 = arith.constant 16 : index
            %get3A_169 = tpu.vector_load %arg11[%get3A_167, %get3A_168] {strides = array<i32>} : memref<128x64xi32, #tpu.memory_space<vmem>>, vector<1x16xi32>,
            %get3A_170 = vector.shape_cast %get3A_169 : vector<1x16xi32> to vector<16xi32>
            %shift_left3A_171 = arith.constant 16 : i32
            %shift_left3A_172 = vector.broadcast %shift_left3A_171 : i32 to vector<16xi32>
            %shift_left3A_173 = arith.shli %get3A_170, %shift_left3A_172 : vector<16xi32>
            %bitcast_convert_type3A_174 = tpu.bitcast %shift_left3A_173 : vector<16xi32> -> vector<16xf32>
            %and3A_175 = arith.constant -65536 : i32
            %and3A_176 = vector.broadcast %and3A_175 : i32 to vector<16xi32>
            %and3A_177 = arith.andi %get3A_170, %and3A_176 : vector<16xi32>
            %bitcast_convert_type3A_178 = tpu.bitcast %and3A_177 : vector<16xi32> -> vector<16xf32>
            %swap3A_179 = arith.index_cast %scan3A_148 : i32 to index
            %swap3A_180 = arith.constant 32 : index
            %swap3A_181 = tpu.vector_load %arg12[%swap3A_179, %swap3A_180] {strides = array<i32>} : memref<128x128xf32, #tpu.memory_space<vmem>>, vector<1x16xf32>,
            %swap3A_182 = vector.shape_cast %swap3A_181 : vector<1x16xf32> to vector<16xf32>
            %swap3A_183 = vector.shape_cast %bitcast_convert_type3A_174 : vector<16xf32> to vector<1x16xf32>
            tpu.vector_store %arg12[%swap3A_179, %swap3A_180], %swap3A_183 {strides = array<i32>} : memref<128x128xf32, #tpu.memory_space<vmem>>, vector<1x16xf32>,
            %swap3A_184 = arith.index_cast %scan3A_148 : i32 to index
            %swap3A_185 = arith.constant 48 : index
            %swap3A_186 = tpu.vector_load %arg12[%swap3A_184, %swap3A_185] {strides = array<i32>} : memref<128x128xf32, #tpu.memory_space<vmem>>, vector<1x16xf32>,
            %swap3A_187 = vector.shape_cast %swap3A_186 : vector<1x16xf32> to vector<16xf32>
            %swap3A_188 = vector.shape_cast %bitcast_convert_type3A_178 : vector<16xf32> to vector<1x16xf32>
            tpu.vector_store %arg12[%swap3A_184, %swap3A_185], %swap3A_188 {strides = array<i32>} : memref<128x128xf32, #tpu.memory_space<vmem>>, vector<1x16xf32>,
            %get3A_189 = arith.index_cast %scan3A_148 : i32 to index
            %get3A_190 = arith.constant 32 : index
            %get3A_191 = tpu.vector_load %arg11[%get3A_189, %get3A_190] {strides = array<i32>} : memref<128x64xi32, #tpu.memory_space<vmem>>, vector<1x16xi32>,
            %get3A_192 = vector.shape_cast %get3A_191 : vector<1x16xi32> to vector<16xi32>
            %shift_left3A_193 = arith.constant 16 : i32
            %shift_left3A_194 = vector.broadcast %shift_left3A_193 : i32 to vector<16xi32>
            %shift_left3A_195 = arith.shli %get3A_192, %shift_left3A_194 : vector<16xi32>
            %bitcast_convert_type3A_196 = tpu.bitcast %shift_left3A_195 : vector<16xi32> -> vector<16xf32>
            %and3A_197 = arith.constant -65536 : i32
            %and3A_198 = vector.broadcast %and3A_197 : i32 to vector<16xi32>
            %and3A_199 = arith.andi %get3A_192, %and3A_198 : vector<16xi32>
            %bitcast_convert_type3A_200 = tpu.bitcast %and3A_199 : vector<16xi32> -> vector<16xf32>
            %swap3A_201 = arith.index_cast %scan3A_148 : i32 to index
            %swap3A_202 = arith.constant 64 : index
            %swap3A_203 = tpu.vector_load %arg12[%swap3A_201, %swap3A_202] {strides = array<i32>} : memref<128x128xf32, #tpu.memory_space<vmem>>, vector<1x16xf32>,
            %swap3A_204 = vector.shape_cast %swap3A_203 : vector<1x16xf32> to vector<16xf32>
            %swap3A_205 = vector.shape_cast %bitcast_convert_type3A_196 : vector<16xf32> to vector<1x16xf32>
            tpu.vector_store %arg12[%swap3A_201, %swap3A_202], %swap3A_205 {strides = array<i32>} : memref<128x128xf32, #tpu.memory_space<vmem>>, vector<1x16xf32>,
            %swap3A_206 = arith.index_cast %scan3A_148 : i32 to index
            %swap3A_207 = arith.constant 80 : index
            %swap3A_208 = tpu.vector_load %arg12[%swap3A_206, %swap3A_207] {strides = array<i32>} : memref<128x128xf32, #tpu.memory_space<vmem>>, vector<1x16xf32>,
            %swap3A_209 = vector.shape_cast %swap3A_208 : vector<1x16xf32> to vector<16xf32>
            %swap3A_210 = vector.shape_cast %bitcast_convert_type3A_200 : vector<16xf32> to vector<1x16xf32>
            tpu.vector_store %arg12[%swap3A_206, %swap3A_207], %swap3A_210 {strides = array<i32>} : memref<128x128xf32, #tpu.memory_space<vmem>>, vector<1x16xf32>,
            %get3A_211 = arith.index_cast %scan3A_148 : i32 to index
            %get3A_212 = arith.constant 48 : index
            %get3A_213 = tpu.vector_load %arg11[%get3A_211, %get3A_212] {strides = array<i32>} : memref<128x64xi32, #tpu.memory_space<vmem>>, vector<1x16xi32>,
            %get3A_214 = vector.shape_cast %get3A_213 : vector<1x16xi32> to vector<16xi32>
            %shift_left3A_215 = arith.constant 16 : i32
            %shift_left3A_216 = vector.broadcast %shift_left3A_215 : i32 to vector<16xi32>
            %shift_left3A_217 = arith.shli %get3A_214, %shift_left3A_216 : vector<16xi32>
            %bitcast_convert_type3A_218 = tpu.bitcast %shift_left3A_217 : vector<16xi32> -> vector<16xf32>
            %and3A_219 = arith.constant -65536 : i32
            %and3A_220 = vector.broadcast %and3A_219 : i32 to vector<16xi32>
            %and3A_221 = arith.andi %get3A_214, %and3A_220 : vector<16xi32>
            %bitcast_convert_type3A_222 = tpu.bitcast %and3A_221 : vector<16xi32> -> vector<16xf32>
            %swap3A_223 = arith.index_cast %scan3A_148 : i32 to index
            %swap3A_224 = arith.constant 96 : index
            %swap3A_225 = tpu.vector_load %arg12[%swap3A_223, %swap3A_224] {strides = array<i32>} : memref<128x128xf32, #tpu.memory_space<vmem>>, vector<1x16xf32>,
            %swap3A_226 = vector.shape_cast %swap3A_225 : vector<1x16xf32> to vector<16xf32>
            %swap3A_227 = vector.shape_cast %bitcast_convert_type3A_218 : vector<16xf32> to vector<1x16xf32>
            tpu.vector_store %arg12[%swap3A_223, %swap3A_224], %swap3A_227 {strides = array<i32>} : memref<128x128xf32, #tpu.memory_space<vmem>>, vector<1x16xf32>,
            %swap3A_228 = arith.index_cast %scan3A_148 : i32 to index
            %swap3A_229 = arith.constant 112 : index
            %swap3A_230 = tpu.vector_load %arg12[%swap3A_228, %swap3A_229] {strides = array<i32>} : memref<128x128xf32, #tpu.memory_space<vmem>>, vector<1x16xf32>,
            %swap3A_231 = vector.shape_cast %swap3A_230 : vector<1x16xf32> to vector<16xf32>
            %swap3A_232 = vector.shape_cast %bitcast_convert_type3A_222 : vector<16xf32> to vector<1x16xf32>
            tpu.vector_store %arg12[%swap3A_228, %swap3A_229], %swap3A_232 {strides = array<i32>} : memref<128x128xf32, #tpu.memory_space<vmem>>, vector<1x16xf32>,
          }
          %scan3A_147 = arith.constant 128 : i32
          "tpu.region"() ({
            %run_scoped3A = tpu.sem_alloc : memref<!tpu.dma_semaphore, #tpu.memory_space<semaphore_mem>>
            %dma_start3A_148 = arith.constant 0 : i32
            %dma_start3A_149 = tpu.memref_slice %arg9[%add3A_76, %dma_start3A_148] : memref<32x128xi32, #tpu.memory_space<vmem>> -> memref<1x128xi32, #tpu.memory_space<vmem>>
            %dma_start3A_150 = tpu.memref_squeeze %dma_start3A_149 : memref<1x128xi32, #tpu.memory_space<vmem>> -> memref<128xi32, #tpu.memory_space<vmem>>
            %dma_start3A_151 = arith.constant 0 : i32
            %dma_start3A_152 = arith.constant 0 : i32
            %dma_start3A_153 = tpu.memref_slice %arg13[%dma_start3A_151, %dma_start3A_152] : memref<10240x128xf32, #tpu.memory_space<vmem_shared>> -> memref<10240x128xf32, #tpu.memory_space<vmem_shared>>
            tpu.enqueue_indirect_dma source(%arg12 : memref<128x128xf32, #tpu.memory_space<vmem>>) target(%dma_start3A_153 : memref<10240x128xf32, #tpu.memory_space<vmem_shared>>) offsets(%dma_start3A_150 : memref<128xi32, #tpu.memory_space<vmem>>) semaphore(%run_scoped3A : memref<!tpu.dma_semaphore, #tpu.memory_space<semaphore_mem>>) {add = true}
            %dma_wait3A_154 = arith.constant 0 : i32
            %dma_wait3A_155 = tpu.memref_slice %arg9[%add3A_76, %dma_wait3A_154] : memref<32x128xi32, #tpu.memory_space<vmem>> -> memref<1x128xi32, #tpu.memory_space<vmem>>
            %dma_wait3A_156 = tpu.memref_squeeze %dma_wait3A_155 : memref<1x128xi32, #tpu.memory_space<vmem>> -> memref<128xi32, #tpu.memory_space<vmem>>
            %dma_wait3A_157 = arith.constant 0 : i32
            %dma_wait3A_158 = arith.constant 0 : i32
            %dma_wait3A_159 = tpu.memref_slice %arg13[%dma_wait3A_157, %dma_wait3A_158] : memref<10240x128xf32, #tpu.memory_space<vmem_shared>> -> memref<10240x128xf32, #tpu.memory_space<vmem_shared>>
            tpu.wait_indirect_dma semaphore(%run_scoped3A : memref<!tpu.dma_semaphore, #tpu.memory_space<semaphore_mem>>) src(%arg12 : memref<128x128xf32, #tpu.memory_space<vmem>>) dst(%dma_wait3A_159 : memref<10240x128xf32, #tpu.memory_space<vmem_shared>>)
            tpu.yield
          }) : () -> ()
        } else {
        }
      }
      %scan3A_38 = arith.constant 80 : i32
    } else {
    }
    %barrier3A_23 = arith.constant 0 : index
    tpu.barrier barrier_id(%barrier3A_23)
    %mul3A_24 = arith.constant 10240 : i32
    %mul3A_25 = arith.muli %arg0, %mul3A_24 : i32
    %add3A_26 = arith.addi %mul3A_25, %mul3A_6 : i32
    "tpu.region"() ({
      %run_scoped3A = tpu.sem_alloc : memref<!tpu.dma_semaphore, #tpu.memory_space<semaphore_mem>>
      %dma_start3A = arith.constant 0 : i32
      %dma_start3A_27 = tpu.memref_slice %arg7[%add3A_26, %dma_start3A] : memref<20480x128xf32, #tpu.memory_space<hbm>> -> memref<640x128xf32, #tpu.memory_space<hbm>>
      %dma_start3A_28 = arith.constant 0 : i32
      %dma_start3A_29 = tpu.memref_slice %arg13[%mul3A_6, %dma_start3A_28] : memref<10240x128xf32, #tpu.memory_space<vmem_shared>> -> memref<640x128xf32, #tpu.memory_space<vmem_shared>>
      tpu.enqueue_dma source(%dma_start3A_29 : memref<640x128xf32, #tpu.memory_space<vmem_shared>>) target(%dma_start3A_27 : memref<640x128xf32, #tpu.memory_space<hbm>>) target_semaphore(%run_scoped3A : memref<!tpu.dma_semaphore, #tpu.memory_space<semaphore_mem>>)
      %dma_wait3A = arith.constant 0 : i32
      %dma_wait3A_30 = tpu.memref_slice %arg7[%add3A_26, %dma_wait3A] : memref<20480x128xf32, #tpu.memory_space<hbm>> -> memref<640x128xf32, #tpu.memory_space<hbm>>
      %dma_wait3A_31 = arith.constant 0 : i32
      %dma_wait3A_32 = tpu.memref_slice %arg13[%mul3A_6, %dma_wait3A_31] : memref<10240x128xf32, #tpu.memory_space<vmem_shared>> -> memref<640x128xf32, #tpu.memory_space<vmem_shared>>
      tpu.wait_dma2 semaphore(%run_scoped3A : memref<!tpu.dma_semaphore, #tpu.memory_space<semaphore_mem>>) src(%dma_wait3A_32 : memref<640x128xf32, #tpu.memory_space<vmem_shared>>) dst(%dma_wait3A_30 : memref<640x128xf32, #tpu.memory_space<hbm>>)
      tpu.yield
    }) : () -> ()
    return
  }
}

module attributes {stable_mosaic.version = 14 : i64} {
  func.func @body(%arg0: i32, %arg1: memref<80x128xf32, #tpu.memory_space<vmem>>, %arg2: memref<80x128xf32, #tpu.memory_space<vmem>>, %arg3: memref<128x128xf32, #tpu.memory_space<vmem>>, %arg4: memref<1x128xf32, #tpu.memory_space<vmem>>, %arg5: memref<80x64xi32, #tpu.memory_space<vmem>>) attributes {dimension_semantics = [#tpu.dimension_semantics<arbitrary>], iteration_bounds = array<i64: 125>, scalar_prefetch = 0 : i64, scratch_operands = 0 : i64, tpu.core_type = #tpu.core_type<tc>, window_params = [{transform_indices = @transform_0, window_bounds = array<i64: 80, 128>}, {transform_indices = @transform_1, window_bounds = array<i64: 80, 128>}, {pipeline_mode = #tpu.pipeline_mode<synchronous>, transform_indices = @transform_2, window_bounds = array<i64: 128, 128>}, {pipeline_mode = #tpu.pipeline_mode<synchronous>, transform_indices = @transform_3, window_bounds = array<i64: 1, 128>}, {transform_indices = @transform_4, window_bounds = array<i64: 80, 64>}]} {
    %get3A = arith.constant 0 : index
    %get3A_0 = arith.constant 0 : index
    %get3A_1 = vector.load %arg1[%get3A, %get3A_0] : memref<80x128xf32, #tpu.memory_space<vmem>>, vector<80x128xf32>
    %get3A_2 = arith.constant 0 : index
    %get3A_3 = arith.constant 0 : index
    %get3A_4 = vector.load %arg2[%get3A_2, %get3A_3] : memref<80x128xf32, #tpu.memory_space<vmem>>, vector<80x128xf32>
    %add3A = arith.addf %get3A_1, %get3A_4 : vector<80x128xf32>
    %get3A_5 = arith.constant 0 : index
    %get3A_6 = arith.constant 0 : index
    %get3A_7 = vector.load %arg3[%get3A_5, %get3A_6] : memref<128x128xf32, #tpu.memory_space<vmem>>, vector<128x128xf32>
    %dot_general3A = arith.constant dense<0.000000e+00> : vector<80x128xf32>
    %dot_general3A_8 = tpu.matmul %add3A, %get3A_7, %dot_general3A {dimension_numbers = #tpu.dot_dimension_numbers<[1], [0], [0], [1], [0, 0, 1, 1], [], []>, transpose_lhs_hint = false} : vector<80x128xf32>, vector<128x128xf32>, vector<80x128xf32> -> vector<80x128xf32>
    %get3A_9 = arith.constant 0 : index
    %get3A_10 = arith.constant 0 : index
    %get3A_11 = vector.load %arg4[%get3A_9, %get3A_10] : memref<1x128xf32, #tpu.memory_space<vmem>>, vector<1x128xf32>
    %add3A_12 = vector.broadcast %get3A_11 : vector<1x128xf32> to vector<80x128xf32>
    %add3A_13 = arith.addf %dot_general3A_8, %add3A_12 : vector<80x128xf32>
    %neg3A = arith.constant 0.000000e+00 : f32
    %neg3A_14 = vector.broadcast %neg3A : f32 to vector<80x128xf32>
    %neg3A_15 = arith.subf %neg3A_14, %add3A_13 : vector<80x128xf32>
    %exp3A = math.exp %neg3A_15 : vector<80x128xf32>
    %add3A_16 = arith.constant 1.000000e+00 : f32
    %add3A_17 = vector.broadcast %add3A_16 : f32 to vector<80x128xf32>
    %add3A_18 = arith.addf %add3A_17, %exp3A : vector<80x128xf32>
    %div3A = arith.constant 1.000000e+00 : f32
    %div3A_19 = vector.broadcast %div3A : f32 to vector<80x128xf32>
    %div3A_20 = arith.divf %div3A_19, %add3A_18 : vector<80x128xf32>
    %mul3A = arith.mulf %add3A_13, %div3A_20 : vector<80x128xf32>
    %convert_element_type3A = arith.truncf %mul3A : vector<80x128xf32> to vector<80x128xbf16>
    %bitcast_convert_type3A = tpu.bitcast %convert_element_type3A : vector<80x128xbf16> -> vector<80x128xi16>
    %convert_element_type3A_21 = arith.extui %bitcast_convert_type3A : vector<80x128xi16> to vector<80x128xi32>
    %slice3A = vector.extract_strided_slice %convert_element_type3A_21 {offsets = [0, 0], sizes = [80, 16], strides = [1, 1]} : vector<80x128xi32> to vector<80x16xi32>
    %slice3A_22 = vector.extract_strided_slice %convert_element_type3A_21 {offsets = [0, 16], sizes = [80, 16], strides = [1, 1]} : vector<80x128xi32> to vector<80x16xi32>
    %shift_left3A = arith.constant 16 : i32
    %shift_left3A_23 = vector.broadcast %shift_left3A : i32 to vector<80x16xi32>
    %shift_left3A_24 = arith.shli %slice3A_22, %shift_left3A_23 : vector<80x16xi32>
    %or3A = arith.ori %slice3A, %shift_left3A_24 : vector<80x16xi32>
    %bitcast_convert_type3A_25 = tpu.bitcast %or3A : vector<80x16xi32> -> vector<80x16xi32>
    %swap3A = arith.constant 0 : index
    %swap3A_26 = arith.constant 0 : index
    %swap3A_27 = vector.load %arg5[%swap3A, %swap3A_26] : memref<80x64xi32, #tpu.memory_space<vmem>>, vector<80x16xi32>
    tpu.vector_store %arg5[%swap3A, %swap3A_26], %bitcast_convert_type3A_25 {strides = array<i32>} : memref<80x64xi32, #tpu.memory_space<vmem>>, vector<80x16xi32>,
    %slice3A_28 = vector.extract_strided_slice %convert_element_type3A_21 {offsets = [0, 32], sizes = [80, 16], strides = [1, 1]} : vector<80x128xi32> to vector<80x16xi32>
    %slice3A_29 = vector.extract_strided_slice %convert_element_type3A_21 {offsets = [0, 48], sizes = [80, 16], strides = [1, 1]} : vector<80x128xi32> to vector<80x16xi32>
    %shift_left3A_30 = arith.constant 16 : i32
    %shift_left3A_31 = vector.broadcast %shift_left3A_30 : i32 to vector<80x16xi32>
    %shift_left3A_32 = arith.shli %slice3A_29, %shift_left3A_31 : vector<80x16xi32>
    %or3A_33 = arith.ori %slice3A_28, %shift_left3A_32 : vector<80x16xi32>
    %bitcast_convert_type3A_34 = tpu.bitcast %or3A_33 : vector<80x16xi32> -> vector<80x16xi32>
    %swap3A_35 = arith.constant 0 : index
    %swap3A_36 = arith.constant 16 : index
    %swap3A_37 = vector.load %arg5[%swap3A_35, %swap3A_36] : memref<80x64xi32, #tpu.memory_space<vmem>>, vector<80x16xi32>
    tpu.vector_store %arg5[%swap3A_35, %swap3A_36], %bitcast_convert_type3A_34 {strides = array<i32>} : memref<80x64xi32, #tpu.memory_space<vmem>>, vector<80x16xi32>,
    %slice3A_38 = vector.extract_strided_slice %convert_element_type3A_21 {offsets = [0, 64], sizes = [80, 16], strides = [1, 1]} : vector<80x128xi32> to vector<80x16xi32>
    %slice3A_39 = vector.extract_strided_slice %convert_element_type3A_21 {offsets = [0, 80], sizes = [80, 16], strides = [1, 1]} : vector<80x128xi32> to vector<80x16xi32>
    %shift_left3A_40 = arith.constant 16 : i32
    %shift_left3A_41 = vector.broadcast %shift_left3A_40 : i32 to vector<80x16xi32>
    %shift_left3A_42 = arith.shli %slice3A_39, %shift_left3A_41 : vector<80x16xi32>
    %or3A_43 = arith.ori %slice3A_38, %shift_left3A_42 : vector<80x16xi32>
    %bitcast_convert_type3A_44 = tpu.bitcast %or3A_43 : vector<80x16xi32> -> vector<80x16xi32>
    %swap3A_45 = arith.constant 0 : index
    %swap3A_46 = arith.constant 32 : index
    %swap3A_47 = vector.load %arg5[%swap3A_45, %swap3A_46] : memref<80x64xi32, #tpu.memory_space<vmem>>, vector<80x16xi32>
    tpu.vector_store %arg5[%swap3A_45, %swap3A_46], %bitcast_convert_type3A_44 {strides = array<i32>} : memref<80x64xi32, #tpu.memory_space<vmem>>, vector<80x16xi32>,
    %slice3A_48 = vector.extract_strided_slice %convert_element_type3A_21 {offsets = [0, 96], sizes = [80, 16], strides = [1, 1]} : vector<80x128xi32> to vector<80x16xi32>
    %slice3A_49 = vector.extract_strided_slice %convert_element_type3A_21 {offsets = [0, 112], sizes = [80, 16], strides = [1, 1]} : vector<80x128xi32> to vector<80x16xi32>
    %shift_left3A_50 = arith.constant 16 : i32
    %shift_left3A_51 = vector.broadcast %shift_left3A_50 : i32 to vector<80x16xi32>
    %shift_left3A_52 = arith.shli %slice3A_49, %shift_left3A_51 : vector<80x16xi32>
    %or3A_53 = arith.ori %slice3A_48, %shift_left3A_52 : vector<80x16xi32>
    %bitcast_convert_type3A_54 = tpu.bitcast %or3A_53 : vector<80x16xi32> -> vector<80x16xi32>
    %swap3A_55 = arith.constant 0 : index
    %swap3A_56 = arith.constant 48 : index
    %swap3A_57 = vector.load %arg5[%swap3A_55, %swap3A_56] : memref<80x64xi32, #tpu.memory_space<vmem>>, vector<80x16xi32>
    tpu.vector_store %arg5[%swap3A_55, %swap3A_56], %bitcast_convert_type3A_54 {strides = array<i32>} : memref<80x64xi32, #tpu.memory_space<vmem>>, vector<80x16xi32>,
    return
  }
  func.func @transform_0(%arg0: i32) -> (i32, i32) {
    %c0_i32 = arith.constant 0 : i32
    %c0_i32_0 = arith.constant 0 : i32
    return %arg0, %c0_i32 : i32, i32
  }
  func.func @transform_1(%arg0: i32) -> (i32, i32) {
    %add3A = arith.constant 128 : i32
    %add3A_0 = arith.addi %arg0, %add3A : i32
    %c0_i32 = arith.constant 0 : i32
    %c0_i32_1 = arith.constant 0 : i32
    return %add3A_0, %c0_i32 : i32, i32
  }
  func.func @transform_2(%arg0: i32) -> (i32, i32) {
    %c0_i32 = arith.constant 0 : i32
    %c0_i32_0 = arith.constant 0 : i32
    %c0_i32_1 = arith.constant 0 : i32
    return %c0_i32, %c0_i32_0 : i32, i32
  }
  func.func @transform_3(%arg0: i32) -> (i32, i32) {
    %c0_i32 = arith.constant 0 : i32
    %c0_i32_0 = arith.constant 0 : i32
    %c0_i32_1 = arith.constant 0 : i32
    return %c0_i32, %c0_i32_0 : i32, i32
  }
  func.func @transform_4(%arg0: i32) -> (i32, i32) {
    %c0_i32 = arith.constant 0 : i32
    %c0_i32_0 = arith.constant 0 : i32
    return %arg0, %c0_i32 : i32, i32
  }
}

module attributes {stable_mosaic.version = 14 : i64} {
  func.func @body(%arg0: i32, %arg1: memref<80x128xf32, #tpu.memory_space<vmem>>, %arg2: memref<80x128xf32, #tpu.memory_space<vmem>>, %arg3: memref<128x128xf32, #tpu.memory_space<vmem>>, %arg4: memref<1x128xf32, #tpu.memory_space<vmem>>, %arg5: memref<80x128xf32, #tpu.memory_space<vmem>>) attributes {dimension_semantics = [#tpu.dimension_semantics<arbitrary>], iteration_bounds = array<i64: 125>, scalar_prefetch = 0 : i64, scratch_operands = 0 : i64, tpu.core_type = #tpu.core_type<tc>, window_params = [{transform_indices = @transform_0, window_bounds = array<i64: 80, 128>}, {transform_indices = @transform_1, window_bounds = array<i64: 80, 128>}, {pipeline_mode = #tpu.pipeline_mode<synchronous>, transform_indices = @transform_2, window_bounds = array<i64: 128, 128>}, {pipeline_mode = #tpu.pipeline_mode<synchronous>, transform_indices = @transform_3, window_bounds = array<i64: 1, 128>}, {transform_indices = @transform_4, window_bounds = array<i64: 80, 128>}]} {
    %get3A = arith.constant 0 : index
    %get3A_0 = arith.constant 0 : index
    %get3A_1 = vector.load %arg1[%get3A, %get3A_0] : memref<80x128xf32, #tpu.memory_space<vmem>>, vector<80x128xf32>
    %get3A_2 = arith.constant 0 : index
    %get3A_3 = arith.constant 0 : index
    %get3A_4 = vector.load %arg2[%get3A_2, %get3A_3] : memref<80x128xf32, #tpu.memory_space<vmem>>, vector<80x128xf32>
    %add3A = arith.addf %get3A_1, %get3A_4 : vector<80x128xf32>
    %get3A_5 = arith.constant 0 : index
    %get3A_6 = arith.constant 0 : index
    %get3A_7 = vector.load %arg3[%get3A_5, %get3A_6] : memref<128x128xf32, #tpu.memory_space<vmem>>, vector<128x128xf32>
    %dot_general3A = arith.constant dense<0.000000e+00> : vector<80x128xf32>
    %dot_general3A_8 = tpu.matmul %add3A, %get3A_7, %dot_general3A {dimension_numbers = #tpu.dot_dimension_numbers<[1], [0], [0], [1], [0, 0, 1, 1], [], []>, transpose_lhs_hint = false} : vector<80x128xf32>, vector<128x128xf32>, vector<80x128xf32> -> vector<80x128xf32>
    %get3A_9 = arith.constant 0 : index
    %get3A_10 = arith.constant 0 : index
    %get3A_11 = vector.load %arg4[%get3A_9, %get3A_10] : memref<1x128xf32, #tpu.memory_space<vmem>>, vector<1x128xf32>
    %add3A_12 = vector.broadcast %get3A_11 : vector<1x128xf32> to vector<80x128xf32>
    %add3A_13 = arith.addf %dot_general3A_8, %add3A_12 : vector<80x128xf32>
    %neg3A = arith.constant 0.000000e+00 : f32
    %neg3A_14 = vector.broadcast %neg3A : f32 to vector<80x128xf32>
    %neg3A_15 = arith.subf %neg3A_14, %add3A_13 : vector<80x128xf32>
    %exp3A = math.exp %neg3A_15 : vector<80x128xf32>
    %add3A_16 = arith.constant 1.000000e+00 : f32
    %add3A_17 = vector.broadcast %add3A_16 : f32 to vector<80x128xf32>
    %add3A_18 = arith.addf %add3A_17, %exp3A : vector<80x128xf32>
    %div3A = arith.constant 1.000000e+00 : f32
    %div3A_19 = vector.broadcast %div3A : f32 to vector<80x128xf32>
    %div3A_20 = arith.divf %div3A_19, %add3A_18 : vector<80x128xf32>
    %mul3A = arith.mulf %add3A_13, %div3A_20 : vector<80x128xf32>
    %swap3A = arith.constant 0 : index
    %swap3A_21 = arith.constant 0 : index
    %swap3A_22 = vector.load %arg5[%swap3A, %swap3A_21] : memref<80x128xf32, #tpu.memory_space<vmem>>, vector<80x128xf32>
    tpu.vector_store %arg5[%swap3A, %swap3A_21], %mul3A {strides = array<i32>} : memref<80x128xf32, #tpu.memory_space<vmem>>, vector<80x128xf32>,
    return
  }
  func.func @transform_0(%arg0: i32) -> (i32, i32) {
    %c0_i32 = arith.constant 0 : i32
    %c0_i32_0 = arith.constant 0 : i32
    return %arg0, %c0_i32 : i32, i32
  }
  func.func @transform_1(%arg0: i32) -> (i32, i32) {
    %add3A = arith.constant 128 : i32
    %add3A_0 = arith.addi %arg0, %add3A : i32
    %c0_i32 = arith.constant 0 : i32
    %c0_i32_1 = arith.constant 0 : i32
    return %add3A_0, %c0_i32 : i32, i32
  }
  func.func @transform_2(%arg0: i32) -> (i32, i32) {
    %c0_i32 = arith.constant 0 : i32
    %c0_i32_0 = arith.constant 0 : i32
    %c0_i32_1 = arith.constant 0 : i32
    return %c0_i32, %c0_i32_0 : i32, i32
  }
  func.func @transform_3(%arg0: i32) -> (i32, i32) {
    %c0_i32 = arith.constant 0 : i32
    %c0_i32_0 = arith.constant 0 : i32
    %c0_i32_1 = arith.constant 0 : i32
    return %c0_i32, %c0_i32_0 : i32, i32
  }
  func.func @transform_4(%arg0: i32) -> (i32, i32) {
    %c0_i32 = arith.constant 0 : i32
    %c0_i32_0 = arith.constant 0 : i32
    return %arg0, %c0_i32 : i32, i32
  }
}

</mosaic_0001>

<sc_bundles>
// kernel: kernel.6.cloned.1.call-start
scs
__scs_entry_jumppad:
0x0: {  	(pc) =	sbr.rel $0x88, $3  }
0x1: {  	(tag) =	ssettag $0x0;
	lr =	simm.s32 $0x1  }
0x2: {  	[smem:$0x3F9D] =	sst lr;
	_ =	strace $0xD0000000  }
0x3: {  	_ = 	snop  }
0x4: {  	_ = 	snop  }
0x5: {  	_ = 	snop  }
0x6: {  	_ = 	snop  }
0x7: {  	_ = 	snop  }
__scs_overlays_trampoline_lowered:
0x8: {  	[smem:$0x3FAC] =	sst s0  }
0x9: {  	[smem:$0x3FAD] =	sst s1  }
0xa: {  	[smem:$0x3FAE] =	sst s2  }
0xb: {  	[smem:$0x3FAF] =	sst s3  }
0xc: {  	[smem:$0x3FB0] =	sst s4  }
0xd: {  	[smem:$0x3FB1] =	sst s5  }
0xe: {  	[smem:$0x3FB2] =	sst s6  }
0xf: {  	[smem:$0x3FB3] =	sst s7  }
0x10: {  	[smem:$0x3FB4] =	sst s8  }
0x11: {  	[smem:$0x3FB5] =	sst s9;
	s0 =	simm.s32 @!p0 $0x0  }
0x12: {  	s1 =	sld [smem:$0x3F9B];
	s0 =	simm.s32 @p0 $0x1  }
0x13: {  	[smem:$0x3FB6] =	sst s0;
	s0 =	simm.s32 @!p1 $0x0  }
0x14: {  	s2 =	sld [smem:$0x3F9A];
	s0 =	simm.s32 @p1 $0x1  }
0x15: {  	[smem:$0x3FB7] =	sst s0;
	s0 =	simm.s32 @!p2 $0x0  }
0x16: {  	s3 =	sld [smem:$0x3FDB];
	s0 =	simm.s32 @p2 $0x1  }
0x17: {  	s4 =	simm.s32 $0x1BF5;
	[smem:$0x3FB9] =	sst s0  }
0x18: {  	s0 =	sld [smem:$0x3F9C];
	_ =	swait.ge [sflag:s4], $0x0  }
0x19: {  	s7 =	sld [smem:$0x3F9D]  }
0x1a: {  	s8 =	sadd.s32 $0xFFFFE003, lr  }
0x1b: {  	s9 =	sadd.s32 $0xFFFFFEF7, lr;
	s5 =	simm.s32 $0xFFFFFFFF;
	p2 =	slt.u32 s8, $0xFFFFF086  }
0x1c: {  	p1 =	slt.u32 s9, $0xF7A;
	s5 =	simm.s32 @!p2 $0x0  }
0x1d: {  	s5 =	simm.s32 @p1 $0x1;
	p0 =	seq.s32 s7, s2  }
0x1e: {  	s7 =	smul.u32 @!p0 $0xF7A, s2;
	p2 =	seq.s32 @!p0 s5, $0x0  }
0x1f: {  	s9 =	smul.u32 $0xF7A, s1;
	s8 =	simm.s32 @!p0 $0x1BF5;
	p2 =	por !p2, p0  }
0x20: {  	[sflag:s8] =	ssyncset.s32 @!p0 $0xFFFFF086;
	s6 =	sadd.s32 @!p0 s3, s7;
	s7 =	simm.s32 @!p0 $0x108  }
0x21: {  	s3 =	sadd.s32 s3, s9;
	s6 =	sadd.s32 @!p0 $0x88, s6;
	s7 =	simm.s32 @p2 $0x1082  }
0x22: {  	[simem:s7], [sflag:s8] =	dma.local @!p0 [hbm:s6], $0xF7A  }
0x23: {  	s9 =	sor.u32 $0xD0000000, s2;
	s6 =	simm.s32 $0x108;
	_ =	swait.ge @!p0 [sflag:s8], $0x0  }
0x24: {  	s3 =	sadd.s32 $0x88, s3;
	s6 =	simm.s32 @!p1 $0x1082;
	[sflag:s4] =	ssyncset.s32 $0xFFFFF086  }
0x25: {  	[simem:s6], [sflag:s4] =	dma.local [hbm:s3], $0xF7A  }
0x26: {  	[smem:$0x3F9D] =	sst s1;
	(tag) =	ssettag s2;
	_ =	strace s9  }
0x27: {  	s1 =	sld [smem:$0x3FAD]  }
0x28: {  	s2 =	sld [smem:$0x3FAE]  }
0x29: {  	s4 =	sld [smem:$0x3FB0]  }
0x2a: {  	p0 =	seq.s32 s5, $0x0;
	s5 =	sld [smem:$0x3FB1]  }
0x2b: {  	s6 =	sld [smem:$0x3FB2]  }
0x2c: {  	s7 =	sld [smem:$0x3FB3]  }
0x2d: {  	s3 =	simm.s32 $0x108;
	s8 =	sld [smem:$0x3FB4]  }
0x2e: {  	s3 =	simm.s32 @!p0 $0x1082;
	s9 =	sld [smem:$0x3FB5]  }
0x2f: {  	lr =	sadd.s32 s0, s3;
	s0 =	sld [smem:$0x3FAC]  }
0x30: {  	s3 =	sld [smem:$0x3FAF]  }
0x31: {  	[smem:$0x3FB8] =	sst s10  }
0x32: {  	s10 =	sld [smem:$0x3FB6];
	_ =	sdelay $0x3  }
0x33: {  	p0 =	seq.s32 s10, $0x1;
	s10 =	sld [smem:$0x3FB8];
	_ =	sdelay $0x3  }
0x34: {  	[smem:$0x3FB8] =	sst s10  }
0x35: {  	s10 =	sld [smem:$0x3FB7];
	_ =	sdelay $0x3  }
0x36: {  	p1 =	seq.s32 s10, $0x1;
	s10 =	sld [smem:$0x3FB8];
	_ =	sdelay $0x3  }
0x37: {  	[smem:$0x3FB8] =	sst s10  }
0x38: {  	s10 =	sld [smem:$0x3FB9]  }
0x39: {  	_ = 	snop;
	(pc) =	sbr.ind lr, $3  }
0x3a: {  	_ = 	snop  }
0x3b: {  	_ = 	snop  }
0x3c: {  	p2 =	seq.s32 s10, $0x1;
	s10 =	sld [smem:$0x3FB8]  }
0x3d: {  	_ =	shalt  }
0x3e: {  	_ =	shalt  }
0x3f: {  	_ =	shalt  }
0x40: {  	_ =	shalt  }
0x41: {  	_ =	shalt  }
0x42: {  	_ =	shalt  }
0x43: {  	_ =	shalt  }
0x44: {  	_ =	shalt  }
0x45: {  	_ =	shalt  }
0x46: {  	_ =	shalt  }
0x47: {  	_ =	shalt  }
0x48: {  	_ =	shalt  }
0x49: {  	_ =	shalt  }
0x4a: {  	_ =	shalt  }
0x4b: {  	_ =	shalt  }
0x4c: {  	_ =	shalt  }
0x4d: {  	_ =	shalt  }
0x4e: {  	_ =	shalt  }
0x4f: {  	_ =	shalt  }
0x50: {  	_ =	shalt  }
0x51: {  	_ =	shalt  }
0x52: {  	_ =	shalt  }
0x53: {  	_ =	shalt  }
0x54: {  	_ =	shalt  }
0x55: {  	_ =	shalt  }
0x56: {  	_ =	shalt  }
0x57: {  	_ =	shalt  }
0x58: {  	_ =	shalt  }
0x59: {  	_ =	shalt  }
0x5a: {  	_ =	shalt  }
0x5b: {  	_ =	shalt  }
0x5c: {  	_ =	shalt  }
0x5d: {  	_ =	shalt  }
0x5e: {  	_ =	shalt  }
0x5f: {  	_ =	shalt  }
0x60: {  	_ =	shalt  }
0x61: {  	_ =	shalt  }
0x62: {  	_ =	shalt  }
0x63: {  	_ =	shalt  }
0x64: {  	_ =	shalt  }
0x65: {  	_ =	shalt  }
0x66: {  	_ =	shalt  }
0x67: {  	_ =	shalt  }
0x68: {  	_ =	shalt  }
0x69: {  	_ =	shalt  }
0x6a: {  	_ =	shalt  }
0x6b: {  	_ =	shalt  }
0x6c: {  	_ =	shalt  }
0x6d: {  	_ =	shalt  }
0x6e: {  	_ =	shalt  }
0x6f: {  	_ =	shalt  }
0x70: {  	_ =	shalt  }
0x71: {  	_ =	shalt  }
0x72: {  	_ =	shalt  }
0x73: {  	_ =	shalt  }
0x74: {  	_ =	shalt  }
0x75: {  	_ =	shalt  }
0x76: {  	_ =	shalt  }
0x77: {  	_ =	shalt  }
0x78: {  	_ =	shalt  }
0x79: {  	_ =	shalt  }
0x7a: {  	_ =	shalt  }
0x7b: {  	_ =	shalt  }
0x7c: {  	_ =	shalt  }
0x7d: {  	_ =	shalt  }
0x7e: {  	_ =	shalt  }
0x7f: {  	_ =	shalt  }
0x80: {  	_ =	shalt  }
0x81: {  	_ =	shalt  }
0x82: {  	_ =	shalt  }
0x83: {  	_ =	shalt  }
0x84: {  	_ =	shalt  }
0x85: {  	_ =	shalt  }
0x86: {  	_ =	shalt  }
0x87: {  	_ =	shalt  }
.Lfunc_end0:
.L_simem_size_0:
called_computation_lowered:
.L_overlay_start_0:
0x88: {  	s2 =	sld [smem:$0x3FD9]  }
0x89: {  	s3 =	sld [smem:$0x3FFE];
	_ =	sdelay $0x1  }
0x8a: {  	s1 =	srdreg.scid  }
0x8b: {  	s0 =	sand.u32 $0x1, s1  }
0x8c: {  	s17 =	sshll.u32 s0, $0xA;
	s2 =	sadd.s32 s3, s2  }
0x8d: {  	s2 =	sadd.s32 s2, s17  }
0x8e: {  	[smem:$0x3FC4] =	sst s2  }
0x8f: {  	_ = 	snop  }
0x90: {  	s2 =	sld [smem:$0x3FD0];
	(tm) =	ssettm $0x1  }
0x91: {  	s18 =	sld [smem:$0x3FFB];
	_ =	sdelay $0x3  }
0x92: {  	_ =	strace s18  }
0x93: {  	s3 =	sld [smem:$0x3FFC];
	_ =	sdelay $0x3  }
0x94: {  	_ =	strace s3  }
0x95: {  	s3 =	sld [smem:$0x3FFD];
	_ =	sdelay $0x3  }
0x96: {  	_ =	strace s3  }
0x97: {  	_ =	strace $0x8FFFFFFF  }
0x98: {  	s19 =	sld [smem:$0x3FDB];
	_ =	sdelay $0x1  }
0x99: {  	s4 =	simm.s32 $_scs_section_size  }
0x9a: {  	s5 =	simm.s32 $_size__tile_overlayer_lowered;
	s6 =	simm.s32 $_tile_overlayer_lowered  }
0x9b: {  	s22 =	simm.s32 $0x1BFF;
	s21 =	sshll.u32 s6, $0x1;
	s3 =	sadd.s32 s4, s19  }
0x9c: {  	s7 =	simm.s32 $0x0;
	s20 =	sshll.u32 s5, $0x1;
	s5 =	sadd.s32 s21, s3  }
0x9d: {  	[timem:s7], [sflag:s22] =	dma.local [hbm:s5], s20  }
0x9e: {  	_ =	swait.ge [sflag:s22], s20  }
0x9f: {  	s4 =	ssub.s32 $0x0, s20;
	[sflag:s22] =	ssyncset.done $0x0  }
0xa0: {  	[sflag:s22] =	ssyncadd.s32 s4;
	_ =	sdelay $0x1  }
0xa1: {  	s23 =	simm.s32 $0x1B8B  }
0xa2: {  	_ =	swait.ge [sflag:s23], $0x1  }
0xa3: {  	[sflag:s23] =	ssyncset.done $0x0  }
0xa4: {  	s25 =	simm.s32 $0x1B8E;
	s24 =	sld [smem:$0x3FFE];
	[sflag:s23] =	ssyncadd.s32 $0xFFFFFFFF  }
0xa5: {  	s26 =	simm.s32 $execute0_lowered;
	[smem:$0x3FD2] =	sst s25  }
0xa6: {  	s5 =	sshll.u32 s26, $0x1;
	_ =	strace $0x80000046;
	[dreg:$0x1] =	wrdreg $0xFFFFFFFF  }
0xa7: {  	s28 =	simm.s32 $_size_execute0_lowered;
	s3 =	sadd.s32 s3, s5;
	[dreg:$0x0] =	wrdreg $0x0  }
0xa8: {  	s5 =	sshll.u32 s28, $0x1;
	[dreg:$0x2] =	wrdreg s3  }
0xa9: {  	[dreg:$0x3] =	wrdreg s5  }
0xaa: {  	[dreg:$0x4] =	wrdreg $0xC0  }
0xab: {  	_ =	task [dreg:s7], $0x5FFFF  }
0xac: {  	[dreg:$0x1] =	wrdreg $0xFFFFFFFF  }
0xad: {  	[dreg:$0x0] =	wrdreg $0x60  }
0xae: {  	[dreg:$0x2] =	wrdreg s2  }
0xaf: {  	[dreg:$0x3] =	wrdreg s24  }
0xb0: {  	[dreg:$0x4] =	wrdreg $0xA0000  }
0xb1: {  	[dreg:$0x5] =	wrdreg $0x9  }
0xb2: {  	_ =	task.clear_ibuf [dreg:s7], $0x6FFFF;
	_ =	strace $0x90000046  }
0xb3: {  	s29 =	simm.s32 $0x9;
	_ =	strace $0x80000048  }
0xb4: {  	_ =	swait.ge [sflag:s29], $0x1  }
0xb5: {  	[sflag:s29] =	ssyncadd.s32 $0xFFFFFFFF  }
0xb6: {  	_ =	strace $0x90000048  }
0xb7: {  	_ =	sfence  }
0xb8: {  	s30 =	sld [smem:$0x0];
	_ =	sdelay $0x2  }
0xb9: {  	s31 =	sshll.u32 s1, $0xD;
	s1 =	sshrl.u32 s1, $0x2  }
0xba: {  	s3 =	sand.u32 $0x4000, s31;
	s1 =	sadd.s32 s1, s30  }
0xbb: {  	s0 =	sor.u32 s3, s0;
	s1 =	sshll.u32 s1, $0x11  }
0xbc: {  	s0 =	sor.u32 s1, s0  }
0xbd: {  	s0 =	sadd.s32 $0x8F2B, s0  }
0xbe: {  	[sflag:s0] =	ssyncadd.remote.s32 $0x1  }
0xbf: {  	_ =	sfence.sel $0xFFFF  }
0xc0: {  	[dreg:$0x0] =	wrdreg $0xFFFFFFFF;
	(pc) =	sbr.abs _section_cstart, $3  }
0xc1: {  	[dreg:$0x1] =	wrdreg $0xFFFFFFFF  }
0xc2: {  	_ =	task.clear_ibuf [dreg:s7], $0x2FFFF;
	_ =	strace $0x9FFFFFFF  }
0xc3: {  	(tm) =	ssettm $0x7FFFFFFF  }
tec
execute0_lowered:
.L_overlay_start_1:
0x0: {  	(tag) =	ssettag $0x1  }
0x1: {  	s1 =	rddreg [dreg:$0x0]  }
0x2: {  	s0 =	rddreg [dreg:$0x1]  }
0x3: {  	s3 =	rddreg [dreg:$0x2]  }
0x4: {  	s5 =	srdreg.scid;
	s2 =	stileid.u32;
	s4 =	simm.s32 $0x0  }
0x5: {  	s21 =	simm.s32 $0x6000;
	s22 =	simm.s32 $0x3;
	s24 =	simm.s32 $0x80  }
0x6: {  	s26 =	simm.s32 $0x1;
	s28 =	simm.s32 $0x4000;
	s29 =	simm.s32 $0x2  }
0x7: {  	s15 =	sand.u32 $0x1, s5;
	s5 =	smul.u32 $0x2800, s2;
	[smem:$0x7FF] =	sst s4  }
0x8: {  	s6 =	sadd.s32 $0x5E00, s0;
	s11 =	smul.u32 $0x50000, s2;
	s7 =	sadd.s32 $0xE00, s0  }
0x9: {  	s8 =	sadd.s32 $0xFE00, s0;
	s9 =	sadd.s32 $0xAE00, s0;
	s10 =	smul.u32 $0x28000, s15  }
0xa: {  	_ =	strace $0x80000047;
	s12 =	ssub.s32 $0x2, s15;
	p0 =	seq.s32 s15, $0x1  }
0xb: {  	s11 =	sshrl.u32 s11, $0x2;
	s13 =	sshrl.u32 s12, $0x1;
	s18 =	sshrl.u32 s5, $0x3  }
.Ltmp0:
0xc: {  	s10 =	sadd.s32 s5, s10;
	s20 =	ssub.s32 s12, s13;
	(pc) =	sbr.rel .LBB2_1-.Ltmp0, $4  }
0xd: {  	s15 =	sadd.s32 s6, s18;
	s16 =	sadd.s32 s7, s18;
	s17 =	sadd.s32 s8, s18  }
0xe: {  	s18 =	sadd.s32 s9, s18;
	s0 =	sadd.s32 s10, s0;
	s10 =	sadd.s32 s11, s3  }
0xf: {  	s20 =	smax.u32 s20, $0x1;
	s11 =	sadd.s32 $0x4000, s10;
	s12 =	sadd.s32 $0x8000, s10  }
0x10: {  	v0 =	vimm.f32 $0.0e+00;
	s13 =	sadd.s32 $0xC000, s10;
	s14 =	sadd.s32 $0x10000, s10;
	s19 =	sadd.s32 $0x14E00, s0  }
.LBB2_22:
0x11: {  	s4 =	sadd.s32 $0x1, s4  }
0x12: {  	s0 =	sshll.u32 s2, $0x6;
	[bflag:$0x0] =	sbarrier.arrive $0xFFFF;
	p1 =	sne.s32 s4, s20  }
.Ltmp1:
0x13: {  	s23 =	sshrl.u32 s10, $0x3;
	s0 =	sor.u32 $0x1C03, s0;
	(pc) =	sbr.rel @!p1 .LBB2_23-.Ltmp1, $4  }
0x14: {  	[hbm:s19], [sflag:s0] =	dma.local [spmem:s23], $0x2800  }
0x15: {  	_ =	swait.ge [sflag:s22], $0x2800  }
0x16: {  	[sflag:s22] =	ssyncset.done $0x0  }
0x17: {  	[sflag:s22] =	ssyncadd.s32 $0xFFFFD800  }
.LBB2_1:
0x18: {  	s0 =	simm.s32 $0x0;
	s23 =	simm.s32 $0x200  }
.LBB2_2:
0x19: {  	p1 =	sne.s32 s23, $0xFE00;
	[tilespmem:s0+$0x6070] =	vst v0  }
0x1a: {  	[tilespmem:s0+$0x6000] =	vst v0  }
0x1b: {  	[tilespmem:s0+$0x6010] =	vst v0  }
.Ltmp2:
0x1c: {  	[tilespmem:s0+$0x6020] =	vst v0;
	(pc) =	sbr.rel @p1 .LBB2_2-.Ltmp2, $4  }
0x1d: {  	[tilespmem:s0+$0x6030] =	vst v0  }
0x1e: {  	[tilespmem:s0+$0x6040] =	vst v0  }
0x1f: {  	[tilespmem:s0+$0x6050] =	vst v0  }
0x20: {  	[tilespmem:s0+$0x6060] =	vst v0;
	s0 =	sshra.s32 s23, $0x2;
	s23 =	sadd.s32 $0x200, s23  }
0x21: {  	[tilespmem:s0+$0x6070] =	vst v0  }
0x22: {  	[tilespmem:s0+$0x6000] =	vst v0  }
0x23: {  	[tilespmem:s0+$0x6010] =	vst v0  }
0x24: {  	[tilespmem:s0+$0x6020] =	vst v0  }
0x25: {  	[tilespmem:s0+$0x6030] =	vst v0  }
0x26: {  	[tilespmem:s0+$0x6040] =	vst v0  }
0x27: {  	[tilespmem:s0+$0x6050] =	vst v0  }
0x28: {  	[tilespmem:s0+$0x6060] =	vst v0  }
0x29: {  	[spmem:s10] =	stream.linear.scatter [tilespmem:s21], [sflag:$0x3], $0x4000, $0x38;
	[tilespmem:$0x1E000] =	vst v63  }
0x2a: {  	_ =	swait.ge [sflag:s22], $0x4000  }
0x2b: {  	[sflag:s22] =	ssyncset.done $0x0  }
0x2c: {  	[sflag:s22] =	ssyncadd.s32 $0xFFFFC000  }
0x2d: {  	[spmem:s11] =	stream.linear.scatter [tilespmem:s21], [sflag:$0x3], $0x4000, $0x38;
	[tilespmem:$0x1E000] =	vst v63  }
0x2e: {  	_ =	swait.ge [sflag:s22], $0x4000  }
0x2f: {  	[sflag:s22] =	ssyncset.done $0x0  }
0x30: {  	[sflag:s22] =	ssyncadd.s32 $0xFFFFC000  }
0x31: {  	[spmem:s12] =	stream.linear.scatter [tilespmem:s21], [sflag:$0x3], $0x4000, $0x38;
	[tilespmem:$0x1E000] =	vst v63  }
0x32: {  	_ =	swait.ge [sflag:s22], $0x4000  }
0x33: {  	[sflag:s22] =	ssyncset.done $0x0  }
0x34: {  	[sflag:s22] =	ssyncadd.s32 $0xFFFFC000  }
0x35: {  	[spmem:s13] =	stream.linear.scatter [tilespmem:s21], [sflag:$0x3], $0x4000, $0x38;
	[tilespmem:$0x1E000] =	vst v63  }
0x36: {  	_ =	swait.ge [sflag:s22], $0x4000  }
0x37: {  	[sflag:s22] =	ssyncset.done $0x0  }
0x38: {  	[sflag:s22] =	ssyncadd.s32 $0xFFFFC000  }
0x39: {  	[spmem:s14] =	stream.linear.scatter [tilespmem:s21], [sflag:$0x3], $0x4000, $0x38;
	[tilespmem:$0x1E000] =	vst v63  }
.Ltmp3:
0x3a: {  	_ =	swait.ge [sflag:s22], $0x4000;
	(pc) =	sbr.rel @!p0 .LBB2_4-.Ltmp3, $4  }
0x3b: {  	[sflag:s22] =	ssyncset.done $0x0  }
0x3c: {  	[sflag:s22] =	ssyncadd.s32 $0xFFFFC000  }
0x3d: {  	[bflag:$0x0] =	sbarrier.arrive $0xFFFF  }
0x3e: {  	s30 =	simm.s32 $0x0  }
0x3f: {  	[tilespmem:s30], [sflag:$0x3] =	stream.linear.gather [hbm4b:s17+s30], $0x800, $0x38;
	[tilespmem:$0x1E000] =	vst v63  }
0x40: {  	_ =	swait.ge [sflag:s22], $0x800  }
0x41: {  	[sflag:s22] =	ssyncset.done $0x0  }
0x42: {  	s0 =	simm.s32 $0x1000;
	[sflag:s22] =	ssyncadd.s32 $0xFFFFF800  }
0x43: {  	[tilespmem:s0], [sflag:$0x3] =	stream.linear.gather [hbm4b:s18+s30], $0x800, $0x38;
	[tilespmem:$0x1E000] =	vst v63  }
.Ltmp4:
0x44: {  	_ = 	snop;
	(pc) =	sbr.rel .LBB2_14-.Ltmp4, $4  }
0x45: {  	_ =	swait.ge [sflag:s22], $0x800  }
0x46: {  	[sflag:s22] =	ssyncset.done $0x0  }
0x47: {  	s31 =	simm.s32 $0x2000;
	[sflag:s22] =	ssyncadd.s32 $0xFFFFF800  }
0x48: {  	[tilespmem:s31], [sflag:$0x1] =	stream.indirect.gather [hbm4b:s1+s24], $0x40, s30, s24, $0xb8;
	[tilespmem:$0x1E000] =	vst v63  }
.LBB2_20:
0x49: {  	v2 =	vshll.u32 v1, $0x10;
	s23 =	sadd.s32 $0x80, s31  }
0x4a: {  	v1 =	vand.u32 $0xFFFF0000, v1;
	[tilespmem:s23+$0xFFFFFFC0] =	vst v2  }
0x4b: {  	[tilespmem:s23+$0xFFFFFFD0] =	vst v1  }
0x4c: {  	v1 =	vld [tilespmem:s0+$0x4010];
	_ =	sdelay $0x4  }
0x4d: {  	v2 =	vshll.u32 v1, $0x10  }
0x4e: {  	v1 =	vand.u32 $0xFFFF0000, v1;
	[tilespmem:s23+$0xFFFFFFE0] =	vst v2  }
0x4f: {  	[tilespmem:s23+$0xFFFFFFF0] =	vst v1  }
0x50: {  	v1 =	vld [tilespmem:s0+$0x4020];
	_ =	sdelay $0x4  }
0x51: {  	v2 =	vand.u32 $0xFFFF0000, v1  }
0x52: {  	v1 =	vshll.u32 v1, $0x10;
	[tilespmem:s23+$0x10] =	vst v2  }
0x53: {  	[tilespmem:s23+$0x0] =	vst v1  }
0x54: {  	v1 =	vld [tilespmem:s0+$0x4030];
	_ =	sdelay $0x4  }
0x55: {  	v2 =	vshll.u32 v1, $0x10  }
0x56: {  	v1 =	vand.u32 $0xFFFF0000, v1;
	[tilespmem:s23+$0x20] =	vst v2  }
0x57: {  	s0 =	simm.s32 $0x3;
	[tilespmem:s23+$0x30] =	vst v1  }
.LBB2_21:
0x58: {  	s23 =	sshll.u32 s30, $0x7;
	s30 =	sadd.s32 $0x1, s30  }
0x59: {  	s23 =	sand.u32 $0xF80, s23;
	p1 =	sne.s32 s30, $0x50  }
.Ltmp5:
0x5a: {  	s23 =	sor.u32 $0x1000, s23;
	(pc) =	sbr.rel @!p1 .LBB2_22-.Ltmp5, $4  }
0x5b: {  	[spmem:s3] =	stream.indirect.scatter.add.f32 [tilespmem:s21], [sflag:s0], $0x80, s23, s24, $0xb8;
	[tilespmem:$0x1E000] =	vst v63  }
0x5c: {  	_ =	swait.ge [sflag:s0], $0x4000  }
0x5d: {  	[sflag:s0] =	ssyncset.done $0x0  }
0x5e: {  	[sflag:s0] =	ssyncadd.s32 $0xFFFFC000  }
.LBB2_14:
0x5f: {  	s0 =	sand.u32 $0x4F, s30  }
0x60: {  	p1 =	sne.s32 s0, $0x0  }
0x61: {  	s0 =	sshll.u32 @!p1 s30, $0x7  }
0x62: {  	s0 =	sadd.s32 @!p1 $0x800, s0  }
0x63: {  	s23 =	sadd.s32 @!p1 s5, s0  }
0x64: {  	s23 =	sshrl.u32 @!p1 s23, $0x3  }
0x65: {  	s31 =	simm.s32 @!p1 $0x0;
	s0 =	sand.u32 @!p1 $0x800, s0;
	s25 =	sadd.s32 @!p1 s8, s23  }
0x66: {  	[tilespmem:s0], [sflag:$0x4] =	stream.linear.gather @!p1 [hbm4b:s25+s31], $0x800, $0x38;
	[tilespmem:$0x1E000] =	vst v63  }
0x67: {  	s25 =	simm.s32 @!p1 $0x4  }
0x68: {  	_ =	swait.ge @!p1 [sflag:s25], $0x800  }
0x69: {  	[sflag:s25] =	ssyncset.done @!p1 $0x0  }
0x6a: {  	s23 =	sadd.s32 @!p1 s9, s23;
	s0 =	sor.u32 @!p1 $0x1000, s0;
	[sflag:s25] =	ssyncadd.s32 @!p1 $0xFFFFF800  }
0x6b: {  	[tilespmem:s0], [sflag:$0x4] =	stream.linear.gather @!p1 [hbm4b:s23+s31], $0x800, $0x38;
	[tilespmem:$0x1E000] =	vst v63  }
0x6c: {  	s31 =	sand.u32 $0x1, s30  }
0x6d: {  	p2 =	seq.s32 s31, $0x1  }
.Ltmp6:
0x6e: {  	_ = 	snop;
	(pc) =	sbr.rel @p2 .LBB2_18-.Ltmp6, $4  }
0x6f: {  	_ = 	snop  }
0x70: {  	_ =	swait.ge @!p1 [sflag:s25], $0x800  }
0x71: {  	[sflag:s25] =	ssyncset.done @!p1 $0x0  }
0x72: {  	[sflag:s25] =	ssyncadd.s32 @!p1 $0xFFFFF800  }
0x73: {  	s0 =	sor.u32 $0x1, s30;
	s23 =	sand.u32 $0x70, s30  }
0x74: {  	s25 =	sand.u32 $0x10, s30;
	s0 =	ssub.s32 s0, s23  }
0x75: {  	_ =	swait.ge [sflag:s26], $0x2000;
	s0 =	sadd.s32 s25, s0  }
0x76: {  	[sflag:s26] =	ssyncset.done $0x0;
	s0 =	sshll.u32 s0, $0x9  }
0x77: {  	[sflag:s26] =	ssyncadd.s32 $0xFFFFE000;
	s25 =	simm.s32 $0x0;
	s0 =	sshra.s32 s0, $0x2  }
0x78: {  	[tilespmem:s28], [sflag:$0x2] =	stream.indirect.gather [hbm4b:s1+s24], $0x40, s0, s24, $0xb8;
	[tilespmem:$0x1E000] =	vst v63  }
0x79: {  	v1 =	vld [tilespmem:s25+$0x2000];
	_ =	sdelay $0x4  }
0x7a: {  	s31 =	simm.s32 $0x6040;
	v2 =	vshll.u32 v1, $0x10  }
0x7b: {  	v1 =	vand.u32 $0xFFFF0000, v1;
	[tilespmem:s31+$0xFFFFFFC0] =	vst v2  }
0x7c: {  	[tilespmem:s31+$0xFFFFFFD0] =	vst v1  }
0x7d: {  	v1 =	vld [tilespmem:s25+$0x2010];
	_ =	sdelay $0x4  }
0x7e: {  	v2 =	vshll.u32 v1, $0x10  }
0x7f: {  	v1 =	vand.u32 $0xFFFF0000, v1;
	[tilespmem:s31+$0xFFFFFFE0] =	vst v2  }
0x80: {  	[tilespmem:s31+$0xFFFFFFF0] =	vst v1  }
0x81: {  	v1 =	vld [tilespmem:s25+$0x2020];
	_ =	sdelay $0x4  }
0x82: {  	v2 =	vand.u32 $0xFFFF0000, v1  }
0x83: {  	v1 =	vshll.u32 v1, $0x10;
	[tilespmem:s31+$0x10] =	vst v2  }
0x84: {  	[tilespmem:s31+$0x0] =	vst v1  }
0x85: {  	v1 =	vld [tilespmem:s25+$0x2030];
	_ =	sdelay $0x4  }
0x86: {  	v2 =	vshll.u32 v1, $0x10  }
0x87: {  	v1 =	vand.u32 $0xFFFF0000, v1;
	[tilespmem:s31+$0x20] =	vst v2  }
0x88: {  	s0 =	simm.s32 $0x40;
	[tilespmem:s31+$0x30] =	vst v1  }
0x89: {  	v1 =	vld [tilespmem:s0+$0x2000]  }
0x8a: {  	s23 =	simm.s32 $0x200  }
.LBB2_16:
0x8b: {  	p1 =	sne.s32 s23, $0x7F00;
	_ =	sdelay $0x2  }
0x8c: {  	s31 =	sadd.s32 $0x80, s31;
	v2 =	vshll.u32 v1, $0x10  }
0x8d: {  	v1 =	vand.u32 $0xFFFF0000, v1;
	[tilespmem:s31+$0xFFFFFFC0] =	vst v2  }
0x8e: {  	[tilespmem:s31+$0xFFFFFFD0] =	vst v1  }
0x8f: {  	v1 =	vld [tilespmem:s0+$0x2010];
	_ =	sdelay $0x4  }
0x90: {  	v2 =	vshll.u32 v1, $0x10  }
0x91: {  	v1 =	vand.u32 $0xFFFF0000, v1;
	[tilespmem:s31+$0xFFFFFFE0] =	vst v2  }
0x92: {  	[tilespmem:s31+$0xFFFFFFF0] =	vst v1  }
0x93: {  	v1 =	vld [tilespmem:s0+$0x2020];
	_ =	sdelay $0x4  }
0x94: {  	v2 =	vshll.u32 v1, $0x10;
	v1 =	vand.u32 $0xFFFF0000, v1  }
0x95: {  	[tilespmem:s31+$0x10] =	vst v1  }
0x96: {  	[tilespmem:s31+$0x0] =	vst v2  }
0x97: {  	v1 =	vld [tilespmem:s0+$0x2030];
	_ =	sdelay $0x4  }
.Ltmp7:
0x98: {  	v2 =	vshll.u32 v1, $0x10;
	v1 =	vand.u32 $0xFFFF0000, v1;
	(pc) =	sbr.rel @p1 .LBB2_16-.Ltmp7, $4  }
0x99: {  	[tilespmem:s31+$0x20] =	vst v2  }
0x9a: {  	s0 =	sshra.s32 s23, $0x2;
	[tilespmem:s31+$0x30] =	vst v1  }
0x9b: {  	v1 =	vld [tilespmem:s0+$0x2000]  }
0x9c: {  	s23 =	sadd.s32 $0x100, s23  }
0x9d: {  	_ =	sdelay $0x2  }
0x9e: {  	s23 =	sadd.s32 $0x80, s31;
	v2 =	vshll.u32 v1, $0x10  }
0x9f: {  	v1 =	vand.u32 $0xFFFF0000, v1;
	[tilespmem:s23+$0xFFFFFFC0] =	vst v2  }
0xa0: {  	[tilespmem:s23+$0xFFFFFFD0] =	vst v1  }
0xa1: {  	v1 =	vld [tilespmem:s0+$0x2010];
	_ =	sdelay $0x4  }
0xa2: {  	v2 =	vshll.u32 v1, $0x10  }
0xa3: {  	v1 =	vand.u32 $0xFFFF0000, v1;
	[tilespmem:s23+$0xFFFFFFE0] =	vst v2  }
0xa4: {  	[tilespmem:s23+$0xFFFFFFF0] =	vst v1  }
0xa5: {  	v1 =	vld [tilespmem:s0+$0x2020];
	_ =	sdelay $0x4  }
0xa6: {  	v2 =	vand.u32 $0xFFFF0000, v1  }
0xa7: {  	v1 =	vshll.u32 v1, $0x10;
	[tilespmem:s23+$0x10] =	vst v2  }
0xa8: {  	[tilespmem:s23+$0x0] =	vst v1  }
0xa9: {  	v1 =	vld [tilespmem:s0+$0x2030];
	_ =	sdelay $0x2  }
.Ltmp8:
0xaa: {  	_ = 	snop;
	(pc) =	sbr.rel .LBB2_21-.Ltmp8, $4  }
0xab: {  	_ = 	snop  }
0xac: {  	v2 =	vshll.u32 v1, $0x10  }
0xad: {  	v1 =	vand.u32 $0xFFFF0000, v1;
	[tilespmem:s23+$0x20] =	vst v2  }
0xae: {  	s0 =	simm.s32 $0x4;
	[tilespmem:s23+$0x30] =	vst v1  }
.LBB2_18:
0xaf: {  	p1 =	seq.s32 s30, $0x4F  }
0xb0: {  	s0 =	sshll.u32 @!p1 s30, $0x9  }
0xb1: {  	_ =	swait.ge [sflag:s29], $0x2000;
	s0 =	sadd.s32 @!p1 $0x200, s0  }
0xb2: {  	[sflag:s29] =	ssyncset.done $0x0;
	s23 =	simm.s32 @!p1 $0x80;
	s0 =	sand.u32 @!p1 $0x3C00, s0  }
0xb3: {  	s25 =	simm.s32 @!p1 $0x2000;
	[sflag:s29] =	ssyncadd.s32 $0xFFFFE000;
	s0 =	sshrl.u32 @!p1 s0, $0x2  }
0xb4: {  	[tilespmem:s25], [sflag:$0x1] =	stream.indirect.gather @!p1 [hbm4b:s1+s23], $0x40, s0, s23, $0xb8;
	[tilespmem:$0x1E000] =	vst v63  }
0xb5: {  	s25 =	simm.s32 $0x0  }
0xb6: {  	v1 =	vld [tilespmem:s25+$0x4000];
	_ =	sdelay $0x4  }
0xb7: {  	s31 =	simm.s32 $0x6040;
	v2 =	vshll.u32 v1, $0x10  }
0xb8: {  	v1 =	vand.u32 $0xFFFF0000, v1;
	[tilespmem:s31+$0xFFFFFFC0] =	vst v2  }
0xb9: {  	[tilespmem:s31+$0xFFFFFFD0] =	vst v1  }
0xba: {  	v1 =	vld [tilespmem:s25+$0x4010];
	_ =	sdelay $0x4  }
0xbb: {  	v2 =	vshll.u32 v1, $0x10  }
0xbc: {  	v1 =	vand.u32 $0xFFFF0000, v1;
	[tilespmem:s31+$0xFFFFFFE0] =	vst v2  }
0xbd: {  	[tilespmem:s31+$0xFFFFFFF0] =	vst v1  }
0xbe: {  	v1 =	vld [tilespmem:s25+$0x4020];
	_ =	sdelay $0x4  }
0xbf: {  	v2 =	vand.u32 $0xFFFF0000, v1  }
0xc0: {  	v1 =	vshll.u32 v1, $0x10;
	[tilespmem:s31+$0x10] =	vst v2  }
0xc1: {  	[tilespmem:s31+$0x0] =	vst v1  }
0xc2: {  	v1 =	vld [tilespmem:s25+$0x4030];
	_ =	sdelay $0x4  }
0xc3: {  	v2 =	vshll.u32 v1, $0x10  }
0xc4: {  	v1 =	vand.u32 $0xFFFF0000, v1;
	[tilespmem:s31+$0x20] =	vst v2  }
0xc5: {  	s0 =	simm.s32 $0x40;
	[tilespmem:s31+$0x30] =	vst v1  }
0xc6: {  	v1 =	vld [tilespmem:s0+$0x4000]  }
0xc7: {  	s23 =	simm.s32 $0x200  }
.LBB2_19:
0xc8: {  	p1 =	sne.s32 s23, $0x7F00;
	_ =	sdelay $0x2  }
0xc9: {  	v2 =	vshll.u32 v1, $0x10;
	s31 =	sadd.s32 $0x80, s31  }
0xca: {  	v1 =	vand.u32 $0xFFFF0000, v1;
	[tilespmem:s31+$0xFFFFFFC0] =	vst v2  }
0xcb: {  	[tilespmem:s31+$0xFFFFFFD0] =	vst v1  }
0xcc: {  	v1 =	vld [tilespmem:s0+$0x4010];
	_ =	sdelay $0x4  }
0xcd: {  	v2 =	vshll.u32 v1, $0x10  }
0xce: {  	v1 =	vand.u32 $0xFFFF0000, v1;
	[tilespmem:s31+$0xFFFFFFE0] =	vst v2  }
0xcf: {  	[tilespmem:s31+$0xFFFFFFF0] =	vst v1  }
0xd0: {  	v1 =	vld [tilespmem:s0+$0x4020];
	_ =	sdelay $0x4  }
0xd1: {  	v2 =	vshll.u32 v1, $0x10;
	v1 =	vand.u32 $0xFFFF0000, v1  }
0xd2: {  	[tilespmem:s31+$0x10] =	vst v1  }
0xd3: {  	[tilespmem:s31+$0x0] =	vst v2  }
0xd4: {  	v1 =	vld [tilespmem:s0+$0x4030];
	_ =	sdelay $0x4  }
.Ltmp9:
0xd5: {  	v2 =	vshll.u32 v1, $0x10;
	v1 =	vand.u32 $0xFFFF0000, v1;
	(pc) =	sbr.rel @p1 .LBB2_19-.Ltmp9, $4  }
0xd6: {  	[tilespmem:s31+$0x20] =	vst v2  }
0xd7: {  	s0 =	sshra.s32 s23, $0x2;
	[tilespmem:s31+$0x30] =	vst v1  }
0xd8: {  	v1 =	vld [tilespmem:s0+$0x4000]  }
0xd9: {  	s23 =	sadd.s32 $0x100, s23  }
.Ltmp10:
0xda: {  	_ = 	snop;
	(pc) =	sbr.rel .LBB2_20-.Ltmp10, $1  }
0xdb: {  	_ =	sdelay $0x3  }
.LBB2_4:
0xdc: {  	[tilespmem:s30], [sflag:$0x3] =	stream.linear.gather [hbm4b:s15+s30], $0x800, $0x38;
	[tilespmem:$0x1E000] =	vst v63  }
0xdd: {  	_ =	swait.ge [sflag:s22], $0x800  }
0xde: {  	[sflag:s22] =	ssyncset.done $0x0  }
0xdf: {  	s0 =	simm.s32 $0x1000;
	[sflag:s22] =	ssyncadd.s32 $0xFFFFF800  }
0xe0: {  	[tilespmem:s0], [sflag:$0x3] =	stream.linear.gather [hbm4b:s16+s30], $0x800, $0x38;
	[tilespmem:$0x1E000] =	vst v63  }
.Ltmp11:
0xe1: {  	_ = 	snop;
	(pc) =	sbr.rel .LBB2_5-.Ltmp11, $4  }
0xe2: {  	_ =	swait.ge [sflag:s22], $0x800  }
0xe3: {  	[sflag:s22] =	ssyncset.done $0x0  }
0xe4: {  	s31 =	simm.s32 $0x2000;
	[sflag:s22] =	ssyncadd.s32 $0xFFFFF800  }
0xe5: {  	[tilespmem:s31], [sflag:$0x1] =	stream.indirect.gather [hbm4b:s1+s24], $0x40, s30, s24, $0xb8;
	[tilespmem:$0x1E000] =	vst v63  }
.LBB2_11:
0xe6: {  	v2 =	vshll.u32 v1, $0x10;
	s23 =	sadd.s32 $0x80, s31  }
0xe7: {  	v1 =	vand.u32 $0xFFFF0000, v1;
	[tilespmem:s23+$0xFFFFFFC0] =	vst v2  }
0xe8: {  	[tilespmem:s23+$0xFFFFFFD0] =	vst v1  }
0xe9: {  	v1 =	vld [tilespmem:s0+$0x4010];
	_ =	sdelay $0x4  }
0xea: {  	v2 =	vshll.u32 v1, $0x10  }
0xeb: {  	v1 =	vand.u32 $0xFFFF0000, v1;
	[tilespmem:s23+$0xFFFFFFE0] =	vst v2  }
0xec: {  	[tilespmem:s23+$0xFFFFFFF0] =	vst v1  }
0xed: {  	v1 =	vld [tilespmem:s0+$0x4020];
	_ =	sdelay $0x4  }
0xee: {  	v2 =	vand.u32 $0xFFFF0000, v1  }
0xef: {  	v1 =	vshll.u32 v1, $0x10;
	[tilespmem:s23+$0x10] =	vst v2  }
0xf0: {  	[tilespmem:s23+$0x0] =	vst v1  }
0xf1: {  	v1 =	vld [tilespmem:s0+$0x4030];
	_ =	sdelay $0x4  }
0xf2: {  	v2 =	vshll.u32 v1, $0x10  }
0xf3: {  	v1 =	vand.u32 $0xFFFF0000, v1;
	[tilespmem:s23+$0x20] =	vst v2  }
0xf4: {  	s0 =	simm.s32 $0x3;
	[tilespmem:s23+$0x30] =	vst v1  }
.LBB2_12:
0xf5: {  	s23 =	sshll.u32 s30, $0x7;
	s30 =	sadd.s32 $0x1, s30  }
0xf6: {  	s23 =	sand.u32 $0xF80, s23;
	p1 =	seq.s32 s30, $0x50  }
.Ltmp12:
0xf7: {  	s23 =	sor.u32 $0x1000, s23;
	(pc) =	sbr.rel @p1 .LBB2_22-.Ltmp12, $4  }
0xf8: {  	[spmem:s3] =	stream.indirect.scatter.add.f32 [tilespmem:s21], [sflag:s0], $0x80, s23, s24, $0xb8;
	[tilespmem:$0x1E000] =	vst v63  }
0xf9: {  	_ =	swait.ge [sflag:s0], $0x4000  }
0xfa: {  	[sflag:s0] =	ssyncset.done $0x0  }
0xfb: {  	[sflag:s0] =	ssyncadd.s32 $0xFFFFC000  }
.LBB2_5:
0xfc: {  	s0 =	sand.u32 $0x4F, s30  }
0xfd: {  	p1 =	sne.s32 s0, $0x0  }
0xfe: {  	s0 =	sshll.u32 @!p1 s30, $0x7  }
0xff: {  	s0 =	sadd.s32 @!p1 $0x800, s0  }
0x100: {  	s23 =	sadd.s32 @!p1 s5, s0  }
0x101: {  	s23 =	sshrl.u32 @!p1 s23, $0x3  }
0x102: {  	s25 =	simm.s32 @!p1 $0x0;
	s0 =	sand.u32 @!p1 $0x800, s0;
	s31 =	sadd.s32 @!p1 s6, s23  }
0x103: {  	[tilespmem:s0], [sflag:$0x4] =	stream.linear.gather @!p1 [hbm4b:s31+s25], $0x800, $0x38;
	[tilespmem:$0x1E000] =	vst v63  }
0x104: {  	s31 =	simm.s32 @!p1 $0x4  }
0x105: {  	_ =	swait.ge @!p1 [sflag:s31], $0x800  }
0x106: {  	[sflag:s31] =	ssyncset.done @!p1 $0x0  }
0x107: {  	s23 =	sadd.s32 @!p1 s7, s23;
	s0 =	sor.u32 @!p1 $0x1000, s0;
	[sflag:s31] =	ssyncadd.s32 @!p1 $0xFFFFF800  }
0x108: {  	[tilespmem:s0], [sflag:$0x4] =	stream.linear.gather @!p1 [hbm4b:s23+s25], $0x800, $0x38;
	[tilespmem:$0x1E000] =	vst v63  }
0x109: {  	s25 =	sand.u32 $0x1, s30  }
0x10a: {  	p2 =	seq.s32 s25, $0x1  }
.Ltmp13:
0x10b: {  	_ = 	snop;
	(pc) =	sbr.rel @p2 .LBB2_9-.Ltmp13, $4  }
0x10c: {  	_ = 	snop  }
0x10d: {  	_ =	swait.ge @!p1 [sflag:s31], $0x800  }
0x10e: {  	[sflag:s31] =	ssyncset.done @!p1 $0x0  }
0x10f: {  	[sflag:s31] =	ssyncadd.s32 @!p1 $0xFFFFF800  }
0x110: {  	s0 =	sor.u32 $0x1, s30;
	s23 =	sand.u32 $0x70, s30  }
0x111: {  	s25 =	sand.u32 $0x10, s30;
	s0 =	ssub.s32 s0, s23  }
0x112: {  	_ =	swait.ge [sflag:s26], $0x2000;
	s0 =	sadd.s32 s25, s0  }
0x113: {  	[sflag:s26] =	ssyncset.done $0x0;
	s0 =	sshll.u32 s0, $0x9  }
0x114: {  	[sflag:s26] =	ssyncadd.s32 $0xFFFFE000;
	s25 =	simm.s32 $0x0;
	s0 =	sshra.s32 s0, $0x2  }
0x115: {  	[tilespmem:s28], [sflag:$0x2] =	stream.indirect.gather [hbm4b:s1+s24], $0x40, s0, s24, $0xb8;
	[tilespmem:$0x1E000] =	vst v63  }
0x116: {  	v1 =	vld [tilespmem:s25+$0x2000];
	_ =	sdelay $0x4  }
0x117: {  	s31 =	simm.s32 $0x6040;
	v2 =	vshll.u32 v1, $0x10  }
0x118: {  	v1 =	vand.u32 $0xFFFF0000, v1;
	[tilespmem:s31+$0xFFFFFFC0] =	vst v2  }
0x119: {  	[tilespmem:s31+$0xFFFFFFD0] =	vst v1  }
0x11a: {  	v1 =	vld [tilespmem:s25+$0x2010];
	_ =	sdelay $0x4  }
0x11b: {  	v2 =	vshll.u32 v1, $0x10  }
0x11c: {  	v1 =	vand.u32 $0xFFFF0000, v1;
	[tilespmem:s31+$0xFFFFFFE0] =	vst v2  }
0x11d: {  	[tilespmem:s31+$0xFFFFFFF0] =	vst v1  }
0x11e: {  	v1 =	vld [tilespmem:s25+$0x2020];
	_ =	sdelay $0x4  }
0x11f: {  	v2 =	vand.u32 $0xFFFF0000, v1  }
0x120: {  	v1 =	vshll.u32 v1, $0x10;
	[tilespmem:s31+$0x10] =	vst v2  }
0x121: {  	[tilespmem:s31+$0x0] =	vst v1  }
0x122: {  	v1 =	vld [tilespmem:s25+$0x2030];
	_ =	sdelay $0x4  }
0x123: {  	v2 =	vshll.u32 v1, $0x10  }
0x124: {  	v1 =	vand.u32 $0xFFFF0000, v1;
	[tilespmem:s31+$0x20] =	vst v2  }
0x125: {  	s0 =	simm.s32 $0x40;
	[tilespmem:s31+$0x30] =	vst v1  }
0x126: {  	v1 =	vld [tilespmem:s0+$0x2000]  }
0x127: {  	s23 =	simm.s32 $0x200  }
.LBB2_7:
0x128: {  	p1 =	sne.s32 s23, $0x7F00;
	_ =	sdelay $0x2  }
0x129: {  	s31 =	sadd.s32 $0x80, s31;
	v2 =	vshll.u32 v1, $0x10  }
0x12a: {  	v1 =	vand.u32 $0xFFFF0000, v1;
	[tilespmem:s31+$0xFFFFFFC0] =	vst v2  }
0x12b: {  	[tilespmem:s31+$0xFFFFFFD0] =	vst v1  }
0x12c: {  	v1 =	vld [tilespmem:s0+$0x2010];
	_ =	sdelay $0x4  }
0x12d: {  	v2 =	vshll.u32 v1, $0x10  }
0x12e: {  	v1 =	vand.u32 $0xFFFF0000, v1;
	[tilespmem:s31+$0xFFFFFFE0] =	vst v2  }
0x12f: {  	[tilespmem:s31+$0xFFFFFFF0] =	vst v1  }
0x130: {  	v1 =	vld [tilespmem:s0+$0x2020];
	_ =	sdelay $0x4  }
0x131: {  	v2 =	vshll.u32 v1, $0x10;
	v1 =	vand.u32 $0xFFFF0000, v1  }
0x132: {  	[tilespmem:s31+$0x10] =	vst v1  }
0x133: {  	[tilespmem:s31+$0x0] =	vst v2  }
0x134: {  	v1 =	vld [tilespmem:s0+$0x2030];
	_ =	sdelay $0x4  }
.Ltmp14:
0x135: {  	v2 =	vshll.u32 v1, $0x10;
	v1 =	vand.u32 $0xFFFF0000, v1;
	(pc) =	sbr.rel @p1 .LBB2_7-.Ltmp14, $4  }
0x136: {  	[tilespmem:s31+$0x20] =	vst v2  }
0x137: {  	s0 =	sshra.s32 s23, $0x2;
	[tilespmem:s31+$0x30] =	vst v1  }
0x138: {  	v1 =	vld [tilespmem:s0+$0x2000]  }
0x139: {  	s23 =	sadd.s32 $0x100, s23  }
0x13a: {  	_ =	sdelay $0x2  }
0x13b: {  	s23 =	sadd.s32 $0x80, s31;
	v2 =	vshll.u32 v1, $0x10  }
0x13c: {  	v1 =	vand.u32 $0xFFFF0000, v1;
	[tilespmem:s23+$0xFFFFFFC0] =	vst v2  }
0x13d: {  	[tilespmem:s23+$0xFFFFFFD0] =	vst v1  }
0x13e: {  	v1 =	vld [tilespmem:s0+$0x2010];
	_ =	sdelay $0x4  }
0x13f: {  	v2 =	vshll.u32 v1, $0x10  }
0x140: {  	v1 =	vand.u32 $0xFFFF0000, v1;
	[tilespmem:s23+$0xFFFFFFE0] =	vst v2  }
0x141: {  	[tilespmem:s23+$0xFFFFFFF0] =	vst v1  }
0x142: {  	v1 =	vld [tilespmem:s0+$0x2020];
	_ =	sdelay $0x4  }
0x143: {  	v2 =	vand.u32 $0xFFFF0000, v1  }
0x144: {  	v1 =	vshll.u32 v1, $0x10;
	[tilespmem:s23+$0x10] =	vst v2  }
0x145: {  	[tilespmem:s23+$0x0] =	vst v1  }
0x146: {  	v1 =	vld [tilespmem:s0+$0x2030];
	_ =	sdelay $0x2  }
.Ltmp15:
0x147: {  	_ = 	snop;
	(pc) =	sbr.rel .LBB2_12-.Ltmp15, $4  }
0x148: {  	_ = 	snop  }
0x149: {  	v2 =	vshll.u32 v1, $0x10  }
0x14a: {  	v1 =	vand.u32 $0xFFFF0000, v1;
	[tilespmem:s23+$0x20] =	vst v2  }
0x14b: {  	s0 =	simm.s32 $0x4;
	[tilespmem:s23+$0x30] =	vst v1  }
.LBB2_9:
0x14c: {  	p1 =	seq.s32 s30, $0x4F  }
0x14d: {  	s0 =	sshll.u32 @!p1 s30, $0x9  }
0x14e: {  	_ =	swait.ge [sflag:s29], $0x2000;
	s0 =	sadd.s32 @!p1 $0x200, s0  }
0x14f: {  	[sflag:s29] =	ssyncset.done $0x0;
	s23 =	simm.s32 @!p1 $0x80;
	s0 =	sand.u32 @!p1 $0x3C00, s0  }
0x150: {  	s25 =	simm.s32 @!p1 $0x2000;
	[sflag:s29] =	ssyncadd.s32 $0xFFFFE000;
	s0 =	sshrl.u32 @!p1 s0, $0x2  }
0x151: {  	[tilespmem:s25], [sflag:$0x1] =	stream.indirect.gather @!p1 [hbm4b:s1+s23], $0x40, s0, s23, $0xb8;
	[tilespmem:$0x1E000] =	vst v63  }
0x152: {  	s25 =	simm.s32 $0x0  }
0x153: {  	v1 =	vld [tilespmem:s25+$0x4000];
	_ =	sdelay $0x4  }
0x154: {  	s31 =	simm.s32 $0x6040;
	v2 =	vshll.u32 v1, $0x10  }
0x155: {  	v1 =	vand.u32 $0xFFFF0000, v1;
	[tilespmem:s31+$0xFFFFFFC0] =	vst v2  }
0x156: {  	[tilespmem:s31+$0xFFFFFFD0] =	vst v1  }
0x157: {  	v1 =	vld [tilespmem:s25+$0x4010];
	_ =	sdelay $0x4  }
0x158: {  	v2 =	vshll.u32 v1, $0x10  }
0x159: {  	v1 =	vand.u32 $0xFFFF0000, v1;
	[tilespmem:s31+$0xFFFFFFE0] =	vst v2  }
0x15a: {  	[tilespmem:s31+$0xFFFFFFF0] =	vst v1  }
0x15b: {  	v1 =	vld [tilespmem:s25+$0x4020];
	_ =	sdelay $0x4  }
0x15c: {  	v2 =	vand.u32 $0xFFFF0000, v1  }
0x15d: {  	v1 =	vshll.u32 v1, $0x10;
	[tilespmem:s31+$0x10] =	vst v2  }
0x15e: {  	[tilespmem:s31+$0x0] =	vst v1  }
0x15f: {  	v1 =	vld [tilespmem:s25+$0x4030];
	_ =	sdelay $0x4  }
0x160: {  	v2 =	vshll.u32 v1, $0x10  }
0x161: {  	v1 =	vand.u32 $0xFFFF0000, v1;
	[tilespmem:s31+$0x20] =	vst v2  }
0x162: {  	s0 =	simm.s32 $0x40;
	[tilespmem:s31+$0x30] =	vst v1  }
0x163: {  	v1 =	vld [tilespmem:s0+$0x4000]  }
0x164: {  	s23 =	simm.s32 $0x200  }
.LBB2_10:
0x165: {  	p1 =	sne.s32 s23, $0x7F00;
	_ =	sdelay $0x2  }
0x166: {  	v2 =	vshll.u32 v1, $0x10;
	s31 =	sadd.s32 $0x80, s31  }
0x167: {  	v1 =	vand.u32 $0xFFFF0000, v1;
	[tilespmem:s31+$0xFFFFFFC0] =	vst v2  }
0x168: {  	[tilespmem:s31+$0xFFFFFFD0] =	vst v1  }
0x169: {  	v1 =	vld [tilespmem:s0+$0x4010];
	_ =	sdelay $0x4  }
0x16a: {  	v2 =	vshll.u32 v1, $0x10  }
0x16b: {  	v1 =	vand.u32 $0xFFFF0000, v1;
	[tilespmem:s31+$0xFFFFFFE0] =	vst v2  }
0x16c: {  	[tilespmem:s31+$0xFFFFFFF0] =	vst v1  }
0x16d: {  	v1 =	vld [tilespmem:s0+$0x4020];
	_ =	sdelay $0x4  }
0x16e: {  	v2 =	vshll.u32 v1, $0x10;
	v1 =	vand.u32 $0xFFFF0000, v1  }
0x16f: {  	[tilespmem:s31+$0x10] =	vst v1  }
0x170: {  	[tilespmem:s31+$0x0] =	vst v2  }
0x171: {  	v1 =	vld [tilespmem:s0+$0x4030];
	_ =	sdelay $0x4  }
.Ltmp16:
0x172: {  	v2 =	vshll.u32 v1, $0x10;
	v1 =	vand.u32 $0xFFFF0000, v1;
	(pc) =	sbr.rel @p1 .LBB2_10-.Ltmp16, $4  }
0x173: {  	[tilespmem:s31+$0x20] =	vst v2  }
0x174: {  	s0 =	sshra.s32 s23, $0x2;
	[tilespmem:s31+$0x30] =	vst v1  }
0x175: {  	v1 =	vld [tilespmem:s0+$0x4000]  }
0x176: {  	s23 =	sadd.s32 $0x100, s23  }
.Ltmp17:
0x177: {  	_ = 	snop;
	(pc) =	sbr.rel .LBB2_11-.Ltmp17, $1  }
0x178: {  	_ =	sdelay $0x3  }
.LBB2_23:
0x179: {  	_ =	sfence.sel $0x180000  }
0x17a: {  	[bflag:$0x0] =	sbarrier.arrive $0xFFFF  }
0x17b: {  	_ =	strace $0x90000047  }
0x17c: {  	[bflag:$0x2] =	sbarrier.arrive $0xFFFF  }
0x17d: {  	p0 =	sne.s32 s2, $0x0;
	s0 =	rddreg [dreg:$0x3]  }
0x17e: {  	s0 =	sadd.s32 @!p0 $0x100000, s0  }
0x17f: {  	[sflag:s0] =	ssyncadd.tile.s32 @!p0 $0x1;
	_ =	shalt  }
.Lfunc_end2:
_tile_overlayer_lowered:
.L_overlay_start_2:
0x180: {  	(tag) =	ssettag $0x2  }
0x181: {  	s0 =	rddreg [dreg:$0x0];
	s2 =	stileid.u32  }
0x182: {  	s1 =	rddreg [dreg:$0x1];
	p0 =	sne.s32 s2, $0x0  }
0x183: {  	s3 =	rddreg [dreg:$0x2];
	[bflag:$0x3] =	sbarrier.arrive $0xFFFF;
	s2 =	simm.s32 @!p0 $0x1C03  }
0x184: {  	[timem:s3], [sflag:s2] =	dma.local @!p0 [hbm:s0], s1  }
0x185: {  	s0 =	simm.s32 @!p0 $0x3  }
0x186: {  	_ =	swait.ge @!p0 [sflag:s0], s1  }
0x187: {  	s1 =	ssub.s32 @!p0 $0x0, s1;
	[sflag:s0] =	ssyncset.done @!p0 $0x0  }
0x188: {  	[sflag:s0] =	ssyncadd.s32 @!p0 s1  }
0x189: {  	[bflag:$0x3] =	sbarrier.arrive $0xFFFF  }
0x18a: {  	_ =	shalt  }

// kernel: kernel.9.cloned.1.call-start
scs
__scs_entry_jumppad:
0x0: {  	(pc) =	sbr.rel $0x88, $3  }
0x1: {  	(tag) =	ssettag $0x0;
	lr =	simm.s32 $0x1  }
0x2: {  	[smem:$0x3F9D] =	sst lr;
	_ =	strace $0xD0000000  }
0x3: {  	_ = 	snop  }
0x4: {  	_ = 	snop  }
0x5: {  	_ = 	snop  }
0x6: {  	_ = 	snop  }
0x7: {  	_ = 	snop  }
__scs_overlays_trampoline_lowered:
0x8: {  	[smem:$0x3FAC] =	sst s0  }
0x9: {  	[smem:$0x3FAD] =	sst s1  }
0xa: {  	[smem:$0x3FAE] =	sst s2  }
0xb: {  	[smem:$0x3FAF] =	sst s3  }
0xc: {  	[smem:$0x3FB0] =	sst s4  }
0xd: {  	[smem:$0x3FB1] =	sst s5  }
0xe: {  	[smem:$0x3FB2] =	sst s6  }
0xf: {  	[smem:$0x3FB3] =	sst s7  }
0x10: {  	[smem:$0x3FB4] =	sst s8  }
0x11: {  	[smem:$0x3FB5] =	sst s9;
	s0 =	simm.s32 @!p0 $0x0  }
0x12: {  	s1 =	sld [smem:$0x3F9B];
	s0 =	simm.s32 @p0 $0x1  }
0x13: {  	[smem:$0x3FB6] =	sst s0;
	s0 =	simm.s32 @!p1 $0x0  }
0x14: {  	s2 =	sld [smem:$0x3F9A];
	s0 =	simm.s32 @p1 $0x1  }
0x15: {  	[smem:$0x3FB7] =	sst s0;
	s0 =	simm.s32 @!p2 $0x0  }
0x16: {  	s3 =	sld [smem:$0x3FDB];
	s0 =	simm.s32 @p2 $0x1  }
0x17: {  	s4 =	simm.s32 $0x1BF5;
	[smem:$0x3FB9] =	sst s0  }
0x18: {  	s0 =	sld [smem:$0x3F9C];
	_ =	swait.ge [sflag:s4], $0x0  }
0x19: {  	s7 =	sld [smem:$0x3F9D]  }
0x1a: {  	s8 =	sadd.s32 $0xFFFFE003, lr  }
0x1b: {  	s9 =	sadd.s32 $0xFFFFFEF7, lr;
	s5 =	simm.s32 $0xFFFFFFFF;
	p2 =	slt.u32 s8, $0xFFFFF086  }
0x1c: {  	p1 =	slt.u32 s9, $0xF7A;
	s5 =	simm.s32 @!p2 $0x0  }
0x1d: {  	s5 =	simm.s32 @p1 $0x1;
	p0 =	seq.s32 s7, s2  }
0x1e: {  	s7 =	smul.u32 @!p0 $0xF7A, s2;
	p2 =	seq.s32 @!p0 s5, $0x0  }
0x1f: {  	s9 =	smul.u32 $0xF7A, s1;
	s8 =	simm.s32 @!p0 $0x1BF5;
	p2 =	por !p2, p0  }
0x20: {  	[sflag:s8] =	ssyncset.s32 @!p0 $0xFFFFF086;
	s6 =	sadd.s32 @!p0 s3, s7;
	s7 =	simm.s32 @!p0 $0x108  }
0x21: {  	s3 =	sadd.s32 s3, s9;
	s6 =	sadd.s32 @!p0 $0x88, s6;
	s7 =	simm.s32 @p2 $0x1082  }
0x22: {  	[simem:s7], [sflag:s8] =	dma.local @!p0 [hbm:s6], $0xF7A  }
0x23: {  	s9 =	sor.u32 $0xD0000000, s2;
	s6 =	simm.s32 $0x108;
	_ =	swait.ge @!p0 [sflag:s8], $0x0  }
0x24: {  	s3 =	sadd.s32 $0x88, s3;
	s6 =	simm.s32 @!p1 $0x1082;
	[sflag:s4] =	ssyncset.s32 $0xFFFFF086  }
0x25: {  	[simem:s6], [sflag:s4] =	dma.local [hbm:s3], $0xF7A  }
0x26: {  	[smem:$0x3F9D] =	sst s1;
	(tag) =	ssettag s2;
	_ =	strace s9  }
0x27: {  	s1 =	sld [smem:$0x3FAD]  }
0x28: {  	s2 =	sld [smem:$0x3FAE]  }
0x29: {  	s4 =	sld [smem:$0x3FB0]  }
0x2a: {  	p0 =	seq.s32 s5, $0x0;
	s5 =	sld [smem:$0x3FB1]  }
0x2b: {  	s6 =	sld [smem:$0x3FB2]  }
0x2c: {  	s7 =	sld [smem:$0x3FB3]  }
0x2d: {  	s3 =	simm.s32 $0x108;
	s8 =	sld [smem:$0x3FB4]  }
0x2e: {  	s3 =	simm.s32 @!p0 $0x1082;
	s9 =	sld [smem:$0x3FB5]  }
0x2f: {  	lr =	sadd.s32 s0, s3;
	s0 =	sld [smem:$0x3FAC]  }
0x30: {  	s3 =	sld [smem:$0x3FAF]  }
0x31: {  	[smem:$0x3FB8] =	sst s10  }
0x32: {  	s10 =	sld [smem:$0x3FB6];
	_ =	sdelay $0x3  }
0x33: {  	p0 =	seq.s32 s10, $0x1;
	s10 =	sld [smem:$0x3FB8];
	_ =	sdelay $0x3  }
0x34: {  	[smem:$0x3FB8] =	sst s10  }
0x35: {  	s10 =	sld [smem:$0x3FB7];
	_ =	sdelay $0x3  }
0x36: {  	p1 =	seq.s32 s10, $0x1;
	s10 =	sld [smem:$0x3FB8];
	_ =	sdelay $0x3  }
0x37: {  	[smem:$0x3FB8] =	sst s10  }
0x38: {  	s10 =	sld [smem:$0x3FB9]  }
0x39: {  	_ = 	snop;
	(pc) =	sbr.ind lr, $3  }
0x3a: {  	_ = 	snop  }
0x3b: {  	_ = 	snop  }
0x3c: {  	p2 =	seq.s32 s10, $0x1;
	s10 =	sld [smem:$0x3FB8]  }
0x3d: {  	_ =	shalt  }
0x3e: {  	_ =	shalt  }
0x3f: {  	_ =	shalt  }
0x40: {  	_ =	shalt  }
0x41: {  	_ =	shalt  }
0x42: {  	_ =	shalt  }
0x43: {  	_ =	shalt  }
0x44: {  	_ =	shalt  }
0x45: {  	_ =	shalt  }
0x46: {  	_ =	shalt  }
0x47: {  	_ =	shalt  }
0x48: {  	_ =	shalt  }
0x49: {  	_ =	shalt  }
0x4a: {  	_ =	shalt  }
0x4b: {  	_ =	shalt  }
0x4c: {  	_ =	shalt  }
0x4d: {  	_ =	shalt  }
0x4e: {  	_ =	shalt  }
0x4f: {  	_ =	shalt  }
0x50: {  	_ =	shalt  }
0x51: {  	_ =	shalt  }
0x52: {  	_ =	shalt  }
0x53: {  	_ =	shalt  }
0x54: {  	_ =	shalt  }
0x55: {  	_ =	shalt  }
0x56: {  	_ =	shalt  }
0x57: {  	_ =	shalt  }
0x58: {  	_ =	shalt  }
0x59: {  	_ =	shalt  }
0x5a: {  	_ =	shalt  }
0x5b: {  	_ =	shalt  }
0x5c: {  	_ =	shalt  }
0x5d: {  	_ =	shalt  }
0x5e: {  	_ =	shalt  }
0x5f: {  	_ =	shalt  }
0x60: {  	_ =	shalt  }
0x61: {  	_ =	shalt  }
0x62: {  	_ =	shalt  }
0x63: {  	_ =	shalt  }
0x64: {  	_ =	shalt  }
0x65: {  	_ =	shalt  }
0x66: {  	_ =	shalt  }
0x67: {  	_ =	shalt  }
0x68: {  	_ =	shalt  }
0x69: {  	_ =	shalt  }
0x6a: {  	_ =	shalt  }
0x6b: {  	_ =	shalt  }
0x6c: {  	_ =	shalt  }
0x6d: {  	_ =	shalt  }
0x6e: {  	_ =	shalt  }
0x6f: {  	_ =	shalt  }
0x70: {  	_ =	shalt  }
0x71: {  	_ =	shalt  }
0x72: {  	_ =	shalt  }
0x73: {  	_ =	shalt  }
0x74: {  	_ =	shalt  }
0x75: {  	_ =	shalt  }
0x76: {  	_ =	shalt  }
0x77: {  	_ =	shalt  }
0x78: {  	_ =	shalt  }
0x79: {  	_ =	shalt  }
0x7a: {  	_ =	shalt  }
0x7b: {  	_ =	shalt  }
0x7c: {  	_ =	shalt  }
0x7d: {  	_ =	shalt  }
0x7e: {  	_ =	shalt  }
0x7f: {  	_ =	shalt  }
0x80: {  	_ =	shalt  }
0x81: {  	_ =	shalt  }
0x82: {  	_ =	shalt  }
0x83: {  	_ =	shalt  }
0x84: {  	_ =	shalt  }
0x85: {  	_ =	shalt  }
0x86: {  	_ =	shalt  }
0x87: {  	_ =	shalt  }
.Lfunc_end0:
.L_simem_size_0:
called_computation.1_lowered:
.L_overlay_start_0:
0x88: {  	s2 =	sld [smem:$0x3FD9]  }
0x89: {  	s3 =	sld [smem:$0x3FFE];
	_ =	sdelay $0x1  }
0x8a: {  	s1 =	srdreg.scid  }
0x8b: {  	s0 =	sand.u32 $0x1, s1  }
0x8c: {  	s17 =	sshll.u32 s0, $0xA;
	s2 =	sadd.s32 s3, s2  }
0x8d: {  	s2 =	sadd.s32 s2, s17  }
0x8e: {  	[smem:$0x3FC4] =	sst s2  }
0x8f: {  	_ = 	snop  }
0x90: {  	s2 =	sld [smem:$0x3FD0];
	(tm) =	ssettm $0x1  }
0x91: {  	s18 =	sld [smem:$0x3FFB];
	_ =	sdelay $0x3  }
0x92: {  	_ =	strace s18  }
0x93: {  	s3 =	sld [smem:$0x3FFC];
	_ =	sdelay $0x3  }
0x94: {  	_ =	strace s3  }
0x95: {  	s3 =	sld [smem:$0x3FFD];
	_ =	sdelay $0x3  }
0x96: {  	_ =	strace s3  }
0x97: {  	_ =	strace $0x8FFFFFFF  }
0x98: {  	s19 =	sld [smem:$0x3FDB];
	_ =	sdelay $0x1  }
0x99: {  	s4 =	simm.s32 $_scs_section_size  }
0x9a: {  	s5 =	simm.s32 $_size__tile_overlayer_lowered;
	s6 =	simm.s32 $_tile_overlayer_lowered  }
0x9b: {  	s22 =	simm.s32 $0x1BFF;
	s21 =	sshll.u32 s6, $0x1;
	s3 =	sadd.s32 s4, s19  }
0x9c: {  	s7 =	simm.s32 $0x0;
	s20 =	sshll.u32 s5, $0x1;
	s5 =	sadd.s32 s21, s3  }
0x9d: {  	[timem:s7], [sflag:s22] =	dma.local [hbm:s5], s20  }
0x9e: {  	_ =	swait.ge [sflag:s22], s20  }
0x9f: {  	s4 =	ssub.s32 $0x0, s20;
	[sflag:s22] =	ssyncset.done $0x0  }
0xa0: {  	[sflag:s22] =	ssyncadd.s32 s4;
	_ =	sdelay $0x1  }
0xa1: {  	s23 =	simm.s32 $0x1B8B  }
0xa2: {  	_ =	swait.ge [sflag:s23], $0x1  }
0xa3: {  	[sflag:s23] =	ssyncset.done $0x0  }
0xa4: {  	s25 =	simm.s32 $0x1B8E;
	s24 =	sld [smem:$0x3FFE];
	[sflag:s23] =	ssyncadd.s32 $0xFFFFFFFF  }
0xa5: {  	s26 =	simm.s32 $execute0_lowered;
	[smem:$0x3FD2] =	sst s25  }
0xa6: {  	s5 =	sshll.u32 s26, $0x1;
	_ =	strace $0x80000049;
	[dreg:$0x1] =	wrdreg $0xFFFFFFFF  }
0xa7: {  	s28 =	simm.s32 $_size_execute0_lowered;
	s3 =	sadd.s32 s3, s5;
	[dreg:$0x0] =	wrdreg $0x0  }
0xa8: {  	s5 =	sshll.u32 s28, $0x1;
	[dreg:$0x2] =	wrdreg s3  }
0xa9: {  	[dreg:$0x3] =	wrdreg s5  }
0xaa: {  	[dreg:$0x4] =	wrdreg $0xC0  }
0xab: {  	_ =	task [dreg:s7], $0x5FFFF  }
0xac: {  	[dreg:$0x1] =	wrdreg $0xFFFFFFFF  }
0xad: {  	[dreg:$0x0] =	wrdreg $0x60  }
0xae: {  	[dreg:$0x2] =	wrdreg s2  }
0xaf: {  	[dreg:$0x3] =	wrdreg s24  }
0xb0: {  	[dreg:$0x4] =	wrdreg $0xA0000  }
0xb1: {  	[dreg:$0x5] =	wrdreg $0x9  }
0xb2: {  	_ =	task.clear_ibuf [dreg:s7], $0x6FFFF;
	_ =	strace $0x90000049  }
0xb3: {  	s29 =	simm.s32 $0x9;
	_ =	strace $0x8000004B  }
0xb4: {  	_ =	swait.ge [sflag:s29], $0x1  }
0xb5: {  	[sflag:s29] =	ssyncadd.s32 $0xFFFFFFFF  }
0xb6: {  	_ =	strace $0x9000004B  }
0xb7: {  	_ =	sfence  }
0xb8: {  	s30 =	sld [smem:$0x0];
	_ =	sdelay $0x2  }
0xb9: {  	s31 =	sshll.u32 s1, $0xD;
	s1 =	sshrl.u32 s1, $0x2  }
0xba: {  	s3 =	sand.u32 $0x4000, s31;
	s1 =	sadd.s32 s1, s30  }
0xbb: {  	s0 =	sor.u32 s3, s0;
	s1 =	sshll.u32 s1, $0x11  }
0xbc: {  	s0 =	sor.u32 s1, s0  }
0xbd: {  	s0 =	sadd.s32 $0x8F2B, s0  }
0xbe: {  	[sflag:s0] =	ssyncadd.remote.s32 $0x1  }
0xbf: {  	_ =	sfence.sel $0xFFFF  }
0xc0: {  	[dreg:$0x0] =	wrdreg $0xFFFFFFFF;
	(pc) =	sbr.abs _section_cstart, $3  }
0xc1: {  	[dreg:$0x1] =	wrdreg $0xFFFFFFFF  }
0xc2: {  	_ =	task.clear_ibuf [dreg:s7], $0x2FFFF;
	_ =	strace $0x9FFFFFFF  }
0xc3: {  	(tm) =	ssettm $0x7FFFFFFF  }
tec
execute0_lowered:
.L_overlay_start_1:
0x0: {  	(tag) =	ssettag $0x1  }
0x1: {  	s1 =	rddreg [dreg:$0x0]  }
0x2: {  	s0 =	rddreg [dreg:$0x1]  }
0x3: {  	s3 =	rddreg [dreg:$0x2]  }
0x4: {  	s5 =	srdreg.scid;
	s2 =	stileid.u32;
	s4 =	simm.s32 $0x0  }
0x5: {  	s21 =	simm.s32 $0x6000;
	s22 =	simm.s32 $0x3;
	s24 =	simm.s32 $0x80  }
0x6: {  	s26 =	simm.s32 $0x1;
	s28 =	simm.s32 $0x4000;
	s29 =	simm.s32 $0x2  }
0x7: {  	s15 =	sand.u32 $0x1, s5;
	s5 =	smul.u32 $0x2800, s2;
	[smem:$0x7FF] =	sst s4  }
0x8: {  	s6 =	sadd.s32 $0x5E00, s0;
	s11 =	smul.u32 $0x50000, s2;
	s7 =	sadd.s32 $0xE00, s0  }
0x9: {  	s8 =	sadd.s32 $0xFE00, s0;
	s9 =	sadd.s32 $0xAE00, s0;
	s10 =	smul.u32 $0x28000, s15  }
0xa: {  	_ =	strace $0x8000004A;
	s12 =	ssub.s32 $0x2, s15;
	p0 =	seq.s32 s15, $0x1  }
0xb: {  	s11 =	sshrl.u32 s11, $0x2;
	s13 =	sshrl.u32 s12, $0x1;
	s18 =	sshrl.u32 s5, $0x3  }
.Ltmp0:
0xc: {  	s10 =	sadd.s32 s5, s10;
	s20 =	ssub.s32 s12, s13;
	(pc) =	sbr.rel .LBB2_1-.Ltmp0, $4  }
0xd: {  	s15 =	sadd.s32 s6, s18;
	s16 =	sadd.s32 s7, s18;
	s17 =	sadd.s32 s8, s18  }
0xe: {  	s18 =	sadd.s32 s9, s18;
	s0 =	sadd.s32 s10, s0;
	s10 =	sadd.s32 s11, s3  }
0xf: {  	s20 =	smax.u32 s20, $0x1;
	s11 =	sadd.s32 $0x4000, s10;
	s12 =	sadd.s32 $0x8000, s10  }
0x10: {  	v0 =	vimm.f32 $0.0e+00;
	s13 =	sadd.s32 $0xC000, s10;
	s14 =	sadd.s32 $0x10000, s10;
	s19 =	sadd.s32 $0x14E00, s0  }
.LBB2_22:
0x11: {  	s4 =	sadd.s32 $0x1, s4  }
0x12: {  	s0 =	sshll.u32 s2, $0x6;
	[bflag:$0x0] =	sbarrier.arrive $0xFFFF;
	p1 =	sne.s32 s4, s20  }
.Ltmp1:
0x13: {  	s23 =	sshrl.u32 s10, $0x3;
	s0 =	sor.u32 $0x1C03, s0;
	(pc) =	sbr.rel @!p1 .LBB2_23-.Ltmp1, $4  }
0x14: {  	[hbm:s19], [sflag:s0] =	dma.local [spmem:s23], $0x2800  }
0x15: {  	_ =	swait.ge [sflag:s22], $0x2800  }
0x16: {  	[sflag:s22] =	ssyncset.done $0x0  }
0x17: {  	[sflag:s22] =	ssyncadd.s32 $0xFFFFD800  }
.LBB2_1:
0x18: {  	s0 =	simm.s32 $0x0;
	s23 =	simm.s32 $0x200  }
.LBB2_2:
0x19: {  	p1 =	sne.s32 s23, $0xFE00;
	[tilespmem:s0+$0x6070] =	vst v0  }
0x1a: {  	[tilespmem:s0+$0x6000] =	vst v0  }
0x1b: {  	[tilespmem:s0+$0x6010] =	vst v0  }
.Ltmp2:
0x1c: {  	[tilespmem:s0+$0x6020] =	vst v0;
	(pc) =	sbr.rel @p1 .LBB2_2-.Ltmp2, $4  }
0x1d: {  	[tilespmem:s0+$0x6030] =	vst v0  }
0x1e: {  	[tilespmem:s0+$0x6040] =	vst v0  }
0x1f: {  	[tilespmem:s0+$0x6050] =	vst v0  }
0x20: {  	[tilespmem:s0+$0x6060] =	vst v0;
	s0 =	sshra.s32 s23, $0x2;
	s23 =	sadd.s32 $0x200, s23  }
0x21: {  	[tilespmem:s0+$0x6070] =	vst v0  }
0x22: {  	[tilespmem:s0+$0x6000] =	vst v0  }
0x23: {  	[tilespmem:s0+$0x6010] =	vst v0  }
0x24: {  	[tilespmem:s0+$0x6020] =	vst v0  }
0x25: {  	[tilespmem:s0+$0x6030] =	vst v0  }
0x26: {  	[tilespmem:s0+$0x6040] =	vst v0  }
0x27: {  	[tilespmem:s0+$0x6050] =	vst v0  }
0x28: {  	[tilespmem:s0+$0x6060] =	vst v0  }
0x29: {  	[spmem:s10] =	stream.linear.scatter [tilespmem:s21], [sflag:$0x3], $0x4000, $0x38;
	[tilespmem:$0x1E000] =	vst v63  }
0x2a: {  	_ =	swait.ge [sflag:s22], $0x4000  }
0x2b: {  	[sflag:s22] =	ssyncset.done $0x0  }
0x2c: {  	[sflag:s22] =	ssyncadd.s32 $0xFFFFC000  }
0x2d: {  	[spmem:s11] =	stream.linear.scatter [tilespmem:s21], [sflag:$0x3], $0x4000, $0x38;
	[tilespmem:$0x1E000] =	vst v63  }
0x2e: {  	_ =	swait.ge [sflag:s22], $0x4000  }
0x2f: {  	[sflag:s22] =	ssyncset.done $0x0  }
0x30: {  	[sflag:s22] =	ssyncadd.s32 $0xFFFFC000  }
0x31: {  	[spmem:s12] =	stream.linear.scatter [tilespmem:s21], [sflag:$0x3], $0x4000, $0x38;
	[tilespmem:$0x1E000] =	vst v63  }
0x32: {  	_ =	swait.ge [sflag:s22], $0x4000  }
0x33: {  	[sflag:s22] =	ssyncset.done $0x0  }
0x34: {  	[sflag:s22] =	ssyncadd.s32 $0xFFFFC000  }
0x35: {  	[spmem:s13] =	stream.linear.scatter [tilespmem:s21], [sflag:$0x3], $0x4000, $0x38;
	[tilespmem:$0x1E000] =	vst v63  }
0x36: {  	_ =	swait.ge [sflag:s22], $0x4000  }
0x37: {  	[sflag:s22] =	ssyncset.done $0x0  }
0x38: {  	[sflag:s22] =	ssyncadd.s32 $0xFFFFC000  }
0x39: {  	[spmem:s14] =	stream.linear.scatter [tilespmem:s21], [sflag:$0x3], $0x4000, $0x38;
	[tilespmem:$0x1E000] =	vst v63  }
.Ltmp3:
0x3a: {  	_ =	swait.ge [sflag:s22], $0x4000;
	(pc) =	sbr.rel @!p0 .LBB2_4-.Ltmp3, $4  }
0x3b: {  	[sflag:s22] =	ssyncset.done $0x0  }
0x3c: {  	[sflag:s22] =	ssyncadd.s32 $0xFFFFC000  }
0x3d: {  	[bflag:$0x0] =	sbarrier.arrive $0xFFFF  }
0x3e: {  	s30 =	simm.s32 $0x0  }
0x3f: {  	[tilespmem:s30], [sflag:$0x3] =	stream.linear.gather [hbm4b:s17+s30], $0x800, $0x38;
	[tilespmem:$0x1E000] =	vst v63  }
0x40: {  	_ =	swait.ge [sflag:s22], $0x800  }
0x41: {  	[sflag:s22] =	ssyncset.done $0x0  }
0x42: {  	s0 =	simm.s32 $0x1000;
	[sflag:s22] =	ssyncadd.s32 $0xFFFFF800  }
0x43: {  	[tilespmem:s0], [sflag:$0x3] =	stream.linear.gather [hbm4b:s18+s30], $0x800, $0x38;
	[tilespmem:$0x1E000] =	vst v63  }
.Ltmp4:
0x44: {  	_ = 	snop;
	(pc) =	sbr.rel .LBB2_14-.Ltmp4, $4  }
0x45: {  	_ =	swait.ge [sflag:s22], $0x800  }
0x46: {  	[sflag:s22] =	ssyncset.done $0x0  }
0x47: {  	s31 =	simm.s32 $0x2000;
	[sflag:s22] =	ssyncadd.s32 $0xFFFFF800  }
0x48: {  	[tilespmem:s31], [sflag:$0x1] =	stream.indirect.gather [hbm4b:s1+s24], $0x40, s30, s24, $0xb8;
	[tilespmem:$0x1E000] =	vst v63  }
.LBB2_20:
0x49: {  	v2 =	vshll.u32 v1, $0x10;
	s23 =	sadd.s32 $0x80, s31  }
0x4a: {  	v1 =	vand.u32 $0xFFFF0000, v1;
	[tilespmem:s23+$0xFFFFFFC0] =	vst v2  }
0x4b: {  	[tilespmem:s23+$0xFFFFFFD0] =	vst v1  }
0x4c: {  	v1 =	vld [tilespmem:s0+$0x4010];
	_ =	sdelay $0x4  }
0x4d: {  	v2 =	vshll.u32 v1, $0x10  }
0x4e: {  	v1 =	vand.u32 $0xFFFF0000, v1;
	[tilespmem:s23+$0xFFFFFFE0] =	vst v2  }
0x4f: {  	[tilespmem:s23+$0xFFFFFFF0] =	vst v1  }
0x50: {  	v1 =	vld [tilespmem:s0+$0x4020];
	_ =	sdelay $0x4  }
0x51: {  	v2 =	vand.u32 $0xFFFF0000, v1  }
0x52: {  	v1 =	vshll.u32 v1, $0x10;
	[tilespmem:s23+$0x10] =	vst v2  }
0x53: {  	[tilespmem:s23+$0x0] =	vst v1  }
0x54: {  	v1 =	vld [tilespmem:s0+$0x4030];
	_ =	sdelay $0x4  }
0x55: {  	v2 =	vshll.u32 v1, $0x10  }
0x56: {  	v1 =	vand.u32 $0xFFFF0000, v1;
	[tilespmem:s23+$0x20] =	vst v2  }
0x57: {  	s0 =	simm.s32 $0x3;
	[tilespmem:s23+$0x30] =	vst v1  }
.LBB2_21:
0x58: {  	s23 =	sshll.u32 s30, $0x7;
	s30 =	sadd.s32 $0x1, s30  }
0x59: {  	s23 =	sand.u32 $0xF80, s23;
	p1 =	sne.s32 s30, $0x50  }
.Ltmp5:
0x5a: {  	s23 =	sor.u32 $0x1000, s23;
	(pc) =	sbr.rel @!p1 .LBB2_22-.Ltmp5, $4  }
0x5b: {  	[spmem:s3] =	stream.indirect.scatter.add.f32 [tilespmem:s21], [sflag:s0], $0x80, s23, s24, $0xb8;
	[tilespmem:$0x1E000] =	vst v63  }
0x5c: {  	_ =	swait.ge [sflag:s0], $0x4000  }
0x5d: {  	[sflag:s0] =	ssyncset.done $0x0  }
0x5e: {  	[sflag:s0] =	ssyncadd.s32 $0xFFFFC000  }
.LBB2_14:
0x5f: {  	s0 =	sand.u32 $0x4F, s30  }
0x60: {  	p1 =	sne.s32 s0, $0x0  }
0x61: {  	s0 =	sshll.u32 @!p1 s30, $0x7  }
0x62: {  	s0 =	sadd.s32 @!p1 $0x800, s0  }
0x63: {  	s23 =	sadd.s32 @!p1 s5, s0  }
0x64: {  	s23 =	sshrl.u32 @!p1 s23, $0x3  }
0x65: {  	s31 =	simm.s32 @!p1 $0x0;
	s0 =	sand.u32 @!p1 $0x800, s0;
	s25 =	sadd.s32 @!p1 s8, s23  }
0x66: {  	[tilespmem:s0], [sflag:$0x4] =	stream.linear.gather @!p1 [hbm4b:s25+s31], $0x800, $0x38;
	[tilespmem:$0x1E000] =	vst v63  }
0x67: {  	s25 =	simm.s32 @!p1 $0x4  }
0x68: {  	_ =	swait.ge @!p1 [sflag:s25], $0x800  }
0x69: {  	[sflag:s25] =	ssyncset.done @!p1 $0x0  }
0x6a: {  	s23 =	sadd.s32 @!p1 s9, s23;
	s0 =	sor.u32 @!p1 $0x1000, s0;
	[sflag:s25] =	ssyncadd.s32 @!p1 $0xFFFFF800  }
0x6b: {  	[tilespmem:s0], [sflag:$0x4] =	stream.linear.gather @!p1 [hbm4b:s23+s31], $0x800, $0x38;
	[tilespmem:$0x1E000] =	vst v63  }
0x6c: {  	s31 =	sand.u32 $0x1, s30  }
0x6d: {  	p2 =	seq.s32 s31, $0x1  }
.Ltmp6:
0x6e: {  	_ = 	snop;
	(pc) =	sbr.rel @p2 .LBB2_18-.Ltmp6, $4  }
0x6f: {  	_ = 	snop  }
0x70: {  	_ =	swait.ge @!p1 [sflag:s25], $0x800  }
0x71: {  	[sflag:s25] =	ssyncset.done @!p1 $0x0  }
0x72: {  	[sflag:s25] =	ssyncadd.s32 @!p1 $0xFFFFF800  }
0x73: {  	s0 =	sor.u32 $0x1, s30;
	s23 =	sand.u32 $0x70, s30  }
0x74: {  	s25 =	sand.u32 $0x10, s30;
	s0 =	ssub.s32 s0, s23  }
0x75: {  	_ =	swait.ge [sflag:s26], $0x2000;
	s0 =	sadd.s32 s25, s0  }
0x76: {  	[sflag:s26] =	ssyncset.done $0x0;
	s0 =	sshll.u32 s0, $0x9  }
0x77: {  	[sflag:s26] =	ssyncadd.s32 $0xFFFFE000;
	s25 =	simm.s32 $0x0;
	s0 =	sshra.s32 s0, $0x2  }
0x78: {  	[tilespmem:s28], [sflag:$0x2] =	stream.indirect.gather [hbm4b:s1+s24], $0x40, s0, s24, $0xb8;
	[tilespmem:$0x1E000] =	vst v63  }
0x79: {  	v1 =	vld [tilespmem:s25+$0x2000];
	_ =	sdelay $0x4  }
0x7a: {  	s31 =	simm.s32 $0x6040;
	v2 =	vshll.u32 v1, $0x10  }
0x7b: {  	v1 =	vand.u32 $0xFFFF0000, v1;
	[tilespmem:s31+$0xFFFFFFC0] =	vst v2  }
0x7c: {  	[tilespmem:s31+$0xFFFFFFD0] =	vst v1  }
0x7d: {  	v1 =	vld [tilespmem:s25+$0x2010];
	_ =	sdelay $0x4  }
0x7e: {  	v2 =	vshll.u32 v1, $0x10  }
0x7f: {  	v1 =	vand.u32 $0xFFFF0000, v1;
	[tilespmem:s31+$0xFFFFFFE0] =	vst v2  }
0x80: {  	[tilespmem:s31+$0xFFFFFFF0] =	vst v1  }
0x81: {  	v1 =	vld [tilespmem:s25+$0x2020];
	_ =	sdelay $0x4  }
0x82: {  	v2 =	vand.u32 $0xFFFF0000, v1  }
0x83: {  	v1 =	vshll.u32 v1, $0x10;
	[tilespmem:s31+$0x10] =	vst v2  }
0x84: {  	[tilespmem:s31+$0x0] =	vst v1  }
0x85: {  	v1 =	vld [tilespmem:s25+$0x2030];
	_ =	sdelay $0x4  }
0x86: {  	v2 =	vshll.u32 v1, $0x10  }
0x87: {  	v1 =	vand.u32 $0xFFFF0000, v1;
	[tilespmem:s31+$0x20] =	vst v2  }
0x88: {  	s0 =	simm.s32 $0x40;
	[tilespmem:s31+$0x30] =	vst v1  }
0x89: {  	v1 =	vld [tilespmem:s0+$0x2000]  }
0x8a: {  	s23 =	simm.s32 $0x200  }
.LBB2_16:
0x8b: {  	p1 =	sne.s32 s23, $0x7F00;
	_ =	sdelay $0x2  }
0x8c: {  	s31 =	sadd.s32 $0x80, s31;
	v2 =	vshll.u32 v1, $0x10  }
0x8d: {  	v1 =	vand.u32 $0xFFFF0000, v1;
	[tilespmem:s31+$0xFFFFFFC0] =	vst v2  }
0x8e: {  	[tilespmem:s31+$0xFFFFFFD0] =	vst v1  }
0x8f: {  	v1 =	vld [tilespmem:s0+$0x2010];
	_ =	sdelay $0x4  }
0x90: {  	v2 =	vshll.u32 v1, $0x10  }
0x91: {  	v1 =	vand.u32 $0xFFFF0000, v1;
	[tilespmem:s31+$0xFFFFFFE0] =	vst v2  }
0x92: {  	[tilespmem:s31+$0xFFFFFFF0] =	vst v1  }
0x93: {  	v1 =	vld [tilespmem:s0+$0x2020];
	_ =	sdelay $0x4  }
0x94: {  	v2 =	vshll.u32 v1, $0x10;
	v1 =	vand.u32 $0xFFFF0000, v1  }
0x95: {  	[tilespmem:s31+$0x10] =	vst v1  }
0x96: {  	[tilespmem:s31+$0x0] =	vst v2  }
0x97: {  	v1 =	vld [tilespmem:s0+$0x2030];
	_ =	sdelay $0x4  }
.Ltmp7:
0x98: {  	v2 =	vshll.u32 v1, $0x10;
	v1 =	vand.u32 $0xFFFF0000, v1;
	(pc) =	sbr.rel @p1 .LBB2_16-.Ltmp7, $4  }
0x99: {  	[tilespmem:s31+$0x20] =	vst v2  }
0x9a: {  	s0 =	sshra.s32 s23, $0x2;
	[tilespmem:s31+$0x30] =	vst v1  }
0x9b: {  	v1 =	vld [tilespmem:s0+$0x2000]  }
0x9c: {  	s23 =	sadd.s32 $0x100, s23  }
0x9d: {  	_ =	sdelay $0x2  }
0x9e: {  	s23 =	sadd.s32 $0x80, s31;
	v2 =	vshll.u32 v1, $0x10  }
0x9f: {  	v1 =	vand.u32 $0xFFFF0000, v1;
	[tilespmem:s23+$0xFFFFFFC0] =	vst v2  }
0xa0: {  	[tilespmem:s23+$0xFFFFFFD0] =	vst v1  }
0xa1: {  	v1 =	vld [tilespmem:s0+$0x2010];
	_ =	sdelay $0x4  }
0xa2: {  	v2 =	vshll.u32 v1, $0x10  }
0xa3: {  	v1 =	vand.u32 $0xFFFF0000, v1;
	[tilespmem:s23+$0xFFFFFFE0] =	vst v2  }
0xa4: {  	[tilespmem:s23+$0xFFFFFFF0] =	vst v1  }
0xa5: {  	v1 =	vld [tilespmem:s0+$0x2020];
	_ =	sdelay $0x4  }
0xa6: {  	v2 =	vand.u32 $0xFFFF0000, v1  }
0xa7: {  	v1 =	vshll.u32 v1, $0x10;
	[tilespmem:s23+$0x10] =	vst v2  }
0xa8: {  	[tilespmem:s23+$0x0] =	vst v1  }
0xa9: {  	v1 =	vld [tilespmem:s0+$0x2030];
	_ =	sdelay $0x2  }
.Ltmp8:
0xaa: {  	_ = 	snop;
	(pc) =	sbr.rel .LBB2_21-.Ltmp8, $4  }
0xab: {  	_ = 	snop  }
0xac: {  	v2 =	vshll.u32 v1, $0x10  }
0xad: {  	v1 =	vand.u32 $0xFFFF0000, v1;
	[tilespmem:s23+$0x20] =	vst v2  }
0xae: {  	s0 =	simm.s32 $0x4;
	[tilespmem:s23+$0x30] =	vst v1  }
.LBB2_18:
0xaf: {  	p1 =	seq.s32 s30, $0x4F  }
0xb0: {  	s0 =	sshll.u32 @!p1 s30, $0x9  }
0xb1: {  	_ =	swait.ge [sflag:s29], $0x2000;
	s0 =	sadd.s32 @!p1 $0x200, s0  }
0xb2: {  	[sflag:s29] =	ssyncset.done $0x0;
	s23 =	simm.s32 @!p1 $0x80;
	s0 =	sand.u32 @!p1 $0x3C00, s0  }
0xb3: {  	s25 =	simm.s32 @!p1 $0x2000;
	[sflag:s29] =	ssyncadd.s32 $0xFFFFE000;
	s0 =	sshrl.u32 @!p1 s0, $0x2  }
0xb4: {  	[tilespmem:s25], [sflag:$0x1] =	stream.indirect.gather @!p1 [hbm4b:s1+s23], $0x40, s0, s23, $0xb8;
	[tilespmem:$0x1E000] =	vst v63  }
0xb5: {  	s25 =	simm.s32 $0x0  }
0xb6: {  	v1 =	vld [tilespmem:s25+$0x4000];
	_ =	sdelay $0x4  }
0xb7: {  	s31 =	simm.s32 $0x6040;
	v2 =	vshll.u32 v1, $0x10  }
0xb8: {  	v1 =	vand.u32 $0xFFFF0000, v1;
	[tilespmem:s31+$0xFFFFFFC0] =	vst v2  }
0xb9: {  	[tilespmem:s31+$0xFFFFFFD0] =	vst v1  }
0xba: {  	v1 =	vld [tilespmem:s25+$0x4010];
	_ =	sdelay $0x4  }
0xbb: {  	v2 =	vshll.u32 v1, $0x10  }
0xbc: {  	v1 =	vand.u32 $0xFFFF0000, v1;
	[tilespmem:s31+$0xFFFFFFE0] =	vst v2  }
0xbd: {  	[tilespmem:s31+$0xFFFFFFF0] =	vst v1  }
0xbe: {  	v1 =	vld [tilespmem:s25+$0x4020];
	_ =	sdelay $0x4  }
0xbf: {  	v2 =	vand.u32 $0xFFFF0000, v1  }
0xc0: {  	v1 =	vshll.u32 v1, $0x10;
	[tilespmem:s31+$0x10] =	vst v2  }
0xc1: {  	[tilespmem:s31+$0x0] =	vst v1  }
0xc2: {  	v1 =	vld [tilespmem:s25+$0x4030];
	_ =	sdelay $0x4  }
0xc3: {  	v2 =	vshll.u32 v1, $0x10  }
0xc4: {  	v1 =	vand.u32 $0xFFFF0000, v1;
	[tilespmem:s31+$0x20] =	vst v2  }
0xc5: {  	s0 =	simm.s32 $0x40;
	[tilespmem:s31+$0x30] =	vst v1  }
0xc6: {  	v1 =	vld [tilespmem:s0+$0x4000]  }
0xc7: {  	s23 =	simm.s32 $0x200  }
.LBB2_19:
0xc8: {  	p1 =	sne.s32 s23, $0x7F00;
	_ =	sdelay $0x2  }
0xc9: {  	v2 =	vshll.u32 v1, $0x10;
	s31 =	sadd.s32 $0x80, s31  }
0xca: {  	v1 =	vand.u32 $0xFFFF0000, v1;
	[tilespmem:s31+$0xFFFFFFC0] =	vst v2  }
0xcb: {  	[tilespmem:s31+$0xFFFFFFD0] =	vst v1  }
0xcc: {  	v1 =	vld [tilespmem:s0+$0x4010];
	_ =	sdelay $0x4  }
0xcd: {  	v2 =	vshll.u32 v1, $0x10  }
0xce: {  	v1 =	vand.u32 $0xFFFF0000, v1;
	[tilespmem:s31+$0xFFFFFFE0] =	vst v2  }
0xcf: {  	[tilespmem:s31+$0xFFFFFFF0] =	vst v1  }
0xd0: {  	v1 =	vld [tilespmem:s0+$0x4020];
	_ =	sdelay $0x4  }
0xd1: {  	v2 =	vshll.u32 v1, $0x10;
	v1 =	vand.u32 $0xFFFF0000, v1  }
0xd2: {  	[tilespmem:s31+$0x10] =	vst v1  }
0xd3: {  	[tilespmem:s31+$0x0] =	vst v2  }
0xd4: {  	v1 =	vld [tilespmem:s0+$0x4030];
	_ =	sdelay $0x4  }
.Ltmp9:
0xd5: {  	v2 =	vshll.u32 v1, $0x10;
	v1 =	vand.u32 $0xFFFF0000, v1;
	(pc) =	sbr.rel @p1 .LBB2_19-.Ltmp9, $4  }
0xd6: {  	[tilespmem:s31+$0x20] =	vst v2  }
0xd7: {  	s0 =	sshra.s32 s23, $0x2;
	[tilespmem:s31+$0x30] =	vst v1  }
0xd8: {  	v1 =	vld [tilespmem:s0+$0x4000]  }
0xd9: {  	s23 =	sadd.s32 $0x100, s23  }
.Ltmp10:
0xda: {  	_ = 	snop;
	(pc) =	sbr.rel .LBB2_20-.Ltmp10, $1  }
0xdb: {  	_ =	sdelay $0x3  }
.LBB2_4:
0xdc: {  	[tilespmem:s30], [sflag:$0x3] =	stream.linear.gather [hbm4b:s15+s30], $0x800, $0x38;
	[tilespmem:$0x1E000] =	vst v63  }
0xdd: {  	_ =	swait.ge [sflag:s22], $0x800  }
0xde: {  	[sflag:s22] =	ssyncset.done $0x0  }
0xdf: {  	s0 =	simm.s32 $0x1000;
	[sflag:s22] =	ssyncadd.s32 $0xFFFFF800  }
0xe0: {  	[tilespmem:s0], [sflag:$0x3] =	stream.linear.gather [hbm4b:s16+s30], $0x800, $0x38;
	[tilespmem:$0x1E000] =	vst v63  }
.Ltmp11:
0xe1: {  	_ = 	snop;
	(pc) =	sbr.rel .LBB2_5-.Ltmp11, $4  }
0xe2: {  	_ =	swait.ge [sflag:s22], $0x800  }
0xe3: {  	[sflag:s22] =	ssyncset.done $0x0  }
0xe4: {  	s31 =	simm.s32 $0x2000;
	[sflag:s22] =	ssyncadd.s32 $0xFFFFF800  }
0xe5: {  	[tilespmem:s31], [sflag:$0x1] =	stream.indirect.gather [hbm4b:s1+s24], $0x40, s30, s24, $0xb8;
	[tilespmem:$0x1E000] =	vst v63  }
.LBB2_11:
0xe6: {  	v2 =	vshll.u32 v1, $0x10;
	s23 =	sadd.s32 $0x80, s31  }
0xe7: {  	v1 =	vand.u32 $0xFFFF0000, v1;
	[tilespmem:s23+$0xFFFFFFC0] =	vst v2  }
0xe8: {  	[tilespmem:s23+$0xFFFFFFD0] =	vst v1  }
0xe9: {  	v1 =	vld [tilespmem:s0+$0x4010];
	_ =	sdelay $0x4  }
0xea: {  	v2 =	vshll.u32 v1, $0x10  }
0xeb: {  	v1 =	vand.u32 $0xFFFF0000, v1;
	[tilespmem:s23+$0xFFFFFFE0] =	vst v2  }
0xec: {  	[tilespmem:s23+$0xFFFFFFF0] =	vst v1  }
0xed: {  	v1 =	vld [tilespmem:s0+$0x4020];
	_ =	sdelay $0x4  }
0xee: {  	v2 =	vand.u32 $0xFFFF0000, v1  }
0xef: {  	v1 =	vshll.u32 v1, $0x10;
	[tilespmem:s23+$0x10] =	vst v2  }
0xf0: {  	[tilespmem:s23+$0x0] =	vst v1  }
0xf1: {  	v1 =	vld [tilespmem:s0+$0x4030];
	_ =	sdelay $0x4  }
0xf2: {  	v2 =	vshll.u32 v1, $0x10  }
0xf3: {  	v1 =	vand.u32 $0xFFFF0000, v1;
	[tilespmem:s23+$0x20] =	vst v2  }
0xf4: {  	s0 =	simm.s32 $0x3;
	[tilespmem:s23+$0x30] =	vst v1  }
.LBB2_12:
0xf5: {  	s23 =	sshll.u32 s30, $0x7;
	s30 =	sadd.s32 $0x1, s30  }
0xf6: {  	s23 =	sand.u32 $0xF80, s23;
	p1 =	seq.s32 s30, $0x50  }
.Ltmp12:
0xf7: {  	s23 =	sor.u32 $0x1000, s23;
	(pc) =	sbr.rel @p1 .LBB2_22-.Ltmp12, $4  }
0xf8: {  	[spmem:s3] =	stream.indirect.scatter.add.f32 [tilespmem:s21], [sflag:s0], $0x80, s23, s24, $0xb8;
	[tilespmem:$0x1E000] =	vst v63  }
0xf9: {  	_ =	swait.ge [sflag:s0], $0x4000  }
0xfa: {  	[sflag:s0] =	ssyncset.done $0x0  }
0xfb: {  	[sflag:s0] =	ssyncadd.s32 $0xFFFFC000  }
.LBB2_5:
0xfc: {  	s0 =	sand.u32 $0x4F, s30  }
0xfd: {  	p1 =	sne.s32 s0, $0x0  }
0xfe: {  	s0 =	sshll.u32 @!p1 s30, $0x7  }
0xff: {  	s0 =	sadd.s32 @!p1 $0x800, s0  }
0x100: {  	s23 =	sadd.s32 @!p1 s5, s0  }
0x101: {  	s23 =	sshrl.u32 @!p1 s23, $0x3  }
0x102: {  	s25 =	simm.s32 @!p1 $0x0;
	s0 =	sand.u32 @!p1 $0x800, s0;
	s31 =	sadd.s32 @!p1 s6, s23  }
0x103: {  	[tilespmem:s0], [sflag:$0x4] =	stream.linear.gather @!p1 [hbm4b:s31+s25], $0x800, $0x38;
	[tilespmem:$0x1E000] =	vst v63  }
0x104: {  	s31 =	simm.s32 @!p1 $0x4  }
0x105: {  	_ =	swait.ge @!p1 [sflag:s31], $0x800  }
0x106: {  	[sflag:s31] =	ssyncset.done @!p1 $0x0  }
0x107: {  	s23 =	sadd.s32 @!p1 s7, s23;
	s0 =	sor.u32 @!p1 $0x1000, s0;
	[sflag:s31] =	ssyncadd.s32 @!p1 $0xFFFFF800  }
0x108: {  	[tilespmem:s0], [sflag:$0x4] =	stream.linear.gather @!p1 [hbm4b:s23+s25], $0x800, $0x38;
	[tilespmem:$0x1E000] =	vst v63  }
0x109: {  	s25 =	sand.u32 $0x1, s30  }
0x10a: {  	p2 =	seq.s32 s25, $0x1  }
.Ltmp13:
0x10b: {  	_ = 	snop;
	(pc) =	sbr.rel @p2 .LBB2_9-.Ltmp13, $4  }
0x10c: {  	_ = 	snop  }
0x10d: {  	_ =	swait.ge @!p1 [sflag:s31], $0x800  }
0x10e: {  	[sflag:s31] =	ssyncset.done @!p1 $0x0  }
0x10f: {  	[sflag:s31] =	ssyncadd.s32 @!p1 $0xFFFFF800  }
0x110: {  	s0 =	sor.u32 $0x1, s30;
	s23 =	sand.u32 $0x70, s30  }
0x111: {  	s25 =	sand.u32 $0x10, s30;
	s0 =	ssub.s32 s0, s23  }
0x112: {  	_ =	swait.ge [sflag:s26], $0x2000;
	s0 =	sadd.s32 s25, s0  }
0x113: {  	[sflag:s26] =	ssyncset.done $0x0;
	s0 =	sshll.u32 s0, $0x9  }
0x114: {  	[sflag:s26] =	ssyncadd.s32 $0xFFFFE000;
	s25 =	simm.s32 $0x0;
	s0 =	sshra.s32 s0, $0x2  }
0x115: {  	[tilespmem:s28], [sflag:$0x2] =	stream.indirect.gather [hbm4b:s1+s24], $0x40, s0, s24, $0xb8;
	[tilespmem:$0x1E000] =	vst v63  }
0x116: {  	v1 =	vld [tilespmem:s25+$0x2000];
	_ =	sdelay $0x4  }
0x117: {  	s31 =	simm.s32 $0x6040;
	v2 =	vshll.u32 v1, $0x10  }
0x118: {  	v1 =	vand.u32 $0xFFFF0000, v1;
	[tilespmem:s31+$0xFFFFFFC0] =	vst v2  }
0x119: {  	[tilespmem:s31+$0xFFFFFFD0] =	vst v1  }
0x11a: {  	v1 =	vld [tilespmem:s25+$0x2010];
	_ =	sdelay $0x4  }
0x11b: {  	v2 =	vshll.u32 v1, $0x10  }
0x11c: {  	v1 =	vand.u32 $0xFFFF0000, v1;
	[tilespmem:s31+$0xFFFFFFE0] =	vst v2  }
0x11d: {  	[tilespmem:s31+$0xFFFFFFF0] =	vst v1  }
0x11e: {  	v1 =	vld [tilespmem:s25+$0x2020];
	_ =	sdelay $0x4  }
0x11f: {  	v2 =	vand.u32 $0xFFFF0000, v1  }
0x120: {  	v1 =	vshll.u32 v1, $0x10;
	[tilespmem:s31+$0x10] =	vst v2  }
0x121: {  	[tilespmem:s31+$0x0] =	vst v1  }
0x122: {  	v1 =	vld [tilespmem:s25+$0x2030];
	_ =	sdelay $0x4  }
0x123: {  	v2 =	vshll.u32 v1, $0x10  }
0x124: {  	v1 =	vand.u32 $0xFFFF0000, v1;
	[tilespmem:s31+$0x20] =	vst v2  }
0x125: {  	s0 =	simm.s32 $0x40;
	[tilespmem:s31+$0x30] =	vst v1  }
0x126: {  	v1 =	vld [tilespmem:s0+$0x2000]  }
0x127: {  	s23 =	simm.s32 $0x200  }
.LBB2_7:
0x128: {  	p1 =	sne.s32 s23, $0x7F00;
	_ =	sdelay $0x2  }
0x129: {  	s31 =	sadd.s32 $0x80, s31;
	v2 =	vshll.u32 v1, $0x10  }
0x12a: {  	v1 =	vand.u32 $0xFFFF0000, v1;
	[tilespmem:s31+$0xFFFFFFC0] =	vst v2  }
0x12b: {  	[tilespmem:s31+$0xFFFFFFD0] =	vst v1  }
0x12c: {  	v1 =	vld [tilespmem:s0+$0x2010];
	_ =	sdelay $0x4  }
0x12d: {  	v2 =	vshll.u32 v1, $0x10  }
0x12e: {  	v1 =	vand.u32 $0xFFFF0000, v1;
	[tilespmem:s31+$0xFFFFFFE0] =	vst v2  }
0x12f: {  	[tilespmem:s31+$0xFFFFFFF0] =	vst v1  }
0x130: {  	v1 =	vld [tilespmem:s0+$0x2020];
	_ =	sdelay $0x4  }
0x131: {  	v2 =	vshll.u32 v1, $0x10;
	v1 =	vand.u32 $0xFFFF0000, v1  }
0x132: {  	[tilespmem:s31+$0x10] =	vst v1  }
0x133: {  	[tilespmem:s31+$0x0] =	vst v2  }
0x134: {  	v1 =	vld [tilespmem:s0+$0x2030];
	_ =	sdelay $0x4  }
.Ltmp14:
0x135: {  	v2 =	vshll.u32 v1, $0x10;
	v1 =	vand.u32 $0xFFFF0000, v1;
	(pc) =	sbr.rel @p1 .LBB2_7-.Ltmp14, $4  }
0x136: {  	[tilespmem:s31+$0x20] =	vst v2  }
0x137: {  	s0 =	sshra.s32 s23, $0x2;
	[tilespmem:s31+$0x30] =	vst v1  }
0x138: {  	v1 =	vld [tilespmem:s0+$0x2000]  }
0x139: {  	s23 =	sadd.s32 $0x100, s23  }
0x13a: {  	_ =	sdelay $0x2  }
0x13b: {  	s23 =	sadd.s32 $0x80, s31;
	v2 =	vshll.u32 v1, $0x10  }
0x13c: {  	v1 =	vand.u32 $0xFFFF0000, v1;
	[tilespmem:s23+$0xFFFFFFC0] =	vst v2  }
0x13d: {  	[tilespmem:s23+$0xFFFFFFD0] =	vst v1  }
0x13e: {  	v1 =	vld [tilespmem:s0+$0x2010];
	_ =	sdelay $0x4  }
0x13f: {  	v2 =	vshll.u32 v1, $0x10  }
0x140: {  	v1 =	vand.u32 $0xFFFF0000, v1;
	[tilespmem:s23+$0xFFFFFFE0] =	vst v2  }
0x141: {  	[tilespmem:s23+$0xFFFFFFF0] =	vst v1  }
0x142: {  	v1 =	vld [tilespmem:s0+$0x2020];
	_ =	sdelay $0x4  }
0x143: {  	v2 =	vand.u32 $0xFFFF0000, v1  }
0x144: {  	v1 =	vshll.u32 v1, $0x10;
	[tilespmem:s23+$0x10] =	vst v2  }
0x145: {  	[tilespmem:s23+$0x0] =	vst v1  }
0x146: {  	v1 =	vld [tilespmem:s0+$0x2030];
	_ =	sdelay $0x2  }
.Ltmp15:
0x147: {  	_ = 	snop;
	(pc) =	sbr.rel .LBB2_12-.Ltmp15, $4  }
0x148: {  	_ = 	snop  }
0x149: {  	v2 =	vshll.u32 v1, $0x10  }
0x14a: {  	v1 =	vand.u32 $0xFFFF0000, v1;
	[tilespmem:s23+$0x20] =	vst v2  }
0x14b: {  	s0 =	simm.s32 $0x4;
	[tilespmem:s23+$0x30] =	vst v1  }
.LBB2_9:
0x14c: {  	p1 =	seq.s32 s30, $0x4F  }
0x14d: {  	s0 =	sshll.u32 @!p1 s30, $0x9  }
0x14e: {  	_ =	swait.ge [sflag:s29], $0x2000;
	s0 =	sadd.s32 @!p1 $0x200, s0  }
0x14f: {  	[sflag:s29] =	ssyncset.done $0x0;
	s23 =	simm.s32 @!p1 $0x80;
	s0 =	sand.u32 @!p1 $0x3C00, s0  }
0x150: {  	s25 =	simm.s32 @!p1 $0x2000;
	[sflag:s29] =	ssyncadd.s32 $0xFFFFE000;
	s0 =	sshrl.u32 @!p1 s0, $0x2  }
0x151: {  	[tilespmem:s25], [sflag:$0x1] =	stream.indirect.gather @!p1 [hbm4b:s1+s23], $0x40, s0, s23, $0xb8;
	[tilespmem:$0x1E000] =	vst v63  }
0x152: {  	s25 =	simm.s32 $0x0  }
0x153: {  	v1 =	vld [tilespmem:s25+$0x4000];
	_ =	sdelay $0x4  }
0x154: {  	s31 =	simm.s32 $0x6040;
	v2 =	vshll.u32 v1, $0x10  }
0x155: {  	v1 =	vand.u32 $0xFFFF0000, v1;
	[tilespmem:s31+$0xFFFFFFC0] =	vst v2  }
0x156: {  	[tilespmem:s31+$0xFFFFFFD0] =	vst v1  }
0x157: {  	v1 =	vld [tilespmem:s25+$0x4010];
	_ =	sdelay $0x4  }
0x158: {  	v2 =	vshll.u32 v1, $0x10  }
0x159: {  	v1 =	vand.u32 $0xFFFF0000, v1;
	[tilespmem:s31+$0xFFFFFFE0] =	vst v2  }
0x15a: {  	[tilespmem:s31+$0xFFFFFFF0] =	vst v1  }
0x15b: {  	v1 =	vld [tilespmem:s25+$0x4020];
	_ =	sdelay $0x4  }
0x15c: {  	v2 =	vand.u32 $0xFFFF0000, v1  }
0x15d: {  	v1 =	vshll.u32 v1, $0x10;
	[tilespmem:s31+$0x10] =	vst v2  }
0x15e: {  	[tilespmem:s31+$0x0] =	vst v1  }
0x15f: {  	v1 =	vld [tilespmem:s25+$0x4030];
	_ =	sdelay $0x4  }
0x160: {  	v2 =	vshll.u32 v1, $0x10  }
0x161: {  	v1 =	vand.u32 $0xFFFF0000, v1;
	[tilespmem:s31+$0x20] =	vst v2  }
0x162: {  	s0 =	simm.s32 $0x40;
	[tilespmem:s31+$0x30] =	vst v1  }
0x163: {  	v1 =	vld [tilespmem:s0+$0x4000]  }
0x164: {  	s23 =	simm.s32 $0x200  }
.LBB2_10:
0x165: {  	p1 =	sne.s32 s23, $0x7F00;
	_ =	sdelay $0x2  }
0x166: {  	v2 =	vshll.u32 v1, $0x10;
	s31 =	sadd.s32 $0x80, s31  }
0x167: {  	v1 =	vand.u32 $0xFFFF0000, v1;
	[tilespmem:s31+$0xFFFFFFC0] =	vst v2  }
0x168: {  	[tilespmem:s31+$0xFFFFFFD0] =	vst v1  }
0x169: {  	v1 =	vld [tilespmem:s0+$0x4010];
	_ =	sdelay $0x4  }
0x16a: {  	v2 =	vshll.u32 v1, $0x10  }
0x16b: {  	v1 =	vand.u32 $0xFFFF0000, v1;
	[tilespmem:s31+$0xFFFFFFE0] =	vst v2  }
0x16c: {  	[tilespmem:s31+$0xFFFFFFF0] =	vst v1  }
0x16d: {  	v1 =	vld [tilespmem:s0+$0x4020];
	_ =	sdelay $0x4  }
0x16e: {  	v2 =	vshll.u32 v1, $0x10;
	v1 =	vand.u32 $0xFFFF0000, v1  }
0x16f: {  	[tilespmem:s31+$0x10] =	vst v1  }
0x170: {  	[tilespmem:s31+$0x0] =	vst v2  }
0x171: {  	v1 =	vld [tilespmem:s0+$0x4030];
	_ =	sdelay $0x4  }
.Ltmp16:
0x172: {  	v2 =	vshll.u32 v1, $0x10;
	v1 =	vand.u32 $0xFFFF0000, v1;
	(pc) =	sbr.rel @p1 .LBB2_10-.Ltmp16, $4  }
0x173: {  	[tilespmem:s31+$0x20] =	vst v2  }
0x174: {  	s0 =	sshra.s32 s23, $0x2;
	[tilespmem:s31+$0x30] =	vst v1  }
0x175: {  	v1 =	vld [tilespmem:s0+$0x4000]  }
0x176: {  	s23 =	sadd.s32 $0x100, s23  }
.Ltmp17:
0x177: {  	_ = 	snop;
	(pc) =	sbr.rel .LBB2_11-.Ltmp17, $1  }
0x178: {  	_ =	sdelay $0x3  }
.LBB2_23:
0x179: {  	_ =	sfence.sel $0x180000  }
0x17a: {  	[bflag:$0x0] =	sbarrier.arrive $0xFFFF  }
0x17b: {  	_ =	strace $0x9000004A  }
0x17c: {  	[bflag:$0x2] =	sbarrier.arrive $0xFFFF  }
0x17d: {  	p0 =	sne.s32 s2, $0x0;
	s0 =	rddreg [dreg:$0x3]  }
0x17e: {  	s0 =	sadd.s32 @!p0 $0x100000, s0  }
0x17f: {  	[sflag:s0] =	ssyncadd.tile.s32 @!p0 $0x1;
	_ =	shalt  }
.Lfunc_end2:
_tile_overlayer_lowered:
.L_overlay_start_2:
0x180: {  	(tag) =	ssettag $0x2  }
0x181: {  	s0 =	rddreg [dreg:$0x0];
	s2 =	stileid.u32  }
0x182: {  	s1 =	rddreg [dreg:$0x1];
	p0 =	sne.s32 s2, $0x0  }
0x183: {  	s3 =	rddreg [dreg:$0x2];
	[bflag:$0x3] =	sbarrier.arrive $0xFFFF;
	s2 =	simm.s32 @!p0 $0x1C03  }
0x184: {  	[timem:s3], [sflag:s2] =	dma.local @!p0 [hbm:s0], s1  }
0x185: {  	s0 =	simm.s32 @!p0 $0x3  }
0x186: {  	_ =	swait.ge @!p0 [sflag:s0], s1  }
0x187: {  	s1 =	ssub.s32 @!p0 $0x0, s1;
	[sflag:s0] =	ssyncset.done @!p0 $0x0  }
0x188: {  	[sflag:s0] =	ssyncadd.s32 @!p0 s1  }
0x189: {  	[bflag:$0x3] =	sbarrier.arrive $0xFFFF  }
0x18a: {  	_ =	shalt  }

</sc_bundles>
